<compile_context>
chip_gen: v7x
topology: tpu7x:2x2x1
jax: 0.10.2.dev20260603
libtpu: 0.0.44.dev20260713+nightly
codegen_flags: <defaults>
</compile_context>

<pallas_src>
import functools

import jax
import jax.numpy as jnp
from jax import lax
from jax.experimental import pallas as pl
from jax.experimental.pallas import tpu as pltpu
from jax.experimental.pallas import tpu_sc as plsc

N = 4096
S = 7781
IMG = 3 * 64 * 64
KEPT = N - N // 8
NC, NS, L = 2, 16, 16
NW = NC * NS
NVECS = KEPT // L
BCHUNK = 8
UNROLL = 8

_MASK_BC = 512


def _mask_body(spec_ref, mask_ref):
    x = spec_ref[...]
    nz = jnp.any(x != 0.0, axis=0)
    mask_ref[0, 0, :] = nz.astype(jnp.int32)


def _compute_mask(specT):
    nb = N // _MASK_BC
    mask3 = pl.pallas_call(
        _mask_body,
        grid=(nb,),
        in_specs=[pl.BlockSpec((S, _MASK_BC), lambda i: (0, i))],
        out_specs=pl.BlockSpec((1, 1, _MASK_BC), lambda i: (i, 0, 0)),
        out_shape=jax.ShapeDtypeStruct((nb, 1, _MASK_BC), jnp.int32),
    )(specT)
    return mask3.reshape(N)


_mesh = plsc.VectorSubcoreMesh(core_axis_name="c", subcore_axis_name="s")
_sc_params = pltpu.CompilerParams(needs_layout_passes=False)

_SLABS_S = S // BCHUNK
_SLABS_I = IMG // BCHUNK


@functools.partial(
    pl.kernel,
    out_type=(
        jax.ShapeDtypeStruct((S, KEPT), jnp.float32),
        jax.ShapeDtypeStruct((IMG, KEPT), jnp.float32),
        jax.ShapeDtypeStruct((KEPT,), jnp.float32),
        jax.ShapeDtypeStruct((KEPT,), jnp.float32),
    ),
    mesh=_mesh,
    scratch_types=[
        pltpu.VMEM((N,), jnp.int32),
        pltpu.VMEM((KEPT,), jnp.int32),
        pltpu.VMEM((2, BCHUNK, N), jnp.float32),
        pltpu.VMEM((2, BCHUNK, KEPT), jnp.float32),
        pltpu.SemaphoreType.DMA,
        pltpu.SemaphoreType.DMA,
    ],
    compiler_params=_sc_params,
)
def _sc_all(mask_hbm, spec_hbm, img_hbm, tidf_hbm, rs_hbm,
            spec_out, img_out, tidf_out, rs_out,
            mask_v, idx_v, inb, outb, sem_r, sem_w):
    wid = lax.axis_index("s") * NC + lax.axis_index("c")

    pltpu.sync_copy(mask_hbm, mask_v)

    zeros16 = jnp.zeros((L,), jnp.int32)

    def _zero(i, carry):
        idx_v[pl.ds(i * L, L)] = zeros16
        return carry

    lax.fori_loop(0, KEPT // L, _zero, 0)

    iota16 = lax.iota(jnp.int32, L)

    def _scan(c, carry):
        m = mask_v[pl.ds(c * L, L)]
        s = plsc.cumsum(m)
        pos = carry + s - m
        vals = c * L + iota16
        plsc.store_scatter(idx_v, [pos], vals, mask=m != 0)
        return carry + jnp.sum(m)

    lax.fori_loop(0, N // L, _scan, jnp.int32(0))

    svecs = [jnp.full((L,), s, jnp.int32) for s in (0, 1)]
    bvecs = [jnp.full((L,), b, jnp.int32) for b in range(BCHUNK)]

    def _gather_slab(slot):
        def _vloop(v, c2):
            for u in range(UNROLL):
                off = (v * UNROLL + u) * L
                ids = idx_v[pl.ds(off, L)]
                vals = [plsc.load_gather(inb, [svecs[slot], bvecs[b], ids])
                        for b in range(BCHUNK)]
                for b in range(BCHUNK):
                    outb[slot, b, pl.ds(off, L)] = vals[b]
            return c2

        lax.fori_loop(0, NVECS // UNROLL, _vloop, 0)

    def _run(in_hbm, out_hbm, nslabs, npairs, tail):
        s0 = (wid * nslabs) // NW
        s1 = ((wid + 1) * nslabs) // NW

        def _b0(ci):
            return pl.multiple_of(
                BCHUNK * jnp.minimum(s0 + ci, s1 - 1), BCHUNK)

        def _drain_w():
            pltpu.make_async_copy(out_hbm.at[pl.ds(0, BCHUNK)],
                                  outb.at[0], sem_w).wait()

        pltpu.async_copy(in_hbm.at[pl.ds(_b0(0), BCHUNK)], inb.at[0],
                         sem_r)

        def _pair(p, carry):
            for slot in (0, 1):
                ci = 2 * p + slot
                pltpu.make_async_copy(in_hbm.at[pl.ds(0, BCHUNK)],
                                      inb.at[0], sem_r).wait()
                pltpu.async_copy(in_hbm.at[pl.ds(_b0(ci + 1), BCHUNK)],
                                 inb.at[1 - slot], sem_r)

                @pl.when(p >= 1)
                def _():
                    _drain_w()

                _gather_slab(slot)
                pltpu.async_copy(outb.at[slot],
                                 out_hbm.at[pl.ds(_b0(ci), BCHUNK)], sem_w)
            return carry

        lax.fori_loop(0, npairs, _pair, 0)
        pltpu.make_async_copy(in_hbm.at[pl.ds(0, BCHUNK)],
                              inb.at[0], sem_r).wait()
        _drain_w()
        _drain_w()

        if tail:
            @pl.when(wid == 0)
            def _tail():
                base = nslabs * BCHUNK
                pltpu.sync_copy(in_hbm.at[pl.ds(base, tail)],
                                inb.at[0, pl.ds(0, tail)])

                def _vloop(v, c2):
                    ids = idx_v[pl.ds(v * L, L)]
                    for b in range(tail):
                        outb[0, b, pl.ds(v * L, L)] = \
                            plsc.load_gather(inb,
                                             [svecs[0], bvecs[b], ids])
                    return c2

                lax.fori_loop(0, NVECS, _vloop, 0)
                pltpu.sync_copy(outb.at[0, pl.ds(0, tail)],
                                out_hbm.at[pl.ds(base, tail)])

    _run(spec_hbm, spec_out, _SLABS_S, 16, S % BCHUNK)
    _run(img_hbm, img_out, _SLABS_I, 24, 0)

    @pl.when(wid == 0)
    def _scalars():
        pltpu.sync_copy(tidf_hbm, inb.at[0, 0])
        pltpu.sync_copy(rs_hbm, inb.at[0, 1])

        def _vloop(v, c2):
            ids = idx_v[pl.ds(v * L, L)]
            outb[0, 0, pl.ds(v * L, L)] = \
                plsc.load_gather(inb, [svecs[0], bvecs[0], ids])
            outb[0, 1, pl.ds(v * L, L)] = \
                plsc.load_gather(inb, [svecs[0], bvecs[1], ids])
            return c2

        lax.fori_loop(0, NVECS, _vloop, 0)
        pltpu.sync_copy(outb.at[0, 0], tidf_out)
        pltpu.sync_copy(outb.at[0, 1], rs_out)


def kernel(spectrum, image, targetid, redshift):
    specT = spectrum.T
    imgT = image.transpose(1, 2, 3, 0).reshape(IMG, N)
    tidf = jax.lax.bitcast_convert_type(targetid, jnp.float32)
    mask = _compute_mask(specT)
    specT_o, imgT_o, tidf_o, rs_o = _sc_all(mask, specT, imgT, tidf,
                                            redshift)
    spec_o = specT_o.T
    img_o = imgT_o.reshape(3, 64, 64, KEPT).transpose(3, 0, 1, 2)
    tid_o = jax.lax.bitcast_convert_type(tidf_o, jnp.int32)
    return spec_o, img_o, tid_o, rs_o

# --- scband reference (transcript-rebuilt; emitter-appended) ---
"""Pipeline reference for scband-drop-invalid-spectra-19696720019579 (READ-ONLY COPY).

The authoritative reference and input builder live on the scoring server;
editing this copy changes nothing except your own understanding.
"""

import jax, jax.numpy as jnp
import numpy as np

# Faithful JAX translation of DropInvalidSpectra.forward.
# The torch module takes a dict batch = {'spectrum','image','targetid','redshift'};
# here the dict entries are passed as individual kwargs.
# Shapes follow a DESI-like survey setup: 4096 spectra of length 7781,
# 3x64x64 image cutouts, scalar targetid and redshift per object.

def setup_inputs(seed: int = 0) -> dict:
    key = jax.random.key(seed)
    k1, k2, k3, k4 = jax.random.split(key, 4)
    spectrum = jax.random.normal(k1, (4096, 7781), dtype=jnp.float32)
    # Zero out every 8th spectrum so the invalid-row filter actually drops rows
    # (deterministic: 512 rows dropped, 3584 kept).
    row_ids = jnp.arange(4096)
    zero_mask = (row_ids % 8 == 0)
    spectrum = jnp.where(zero_mask[:, None], 0.0, spectrum)
    image = jax.random.normal(k2, (4096, 3, 64, 64), dtype=jnp.float32)
    targetid = jax.random.randint(k3, (4096,), 0, 1000000)
    redshift = jax.random.uniform(k4, (4096,), dtype=jnp.float32) * 2.0
    return {"spectrum": spectrum, "image": image, "targetid": targetid, "redshift": redshift}


def reference(spectrum, image, targetid, redshift):
    # mask = (spectrum.abs().sum(dim=1) != 0).squeeze()
    mask = jnp.squeeze(jnp.abs(spectrum).sum(axis=1) != 0)
    n = spectrum.shape[0]
    kept = n - n // 8
    (idx,) = jnp.nonzero(mask, size=kept)
    spectrum_out = spectrum[idx]
    image_out = image[idx]
    targetid_out = targetid[idx]
    redshift_out = redshift[idx]
    return (spectrum_out, image_out, targetid_out, redshift_out)

if __name__ == "__main__":
    import jax
    _d = setup_inputs()
    print(jax.jit(kernel)(*tuple(_d.values())))

</pallas_src>

<mosaic_0001>
#map = affine_map<(d0, d1) -> (0)>
#map1 = affine_map<(d0, d1) -> (0, 0)>
module attributes {stable_mosaic.version = 14 : i64} {
  func.func @_sc_all(%arg0: i32, %arg1: i32, %arg2: memref<4096xi32, #tpu.memory_space<hbm>>, %arg3: memref<7781x4096xf32, #tpu.memory_space<hbm>>, %arg4: memref<12288x4096xf32, #tpu.memory_space<hbm>>, %arg5: memref<4096xf32, #tpu.memory_space<hbm>>, %arg6: memref<4096xf32, #tpu.memory_space<hbm>>, %arg7: memref<7781x3584xf32, #tpu.memory_space<hbm>>, %arg8: memref<12288x3584xf32, #tpu.memory_space<hbm>>, %arg9: memref<3584xf32, #tpu.memory_space<hbm>>, %arg10: memref<3584xf32, #tpu.memory_space<hbm>>, %arg11: memref<4096xi32, #tpu.memory_space<vmem>>, %arg12: memref<3584xi32, #tpu.memory_space<vmem>>, %arg13: memref<2x8x4096xf32, #tpu.memory_space<vmem>>, %arg14: memref<2x8x3584xf32, #tpu.memory_space<vmem>>, %arg15: memref<!tpu.dma_semaphore, #tpu.memory_space<semaphore_mem>>, %arg16: memref<!tpu.dma_semaphore, #tpu.memory_space<semaphore_mem>>) attributes {dimension_semantics = [#tpu.dimension_semantics<core_parallel>, #tpu.dimension_semantics<subcore_parallel>], iteration_bounds = array<i64: 2, 16>, scalar_prefetch = 0 : i64, scratch_operands = 6 : i64, tpu.core_type = #tpu.core_type<sc_vector_subcore>, window_params = [{transform_indices = #map}, {transform_indices = #map1}, {transform_indices = #map1}, {transform_indices = #map}, {transform_indices = #map}, {transform_indices = #map1}, {transform_indices = #map1}, {transform_indices = #map}, {transform_indices = #map}]} {
    %mul3A = arith.constant 2 : i32
    %mul3A_0 = arith.muli %arg1, %mul3A : i32
    %add3A = arith.addi %mul3A_0, %arg0 : i32
    "tpu.region"() ({
      %run_scoped3A = tpu.sem_alloc : memref<!tpu.dma_semaphore, #tpu.memory_space<semaphore_mem>>
      tpu.enqueue_dma source(%arg2 : memref<4096xi32, #tpu.memory_space<hbm>>) target(%arg11 : memref<4096xi32, #tpu.memory_space<vmem>>) target_semaphore(%run_scoped3A : memref<!tpu.dma_semaphore, #tpu.memory_space<semaphore_mem>>)
      tpu.wait_dma2 semaphore(%run_scoped3A : memref<!tpu.dma_semaphore, #tpu.memory_space<semaphore_mem>>) src(%arg2 : memref<4096xi32, #tpu.memory_space<hbm>>) dst(%arg11 : memref<4096xi32, #tpu.memory_space<vmem>>)
      tpu.yield
    }) : () -> ()
    %broadcast_in_dim3A = arith.constant 0 : i32
    %broadcast_in_dim3A_1 = vector.broadcast %broadcast_in_dim3A : i32 to vector<16xi32>
    %scan3A = arith.constant 0 : i32
    %scan3A_2 = arith.constant 0 : i32
    %scan3A_3 = arith.constant 224 : i32
    %scan3A_4 = arith.addi %scan3A_2, %scan3A_3 : i32
    %scan3A_5 = arith.constant 1 : i32
    scf.for %scan3A_281 = %scan3A_2 to %scan3A_4 step %scan3A_5  : i32 {
      %mul3A_282 = arith.constant 16 : i32
      %mul3A_283 = arith.muli %scan3A_281, %mul3A_282 : i32
      %swap3A = arith.index_cast %mul3A_283 : i32 to index
      %swap3A_284 = tpu.vector_load %arg12[%swap3A] {strides = array<i32>} : memref<3584xi32, #tpu.memory_space<vmem>>, vector<16xi32>,
      tpu.vector_store %arg12[%swap3A], %broadcast_in_dim3A_1 {strides = array<i32>} : memref<3584xi32, #tpu.memory_space<vmem>>, vector<16xi32>,
    }
    %scan3A_6 = arith.constant 224 : i32
    %iota3A = tpu.iota {dimensions = array<i32: 0>} : vector<16xi32>
    %scan3A_7 = arith.constant 0 : i32
    %scan3A_8 = arith.constant 0 : i32
    %scan3A_9 = arith.constant 256 : i32
    %scan3A_10 = arith.addi %scan3A_8, %scan3A_9 : i32
    %scan3A_11 = arith.constant 1 : i32
    %scan3A_12 = scf.for %scan3A_281 = %scan3A_8 to %scan3A_10 step %scan3A_11 iter_args(%scan3A_282 = %scan3A_7) -> (i32)  : i32 {
      %mul3A_283 = arith.constant 16 : i32
      %mul3A_284 = arith.muli %scan3A_281, %mul3A_283 : i32
      %get3A = arith.index_cast %mul3A_284 : i32 to index
      %get3A_285 = tpu.vector_load %arg11[%get3A] {strides = array<i32>} : memref<4096xi32, #tpu.memory_space<vmem>>, vector<16xi32>,
      %broadcast_in_dim3A_286 = arith.constant true
      %broadcast_in_dim3A_287 = vector.broadcast %broadcast_in_dim3A_286 : i1 to vector<16xi1>
      %masked_cumsum3A = tpu.scan <sum>, %get3A_285 masked %broadcast_in_dim3A_287 : vector<16xi32>, vector<16xi1> -> vector<16xi32>
      %add3A_288 = vector.broadcast %scan3A_282 : i32 to vector<16xi32>
      %add3A_289 = arith.addi %add3A_288, %masked_cumsum3A : vector<16xi32>
      %sub3A_290 = arith.subi %add3A_289, %get3A_285 : vector<16xi32>
      %mul3A_291 = arith.constant 16 : i32
      %mul3A_292 = arith.muli %scan3A_281, %mul3A_291 : i32
      %add3A_293 = vector.broadcast %mul3A_292 : i32 to vector<16xi32>
      %add3A_294 = arith.addi %add3A_293, %iota3A : vector<16xi32>
      %ne3A_295 = arith.constant 0 : i32
      %ne3A_296 = vector.broadcast %ne3A_295 : i32 to vector<16xi32>
      %ne3A_297 = arith.cmpi ne, %get3A_285, %ne3A_296 : vector<16xi32>
      tpu.vector_store_idx %arg12[%sub3A_290], %add3A_294 masked %ne3A_297 : memref<3584xi32, #tpu.memory_space<vmem>>[vector<16xi32>], vector<16xi32>, vector<16xi1>
      %reduce_sum3A = arith.constant true
      %reduce_sum3A_298 = vector.broadcast %reduce_sum3A : i1 to vector<16xi1>
      %reduce_sum3A_299 = tpu.scan <sum>, %get3A_285 masked %reduce_sum3A_298 : vector<16xi32>, vector<16xi1> -> vector<16xi32>
      %reduce_sum3A_300 = vector.extract %reduce_sum3A_299[15] : i32 from vector<16xi32>
      %add3A_301 = arith.addi %scan3A_282, %reduce_sum3A_300 : i32
      scf.yield %add3A_301 : i32
    }
    %scan3A_13 = arith.constant 256 : i32
    %broadcast_in_dim3A_14 = arith.constant 0 : i32
    %broadcast_in_dim3A_15 = vector.broadcast %broadcast_in_dim3A_14 : i32 to vector<16xi32>
    %broadcast_in_dim3A_16 = arith.constant 1 : i32
    %broadcast_in_dim3A_17 = vector.broadcast %broadcast_in_dim3A_16 : i32 to vector<16xi32>
    %broadcast_in_dim3A_18 = arith.constant 0 : i32
    %broadcast_in_dim3A_19 = vector.broadcast %broadcast_in_dim3A_18 : i32 to vector<16xi32>
    %broadcast_in_dim3A_20 = arith.constant 1 : i32
    %broadcast_in_dim3A_21 = vector.broadcast %broadcast_in_dim3A_20 : i32 to vector<16xi32>
    %broadcast_in_dim3A_22 = arith.constant 2 : i32
    %broadcast_in_dim3A_23 = vector.broadcast %broadcast_in_dim3A_22 : i32 to vector<16xi32>
    %broadcast_in_dim3A_24 = arith.constant 3 : i32
    %broadcast_in_dim3A_25 = vector.broadcast %broadcast_in_dim3A_24 : i32 to vector<16xi32>
    %broadcast_in_dim3A_26 = arith.constant 4 : i32
    %broadcast_in_dim3A_27 = vector.broadcast %broadcast_in_dim3A_26 : i32 to vector<16xi32>
    %broadcast_in_dim3A_28 = arith.constant 5 : i32
    %broadcast_in_dim3A_29 = vector.broadcast %broadcast_in_dim3A_28 : i32 to vector<16xi32>
    %broadcast_in_dim3A_30 = arith.constant 6 : i32
    %broadcast_in_dim3A_31 = vector.broadcast %broadcast_in_dim3A_30 : i32 to vector<16xi32>
    %broadcast_in_dim3A_32 = arith.constant 7 : i32
    %broadcast_in_dim3A_33 = vector.broadcast %broadcast_in_dim3A_32 : i32 to vector<16xi32>
    %mul3A_34 = arith.constant 972 : i32
    %mul3A_35 = arith.muli %add3A, %mul3A_34 : i32
    %jit3A = arith.constant 32 : i32
    %div3A = arith.divsi %mul3A_35, %jit3A : i32
    %sign3A = arith.constant 0 : i32
    %sign3A_36 = arith.cmpi sgt, %mul3A_35, %sign3A : i32
    %sign3A_37 = arith.extui %sign3A_36 : i1 to i32
    %sign3A_38 = arith.constant 0 : i32
    %sign3A_39 = arith.cmpi slt, %mul3A_35, %sign3A_38 : i32
    %sign3A_40 = arith.extui %sign3A_39 : i1 to i32
    %sign3A_41 = arith.subi %sign3A_37, %sign3A_40 : i32
    %sign3A_42 = arith.constant 0 : i32
    %sign3A_43 = arith.cmpi sgt, %jit3A, %sign3A_42 : i32
    %sign3A_44 = arith.extui %sign3A_43 : i1 to i32
    %sign3A_45 = arith.constant 0 : i32
    %sign3A_46 = arith.cmpi slt, %jit3A, %sign3A_45 : i32
    %sign3A_47 = arith.extui %sign3A_46 : i1 to i32
    %sign3A_48 = arith.subi %sign3A_44, %sign3A_47 : i32
    %ne3A = arith.cmpi ne, %sign3A_41, %sign3A_48 : i32
    %rem3A = arith.remsi %mul3A_35, %jit3A : i32
    %ne3A_49 = arith.constant 0 : i32
    %ne3A_50 = arith.cmpi ne, %rem3A, %ne3A_49 : i32
    %and3A = arith.andi %ne3A, %ne3A_50 : i1
    %sub3A = arith.constant 1 : i32
    %sub3A_51 = arith.subi %div3A, %sub3A : i32
    %select_n3A = arith.select %and3A, %sub3A_51, %div3A : i32
    %add3A_52 = arith.constant 1 : i32
    %add3A_53 = arith.addi %add3A, %add3A_52 : i32
    %mul3A_54 = arith.constant 972 : i32
    %mul3A_55 = arith.muli %add3A_53, %mul3A_54 : i32
    %jit3A_56 = arith.constant 32 : i32
    %div3A_57 = arith.divsi %mul3A_55, %jit3A_56 : i32
    %sign3A_58 = arith.constant 0 : i32
    %sign3A_59 = arith.cmpi sgt, %mul3A_55, %sign3A_58 : i32
    %sign3A_60 = arith.extui %sign3A_59 : i1 to i32
    %sign3A_61 = arith.constant 0 : i32
    %sign3A_62 = arith.cmpi slt, %mul3A_55, %sign3A_61 : i32
    %sign3A_63 = arith.extui %sign3A_62 : i1 to i32
    %sign3A_64 = arith.subi %sign3A_60, %sign3A_63 : i32
    %sign3A_65 = arith.constant 0 : i32
    %sign3A_66 = arith.cmpi sgt, %jit3A_56, %sign3A_65 : i32
    %sign3A_67 = arith.extui %sign3A_66 : i1 to i32
    %sign3A_68 = arith.constant 0 : i32
    %sign3A_69 = arith.cmpi slt, %jit3A_56, %sign3A_68 : i32
    %sign3A_70 = arith.extui %sign3A_69 : i1 to i32
    %sign3A_71 = arith.subi %sign3A_67, %sign3A_70 : i32
    %ne3A_72 = arith.cmpi ne, %sign3A_64, %sign3A_71 : i32
    %rem3A_73 = arith.remsi %mul3A_55, %jit3A_56 : i32
    %ne3A_74 = arith.constant 0 : i32
    %ne3A_75 = arith.cmpi ne, %rem3A_73, %ne3A_74 : i32
    %and3A_76 = arith.andi %ne3A_72, %ne3A_75 : i1
    %sub3A_77 = arith.constant 1 : i32
    %sub3A_78 = arith.subi %div3A_57, %sub3A_77 : i32
    %select_n3A_79 = arith.select %and3A_76, %sub3A_78, %div3A_57 : i32
    %add3A_80 = arith.constant 0 : i32
    %add3A_81 = arith.addi %select_n3A, %add3A_80 : i32
    %sub3A_82 = arith.constant 1 : i32
    %sub3A_83 = arith.subi %select_n3A_79, %sub3A_82 : i32
    %min3A = arith.minsi %add3A_81, %sub3A_83 : i32
    %mul3A_84 = arith.constant 8 : i32
    %mul3A_85 = arith.muli %mul3A_84, %min3A : i32
    %multiple_of3A = tpu.assume_multiple %mul3A_85, 8 : i32
    %dma_start3A = arith.constant 0 : i32
    %dma_start3A_86 = arith.constant 0 : i32
    %dma_start3A_87 = arith.constant 0 : i32
    %dma_start3A_88 = tpu.memref_slice %arg13[%dma_start3A, %dma_start3A_86, %dma_start3A_87] : memref<2x8x4096xf32, #tpu.memory_space<vmem>> -> memref<1x8x4096xf32, #tpu.memory_space<vmem>>
    %dma_start3A_89 = tpu.memref_squeeze %dma_start3A_88 : memref<1x8x4096xf32, #tpu.memory_space<vmem>> -> memref<8x4096xf32, #tpu.memory_space<vmem>>
    %dma_start3A_90 = arith.constant 0 : i32
    %dma_start3A_91 = tpu.memref_slice %arg3[%multiple_of3A, %dma_start3A_90] : memref<7781x4096xf32, #tpu.memory_space<hbm>> -> memref<8x4096xf32, #tpu.memory_space<hbm>>
    %dma_start3A_92 = arith.constant 0 : i32
    %dma_start3A_93 = arith.constant 0 : i32
    %dma_start3A_94 = tpu.memref_slice %arg13[%dma_start3A, %dma_start3A_92, %dma_start3A_93] : memref<2x8x4096xf32, #tpu.memory_space<vmem>> -> memref<1x8x4096xf32, #tpu.memory_space<vmem>>
    %dma_start3A_95 = tpu.memref_squeeze %dma_start3A_94 : memref<1x8x4096xf32, #tpu.memory_space<vmem>> -> memref<8x4096xf32, #tpu.memory_space<vmem>>
    %dma_start3A_96 = arith.constant 0 : i32
    %dma_start3A_97 = tpu.memref_slice %arg3[%multiple_of3A, %dma_start3A_96] : memref<7781x4096xf32, #tpu.memory_space<hbm>> -> memref<8x4096xf32, #tpu.memory_space<hbm>>
    tpu.enqueue_dma source(%dma_start3A_97 : memref<8x4096xf32, #tpu.memory_space<hbm>>) target(%dma_start3A_95 : memref<8x4096xf32, #tpu.memory_space<vmem>>) target_semaphore(%arg15 : memref<!tpu.dma_semaphore, #tpu.memory_space<semaphore_mem>>)
    %scan3A_98 = arith.constant 0 : i32
    %scan3A_99 = arith.constant 0 : i32
    %scan3A_100 = arith.constant 16 : i32
    %scan3A_101 = arith.addi %scan3A_99, %scan3A_100 : i32
    %scan3A_102 = arith.constant 1 : i32
    scf.for %scan3A_281 = %scan3A_99 to %scan3A_101 step %scan3A_102  : i32 {
      %mul3A_282 = arith.constant 2 : i32
      %mul3A_283 = arith.muli %mul3A_282, %scan3A_281 : i32
      %add3A_284 = arith.constant 0 : i32
      %add3A_285 = arith.addi %mul3A_283, %add3A_284 : i32
      %dma_wait3A_286 = arith.constant 0 : i32
      %dma_wait3A_287 = arith.constant 0 : i32
      %dma_wait3A_288 = arith.constant 0 : i32
      %dma_wait3A_289 = tpu.memref_slice %arg13[%dma_wait3A_286, %dma_wait3A_287, %dma_wait3A_288] : memref<2x8x4096xf32, #tpu.memory_space<vmem>> -> memref<1x8x4096xf32, #tpu.memory_space<vmem>>
      %dma_wait3A_290 = tpu.memref_squeeze %dma_wait3A_289 : memref<1x8x4096xf32, #tpu.memory_space<vmem>> -> memref<8x4096xf32, #tpu.memory_space<vmem>>
      %dma_wait3A_291 = arith.constant 0 : i32
      %dma_wait3A_292 = arith.constant 0 : i32
      %dma_wait3A_293 = tpu.memref_slice %arg3[%dma_wait3A_291, %dma_wait3A_292] : memref<7781x4096xf32, #tpu.memory_space<hbm>> -> memref<8x4096xf32, #tpu.memory_space<hbm>>
      %dma_wait3A_294 = arith.constant 0 : i32
      %dma_wait3A_295 = arith.constant 0 : i32
      %dma_wait3A_296 = tpu.memref_slice %arg13[%dma_wait3A_286, %dma_wait3A_294, %dma_wait3A_295] : memref<2x8x4096xf32, #tpu.memory_space<vmem>> -> memref<1x8x4096xf32, #tpu.memory_space<vmem>>
      %dma_wait3A_297 = tpu.memref_squeeze %dma_wait3A_296 : memref<1x8x4096xf32, #tpu.memory_space<vmem>> -> memref<8x4096xf32, #tpu.memory_space<vmem>>
      %dma_wait3A_298 = arith.constant 0 : i32
      %dma_wait3A_299 = arith.constant 0 : i32
      %dma_wait3A_300 = tpu.memref_slice %arg3[%dma_wait3A_298, %dma_wait3A_299] : memref<7781x4096xf32, #tpu.memory_space<hbm>> -> memref<8x4096xf32, #tpu.memory_space<hbm>>
      tpu.wait_dma2 semaphore(%arg15 : memref<!tpu.dma_semaphore, #tpu.memory_space<semaphore_mem>>) src(%dma_wait3A_300 : memref<8x4096xf32, #tpu.memory_space<hbm>>) dst(%dma_wait3A_297 : memref<8x4096xf32, #tpu.memory_space<vmem>>)
      %add3A_301 = arith.constant 1 : i32
      %add3A_302 = arith.addi %add3A_285, %add3A_301 : i32
      %add3A_303 = arith.addi %select_n3A, %add3A_302 : i32
      %sub3A_304 = arith.constant 1 : i32
      %sub3A_305 = arith.subi %select_n3A_79, %sub3A_304 : i32
      %min3A_306 = arith.minsi %add3A_303, %sub3A_305 : i32
      %mul3A_307 = arith.constant 8 : i32
      %mul3A_308 = arith.muli %mul3A_307, %min3A_306 : i32
      %multiple_of3A_309 = tpu.assume_multiple %mul3A_308, 8 : i32
      %dma_start3A_310 = arith.constant 1 : i32
      %dma_start3A_311 = arith.constant 0 : i32
      %dma_start3A_312 = arith.constant 0 : i32
      %dma_start3A_313 = tpu.memref_slice %arg13[%dma_start3A_310, %dma_start3A_311, %dma_start3A_312] : memref<2x8x4096xf32, #tpu.memory_space<vmem>> -> memref<1x8x4096xf32, #tpu.memory_space<vmem>>
      %dma_start3A_314 = tpu.memref_squeeze %dma_start3A_313 : memref<1x8x4096xf32, #tpu.memory_space<vmem>> -> memref<8x4096xf32, #tpu.memory_space<vmem>>
      %dma_start3A_315 = arith.constant 0 : i32
      %dma_start3A_316 = tpu.memref_slice %arg3[%multiple_of3A_309, %dma_start3A_315] : memref<7781x4096xf32, #tpu.memory_space<hbm>> -> memref<8x4096xf32, #tpu.memory_space<hbm>>
      %dma_start3A_317 = arith.constant 0 : i32
      %dma_start3A_318 = arith.constant 0 : i32
      %dma_start3A_319 = tpu.memref_slice %arg13[%dma_start3A_310, %dma_start3A_317, %dma_start3A_318] : memref<2x8x4096xf32, #tpu.memory_space<vmem>> -> memref<1x8x4096xf32, #tpu.memory_space<vmem>>
      %dma_start3A_320 = tpu.memref_squeeze %dma_start3A_319 : memref<1x8x4096xf32, #tpu.memory_space<vmem>> -> memref<8x4096xf32, #tpu.memory_space<vmem>>
      %dma_start3A_321 = arith.constant 0 : i32
      %dma_start3A_322 = tpu.memref_slice %arg3[%multiple_of3A_309, %dma_start3A_321] : memref<7781x4096xf32, #tpu.memory_space<hbm>> -> memref<8x4096xf32, #tpu.memory_space<hbm>>
      tpu.enqueue_dma source(%dma_start3A_322 : memref<8x4096xf32, #tpu.memory_space<hbm>>) target(%dma_start3A_320 : memref<8x4096xf32, #tpu.memory_space<vmem>>) target_semaphore(%arg15 : memref<!tpu.dma_semaphore, #tpu.memory_space<semaphore_mem>>)
      %ge3A = arith.constant 1 : i32
      %ge3A_323 = arith.cmpi sge, %scan3A_281, %ge3A : i32
      %convert_element_type3A_324 = arith.extui %ge3A_323 : i1 to i32
      %cond3A_325 = arith.constant 0 : i32
      %cond3A_326 = arith.cmpi ne, %convert_element_type3A_324, %cond3A_325 : i32
      scf.if %cond3A_326 {
        %dma_wait3A_425 = arith.constant 0 : i32
        %dma_wait3A_426 = arith.constant 0 : i32
        %dma_wait3A_427 = arith.constant 0 : i32
        %dma_wait3A_428 = tpu.memref_slice %arg14[%dma_wait3A_425, %dma_wait3A_426, %dma_wait3A_427] : memref<2x8x3584xf32, #tpu.memory_space<vmem>> -> memref<1x8x3584xf32, #tpu.memory_space<vmem>>
        %dma_wait3A_429 = tpu.memref_squeeze %dma_wait3A_428 : memref<1x8x3584xf32, #tpu.memory_space<vmem>> -> memref<8x3584xf32, #tpu.memory_space<vmem>>
        %dma_wait3A_430 = arith.constant 0 : i32
        %dma_wait3A_431 = arith.constant 0 : i32
        %dma_wait3A_432 = tpu.memref_slice %arg7[%dma_wait3A_430, %dma_wait3A_431] : memref<7781x3584xf32, #tpu.memory_space<hbm>> -> memref<8x3584xf32, #tpu.memory_space<hbm>>
        %dma_wait3A_433 = arith.constant 0 : i32
        %dma_wait3A_434 = arith.constant 0 : i32
        %dma_wait3A_435 = tpu.memref_slice %arg14[%dma_wait3A_425, %dma_wait3A_433, %dma_wait3A_434] : memref<2x8x3584xf32, #tpu.memory_space<vmem>> -> memref<1x8x3584xf32, #tpu.memory_space<vmem>>
        %dma_wait3A_436 = tpu.memref_squeeze %dma_wait3A_435 : memref<1x8x3584xf32, #tpu.memory_space<vmem>> -> memref<8x3584xf32, #tpu.memory_space<vmem>>
        %dma_wait3A_437 = arith.constant 0 : i32
        %dma_wait3A_438 = arith.constant 0 : i32
        %dma_wait3A_439 = tpu.memref_slice %arg7[%dma_wait3A_437, %dma_wait3A_438] : memref<7781x3584xf32, #tpu.memory_space<hbm>> -> memref<8x3584xf32, #tpu.memory_space<hbm>>
        tpu.wait_dma2 semaphore(%arg16 : memref<!tpu.dma_semaphore, #tpu.memory_space<semaphore_mem>>) src(%dma_wait3A_439 : memref<8x3584xf32, #tpu.memory_space<hbm>>) dst(%dma_wait3A_436 : memref<8x3584xf32, #tpu.memory_space<vmem>>)
      } else {
      }
      %scan3A_327 = arith.constant 0 : i32
      %scan3A_328 = arith.constant 0 : i32
      %scan3A_329 = arith.constant 28 : i32
      %scan3A_330 = arith.addi %scan3A_328, %scan3A_329 : i32
      %scan3A_331 = arith.constant 1 : i32
      scf.for %scan3A_425 = %scan3A_328 to %scan3A_330 step %scan3A_331  : i32 {
        %mul3A_426 = arith.constant 8 : i32
        %mul3A_427 = arith.muli %scan3A_425, %mul3A_426 : i32
        %add3A_428 = arith.constant 0 : i32
        %add3A_429 = arith.addi %mul3A_427, %add3A_428 : i32
        %mul3A_430 = arith.constant 16 : i32
        %mul3A_431 = arith.muli %add3A_429, %mul3A_430 : i32
        %get3A = arith.index_cast %mul3A_431 : i32 to index
        %get3A_432 = tpu.vector_load %arg12[%get3A] {strides = array<i32>} : memref<3584xi32, #tpu.memory_space<vmem>>, vector<16xi32>,
        %gather3A = tpu.vector_load_idx %arg13[%broadcast_in_dim3A_15, %broadcast_in_dim3A_19, %get3A_432] : memref<2x8x4096xf32, #tpu.memory_space<vmem>>[vector<16xi32>, vector<16xi32>, vector<16xi32>], vector<16xf32>,
        %gather3A_433 = tpu.vector_load_idx %arg13[%broadcast_in_dim3A_15, %broadcast_in_dim3A_21, %get3A_432] : memref<2x8x4096xf32, #tpu.memory_space<vmem>>[vector<16xi32>, vector<16xi32>, vector<16xi32>], vector<16xf32>,
        %gather3A_434 = tpu.vector_load_idx %arg13[%broadcast_in_dim3A_15, %broadcast_in_dim3A_23, %get3A_432] : memref<2x8x4096xf32, #tpu.memory_space<vmem>>[vector<16xi32>, vector<16xi32>, vector<16xi32>], vector<16xf32>,
        %gather3A_435 = tpu.vector_load_idx %arg13[%broadcast_in_dim3A_15, %broadcast_in_dim3A_25, %get3A_432] : memref<2x8x4096xf32, #tpu.memory_space<vmem>>[vector<16xi32>, vector<16xi32>, vector<16xi32>], vector<16xf32>,
        %gather3A_436 = tpu.vector_load_idx %arg13[%broadcast_in_dim3A_15, %broadcast_in_dim3A_27, %get3A_432] : memref<2x8x4096xf32, #tpu.memory_space<vmem>>[vector<16xi32>, vector<16xi32>, vector<16xi32>], vector<16xf32>,
        %gather3A_437 = tpu.vector_load_idx %arg13[%broadcast_in_dim3A_15, %broadcast_in_dim3A_29, %get3A_432] : memref<2x8x4096xf32, #tpu.memory_space<vmem>>[vector<16xi32>, vector<16xi32>, vector<16xi32>], vector<16xf32>,
        %gather3A_438 = tpu.vector_load_idx %arg13[%broadcast_in_dim3A_15, %broadcast_in_dim3A_31, %get3A_432] : memref<2x8x4096xf32, #tpu.memory_space<vmem>>[vector<16xi32>, vector<16xi32>, vector<16xi32>], vector<16xf32>,
        %gather3A_439 = tpu.vector_load_idx %arg13[%broadcast_in_dim3A_15, %broadcast_in_dim3A_33, %get3A_432] : memref<2x8x4096xf32, #tpu.memory_space<vmem>>[vector<16xi32>, vector<16xi32>, vector<16xi32>], vector<16xf32>,
        %swap3A = arith.constant 0 : i32
        %swap3A_440 = arith.constant 0 : i32
        %swap3A_441 = arith.index_cast %swap3A : i32 to index
        %swap3A_442 = arith.index_cast %swap3A_440 : i32 to index
        %swap3A_443 = arith.index_cast %mul3A_431 : i32 to index
        %swap3A_444 = tpu.vector_load %arg14[%swap3A_441, %swap3A_442, %swap3A_443] {strides = array<i32>} : memref<2x8x3584xf32, #tpu.memory_space<vmem>>, vector<16xf32>,
        tpu.vector_store %arg14[%swap3A_441, %swap3A_442, %swap3A_443], %gather3A {strides = array<i32>} : memref<2x8x3584xf32, #tpu.memory_space<vmem>>, vector<16xf32>,
        %swap3A_445 = arith.constant 0 : i32
        %swap3A_446 = arith.constant 1 : i32
        %swap3A_447 = arith.index_cast %swap3A_445 : i32 to index
        %swap3A_448 = arith.index_cast %swap3A_446 : i32 to index
        %swap3A_449 = arith.index_cast %mul3A_431 : i32 to index
        %swap3A_450 = tpu.vector_load %arg14[%swap3A_447, %swap3A_448, %swap3A_449] {strides = array<i32>} : memref<2x8x3584xf32, #tpu.memory_space<vmem>>, vector<16xf32>,
        tpu.vector_store %arg14[%swap3A_447, %swap3A_448, %swap3A_449], %gather3A_433 {strides = array<i32>} : memref<2x8x3584xf32, #tpu.memory_space<vmem>>, vector<16xf32>,
        %swap3A_451 = arith.constant 0 : i32
        %swap3A_452 = arith.constant 2 : i32
        %swap3A_453 = arith.index_cast %swap3A_451 : i32 to index
        %swap3A_454 = arith.index_cast %swap3A_452 : i32 to index
        %swap3A_455 = arith.index_cast %mul3A_431 : i32 to index
        %swap3A_456 = tpu.vector_load %arg14[%swap3A_453, %swap3A_454, %swap3A_455] {strides = array<i32>} : memref<2x8x3584xf32, #tpu.memory_space<vmem>>, vector<16xf32>,
        tpu.vector_store %arg14[%swap3A_453, %swap3A_454, %swap3A_455], %gather3A_434 {strides = array<i32>} : memref<2x8x3584xf32, #tpu.memory_space<vmem>>, vector<16xf32>,
        %swap3A_457 = arith.constant 0 : i32
        %swap3A_458 = arith.constant 3 : i32
        %swap3A_459 = arith.index_cast %swap3A_457 : i32 to index
        %swap3A_460 = arith.index_cast %swap3A_458 : i32 to index
        %swap3A_461 = arith.index_cast %mul3A_431 : i32 to index
        %swap3A_462 = tpu.vector_load %arg14[%swap3A_459, %swap3A_460, %swap3A_461] {strides = array<i32>} : memref<2x8x3584xf32, #tpu.memory_space<vmem>>, vector<16xf32>,
        tpu.vector_store %arg14[%swap3A_459, %swap3A_460, %swap3A_461], %gather3A_435 {strides = array<i32>} : memref<2x8x3584xf32, #tpu.memory_space<vmem>>, vector<16xf32>,
        %swap3A_463 = arith.constant 0 : i32
        %swap3A_464 = arith.constant 4 : i32
        %swap3A_465 = arith.index_cast %swap3A_463 : i32 to index
        %swap3A_466 = arith.index_cast %swap3A_464 : i32 to index
        %swap3A_467 = arith.index_cast %mul3A_431 : i32 to index
        %swap3A_468 = tpu.vector_load %arg14[%swap3A_465, %swap3A_466, %swap3A_467] {strides = array<i32>} : memref<2x8x3584xf32, #tpu.memory_space<vmem>>, vector<16xf32>,
        tpu.vector_store %arg14[%swap3A_465, %swap3A_466, %swap3A_467], %gather3A_436 {strides = array<i32>} : memref<2x8x3584xf32, #tpu.memory_space<vmem>>, vector<16xf32>,
        %swap3A_469 = arith.constant 0 : i32
        %swap3A_470 = arith.constant 5 : i32
        %swap3A_471 = arith.index_cast %swap3A_469 : i32 to index
        %swap3A_472 = arith.index_cast %swap3A_470 : i32 to index
        %swap3A_473 = arith.index_cast %mul3A_431 : i32 to index
        %swap3A_474 = tpu.vector_load %arg14[%swap3A_471, %swap3A_472, %swap3A_473] {strides = array<i32>} : memref<2x8x3584xf32, #tpu.memory_space<vmem>>, vector<16xf32>,
        tpu.vector_store %arg14[%swap3A_471, %swap3A_472, %swap3A_473], %gather3A_437 {strides = array<i32>} : memref<2x8x3584xf32, #tpu.memory_space<vmem>>, vector<16xf32>,
        %swap3A_475 = arith.constant 0 : i32
        %swap3A_476 = arith.constant 6 : i32
        %swap3A_477 = arith.index_cast %swap3A_475 : i32 to index
        %swap3A_478 = arith.index_cast %swap3A_476 : i32 to index
        %swap3A_479 = arith.index_cast %mul3A_431 : i32 to index
        %swap3A_480 = tpu.vector_load %arg14[%swap3A_477, %swap3A_478, %swap3A_479] {strides = array<i32>} : memref<2x8x3584xf32, #tpu.memory_space<vmem>>, vector<16xf32>,
        tpu.vector_store %arg14[%swap3A_477, %swap3A_478, %swap3A_479], %gather3A_438 {strides = array<i32>} : memref<2x8x3584xf32, #tpu.memory_space<vmem>>, vector<16xf32>,
        %swap3A_481 = arith.constant 0 : i32
        %swap3A_482 = arith.constant 7 : i32
        %swap3A_483 = arith.index_cast %swap3A_481 : i32 to index
        %swap3A_484 = arith.index_cast %swap3A_482 : i32 to index
        %swap3A_485 = arith.index_cast %mul3A_431 : i32 to index
        %swap3A_486 = tpu.vector_load %arg14[%swap3A_483, %swap3A_484, %swap3A_485] {strides = array<i32>} : memref<2x8x3584xf32, #tpu.memory_space<vmem>>, vector<16xf32>,
        tpu.vector_store %arg14[%swap3A_483, %swap3A_484, %swap3A_485], %gather3A_439 {strides = array<i32>} : memref<2x8x3584xf32, #tpu.memory_space<vmem>>, vector<16xf32>,
        %mul3A_487 = arith.constant 8 : i32
        %mul3A_488 = arith.muli %scan3A_425, %mul3A_487 : i32
        %add3A_489 = arith.constant 1 : i32
        %add3A_490 = arith.addi %mul3A_488, %add3A_489 : i32
        %mul3A_491 = arith.constant 16 : i32
        %mul3A_492 = arith.muli %add3A_490, %mul3A_491 : i32
        %get3A_493 = arith.index_cast %mul3A_492 : i32 to index
        %get3A_494 = tpu.vector_load %arg12[%get3A_493] {strides = array<i32>} : memref<3584xi32, #tpu.memory_space<vmem>>, vector<16xi32>,
        %gather3A_495 = tpu.vector_load_idx %arg13[%broadcast_in_dim3A_15, %broadcast_in_dim3A_19, %get3A_494] : memref<2x8x4096xf32, #tpu.memory_space<vmem>>[vector<16xi32>, vector<16xi32>, vector<16xi32>], vector<16xf32>,
        %gather3A_496 = tpu.vector_load_idx %arg13[%broadcast_in_dim3A_15, %broadcast_in_dim3A_21, %get3A_494] : memref<2x8x4096xf32, #tpu.memory_space<vmem>>[vector<16xi32>, vector<16xi32>, vector<16xi32>], vector<16xf32>,
        %gather3A_497 = tpu.vector_load_idx %arg13[%broadcast_in_dim3A_15, %broadcast_in_dim3A_23, %get3A_494] : memref<2x8x4096xf32, #tpu.memory_space<vmem>>[vector<16xi32>, vector<16xi32>, vector<16xi32>], vector<16xf32>,
        %gather3A_498 = tpu.vector_load_idx %arg13[%broadcast_in_dim3A_15, %broadcast_in_dim3A_25, %get3A_494] : memref<2x8x4096xf32, #tpu.memory_space<vmem>>[vector<16xi32>, vector<16xi32>, vector<16xi32>], vector<16xf32>,
        %gather3A_499 = tpu.vector_load_idx %arg13[%broadcast_in_dim3A_15, %broadcast_in_dim3A_27, %get3A_494] : memref<2x8x4096xf32, #tpu.memory_space<vmem>>[vector<16xi32>, vector<16xi32>, vector<16xi32>], vector<16xf32>,
        %gather3A_500 = tpu.vector_load_idx %arg13[%broadcast_in_dim3A_15, %broadcast_in_dim3A_29, %get3A_494] : memref<2x8x4096xf32, #tpu.memory_space<vmem>>[vector<16xi32>, vector<16xi32>, vector<16xi32>], vector<16xf32>,
        %gather3A_501 = tpu.vector_load_idx %arg13[%broadcast_in_dim3A_15, %broadcast_in_dim3A_31, %get3A_494] : memref<2x8x4096xf32, #tpu.memory_space<vmem>>[vector<16xi32>, vector<16xi32>, vector<16xi32>], vector<16xf32>,
        %gather3A_502 = tpu.vector_load_idx %arg13[%broadcast_in_dim3A_15, %broadcast_in_dim3A_33, %get3A_494] : memref<2x8x4096xf32, #tpu.memory_space<vmem>>[vector<16xi32>, vector<16xi32>, vector<16xi32>], vector<16xf32>,
        %swap3A_503 = arith.constant 0 : i32
        %swap3A_504 = arith.constant 0 : i32
        %swap3A_505 = arith.index_cast %swap3A_503 : i32 to index
        %swap3A_506 = arith.index_cast %swap3A_504 : i32 to index
        %swap3A_507 = arith.index_cast %mul3A_492 : i32 to index
        %swap3A_508 = tpu.vector_load %arg14[%swap3A_505, %swap3A_506, %swap3A_507] {strides = array<i32>} : memref<2x8x3584xf32, #tpu.memory_space<vmem>>, vector<16xf32>,
        tpu.vector_store %arg14[%swap3A_505, %swap3A_506, %swap3A_507], %gather3A_495 {strides = array<i32>} : memref<2x8x3584xf32, #tpu.memory_space<vmem>>, vector<16xf32>,
        %swap3A_509 = arith.constant 0 : i32
        %swap3A_510 = arith.constant 1 : i32
        %swap3A_511 = arith.index_cast %swap3A_509 : i32 to index
        %swap3A_512 = arith.index_cast %swap3A_510 : i32 to index
        %swap3A_513 = arith.index_cast %mul3A_492 : i32 to index
        %swap3A_514 = tpu.vector_load %arg14[%swap3A_511, %swap3A_512, %swap3A_513] {strides = array<i32>} : memref<2x8x3584xf32, #tpu.memory_space<vmem>>, vector<16xf32>,
        tpu.vector_store %arg14[%swap3A_511, %swap3A_512, %swap3A_513], %gather3A_496 {strides = array<i32>} : memref<2x8x3584xf32, #tpu.memory_space<vmem>>, vector<16xf32>,
        %swap3A_515 = arith.constant 0 : i32
        %swap3A_516 = arith.constant 2 : i32
        %swap3A_517 = arith.index_cast %swap3A_515 : i32 to index
        %swap3A_518 = arith.index_cast %swap3A_516 : i32 to index
        %swap3A_519 = arith.index_cast %mul3A_492 : i32 to index
        %swap3A_520 = tpu.vector_load %arg14[%swap3A_517, %swap3A_518, %swap3A_519] {strides = array<i32>} : memref<2x8x3584xf32, #tpu.memory_space<vmem>>, vector<16xf32>,
        tpu.vector_store %arg14[%swap3A_517, %swap3A_518, %swap3A_519], %gather3A_497 {strides = array<i32>} : memref<2x8x3584xf32, #tpu.memory_space<vmem>>, vector<16xf32>,
        %swap3A_521 = arith.constant 0 : i32
        %swap3A_522 = arith.constant 3 : i32
        %swap3A_523 = arith.index_cast %swap3A_521 : i32 to index
        %swap3A_524 = arith.index_cast %swap3A_522 : i32 to index
        %swap3A_525 = arith.index_cast %mul3A_492 : i32 to index
        %swap3A_526 = tpu.vector_load %arg14[%swap3A_523, %swap3A_524, %swap3A_525] {strides = array<i32>} : memref<2x8x3584xf32, #tpu.memory_space<vmem>>, vector<16xf32>,
        tpu.vector_store %arg14[%swap3A_523, %swap3A_524, %swap3A_525], %gather3A_498 {strides = array<i32>} : memref<2x8x3584xf32, #tpu.memory_space<vmem>>, vector<16xf32>,
        %swap3A_527 = arith.constant 0 : i32
        %swap3A_528 = arith.constant 4 : i32
        %swap3A_529 = arith.index_cast %swap3A_527 : i32 to index
        %swap3A_530 = arith.index_cast %swap3A_528 : i32 to index
        %swap3A_531 = arith.index_cast %mul3A_492 : i32 to index
        %swap3A_532 = tpu.vector_load %arg14[%swap3A_529, %swap3A_530, %swap3A_531] {strides = array<i32>} : memref<2x8x3584xf32, #tpu.memory_space<vmem>>, vector<16xf32>,
        tpu.vector_store %arg14[%swap3A_529, %swap3A_530, %swap3A_531], %gather3A_499 {strides = array<i32>} : memref<2x8x3584xf32, #tpu.memory_space<vmem>>, vector<16xf32>,
        %swap3A_533 = arith.constant 0 : i32
        %swap3A_534 = arith.constant 5 : i32
        %swap3A_535 = arith.index_cast %swap3A_533 : i32 to index
        %swap3A_536 = arith.index_cast %swap3A_534 : i32 to index
        %swap3A_537 = arith.index_cast %mul3A_492 : i32 to index
        %swap3A_538 = tpu.vector_load %arg14[%swap3A_535, %swap3A_536, %swap3A_537] {strides = array<i32>} : memref<2x8x3584xf32, #tpu.memory_space<vmem>>, vector<16xf32>,
        tpu.vector_store %arg14[%swap3A_535, %swap3A_536, %swap3A_537], %gather3A_500 {strides = array<i32>} : memref<2x8x3584xf32, #tpu.memory_space<vmem>>, vector<16xf32>,
        %swap3A_539 = arith.constant 0 : i32
        %swap3A_540 = arith.constant 6 : i32
        %swap3A_541 = arith.index_cast %swap3A_539 : i32 to index
        %swap3A_542 = arith.index_cast %swap3A_540 : i32 to index
        %swap3A_543 = arith.index_cast %mul3A_492 : i32 to index
        %swap3A_544 = tpu.vector_load %arg14[%swap3A_541, %swap3A_542, %swap3A_543] {strides = array<i32>} : memref<2x8x3584xf32, #tpu.memory_space<vmem>>, vector<16xf32>,
        tpu.vector_store %arg14[%swap3A_541, %swap3A_542, %swap3A_543], %gather3A_501 {strides = array<i32>} : memref<2x8x3584xf32, #tpu.memory_space<vmem>>, vector<16xf32>,
        %swap3A_545 = arith.constant 0 : i32
        %swap3A_546 = arith.constant 7 : i32
        %swap3A_547 = arith.index_cast %swap3A_545 : i32 to index
        %swap3A_548 = arith.index_cast %swap3A_546 : i32 to index
        %swap3A_549 = arith.index_cast %mul3A_492 : i32 to index
        %swap3A_550 = tpu.vector_load %arg14[%swap3A_547, %swap3A_548, %swap3A_549] {strides = array<i32>} : memref<2x8x3584xf32, #tpu.memory_space<vmem>>, vector<16xf32>,
        tpu.vector_store %arg14[%swap3A_547, %swap3A_548, %swap3A_549], %gather3A_502 {strides = array<i32>} : memref<2x8x3584xf32, #tpu.memory_space<vmem>>, vector<16xf32>,
        %mul3A_551 = arith.constant 8 : i32
        %mul3A_552 = arith.muli %scan3A_425, %mul3A_551 : i32
        %add3A_553 = arith.constant 2 : i32
        %add3A_554 = arith.addi %mul3A_552, %add3A_553 : i32
        %mul3A_555 = arith.constant 16 : i32
        %mul3A_556 = arith.muli %add3A_554, %mul3A_555 : i32
        %get3A_557 = arith.index_cast %mul3A_556 : i32 to index
        %get3A_558 = tpu.vector_load %arg12[%get3A_557] {strides = array<i32>} : memref<3584xi32, #tpu.memory_space<vmem>>, vector<16xi32>,
        %gather3A_559 = tpu.vector_load_idx %arg13[%broadcast_in_dim3A_15, %broadcast_in_dim3A_19, %get3A_558] : memref<2x8x4096xf32, #tpu.memory_space<vmem>>[vector<16xi32>, vector<16xi32>, vector<16xi32>], vector<16xf32>,
        %gather3A_560 = tpu.vector_load_idx %arg13[%broadcast_in_dim3A_15, %broadcast_in_dim3A_21, %get3A_558] : memref<2x8x4096xf32, #tpu.memory_space<vmem>>[vector<16xi32>, vector<16xi32>, vector<16xi32>], vector<16xf32>,
        %gather3A_561 = tpu.vector_load_idx %arg13[%broadcast_in_dim3A_15, %broadcast_in_dim3A_23, %get3A_558] : memref<2x8x4096xf32, #tpu.memory_space<vmem>>[vector<16xi32>, vector<16xi32>, vector<16xi32>], vector<16xf32>,
        %gather3A_562 = tpu.vector_load_idx %arg13[%broadcast_in_dim3A_15, %broadcast_in_dim3A_25, %get3A_558] : memref<2x8x4096xf32, #tpu.memory_space<vmem>>[vector<16xi32>, vector<16xi32>, vector<16xi32>], vector<16xf32>,
        %gather3A_563 = tpu.vector_load_idx %arg13[%broadcast_in_dim3A_15, %broadcast_in_dim3A_27, %get3A_558] : memref<2x8x4096xf32, #tpu.memory_space<vmem>>[vector<16xi32>, vector<16xi32>, vector<16xi32>], vector<16xf32>,
        %gather3A_564 = tpu.vector_load_idx %arg13[%broadcast_in_dim3A_15, %broadcast_in_dim3A_29, %get3A_558] : memref<2x8x4096xf32, #tpu.memory_space<vmem>>[vector<16xi32>, vector<16xi32>, vector<16xi32>], vector<16xf32>,
        %gather3A_565 = tpu.vector_load_idx %arg13[%broadcast_in_dim3A_15, %broadcast_in_dim3A_31, %get3A_558] : memref<2x8x4096xf32, #tpu.memory_space<vmem>>[vector<16xi32>, vector<16xi32>, vector<16xi32>], vector<16xf32>,
        %gather3A_566 = tpu.vector_load_idx %arg13[%broadcast_in_dim3A_15, %broadcast_in_dim3A_33, %get3A_558] : memref<2x8x4096xf32, #tpu.memory_space<vmem>>[vector<16xi32>, vector<16xi32>, vector<16xi32>], vector<16xf32>,
        %swap3A_567 = arith.constant 0 : i32
        %swap3A_568 = arith.constant 0 : i32
        %swap3A_569 = arith.index_cast %swap3A_567 : i32 to index
        %swap3A_570 = arith.index_cast %swap3A_568 : i32 to index
        %swap3A_571 = arith.index_cast %mul3A_556 : i32 to index
        %swap3A_572 = tpu.vector_load %arg14[%swap3A_569, %swap3A_570, %swap3A_571] {strides = array<i32>} : memref<2x8x3584xf32, #tpu.memory_space<vmem>>, vector<16xf32>,
        tpu.vector_store %arg14[%swap3A_569, %swap3A_570, %swap3A_571], %gather3A_559 {strides = array<i32>} : memref<2x8x3584xf32, #tpu.memory_space<vmem>>, vector<16xf32>,
        %swap3A_573 = arith.constant 0 : i32
        %swap3A_574 = arith.constant 1 : i32
        %swap3A_575 = arith.index_cast %swap3A_573 : i32 to index
        %swap3A_576 = arith.index_cast %swap3A_574 : i32 to index
        %swap3A_577 = arith.index_cast %mul3A_556 : i32 to index
        %swap3A_578 = tpu.vector_load %arg14[%swap3A_575, %swap3A_576, %swap3A_577] {strides = array<i32>} : memref<2x8x3584xf32, #tpu.memory_space<vmem>>, vector<16xf32>,
        tpu.vector_store %arg14[%swap3A_575, %swap3A_576, %swap3A_577], %gather3A_560 {strides = array<i32>} : memref<2x8x3584xf32, #tpu.memory_space<vmem>>, vector<16xf32>,
        %swap3A_579 = arith.constant 0 : i32
        %swap3A_580 = arith.constant 2 : i32
        %swap3A_581 = arith.index_cast %swap3A_579 : i32 to index
        %swap3A_582 = arith.index_cast %swap3A_580 : i32 to index
        %swap3A_583 = arith.index_cast %mul3A_556 : i32 to index
        %swap3A_584 = tpu.vector_load %arg14[%swap3A_581, %swap3A_582, %swap3A_583] {strides = array<i32>} : memref<2x8x3584xf32, #tpu.memory_space<vmem>>, vector<16xf32>,
        tpu.vector_store %arg14[%swap3A_581, %swap3A_582, %swap3A_583], %gather3A_561 {strides = array<i32>} : memref<2x8x3584xf32, #tpu.memory_space<vmem>>, vector<16xf32>,
        %swap3A_585 = arith.constant 0 : i32
        %swap3A_586 = arith.constant 3 : i32
        %swap3A_587 = arith.index_cast %swap3A_585 : i32 to index
        %swap3A_588 = arith.index_cast %swap3A_586 : i32 to index
        %swap3A_589 = arith.index_cast %mul3A_556 : i32 to index
        %swap3A_590 = tpu.vector_load %arg14[%swap3A_587, %swap3A_588, %swap3A_589] {strides = array<i32>} : memref<2x8x3584xf32, #tpu.memory_space<vmem>>, vector<16xf32>,
        tpu.vector_store %arg14[%swap3A_587, %swap3A_588, %swap3A_589], %gather3A_562 {strides = array<i32>} : memref<2x8x3584xf32, #tpu.memory_space<vmem>>, vector<16xf32>,
        %swap3A_591 = arith.constant 0 : i32
        %swap3A_592 = arith.constant 4 : i32
        %swap3A_593 = arith.index_cast %swap3A_591 : i32 to index
        %swap3A_594 = arith.index_cast %swap3A_592 : i32 to index
        %swap3A_595 = arith.index_cast %mul3A_556 : i32 to index
        %swap3A_596 = tpu.vector_load %arg14[%swap3A_593, %swap3A_594, %swap3A_595] {strides = array<i32>} : memref<2x8x3584xf32, #tpu.memory_space<vmem>>, vector<16xf32>,
        tpu.vector_store %arg14[%swap3A_593, %swap3A_594, %swap3A_595], %gather3A_563 {strides = array<i32>} : memref<2x8x3584xf32, #tpu.memory_space<vmem>>, vector<16xf32>,
        %swap3A_597 = arith.constant 0 : i32
        %swap3A_598 = arith.constant 5 : i32
        %swap3A_599 = arith.index_cast %swap3A_597 : i32 to index
        %swap3A_600 = arith.index_cast %swap3A_598 : i32 to index
        %swap3A_601 = arith.index_cast %mul3A_556 : i32 to index
        %swap3A_602 = tpu.vector_load %arg14[%swap3A_599, %swap3A_600, %swap3A_601] {strides = array<i32>} : memref<2x8x3584xf32, #tpu.memory_space<vmem>>, vector<16xf32>,
        tpu.vector_store %arg14[%swap3A_599, %swap3A_600, %swap3A_601], %gather3A_564 {strides = array<i32>} : memref<2x8x3584xf32, #tpu.memory_space<vmem>>, vector<16xf32>,
        %swap3A_603 = arith.constant 0 : i32
        %swap3A_604 = arith.constant 6 : i32
        %swap3A_605 = arith.index_cast %swap3A_603 : i32 to index
        %swap3A_606 = arith.index_cast %swap3A_604 : i32 to index
        %swap3A_607 = arith.index_cast %mul3A_556 : i32 to index
        %swap3A_608 = tpu.vector_load %arg14[%swap3A_605, %swap3A_606, %swap3A_607] {strides = array<i32>} : memref<2x8x3584xf32, #tpu.memory_space<vmem>>, vector<16xf32>,
        tpu.vector_store %arg14[%swap3A_605, %swap3A_606, %swap3A_607], %gather3A_565 {strides = array<i32>} : memref<2x8x3584xf32, #tpu.memory_space<vmem>>, vector<16xf32>,
        %swap3A_609 = arith.constant 0 : i32
        %swap3A_610 = arith.constant 7 : i32
        %swap3A_611 = arith.index_cast %swap3A_609 : i32 to index
        %swap3A_612 = arith.index_cast %swap3A_610 : i32 to index
        %swap3A_613 = arith.index_cast %mul3A_556 : i32 to index
        %swap3A_614 = tpu.vector_load %arg14[%swap3A_611, %swap3A_612, %swap3A_613] {strides = array<i32>} : memref<2x8x3584xf32, #tpu.memory_space<vmem>>, vector<16xf32>,
        tpu.vector_store %arg14[%swap3A_611, %swap3A_612, %swap3A_613], %gather3A_566 {strides = array<i32>} : memref<2x8x3584xf32, #tpu.memory_space<vmem>>, vector<16xf32>,
        %mul3A_615 = arith.constant 8 : i32
        %mul3A_616 = arith.muli %scan3A_425, %mul3A_615 : i32
        %add3A_617 = arith.constant 3 : i32
        %add3A_618 = arith.addi %mul3A_616, %add3A_617 : i32
        %mul3A_619 = arith.constant 16 : i32
        %mul3A_620 = arith.muli %add3A_618, %mul3A_619 : i32
        %get3A_621 = arith.index_cast %mul3A_620 : i32 to index
        %get3A_622 = tpu.vector_load %arg12[%get3A_621] {strides = array<i32>} : memref<3584xi32, #tpu.memory_space<vmem>>, vector<16xi32>,
        %gather3A_623 = tpu.vector_load_idx %arg13[%broadcast_in_dim3A_15, %broadcast_in_dim3A_19, %get3A_622] : memref<2x8x4096xf32, #tpu.memory_space<vmem>>[vector<16xi32>, vector<16xi32>, vector<16xi32>], vector<16xf32>,
        %gather3A_624 = tpu.vector_load_idx %arg13[%broadcast_in_dim3A_15, %broadcast_in_dim3A_21, %get3A_622] : memref<2x8x4096xf32, #tpu.memory_space<vmem>>[vector<16xi32>, vector<16xi32>, vector<16xi32>], vector<16xf32>,
        %gather3A_625 = tpu.vector_load_idx %arg13[%broadcast_in_dim3A_15, %broadcast_in_dim3A_23, %get3A_622] : memref<2x8x4096xf32, #tpu.memory_space<vmem>>[vector<16xi32>, vector<16xi32>, vector<16xi32>], vector<16xf32>,
        %gather3A_626 = tpu.vector_load_idx %arg13[%broadcast_in_dim3A_15, %broadcast_in_dim3A_25, %get3A_622] : memref<2x8x4096xf32, #tpu.memory_space<vmem>>[vector<16xi32>, vector<16xi32>, vector<16xi32>], vector<16xf32>,
        %gather3A_627 = tpu.vector_load_idx %arg13[%broadcast_in_dim3A_15, %broadcast_in_dim3A_27, %get3A_622] : memref<2x8x4096xf32, #tpu.memory_space<vmem>>[vector<16xi32>, vector<16xi32>, vector<16xi32>], vector<16xf32>,
        %gather3A_628 = tpu.vector_load_idx %arg13[%broadcast_in_dim3A_15, %broadcast_in_dim3A_29, %get3A_622] : memref<2x8x4096xf32, #tpu.memory_space<vmem>>[vector<16xi32>, vector<16xi32>, vector<16xi32>], vector<16xf32>,
        %gather3A_629 = tpu.vector_load_idx %arg13[%broadcast_in_dim3A_15, %broadcast_in_dim3A_31, %get3A_622] : memref<2x8x4096xf32, #tpu.memory_space<vmem>>[vector<16xi32>, vector<16xi32>, vector<16xi32>], vector<16xf32>,
        %gather3A_630 = tpu.vector_load_idx %arg13[%broadcast_in_dim3A_15, %broadcast_in_dim3A_33, %get3A_622] : memref<2x8x4096xf32, #tpu.memory_space<vmem>>[vector<16xi32>, vector<16xi32>, vector<16xi32>], vector<16xf32>,
        %swap3A_631 = arith.constant 0 : i32
        %swap3A_632 = arith.constant 0 : i32
        %swap3A_633 = arith.index_cast %swap3A_631 : i32 to index
        %swap3A_634 = arith.index_cast %swap3A_632 : i32 to index
        %swap3A_635 = arith.index_cast %mul3A_620 : i32 to index
        %swap3A_636 = tpu.vector_load %arg14[%swap3A_633, %swap3A_634, %swap3A_635] {strides = array<i32>} : memref<2x8x3584xf32, #tpu.memory_space<vmem>>, vector<16xf32>,
        tpu.vector_store %arg14[%swap3A_633, %swap3A_634, %swap3A_635], %gather3A_623 {strides = array<i32>} : memref<2x8x3584xf32, #tpu.memory_space<vmem>>, vector<16xf32>,
        %swap3A_637 = arith.constant 0 : i32
        %swap3A_638 = arith.constant 1 : i32
        %swap3A_639 = arith.index_cast %swap3A_637 : i32 to index
        %swap3A_640 = arith.index_cast %swap3A_638 : i32 to index
        %swap3A_641 = arith.index_cast %mul3A_620 : i32 to index
        %swap3A_642 = tpu.vector_load %arg14[%swap3A_639, %swap3A_640, %swap3A_641] {strides = array<i32>} : memref<2x8x3584xf32, #tpu.memory_space<vmem>>, vector<16xf32>,
        tpu.vector_store %arg14[%swap3A_639, %swap3A_640, %swap3A_641], %gather3A_624 {strides = array<i32>} : memref<2x8x3584xf32, #tpu.memory_space<vmem>>, vector<16xf32>,
        %swap3A_643 = arith.constant 0 : i32
        %swap3A_644 = arith.constant 2 : i32
        %swap3A_645 = arith.index_cast %swap3A_643 : i32 to index
        %swap3A_646 = arith.index_cast %swap3A_644 : i32 to index
        %swap3A_647 = arith.index_cast %mul3A_620 : i32 to index
        %swap3A_648 = tpu.vector_load %arg14[%swap3A_645, %swap3A_646, %swap3A_647] {strides = array<i32>} : memref<2x8x3584xf32, #tpu.memory_space<vmem>>, vector<16xf32>,
        tpu.vector_store %arg14[%swap3A_645, %swap3A_646, %swap3A_647], %gather3A_625 {strides = array<i32>} : memref<2x8x3584xf32, #tpu.memory_space<vmem>>, vector<16xf32>,
        %swap3A_649 = arith.constant 0 : i32
        %swap3A_650 = arith.constant 3 : i32
        %swap3A_651 = arith.index_cast %swap3A_649 : i32 to index
        %swap3A_652 = arith.index_cast %swap3A_650 : i32 to index
        %swap3A_653 = arith.index_cast %mul3A_620 : i32 to index
        %swap3A_654 = tpu.vector_load %arg14[%swap3A_651, %swap3A_652, %swap3A_653] {strides = array<i32>} : memref<2x8x3584xf32, #tpu.memory_space<vmem>>, vector<16xf32>,
        tpu.vector_store %arg14[%swap3A_651, %swap3A_652, %swap3A_653], %gather3A_626 {strides = array<i32>} : memref<2x8x3584xf32, #tpu.memory_space<vmem>>, vector<16xf32>,
        %swap3A_655 = arith.constant 0 : i32
        %swap3A_656 = arith.constant 4 : i32
        %swap3A_657 = arith.index_cast %swap3A_655 : i32 to index
        %swap3A_658 = arith.index_cast %swap3A_656 : i32 to index
        %swap3A_659 = arith.index_cast %mul3A_620 : i32 to index
        %swap3A_660 = tpu.vector_load %arg14[%swap3A_657, %swap3A_658, %swap3A_659] {strides = array<i32>} : memref<2x8x3584xf32, #tpu.memory_space<vmem>>, vector<16xf32>,
        tpu.vector_store %arg14[%swap3A_657, %swap3A_658, %swap3A_659], %gather3A_627 {strides = array<i32>} : memref<2x8x3584xf32, #tpu.memory_space<vmem>>, vector<16xf32>,
        %swap3A_661 = arith.constant 0 : i32
        %swap3A_662 = arith.constant 5 : i32
        %swap3A_663 = arith.index_cast %swap3A_661 : i32 to index
        %swap3A_664 = arith.index_cast %swap3A_662 : i32 to index
        %swap3A_665 = arith.index_cast %mul3A_620 : i32 to index
        %swap3A_666 = tpu.vector_load %arg14[%swap3A_663, %swap3A_664, %swap3A_665] {strides = array<i32>} : memref<2x8x3584xf32, #tpu.memory_space<vmem>>, vector<16xf32>,
        tpu.vector_store %arg14[%swap3A_663, %swap3A_664, %swap3A_665], %gather3A_628 {strides = array<i32>} : memref<2x8x3584xf32, #tpu.memory_space<vmem>>, vector<16xf32>,
        %swap3A_667 = arith.constant 0 : i32
        %swap3A_668 = arith.constant 6 : i32
        %swap3A_669 = arith.index_cast %swap3A_667 : i32 to index
        %swap3A_670 = arith.index_cast %swap3A_668 : i32 to index
        %swap3A_671 = arith.index_cast %mul3A_620 : i32 to index
        %swap3A_672 = tpu.vector_load %arg14[%swap3A_669, %swap3A_670, %swap3A_671] {strides = array<i32>} : memref<2x8x3584xf32, #tpu.memory_space<vmem>>, vector<16xf32>,
        tpu.vector_store %arg14[%swap3A_669, %swap3A_670, %swap3A_671], %gather3A_629 {strides = array<i32>} : memref<2x8x3584xf32, #tpu.memory_space<vmem>>, vector<16xf32>,
        %swap3A_673 = arith.constant 0 : i32
        %swap3A_674 = arith.constant 7 : i32
        %swap3A_675 = arith.index_cast %swap3A_673 : i32 to index
        %swap3A_676 = arith.index_cast %swap3A_674 : i32 to index
        %swap3A_677 = arith.index_cast %mul3A_620 : i32 to index
        %swap3A_678 = tpu.vector_load %arg14[%swap3A_675, %swap3A_676, %swap3A_677] {strides = array<i32>} : memref<2x8x3584xf32, #tpu.memory_space<vmem>>, vector<16xf32>,
        tpu.vector_store %arg14[%swap3A_675, %swap3A_676, %swap3A_677], %gather3A_630 {strides = array<i32>} : memref<2x8x3584xf32, #tpu.memory_space<vmem>>, vector<16xf32>,
        %mul3A_679 = arith.constant 8 : i32
        %mul3A_680 = arith.muli %scan3A_425, %mul3A_679 : i32
        %add3A_681 = arith.constant 4 : i32
        %add3A_682 = arith.addi %mul3A_680, %add3A_681 : i32
        %mul3A_683 = arith.constant 16 : i32
        %mul3A_684 = arith.muli %add3A_682, %mul3A_683 : i32
        %get3A_685 = arith.index_cast %mul3A_684 : i32 to index
        %get3A_686 = tpu.vector_load %arg12[%get3A_685] {strides = array<i32>} : memref<3584xi32, #tpu.memory_space<vmem>>, vector<16xi32>,
        %gather3A_687 = tpu.vector_load_idx %arg13[%broadcast_in_dim3A_15, %broadcast_in_dim3A_19, %get3A_686] : memref<2x8x4096xf32, #tpu.memory_space<vmem>>[vector<16xi32>, vector<16xi32>, vector<16xi32>], vector<16xf32>,
        %gather3A_688 = tpu.vector_load_idx %arg13[%broadcast_in_dim3A_15, %broadcast_in_dim3A_21, %get3A_686] : memref<2x8x4096xf32, #tpu.memory_space<vmem>>[vector<16xi32>, vector<16xi32>, vector<16xi32>], vector<16xf32>,
        %gather3A_689 = tpu.vector_load_idx %arg13[%broadcast_in_dim3A_15, %broadcast_in_dim3A_23, %get3A_686] : memref<2x8x4096xf32, #tpu.memory_space<vmem>>[vector<16xi32>, vector<16xi32>, vector<16xi32>], vector<16xf32>,
        %gather3A_690 = tpu.vector_load_idx %arg13[%broadcast_in_dim3A_15, %broadcast_in_dim3A_25, %get3A_686] : memref<2x8x4096xf32, #tpu.memory_space<vmem>>[vector<16xi32>, vector<16xi32>, vector<16xi32>], vector<16xf32>,
        %gather3A_691 = tpu.vector_load_idx %arg13[%broadcast_in_dim3A_15, %broadcast_in_dim3A_27, %get3A_686] : memref<2x8x4096xf32, #tpu.memory_space<vmem>>[vector<16xi32>, vector<16xi32>, vector<16xi32>], vector<16xf32>,
        %gather3A_692 = tpu.vector_load_idx %arg13[%broadcast_in_dim3A_15, %broadcast_in_dim3A_29, %get3A_686] : memref<2x8x4096xf32, #tpu.memory_space<vmem>>[vector<16xi32>, vector<16xi32>, vector<16xi32>], vector<16xf32>,
        %gather3A_693 = tpu.vector_load_idx %arg13[%broadcast_in_dim3A_15, %broadcast_in_dim3A_31, %get3A_686] : memref<2x8x4096xf32, #tpu.memory_space<vmem>>[vector<16xi32>, vector<16xi32>, vector<16xi32>], vector<16xf32>,
        %gather3A_694 = tpu.vector_load_idx %arg13[%broadcast_in_dim3A_15, %broadcast_in_dim3A_33, %get3A_686] : memref<2x8x4096xf32, #tpu.memory_space<vmem>>[vector<16xi32>, vector<16xi32>, vector<16xi32>], vector<16xf32>,
        %swap3A_695 = arith.constant 0 : i32
        %swap3A_696 = arith.constant 0 : i32
        %swap3A_697 = arith.index_cast %swap3A_695 : i32 to index
        %swap3A_698 = arith.index_cast %swap3A_696 : i32 to index
        %swap3A_699 = arith.index_cast %mul3A_684 : i32 to index
        %swap3A_700 = tpu.vector_load %arg14[%swap3A_697, %swap3A_698, %swap3A_699] {strides = array<i32>} : memref<2x8x3584xf32, #tpu.memory_space<vmem>>, vector<16xf32>,
        tpu.vector_store %arg14[%swap3A_697, %swap3A_698, %swap3A_699], %gather3A_687 {strides = array<i32>} : memref<2x8x3584xf32, #tpu.memory_space<vmem>>, vector<16xf32>,
        %swap3A_701 = arith.constant 0 : i32
        %swap3A_702 = arith.constant 1 : i32
        %swap3A_703 = arith.index_cast %swap3A_701 : i32 to index
        %swap3A_704 = arith.index_cast %swap3A_702 : i32 to index
        %swap3A_705 = arith.index_cast %mul3A_684 : i32 to index
        %swap3A_706 = tpu.vector_load %arg14[%swap3A_703, %swap3A_704, %swap3A_705] {strides = array<i32>} : memref<2x8x3584xf32, #tpu.memory_space<vmem>>, vector<16xf32>,
        tpu.vector_store %arg14[%swap3A_703, %swap3A_704, %swap3A_705], %gather3A_688 {strides = array<i32>} : memref<2x8x3584xf32, #tpu.memory_space<vmem>>, vector<16xf32>,
        %swap3A_707 = arith.constant 0 : i32
        %swap3A_708 = arith.constant 2 : i32
        %swap3A_709 = arith.index_cast %swap3A_707 : i32 to index
        %swap3A_710 = arith.index_cast %swap3A_708 : i32 to index
        %swap3A_711 = arith.index_cast %mul3A_684 : i32 to index
        %swap3A_712 = tpu.vector_load %arg14[%swap3A_709, %swap3A_710, %swap3A_711] {strides = array<i32>} : memref<2x8x3584xf32, #tpu.memory_space<vmem>>, vector<16xf32>,
        tpu.vector_store %arg14[%swap3A_709, %swap3A_710, %swap3A_711], %gather3A_689 {strides = array<i32>} : memref<2x8x3584xf32, #tpu.memory_space<vmem>>, vector<16xf32>,
        %swap3A_713 = arith.constant 0 : i32
        %swap3A_714 = arith.constant 3 : i32
        %swap3A_715 = arith.index_cast %swap3A_713 : i32 to index
        %swap3A_716 = arith.index_cast %swap3A_714 : i32 to index
        %swap3A_717 = arith.index_cast %mul3A_684 : i32 to index
        %swap3A_718 = tpu.vector_load %arg14[%swap3A_715, %swap3A_716, %swap3A_717] {strides = array<i32>} : memref<2x8x3584xf32, #tpu.memory_space<vmem>>, vector<16xf32>,
        tpu.vector_store %arg14[%swap3A_715, %swap3A_716, %swap3A_717], %gather3A_690 {strides = array<i32>} : memref<2x8x3584xf32, #tpu.memory_space<vmem>>, vector<16xf32>,
        %swap3A_719 = arith.constant 0 : i32
        %swap3A_720 = arith.constant 4 : i32
        %swap3A_721 = arith.index_cast %swap3A_719 : i32 to index
        %swap3A_722 = arith.index_cast %swap3A_720 : i32 to index
        %swap3A_723 = arith.index_cast %mul3A_684 : i32 to index
        %swap3A_724 = tpu.vector_load %arg14[%swap3A_721, %swap3A_722, %swap3A_723] {strides = array<i32>} : memref<2x8x3584xf32, #tpu.memory_space<vmem>>, vector<16xf32>,
        tpu.vector_store %arg14[%swap3A_721, %swap3A_722, %swap3A_723], %gather3A_691 {strides = array<i32>} : memref<2x8x3584xf32, #tpu.memory_space<vmem>>, vector<16xf32>,
        %swap3A_725 = arith.constant 0 : i32
        %swap3A_726 = arith.constant 5 : i32
        %swap3A_727 = arith.index_cast %swap3A_725 : i32 to index
        %swap3A_728 = arith.index_cast %swap3A_726 : i32 to index
        %swap3A_729 = arith.index_cast %mul3A_684 : i32 to index
        %swap3A_730 = tpu.vector_load %arg14[%swap3A_727, %swap3A_728, %swap3A_729] {strides = array<i32>} : memref<2x8x3584xf32, #tpu.memory_space<vmem>>, vector<16xf32>,
        tpu.vector_store %arg14[%swap3A_727, %swap3A_728, %swap3A_729], %gather3A_692 {strides = array<i32>} : memref<2x8x3584xf32, #tpu.memory_space<vmem>>, vector<16xf32>,
        %swap3A_731 = arith.constant 0 : i32
        %swap3A_732 = arith.constant 6 : i32
        %swap3A_733 = arith.index_cast %swap3A_731 : i32 to index
        %swap3A_734 = arith.index_cast %swap3A_732 : i32 to index
        %swap3A_735 = arith.index_cast %mul3A_684 : i32 to index
        %swap3A_736 = tpu.vector_load %arg14[%swap3A_733, %swap3A_734, %swap3A_735] {strides = array<i32>} : memref<2x8x3584xf32, #tpu.memory_space<vmem>>, vector<16xf32>,
        tpu.vector_store %arg14[%swap3A_733, %swap3A_734, %swap3A_735], %gather3A_693 {strides = array<i32>} : memref<2x8x3584xf32, #tpu.memory_space<vmem>>, vector<16xf32>,
        %swap3A_737 = arith.constant 0 : i32
        %swap3A_738 = arith.constant 7 : i32
        %swap3A_739 = arith.index_cast %swap3A_737 : i32 to index
        %swap3A_740 = arith.index_cast %swap3A_738 : i32 to index
        %swap3A_741 = arith.index_cast %mul3A_684 : i32 to index
        %swap3A_742 = tpu.vector_load %arg14[%swap3A_739, %swap3A_740, %swap3A_741] {strides = array<i32>} : memref<2x8x3584xf32, #tpu.memory_space<vmem>>, vector<16xf32>,
        tpu.vector_store %arg14[%swap3A_739, %swap3A_740, %swap3A_741], %gather3A_694 {strides = array<i32>} : memref<2x8x3584xf32, #tpu.memory_space<vmem>>, vector<16xf32>,
        %mul3A_743 = arith.constant 8 : i32
        %mul3A_744 = arith.muli %scan3A_425, %mul3A_743 : i32
        %add3A_745 = arith.constant 5 : i32
        %add3A_746 = arith.addi %mul3A_744, %add3A_745 : i32
        %mul3A_747 = arith.constant 16 : i32
        %mul3A_748 = arith.muli %add3A_746, %mul3A_747 : i32
        %get3A_749 = arith.index_cast %mul3A_748 : i32 to index
        %get3A_750 = tpu.vector_load %arg12[%get3A_749] {strides = array<i32>} : memref<3584xi32, #tpu.memory_space<vmem>>, vector<16xi32>,
        %gather3A_751 = tpu.vector_load_idx %arg13[%broadcast_in_dim3A_15, %broadcast_in_dim3A_19, %get3A_750] : memref<2x8x4096xf32, #tpu.memory_space<vmem>>[vector<16xi32>, vector<16xi32>, vector<16xi32>], vector<16xf32>,
        %gather3A_752 = tpu.vector_load_idx %arg13[%broadcast_in_dim3A_15, %broadcast_in_dim3A_21, %get3A_750] : memref<2x8x4096xf32, #tpu.memory_space<vmem>>[vector<16xi32>, vector<16xi32>, vector<16xi32>], vector<16xf32>,
        %gather3A_753 = tpu.vector_load_idx %arg13[%broadcast_in_dim3A_15, %broadcast_in_dim3A_23, %get3A_750] : memref<2x8x4096xf32, #tpu.memory_space<vmem>>[vector<16xi32>, vector<16xi32>, vector<16xi32>], vector<16xf32>,
        %gather3A_754 = tpu.vector_load_idx %arg13[%broadcast_in_dim3A_15, %broadcast_in_dim3A_25, %get3A_750] : memref<2x8x4096xf32, #tpu.memory_space<vmem>>[vector<16xi32>, vector<16xi32>, vector<16xi32>], vector<16xf32>,
        %gather3A_755 = tpu.vector_load_idx %arg13[%broadcast_in_dim3A_15, %broadcast_in_dim3A_27, %get3A_750] : memref<2x8x4096xf32, #tpu.memory_space<vmem>>[vector<16xi32>, vector<16xi32>, vector<16xi32>], vector<16xf32>,
        %gather3A_756 = tpu.vector_load_idx %arg13[%broadcast_in_dim3A_15, %broadcast_in_dim3A_29, %get3A_750] : memref<2x8x4096xf32, #tpu.memory_space<vmem>>[vector<16xi32>, vector<16xi32>, vector<16xi32>], vector<16xf32>,
        %gather3A_757 = tpu.vector_load_idx %arg13[%broadcast_in_dim3A_15, %broadcast_in_dim3A_31, %get3A_750] : memref<2x8x4096xf32, #tpu.memory_space<vmem>>[vector<16xi32>, vector<16xi32>, vector<16xi32>], vector<16xf32>,
        %gather3A_758 = tpu.vector_load_idx %arg13[%broadcast_in_dim3A_15, %broadcast_in_dim3A_33, %get3A_750] : memref<2x8x4096xf32, #tpu.memory_space<vmem>>[vector<16xi32>, vector<16xi32>, vector<16xi32>], vector<16xf32>,
        %swap3A_759 = arith.constant 0 : i32
        %swap3A_760 = arith.constant 0 : i32
        %swap3A_761 = arith.index_cast %swap3A_759 : i32 to index
        %swap3A_762 = arith.index_cast %swap3A_760 : i32 to index
        %swap3A_763 = arith.index_cast %mul3A_748 : i32 to index
        %swap3A_764 = tpu.vector_load %arg14[%swap3A_761, %swap3A_762, %swap3A_763] {strides = array<i32>} : memref<2x8x3584xf32, #tpu.memory_space<vmem>>, vector<16xf32>,
        tpu.vector_store %arg14[%swap3A_761, %swap3A_762, %swap3A_763], %gather3A_751 {strides = array<i32>} : memref<2x8x3584xf32, #tpu.memory_space<vmem>>, vector<16xf32>,
        %swap3A_765 = arith.constant 0 : i32
        %swap3A_766 = arith.constant 1 : i32
        %swap3A_767 = arith.index_cast %swap3A_765 : i32 to index
        %swap3A_768 = arith.index_cast %swap3A_766 : i32 to index
        %swap3A_769 = arith.index_cast %mul3A_748 : i32 to index
        %swap3A_770 = tpu.vector_load %arg14[%swap3A_767, %swap3A_768, %swap3A_769] {strides = array<i32>} : memref<2x8x3584xf32, #tpu.memory_space<vmem>>, vector<16xf32>,
        tpu.vector_store %arg14[%swap3A_767, %swap3A_768, %swap3A_769], %gather3A_752 {strides = array<i32>} : memref<2x8x3584xf32, #tpu.memory_space<vmem>>, vector<16xf32>,
        %swap3A_771 = arith.constant 0 : i32
        %swap3A_772 = arith.constant 2 : i32
        %swap3A_773 = arith.index_cast %swap3A_771 : i32 to index
        %swap3A_774 = arith.index_cast %swap3A_772 : i32 to index
        %swap3A_775 = arith.index_cast %mul3A_748 : i32 to index
        %swap3A_776 = tpu.vector_load %arg14[%swap3A_773, %swap3A_774, %swap3A_775] {strides = array<i32>} : memref<2x8x3584xf32, #tpu.memory_space<vmem>>, vector<16xf32>,
        tpu.vector_store %arg14[%swap3A_773, %swap3A_774, %swap3A_775], %gather3A_753 {strides = array<i32>} : memref<2x8x3584xf32, #tpu.memory_space<vmem>>, vector<16xf32>,
        %swap3A_777 = arith.constant 0 : i32
        %swap3A_778 = arith.constant 3 : i32
        %swap3A_779 = arith.index_cast %swap3A_777 : i32 to index
        %swap3A_780 = arith.index_cast %swap3A_778 : i32 to index
        %swap3A_781 = arith.index_cast %mul3A_748 : i32 to index
        %swap3A_782 = tpu.vector_load %arg14[%swap3A_779, %swap3A_780, %swap3A_781] {strides = array<i32>} : memref<2x8x3584xf32, #tpu.memory_space<vmem>>, vector<16xf32>,
        tpu.vector_store %arg14[%swap3A_779, %swap3A_780, %swap3A_781], %gather3A_754 {strides = array<i32>} : memref<2x8x3584xf32, #tpu.memory_space<vmem>>, vector<16xf32>,
        %swap3A_783 = arith.constant 0 : i32
        %swap3A_784 = arith.constant 4 : i32
        %swap3A_785 = arith.index_cast %swap3A_783 : i32 to index
        %swap3A_786 = arith.index_cast %swap3A_784 : i32 to index
        %swap3A_787 = arith.index_cast %mul3A_748 : i32 to index
        %swap3A_788 = tpu.vector_load %arg14[%swap3A_785, %swap3A_786, %swap3A_787] {strides = array<i32>} : memref<2x8x3584xf32, #tpu.memory_space<vmem>>, vector<16xf32>,
        tpu.vector_store %arg14[%swap3A_785, %swap3A_786, %swap3A_787], %gather3A_755 {strides = array<i32>} : memref<2x8x3584xf32, #tpu.memory_space<vmem>>, vector<16xf32>,
        %swap3A_789 = arith.constant 0 : i32
        %swap3A_790 = arith.constant 5 : i32
        %swap3A_791 = arith.index_cast %swap3A_789 : i32 to index
        %swap3A_792 = arith.index_cast %swap3A_790 : i32 to index
        %swap3A_793 = arith.index_cast %mul3A_748 : i32 to index
        %swap3A_794 = tpu.vector_load %arg14[%swap3A_791, %swap3A_792, %swap3A_793] {strides = array<i32>} : memref<2x8x3584xf32, #tpu.memory_space<vmem>>, vector<16xf32>,
        tpu.vector_store %arg14[%swap3A_791, %swap3A_792, %swap3A_793], %gather3A_756 {strides = array<i32>} : memref<2x8x3584xf32, #tpu.memory_space<vmem>>, vector<16xf32>,
        %swap3A_795 = arith.constant 0 : i32
        %swap3A_796 = arith.constant 6 : i32
        %swap3A_797 = arith.index_cast %swap3A_795 : i32 to index
        %swap3A_798 = arith.index_cast %swap3A_796 : i32 to index
        %swap3A_799 = arith.index_cast %mul3A_748 : i32 to index
        %swap3A_800 = tpu.vector_load %arg14[%swap3A_797, %swap3A_798, %swap3A_799] {strides = array<i32>} : memref<2x8x3584xf32, #tpu.memory_space<vmem>>, vector<16xf32>,
        tpu.vector_store %arg14[%swap3A_797, %swap3A_798, %swap3A_799], %gather3A_757 {strides = array<i32>} : memref<2x8x3584xf32, #tpu.memory_space<vmem>>, vector<16xf32>,
        %swap3A_801 = arith.constant 0 : i32
        %swap3A_802 = arith.constant 7 : i32
        %swap3A_803 = arith.index_cast %swap3A_801 : i32 to index
        %swap3A_804 = arith.index_cast %swap3A_802 : i32 to index
        %swap3A_805 = arith.index_cast %mul3A_748 : i32 to index
        %swap3A_806 = tpu.vector_load %arg14[%swap3A_803, %swap3A_804, %swap3A_805] {strides = array<i32>} : memref<2x8x3584xf32, #tpu.memory_space<vmem>>, vector<16xf32>,
        tpu.vector_store %arg14[%swap3A_803, %swap3A_804, %swap3A_805], %gather3A_758 {strides = array<i32>} : memref<2x8x3584xf32, #tpu.memory_space<vmem>>, vector<16xf32>,
        %mul3A_807 = arith.constant 8 : i32
        %mul3A_808 = arith.muli %scan3A_425, %mul3A_807 : i32
        %add3A_809 = arith.constant 6 : i32
        %add3A_810 = arith.addi %mul3A_808, %add3A_809 : i32
        %mul3A_811 = arith.constant 16 : i32
        %mul3A_812 = arith.muli %add3A_810, %mul3A_811 : i32
        %get3A_813 = arith.index_cast %mul3A_812 : i32 to index
        %get3A_814 = tpu.vector_load %arg12[%get3A_813] {strides = array<i32>} : memref<3584xi32, #tpu.memory_space<vmem>>, vector<16xi32>,
        %gather3A_815 = tpu.vector_load_idx %arg13[%broadcast_in_dim3A_15, %broadcast_in_dim3A_19, %get3A_814] : memref<2x8x4096xf32, #tpu.memory_space<vmem>>[vector<16xi32>, vector<16xi32>, vector<16xi32>], vector<16xf32>,
        %gather3A_816 = tpu.vector_load_idx %arg13[%broadcast_in_dim3A_15, %broadcast_in_dim3A_21, %get3A_814] : memref<2x8x4096xf32, #tpu.memory_space<vmem>>[vector<16xi32>, vector<16xi32>, vector<16xi32>], vector<16xf32>,
        %gather3A_817 = tpu.vector_load_idx %arg13[%broadcast_in_dim3A_15, %broadcast_in_dim3A_23, %get3A_814] : memref<2x8x4096xf32, #tpu.memory_space<vmem>>[vector<16xi32>, vector<16xi32>, vector<16xi32>], vector<16xf32>,
        %gather3A_818 = tpu.vector_load_idx %arg13[%broadcast_in_dim3A_15, %broadcast_in_dim3A_25, %get3A_814] : memref<2x8x4096xf32, #tpu.memory_space<vmem>>[vector<16xi32>, vector<16xi32>, vector<16xi32>], vector<16xf32>,
        %gather3A_819 = tpu.vector_load_idx %arg13[%broadcast_in_dim3A_15, %broadcast_in_dim3A_27, %get3A_814] : memref<2x8x4096xf32, #tpu.memory_space<vmem>>[vector<16xi32>, vector<16xi32>, vector<16xi32>], vector<16xf32>,
        %gather3A_820 = tpu.vector_load_idx %arg13[%broadcast_in_dim3A_15, %broadcast_in_dim3A_29, %get3A_814] : memref<2x8x4096xf32, #tpu.memory_space<vmem>>[vector<16xi32>, vector<16xi32>, vector<16xi32>], vector<16xf32>,
        %gather3A_821 = tpu.vector_load_idx %arg13[%broadcast_in_dim3A_15, %broadcast_in_dim3A_31, %get3A_814] : memref<2x8x4096xf32, #tpu.memory_space<vmem>>[vector<16xi32>, vector<16xi32>, vector<16xi32>], vector<16xf32>,
        %gather3A_822 = tpu.vector_load_idx %arg13[%broadcast_in_dim3A_15, %broadcast_in_dim3A_33, %get3A_814] : memref<2x8x4096xf32, #tpu.memory_space<vmem>>[vector<16xi32>, vector<16xi32>, vector<16xi32>], vector<16xf32>,
        %swap3A_823 = arith.constant 0 : i32
        %swap3A_824 = arith.constant 0 : i32
        %swap3A_825 = arith.index_cast %swap3A_823 : i32 to index
        %swap3A_826 = arith.index_cast %swap3A_824 : i32 to index
        %swap3A_827 = arith.index_cast %mul3A_812 : i32 to index
        %swap3A_828 = tpu.vector_load %arg14[%swap3A_825, %swap3A_826, %swap3A_827] {strides = array<i32>} : memref<2x8x3584xf32, #tpu.memory_space<vmem>>, vector<16xf32>,
        tpu.vector_store %arg14[%swap3A_825, %swap3A_826, %swap3A_827], %gather3A_815 {strides = array<i32>} : memref<2x8x3584xf32, #tpu.memory_space<vmem>>, vector<16xf32>,
        %swap3A_829 = arith.constant 0 : i32
        %swap3A_830 = arith.constant 1 : i32
        %swap3A_831 = arith.index_cast %swap3A_829 : i32 to index
        %swap3A_832 = arith.index_cast %swap3A_830 : i32 to index
        %swap3A_833 = arith.index_cast %mul3A_812 : i32 to index
        %swap3A_834 = tpu.vector_load %arg14[%swap3A_831, %swap3A_832, %swap3A_833] {strides = array<i32>} : memref<2x8x3584xf32, #tpu.memory_space<vmem>>, vector<16xf32>,
        tpu.vector_store %arg14[%swap3A_831, %swap3A_832, %swap3A_833], %gather3A_816 {strides = array<i32>} : memref<2x8x3584xf32, #tpu.memory_space<vmem>>, vector<16xf32>,
        %swap3A_835 = arith.constant 0 : i32
        %swap3A_836 = arith.constant 2 : i32
        %swap3A_837 = arith.index_cast %swap3A_835 : i32 to index
        %swap3A_838 = arith.index_cast %swap3A_836 : i32 to index
        %swap3A_839 = arith.index_cast %mul3A_812 : i32 to index
        %swap3A_840 = tpu.vector_load %arg14[%swap3A_837, %swap3A_838, %swap3A_839] {strides = array<i32>} : memref<2x8x3584xf32, #tpu.memory_space<vmem>>, vector<16xf32>,
        tpu.vector_store %arg14[%swap3A_837, %swap3A_838, %swap3A_839], %gather3A_817 {strides = array<i32>} : memref<2x8x3584xf32, #tpu.memory_space<vmem>>, vector<16xf32>,
        %swap3A_841 = arith.constant 0 : i32
        %swap3A_842 = arith.constant 3 : i32
        %swap3A_843 = arith.index_cast %swap3A_841 : i32 to index
        %swap3A_844 = arith.index_cast %swap3A_842 : i32 to index
        %swap3A_845 = arith.index_cast %mul3A_812 : i32 to index
        %swap3A_846 = tpu.vector_load %arg14[%swap3A_843, %swap3A_844, %swap3A_845] {strides = array<i32>} : memref<2x8x3584xf32, #tpu.memory_space<vmem>>, vector<16xf32>,
        tpu.vector_store %arg14[%swap3A_843, %swap3A_844, %swap3A_845], %gather3A_818 {strides = array<i32>} : memref<2x8x3584xf32, #tpu.memory_space<vmem>>, vector<16xf32>,
        %swap3A_847 = arith.constant 0 : i32
        %swap3A_848 = arith.constant 4 : i32
        %swap3A_849 = arith.index_cast %swap3A_847 : i32 to index
        %swap3A_850 = arith.index_cast %swap3A_848 : i32 to index
        %swap3A_851 = arith.index_cast %mul3A_812 : i32 to index
        %swap3A_852 = tpu.vector_load %arg14[%swap3A_849, %swap3A_850, %swap3A_851] {strides = array<i32>} : memref<2x8x3584xf32, #tpu.memory_space<vmem>>, vector<16xf32>,
        tpu.vector_store %arg14[%swap3A_849, %swap3A_850, %swap3A_851], %gather3A_819 {strides = array<i32>} : memref<2x8x3584xf32, #tpu.memory_space<vmem>>, vector<16xf32>,
        %swap3A_853 = arith.constant 0 : i32
        %swap3A_854 = arith.constant 5 : i32
        %swap3A_855 = arith.index_cast %swap3A_853 : i32 to index
        %swap3A_856 = arith.index_cast %swap3A_854 : i32 to index
        %swap3A_857 = arith.index_cast %mul3A_812 : i32 to index
        %swap3A_858 = tpu.vector_load %arg14[%swap3A_855, %swap3A_856, %swap3A_857] {strides = array<i32>} : memref<2x8x3584xf32, #tpu.memory_space<vmem>>, vector<16xf32>,
        tpu.vector_store %arg14[%swap3A_855, %swap3A_856, %swap3A_857], %gather3A_820 {strides = array<i32>} : memref<2x8x3584xf32, #tpu.memory_space<vmem>>, vector<16xf32>,
        %swap3A_859 = arith.constant 0 : i32
        %swap3A_860 = arith.constant 6 : i32
        %swap3A_861 = arith.index_cast %swap3A_859 : i32 to index
        %swap3A_862 = arith.index_cast %swap3A_860 : i32 to index
        %swap3A_863 = arith.index_cast %mul3A_812 : i32 to index
        %swap3A_864 = tpu.vector_load %arg14[%swap3A_861, %swap3A_862, %swap3A_863] {strides = array<i32>} : memref<2x8x3584xf32, #tpu.memory_space<vmem>>, vector<16xf32>,
        tpu.vector_store %arg14[%swap3A_861, %swap3A_862, %swap3A_863], %gather3A_821 {strides = array<i32>} : memref<2x8x3584xf32, #tpu.memory_space<vmem>>, vector<16xf32>,
        %swap3A_865 = arith.constant 0 : i32
        %swap3A_866 = arith.constant 7 : i32
        %swap3A_867 = arith.index_cast %swap3A_865 : i32 to index
        %swap3A_868 = arith.index_cast %swap3A_866 : i32 to index
        %swap3A_869 = arith.index_cast %mul3A_812 : i32 to index
        %swap3A_870 = tpu.vector_load %arg14[%swap3A_867, %swap3A_868, %swap3A_869] {strides = array<i32>} : memref<2x8x3584xf32, #tpu.memory_space<vmem>>, vector<16xf32>,
        tpu.vector_store %arg14[%swap3A_867, %swap3A_868, %swap3A_869], %gather3A_822 {strides = array<i32>} : memref<2x8x3584xf32, #tpu.memory_space<vmem>>, vector<16xf32>,
        %mul3A_871 = arith.constant 8 : i32
        %mul3A_872 = arith.muli %scan3A_425, %mul3A_871 : i32
        %add3A_873 = arith.constant 7 : i32
        %add3A_874 = arith.addi %mul3A_872, %add3A_873 : i32
        %mul3A_875 = arith.constant 16 : i32
        %mul3A_876 = arith.muli %add3A_874, %mul3A_875 : i32
        %get3A_877 = arith.index_cast %mul3A_876 : i32 to index
        %get3A_878 = tpu.vector_load %arg12[%get3A_877] {strides = array<i32>} : memref<3584xi32, #tpu.memory_space<vmem>>, vector<16xi32>,
        %gather3A_879 = tpu.vector_load_idx %arg13[%broadcast_in_dim3A_15, %broadcast_in_dim3A_19, %get3A_878] : memref<2x8x4096xf32, #tpu.memory_space<vmem>>[vector<16xi32>, vector<16xi32>, vector<16xi32>], vector<16xf32>,
        %gather3A_880 = tpu.vector_load_idx %arg13[%broadcast_in_dim3A_15, %broadcast_in_dim3A_21, %get3A_878] : memref<2x8x4096xf32, #tpu.memory_space<vmem>>[vector<16xi32>, vector<16xi32>, vector<16xi32>], vector<16xf32>,
        %gather3A_881 = tpu.vector_load_idx %arg13[%broadcast_in_dim3A_15, %broadcast_in_dim3A_23, %get3A_878] : memref<2x8x4096xf32, #tpu.memory_space<vmem>>[vector<16xi32>, vector<16xi32>, vector<16xi32>], vector<16xf32>,
        %gather3A_882 = tpu.vector_load_idx %arg13[%broadcast_in_dim3A_15, %broadcast_in_dim3A_25, %get3A_878] : memref<2x8x4096xf32, #tpu.memory_space<vmem>>[vector<16xi32>, vector<16xi32>, vector<16xi32>], vector<16xf32>,
        %gather3A_883 = tpu.vector_load_idx %arg13[%broadcast_in_dim3A_15, %broadcast_in_dim3A_27, %get3A_878] : memref<2x8x4096xf32, #tpu.memory_space<vmem>>[vector<16xi32>, vector<16xi32>, vector<16xi32>], vector<16xf32>,
        %gather3A_884 = tpu.vector_load_idx %arg13[%broadcast_in_dim3A_15, %broadcast_in_dim3A_29, %get3A_878] : memref<2x8x4096xf32, #tpu.memory_space<vmem>>[vector<16xi32>, vector<16xi32>, vector<16xi32>], vector<16xf32>,
        %gather3A_885 = tpu.vector_load_idx %arg13[%broadcast_in_dim3A_15, %broadcast_in_dim3A_31, %get3A_878] : memref<2x8x4096xf32, #tpu.memory_space<vmem>>[vector<16xi32>, vector<16xi32>, vector<16xi32>], vector<16xf32>,
        %gather3A_886 = tpu.vector_load_idx %arg13[%broadcast_in_dim3A_15, %broadcast_in_dim3A_33, %get3A_878] : memref<2x8x4096xf32, #tpu.memory_space<vmem>>[vector<16xi32>, vector<16xi32>, vector<16xi32>], vector<16xf32>,
        %swap3A_887 = arith.constant 0 : i32
        %swap3A_888 = arith.constant 0 : i32
        %swap3A_889 = arith.index_cast %swap3A_887 : i32 to index
        %swap3A_890 = arith.index_cast %swap3A_888 : i32 to index
        %swap3A_891 = arith.index_cast %mul3A_876 : i32 to index
        %swap3A_892 = tpu.vector_load %arg14[%swap3A_889, %swap3A_890, %swap3A_891] {strides = array<i32>} : memref<2x8x3584xf32, #tpu.memory_space<vmem>>, vector<16xf32>,
        tpu.vector_store %arg14[%swap3A_889, %swap3A_890, %swap3A_891], %gather3A_879 {strides = array<i32>} : memref<2x8x3584xf32, #tpu.memory_space<vmem>>, vector<16xf32>,
        %swap3A_893 = arith.constant 0 : i32
        %swap3A_894 = arith.constant 1 : i32
        %swap3A_895 = arith.index_cast %swap3A_893 : i32 to index
        %swap3A_896 = arith.index_cast %swap3A_894 : i32 to index
        %swap3A_897 = arith.index_cast %mul3A_876 : i32 to index
        %swap3A_898 = tpu.vector_load %arg14[%swap3A_895, %swap3A_896, %swap3A_897] {strides = array<i32>} : memref<2x8x3584xf32, #tpu.memory_space<vmem>>, vector<16xf32>,
        tpu.vector_store %arg14[%swap3A_895, %swap3A_896, %swap3A_897], %gather3A_880 {strides = array<i32>} : memref<2x8x3584xf32, #tpu.memory_space<vmem>>, vector<16xf32>,
        %swap3A_899 = arith.constant 0 : i32
        %swap3A_900 = arith.constant 2 : i32
        %swap3A_901 = arith.index_cast %swap3A_899 : i32 to index
        %swap3A_902 = arith.index_cast %swap3A_900 : i32 to index
        %swap3A_903 = arith.index_cast %mul3A_876 : i32 to index
        %swap3A_904 = tpu.vector_load %arg14[%swap3A_901, %swap3A_902, %swap3A_903] {strides = array<i32>} : memref<2x8x3584xf32, #tpu.memory_space<vmem>>, vector<16xf32>,
        tpu.vector_store %arg14[%swap3A_901, %swap3A_902, %swap3A_903], %gather3A_881 {strides = array<i32>} : memref<2x8x3584xf32, #tpu.memory_space<vmem>>, vector<16xf32>,
        %swap3A_905 = arith.constant 0 : i32
        %swap3A_906 = arith.constant 3 : i32
        %swap3A_907 = arith.index_cast %swap3A_905 : i32 to index
        %swap3A_908 = arith.index_cast %swap3A_906 : i32 to index
        %swap3A_909 = arith.index_cast %mul3A_876 : i32 to index
        %swap3A_910 = tpu.vector_load %arg14[%swap3A_907, %swap3A_908, %swap3A_909] {strides = array<i32>} : memref<2x8x3584xf32, #tpu.memory_space<vmem>>, vector<16xf32>,
        tpu.vector_store %arg14[%swap3A_907, %swap3A_908, %swap3A_909], %gather3A_882 {strides = array<i32>} : memref<2x8x3584xf32, #tpu.memory_space<vmem>>, vector<16xf32>,
        %swap3A_911 = arith.constant 0 : i32
        %swap3A_912 = arith.constant 4 : i32
        %swap3A_913 = arith.index_cast %swap3A_911 : i32 to index
        %swap3A_914 = arith.index_cast %swap3A_912 : i32 to index
        %swap3A_915 = arith.index_cast %mul3A_876 : i32 to index
        %swap3A_916 = tpu.vector_load %arg14[%swap3A_913, %swap3A_914, %swap3A_915] {strides = array<i32>} : memref<2x8x3584xf32, #tpu.memory_space<vmem>>, vector<16xf32>,
        tpu.vector_store %arg14[%swap3A_913, %swap3A_914, %swap3A_915], %gather3A_883 {strides = array<i32>} : memref<2x8x3584xf32, #tpu.memory_space<vmem>>, vector<16xf32>,
        %swap3A_917 = arith.constant 0 : i32
        %swap3A_918 = arith.constant 5 : i32
        %swap3A_919 = arith.index_cast %swap3A_917 : i32 to index
        %swap3A_920 = arith.index_cast %swap3A_918 : i32 to index
        %swap3A_921 = arith.index_cast %mul3A_876 : i32 to index
        %swap3A_922 = tpu.vector_load %arg14[%swap3A_919, %swap3A_920, %swap3A_921] {strides = array<i32>} : memref<2x8x3584xf32, #tpu.memory_space<vmem>>, vector<16xf32>,
        tpu.vector_store %arg14[%swap3A_919, %swap3A_920, %swap3A_921], %gather3A_884 {strides = array<i32>} : memref<2x8x3584xf32, #tpu.memory_space<vmem>>, vector<16xf32>,
        %swap3A_923 = arith.constant 0 : i32
        %swap3A_924 = arith.constant 6 : i32
        %swap3A_925 = arith.index_cast %swap3A_923 : i32 to index
        %swap3A_926 = arith.index_cast %swap3A_924 : i32 to index
        %swap3A_927 = arith.index_cast %mul3A_876 : i32 to index
        %swap3A_928 = tpu.vector_load %arg14[%swap3A_925, %swap3A_926, %swap3A_927] {strides = array<i32>} : memref<2x8x3584xf32, #tpu.memory_space<vmem>>, vector<16xf32>,
        tpu.vector_store %arg14[%swap3A_925, %swap3A_926, %swap3A_927], %gather3A_885 {strides = array<i32>} : memref<2x8x3584xf32, #tpu.memory_space<vmem>>, vector<16xf32>,
        %swap3A_929 = arith.constant 0 : i32
        %swap3A_930 = arith.constant 7 : i32
        %swap3A_931 = arith.index_cast %swap3A_929 : i32 to index
        %swap3A_932 = arith.index_cast %swap3A_930 : i32 to index
        %swap3A_933 = arith.index_cast %mul3A_876 : i32 to index
        %swap3A_934 = tpu.vector_load %arg14[%swap3A_931, %swap3A_932, %swap3A_933] {strides = array<i32>} : memref<2x8x3584xf32, #tpu.memory_space<vmem>>, vector<16xf32>,
        tpu.vector_store %arg14[%swap3A_931, %swap3A_932, %swap3A_933], %gather3A_886 {strides = array<i32>} : memref<2x8x3584xf32, #tpu.memory_space<vmem>>, vector<16xf32>,
      }
      %scan3A_332 = arith.constant 28 : i32
      %add3A_333 = arith.addi %select_n3A, %add3A_285 : i32
      %sub3A_334 = arith.constant 1 : i32
      %sub3A_335 = arith.subi %select_n3A_79, %sub3A_334 : i32
      %min3A_336 = arith.minsi %add3A_333, %sub3A_335 : i32
      %mul3A_337 = arith.constant 8 : i32
      %mul3A_338 = arith.muli %mul3A_337, %min3A_336 : i32
      %multiple_of3A_339 = tpu.assume_multiple %mul3A_338, 8 : i32
      %dma_start3A_340 = arith.constant 0 : i32
      %dma_start3A_341 = arith.constant 0 : i32
      %dma_start3A_342 = arith.constant 0 : i32
      %dma_start3A_343 = tpu.memref_slice %arg14[%dma_start3A_340, %dma_start3A_341, %dma_start3A_342] : memref<2x8x3584xf32, #tpu.memory_space<vmem>> -> memref<1x8x3584xf32, #tpu.memory_space<vmem>>
      %dma_start3A_344 = tpu.memref_squeeze %dma_start3A_343 : memref<1x8x3584xf32, #tpu.memory_space<vmem>> -> memref<8x3584xf32, #tpu.memory_space<vmem>>
      %dma_start3A_345 = arith.constant 0 : i32
      %dma_start3A_346 = tpu.memref_slice %arg7[%multiple_of3A_339, %dma_start3A_345] : memref<7781x3584xf32, #tpu.memory_space<hbm>> -> memref<8x3584xf32, #tpu.memory_space<hbm>>
      %dma_start3A_347 = arith.constant 0 : i32
      %dma_start3A_348 = tpu.memref_slice %arg7[%multiple_of3A_339, %dma_start3A_347] : memref<7781x3584xf32, #tpu.memory_space<hbm>> -> memref<8x3584xf32, #tpu.memory_space<hbm>>
      %dma_start3A_349 = arith.constant 0 : i32
      %dma_start3A_350 = arith.constant 0 : i32
      %dma_start3A_351 = tpu.memref_slice %arg14[%dma_start3A_340, %dma_start3A_349, %dma_start3A_350] : memref<2x8x3584xf32, #tpu.memory_space<vmem>> -> memref<1x8x3584xf32, #tpu.memory_space<vmem>>
      %dma_start3A_352 = tpu.memref_squeeze %dma_start3A_351 : memref<1x8x3584xf32, #tpu.memory_space<vmem>> -> memref<8x3584xf32, #tpu.memory_space<vmem>>
      tpu.enqueue_dma source(%dma_start3A_352 : memref<8x3584xf32, #tpu.memory_space<vmem>>) target(%dma_start3A_348 : memref<8x3584xf32, #tpu.memory_space<hbm>>) target_semaphore(%arg16 : memref<!tpu.dma_semaphore, #tpu.memory_space<semaphore_mem>>)
      %mul3A_353 = arith.constant 2 : i32
      %mul3A_354 = arith.muli %mul3A_353, %scan3A_281 : i32
      %add3A_355 = arith.constant 1 : i32
      %add3A_356 = arith.addi %mul3A_354, %add3A_355 : i32
      %dma_wait3A_357 = arith.constant 0 : i32
      %dma_wait3A_358 = arith.constant 0 : i32
      %dma_wait3A_359 = arith.constant 0 : i32
      %dma_wait3A_360 = tpu.memref_slice %arg13[%dma_wait3A_357, %dma_wait3A_358, %dma_wait3A_359] : memref<2x8x4096xf32, #tpu.memory_space<vmem>> -> memref<1x8x4096xf32, #tpu.memory_space<vmem>>
      %dma_wait3A_361 = tpu.memref_squeeze %dma_wait3A_360 : memref<1x8x4096xf32, #tpu.memory_space<vmem>> -> memref<8x4096xf32, #tpu.memory_space<vmem>>
      %dma_wait3A_362 = arith.constant 0 : i32
      %dma_wait3A_363 = arith.constant 0 : i32
      %dma_wait3A_364 = tpu.memref_slice %arg3[%dma_wait3A_362, %dma_wait3A_363] : memref<7781x4096xf32, #tpu.memory_space<hbm>> -> memref<8x4096xf32, #tpu.memory_space<hbm>>
      %dma_wait3A_365 = arith.constant 0 : i32
      %dma_wait3A_366 = arith.constant 0 : i32
      %dma_wait3A_367 = tpu.memref_slice %arg13[%dma_wait3A_357, %dma_wait3A_365, %dma_wait3A_366] : memref<2x8x4096xf32, #tpu.memory_space<vmem>> -> memref<1x8x4096xf32, #tpu.memory_space<vmem>>
      %dma_wait3A_368 = tpu.memref_squeeze %dma_wait3A_367 : memref<1x8x4096xf32, #tpu.memory_space<vmem>> -> memref<8x4096xf32, #tpu.memory_space<vmem>>
      %dma_wait3A_369 = arith.constant 0 : i32
      %dma_wait3A_370 = arith.constant 0 : i32
      %dma_wait3A_371 = tpu.memref_slice %arg3[%dma_wait3A_369, %dma_wait3A_370] : memref<7781x4096xf32, #tpu.memory_space<hbm>> -> memref<8x4096xf32, #tpu.memory_space<hbm>>
      tpu.wait_dma2 semaphore(%arg15 : memref<!tpu.dma_semaphore, #tpu.memory_space<semaphore_mem>>) src(%dma_wait3A_371 : memref<8x4096xf32, #tpu.memory_space<hbm>>) dst(%dma_wait3A_368 : memref<8x4096xf32, #tpu.memory_space<vmem>>)
      %add3A_372 = arith.constant 1 : i32
      %add3A_373 = arith.addi %add3A_356, %add3A_372 : i32
      %add3A_374 = arith.addi %select_n3A, %add3A_373 : i32
      %sub3A_375 = arith.constant 1 : i32
      %sub3A_376 = arith.subi %select_n3A_79, %sub3A_375 : i32
      %min3A_377 = arith.minsi %add3A_374, %sub3A_376 : i32
      %mul3A_378 = arith.constant 8 : i32
      %mul3A_379 = arith.muli %mul3A_378, %min3A_377 : i32
      %multiple_of3A_380 = tpu.assume_multiple %mul3A_379, 8 : i32
      %dma_start3A_381 = arith.constant 0 : i32
      %dma_start3A_382 = arith.constant 0 : i32
      %dma_start3A_383 = arith.constant 0 : i32
      %dma_start3A_384 = tpu.memref_slice %arg13[%dma_start3A_381, %dma_start3A_382, %dma_start3A_383] : memref<2x8x4096xf32, #tpu.memory_space<vmem>> -> memref<1x8x4096xf32, #tpu.memory_space<vmem>>
      %dma_start3A_385 = tpu.memref_squeeze %dma_start3A_384 : memref<1x8x4096xf32, #tpu.memory_space<vmem>> -> memref<8x4096xf32, #tpu.memory_space<vmem>>
      %dma_start3A_386 = arith.constant 0 : i32
      %dma_start3A_387 = tpu.memref_slice %arg3[%multiple_of3A_380, %dma_start3A_386] : memref<7781x4096xf32, #tpu.memory_space<hbm>> -> memref<8x4096xf32, #tpu.memory_space<hbm>>
      %dma_start3A_388 = arith.constant 0 : i32
      %dma_start3A_389 = arith.constant 0 : i32
      %dma_start3A_390 = tpu.memref_slice %arg13[%dma_start3A_381, %dma_start3A_388, %dma_start3A_389] : memref<2x8x4096xf32, #tpu.memory_space<vmem>> -> memref<1x8x4096xf32, #tpu.memory_space<vmem>>
      %dma_start3A_391 = tpu.memref_squeeze %dma_start3A_390 : memref<1x8x4096xf32, #tpu.memory_space<vmem>> -> memref<8x4096xf32, #tpu.memory_space<vmem>>
      %dma_start3A_392 = arith.constant 0 : i32
      %dma_start3A_393 = tpu.memref_slice %arg3[%multiple_of3A_380, %dma_start3A_392] : memref<7781x4096xf32, #tpu.memory_space<hbm>> -> memref<8x4096xf32, #tpu.memory_space<hbm>>
      tpu.enqueue_dma source(%dma_start3A_393 : memref<8x4096xf32, #tpu.memory_space<hbm>>) target(%dma_start3A_391 : memref<8x4096xf32, #tpu.memory_space<vmem>>) target_semaphore(%arg15 : memref<!tpu.dma_semaphore, #tpu.memory_space<semaphore_mem>>)
      %ge3A_394 = arith.constant 1 : i32
      %ge3A_395 = arith.cmpi sge, %scan3A_281, %ge3A_394 : i32
      %convert_element_type3A_396 = arith.extui %ge3A_395 : i1 to i32
      %cond3A_397 = arith.constant 0 : i32
      %cond3A_398 = arith.cmpi ne, %convert_element_type3A_396, %cond3A_397 : i32
      scf.if %cond3A_398 {
        %dma_wait3A_425 = arith.constant 0 : i32
        %dma_wait3A_426 = arith.constant 0 : i32
        %dma_wait3A_427 = arith.constant 0 : i32
        %dma_wait3A_428 = tpu.memref_slice %arg14[%dma_wait3A_425, %dma_wait3A_426, %dma_wait3A_427] : memref<2x8x3584xf32, #tpu.memory_space<vmem>> -> memref<1x8x3584xf32, #tpu.memory_space<vmem>>
        %dma_wait3A_429 = tpu.memref_squeeze %dma_wait3A_428 : memref<1x8x3584xf32, #tpu.memory_space<vmem>> -> memref<8x3584xf32, #tpu.memory_space<vmem>>
        %dma_wait3A_430 = arith.constant 0 : i32
        %dma_wait3A_431 = arith.constant 0 : i32
        %dma_wait3A_432 = tpu.memref_slice %arg7[%dma_wait3A_430, %dma_wait3A_431] : memref<7781x3584xf32, #tpu.memory_space<hbm>> -> memref<8x3584xf32, #tpu.memory_space<hbm>>
        %dma_wait3A_433 = arith.constant 0 : i32
        %dma_wait3A_434 = arith.constant 0 : i32
        %dma_wait3A_435 = tpu.memref_slice %arg14[%dma_wait3A_425, %dma_wait3A_433, %dma_wait3A_434] : memref<2x8x3584xf32, #tpu.memory_space<vmem>> -> memref<1x8x3584xf32, #tpu.memory_space<vmem>>
        %dma_wait3A_436 = tpu.memref_squeeze %dma_wait3A_435 : memref<1x8x3584xf32, #tpu.memory_space<vmem>> -> memref<8x3584xf32, #tpu.memory_space<vmem>>
        %dma_wait3A_437 = arith.constant 0 : i32
        %dma_wait3A_438 = arith.constant 0 : i32
        %dma_wait3A_439 = tpu.memref_slice %arg7[%dma_wait3A_437, %dma_wait3A_438] : memref<7781x3584xf32, #tpu.memory_space<hbm>> -> memref<8x3584xf32, #tpu.memory_space<hbm>>
        tpu.wait_dma2 semaphore(%arg16 : memref<!tpu.dma_semaphore, #tpu.memory_space<semaphore_mem>>) src(%dma_wait3A_439 : memref<8x3584xf32, #tpu.memory_space<hbm>>) dst(%dma_wait3A_436 : memref<8x3584xf32, #tpu.memory_space<vmem>>)
      } else {
      }
      %scan3A_399 = arith.constant 0 : i32
      %scan3A_400 = arith.constant 0 : i32
      %scan3A_401 = arith.constant 28 : i32
      %scan3A_402 = arith.addi %scan3A_400, %scan3A_401 : i32
      %scan3A_403 = arith.constant 1 : i32
      scf.for %scan3A_425 = %scan3A_400 to %scan3A_402 step %scan3A_403  : i32 {
        %mul3A_426 = arith.constant 8 : i32
        %mul3A_427 = arith.muli %scan3A_425, %mul3A_426 : i32
        %add3A_428 = arith.constant 0 : i32
        %add3A_429 = arith.addi %mul3A_427, %add3A_428 : i32
        %mul3A_430 = arith.constant 16 : i32
        %mul3A_431 = arith.muli %add3A_429, %mul3A_430 : i32
        %get3A = arith.index_cast %mul3A_431 : i32 to index
        %get3A_432 = tpu.vector_load %arg12[%get3A] {strides = array<i32>} : memref<3584xi32, #tpu.memory_space<vmem>>, vector<16xi32>,
        %gather3A = tpu.vector_load_idx %arg13[%broadcast_in_dim3A_17, %broadcast_in_dim3A_19, %get3A_432] : memref<2x8x4096xf32, #tpu.memory_space<vmem>>[vector<16xi32>, vector<16xi32>, vector<16xi32>], vector<16xf32>,
        %gather3A_433 = tpu.vector_load_idx %arg13[%broadcast_in_dim3A_17, %broadcast_in_dim3A_21, %get3A_432] : memref<2x8x4096xf32, #tpu.memory_space<vmem>>[vector<16xi32>, vector<16xi32>, vector<16xi32>], vector<16xf32>,
        %gather3A_434 = tpu.vector_load_idx %arg13[%broadcast_in_dim3A_17, %broadcast_in_dim3A_23, %get3A_432] : memref<2x8x4096xf32, #tpu.memory_space<vmem>>[vector<16xi32>, vector<16xi32>, vector<16xi32>], vector<16xf32>,
        %gather3A_435 = tpu.vector_load_idx %arg13[%broadcast_in_dim3A_17, %broadcast_in_dim3A_25, %get3A_432] : memref<2x8x4096xf32, #tpu.memory_space<vmem>>[vector<16xi32>, vector<16xi32>, vector<16xi32>], vector<16xf32>,
        %gather3A_436 = tpu.vector_load_idx %arg13[%broadcast_in_dim3A_17, %broadcast_in_dim3A_27, %get3A_432] : memref<2x8x4096xf32, #tpu.memory_space<vmem>>[vector<16xi32>, vector<16xi32>, vector<16xi32>], vector<16xf32>,
        %gather3A_437 = tpu.vector_load_idx %arg13[%broadcast_in_dim3A_17, %broadcast_in_dim3A_29, %get3A_432] : memref<2x8x4096xf32, #tpu.memory_space<vmem>>[vector<16xi32>, vector<16xi32>, vector<16xi32>], vector<16xf32>,
        %gather3A_438 = tpu.vector_load_idx %arg13[%broadcast_in_dim3A_17, %broadcast_in_dim3A_31, %get3A_432] : memref<2x8x4096xf32, #tpu.memory_space<vmem>>[vector<16xi32>, vector<16xi32>, vector<16xi32>], vector<16xf32>,
        %gather3A_439 = tpu.vector_load_idx %arg13[%broadcast_in_dim3A_17, %broadcast_in_dim3A_33, %get3A_432] : memref<2x8x4096xf32, #tpu.memory_space<vmem>>[vector<16xi32>, vector<16xi32>, vector<16xi32>], vector<16xf32>,
        %swap3A = arith.constant 1 : i32
        %swap3A_440 = arith.constant 0 : i32
        %swap3A_441 = arith.index_cast %swap3A : i32 to index
        %swap3A_442 = arith.index_cast %swap3A_440 : i32 to index
        %swap3A_443 = arith.index_cast %mul3A_431 : i32 to index
        %swap3A_444 = tpu.vector_load %arg14[%swap3A_441, %swap3A_442, %swap3A_443] {strides = array<i32>} : memref<2x8x3584xf32, #tpu.memory_space<vmem>>, vector<16xf32>,
        tpu.vector_store %arg14[%swap3A_441, %swap3A_442, %swap3A_443], %gather3A {strides = array<i32>} : memref<2x8x3584xf32, #tpu.memory_space<vmem>>, vector<16xf32>,
        %swap3A_445 = arith.constant 1 : i32
        %swap3A_446 = arith.constant 1 : i32
        %swap3A_447 = arith.index_cast %swap3A_445 : i32 to index
        %swap3A_448 = arith.index_cast %swap3A_446 : i32 to index
        %swap3A_449 = arith.index_cast %mul3A_431 : i32 to index
        %swap3A_450 = tpu.vector_load %arg14[%swap3A_447, %swap3A_448, %swap3A_449] {strides = array<i32>} : memref<2x8x3584xf32, #tpu.memory_space<vmem>>, vector<16xf32>,
        tpu.vector_store %arg14[%swap3A_447, %swap3A_448, %swap3A_449], %gather3A_433 {strides = array<i32>} : memref<2x8x3584xf32, #tpu.memory_space<vmem>>, vector<16xf32>,
        %swap3A_451 = arith.constant 1 : i32
        %swap3A_452 = arith.constant 2 : i32
        %swap3A_453 = arith.index_cast %swap3A_451 : i32 to index
        %swap3A_454 = arith.index_cast %swap3A_452 : i32 to index
        %swap3A_455 = arith.index_cast %mul3A_431 : i32 to index
        %swap3A_456 = tpu.vector_load %arg14[%swap3A_453, %swap3A_454, %swap3A_455] {strides = array<i32>} : memref<2x8x3584xf32, #tpu.memory_space<vmem>>, vector<16xf32>,
        tpu.vector_store %arg14[%swap3A_453, %swap3A_454, %swap3A_455], %gather3A_434 {strides = array<i32>} : memref<2x8x3584xf32, #tpu.memory_space<vmem>>, vector<16xf32>,
        %swap3A_457 = arith.constant 1 : i32
        %swap3A_458 = arith.constant 3 : i32
        %swap3A_459 = arith.index_cast %swap3A_457 : i32 to index
        %swap3A_460 = arith.index_cast %swap3A_458 : i32 to index
        %swap3A_461 = arith.index_cast %mul3A_431 : i32 to index
        %swap3A_462 = tpu.vector_load %arg14[%swap3A_459, %swap3A_460, %swap3A_461] {strides = array<i32>} : memref<2x8x3584xf32, #tpu.memory_space<vmem>>, vector<16xf32>,
        tpu.vector_store %arg14[%swap3A_459, %swap3A_460, %swap3A_461], %gather3A_435 {strides = array<i32>} : memref<2x8x3584xf32, #tpu.memory_space<vmem>>, vector<16xf32>,
        %swap3A_463 = arith.constant 1 : i32
        %swap3A_464 = arith.constant 4 : i32
        %swap3A_465 = arith.index_cast %swap3A_463 : i32 to index
        %swap3A_466 = arith.index_cast %swap3A_464 : i32 to index
        %swap3A_467 = arith.index_cast %mul3A_431 : i32 to index
        %swap3A_468 = tpu.vector_load %arg14[%swap3A_465, %swap3A_466, %swap3A_467] {strides = array<i32>} : memref<2x8x3584xf32, #tpu.memory_space<vmem>>, vector<16xf32>,
        tpu.vector_store %arg14[%swap3A_465, %swap3A_466, %swap3A_467], %gather3A_436 {strides = array<i32>} : memref<2x8x3584xf32, #tpu.memory_space<vmem>>, vector<16xf32>,
        %swap3A_469 = arith.constant 1 : i32
        %swap3A_470 = arith.constant 5 : i32
        %swap3A_471 = arith.index_cast %swap3A_469 : i32 to index
        %swap3A_472 = arith.index_cast %swap3A_470 : i32 to index
        %swap3A_473 = arith.index_cast %mul3A_431 : i32 to index
        %swap3A_474 = tpu.vector_load %arg14[%swap3A_471, %swap3A_472, %swap3A_473] {strides = array<i32>} : memref<2x8x3584xf32, #tpu.memory_space<vmem>>, vector<16xf32>,
        tpu.vector_store %arg14[%swap3A_471, %swap3A_472, %swap3A_473], %gather3A_437 {strides = array<i32>} : memref<2x8x3584xf32, #tpu.memory_space<vmem>>, vector<16xf32>,
        %swap3A_475 = arith.constant 1 : i32
        %swap3A_476 = arith.constant 6 : i32
        %swap3A_477 = arith.index_cast %swap3A_475 : i32 to index
        %swap3A_478 = arith.index_cast %swap3A_476 : i32 to index
        %swap3A_479 = arith.index_cast %mul3A_431 : i32 to index
        %swap3A_480 = tpu.vector_load %arg14[%swap3A_477, %swap3A_478, %swap3A_479] {strides = array<i32>} : memref<2x8x3584xf32, #tpu.memory_space<vmem>>, vector<16xf32>,
        tpu.vector_store %arg14[%swap3A_477, %swap3A_478, %swap3A_479], %gather3A_438 {strides = array<i32>} : memref<2x8x3584xf32, #tpu.memory_space<vmem>>, vector<16xf32>,
        %swap3A_481 = arith.constant 1 : i32
        %swap3A_482 = arith.constant 7 : i32
        %swap3A_483 = arith.index_cast %swap3A_481 : i32 to index
        %swap3A_484 = arith.index_cast %swap3A_482 : i32 to index
        %swap3A_485 = arith.index_cast %mul3A_431 : i32 to index
        %swap3A_486 = tpu.vector_load %arg14[%swap3A_483, %swap3A_484, %swap3A_485] {strides = array<i32>} : memref<2x8x3584xf32, #tpu.memory_space<vmem>>, vector<16xf32>,
        tpu.vector_store %arg14[%swap3A_483, %swap3A_484, %swap3A_485], %gather3A_439 {strides = array<i32>} : memref<2x8x3584xf32, #tpu.memory_space<vmem>>, vector<16xf32>,
        %mul3A_487 = arith.constant 8 : i32
        %mul3A_488 = arith.muli %scan3A_425, %mul3A_487 : i32
        %add3A_489 = arith.constant 1 : i32
        %add3A_490 = arith.addi %mul3A_488, %add3A_489 : i32
        %mul3A_491 = arith.constant 16 : i32
        %mul3A_492 = arith.muli %add3A_490, %mul3A_491 : i32
        %get3A_493 = arith.index_cast %mul3A_492 : i32 to index
        %get3A_494 = tpu.vector_load %arg12[%get3A_493] {strides = array<i32>} : memref<3584xi32, #tpu.memory_space<vmem>>, vector<16xi32>,
        %gather3A_495 = tpu.vector_load_idx %arg13[%broadcast_in_dim3A_17, %broadcast_in_dim3A_19, %get3A_494] : memref<2x8x4096xf32, #tpu.memory_space<vmem>>[vector<16xi32>, vector<16xi32>, vector<16xi32>], vector<16xf32>,
        %gather3A_496 = tpu.vector_load_idx %arg13[%broadcast_in_dim3A_17, %broadcast_in_dim3A_21, %get3A_494] : memref<2x8x4096xf32, #tpu.memory_space<vmem>>[vector<16xi32>, vector<16xi32>, vector<16xi32>], vector<16xf32>,
        %gather3A_497 = tpu.vector_load_idx %arg13[%broadcast_in_dim3A_17, %broadcast_in_dim3A_23, %get3A_494] : memref<2x8x4096xf32, #tpu.memory_space<vmem>>[vector<16xi32>, vector<16xi32>, vector<16xi32>], vector<16xf32>,
        %gather3A_498 = tpu.vector_load_idx %arg13[%broadcast_in_dim3A_17, %broadcast_in_dim3A_25, %get3A_494] : memref<2x8x4096xf32, #tpu.memory_space<vmem>>[vector<16xi32>, vector<16xi32>, vector<16xi32>], vector<16xf32>,
        %gather3A_499 = tpu.vector_load_idx %arg13[%broadcast_in_dim3A_17, %broadcast_in_dim3A_27, %get3A_494] : memref<2x8x4096xf32, #tpu.memory_space<vmem>>[vector<16xi32>, vector<16xi32>, vector<16xi32>], vector<16xf32>,
        %gather3A_500 = tpu.vector_load_idx %arg13[%broadcast_in_dim3A_17, %broadcast_in_dim3A_29, %get3A_494] : memref<2x8x4096xf32, #tpu.memory_space<vmem>>[vector<16xi32>, vector<16xi32>, vector<16xi32>], vector<16xf32>,
        %gather3A_501 = tpu.vector_load_idx %arg13[%broadcast_in_dim3A_17, %broadcast_in_dim3A_31, %get3A_494] : memref<2x8x4096xf32, #tpu.memory_space<vmem>>[vector<16xi32>, vector<16xi32>, vector<16xi32>], vector<16xf32>,
        %gather3A_502 = tpu.vector_load_idx %arg13[%broadcast_in_dim3A_17, %broadcast_in_dim3A_33, %get3A_494] : memref<2x8x4096xf32, #tpu.memory_space<vmem>>[vector<16xi32>, vector<16xi32>, vector<16xi32>], vector<16xf32>,
        %swap3A_503 = arith.constant 1 : i32
        %swap3A_504 = arith.constant 0 : i32
        %swap3A_505 = arith.index_cast %swap3A_503 : i32 to index
        %swap3A_506 = arith.index_cast %swap3A_504 : i32 to index
        %swap3A_507 = arith.index_cast %mul3A_492 : i32 to index
        %swap3A_508 = tpu.vector_load %arg14[%swap3A_505, %swap3A_506, %swap3A_507] {strides = array<i32>} : memref<2x8x3584xf32, #tpu.memory_space<vmem>>, vector<16xf32>,
        tpu.vector_store %arg14[%swap3A_505, %swap3A_506, %swap3A_507], %gather3A_495 {strides = array<i32>} : memref<2x8x3584xf32, #tpu.memory_space<vmem>>, vector<16xf32>,
        %swap3A_509 = arith.constant 1 : i32
        %swap3A_510 = arith.constant 1 : i32
        %swap3A_511 = arith.index_cast %swap3A_509 : i32 to index
        %swap3A_512 = arith.index_cast %swap3A_510 : i32 to index
        %swap3A_513 = arith.index_cast %mul3A_492 : i32 to index
        %swap3A_514 = tpu.vector_load %arg14[%swap3A_511, %swap3A_512, %swap3A_513] {strides = array<i32>} : memref<2x8x3584xf32, #tpu.memory_space<vmem>>, vector<16xf32>,
        tpu.vector_store %arg14[%swap3A_511, %swap3A_512, %swap3A_513], %gather3A_496 {strides = array<i32>} : memref<2x8x3584xf32, #tpu.memory_space<vmem>>, vector<16xf32>,
        %swap3A_515 = arith.constant 1 : i32
        %swap3A_516 = arith.constant 2 : i32
        %swap3A_517 = arith.index_cast %swap3A_515 : i32 to index
        %swap3A_518 = arith.index_cast %swap3A_516 : i32 to index
        %swap3A_519 = arith.index_cast %mul3A_492 : i32 to index
        %swap3A_520 = tpu.vector_load %arg14[%swap3A_517, %swap3A_518, %swap3A_519] {strides = array<i32>} : memref<2x8x3584xf32, #tpu.memory_space<vmem>>, vector<16xf32>,
        tpu.vector_store %arg14[%swap3A_517, %swap3A_518, %swap3A_519], %gather3A_497 {strides = array<i32>} : memref<2x8x3584xf32, #tpu.memory_space<vmem>>, vector<16xf32>,
        %swap3A_521 = arith.constant 1 : i32
        %swap3A_522 = arith.constant 3 : i32
        %swap3A_523 = arith.index_cast %swap3A_521 : i32 to index
        %swap3A_524 = arith.index_cast %swap3A_522 : i32 to index
        %swap3A_525 = arith.index_cast %mul3A_492 : i32 to index
        %swap3A_526 = tpu.vector_load %arg14[%swap3A_523, %swap3A_524, %swap3A_525] {strides = array<i32>} : memref<2x8x3584xf32, #tpu.memory_space<vmem>>, vector<16xf32>,
        tpu.vector_store %arg14[%swap3A_523, %swap3A_524, %swap3A_525], %gather3A_498 {strides = array<i32>} : memref<2x8x3584xf32, #tpu.memory_space<vmem>>, vector<16xf32>,
        %swap3A_527 = arith.constant 1 : i32
        %swap3A_528 = arith.constant 4 : i32
        %swap3A_529 = arith.index_cast %swap3A_527 : i32 to index
        %swap3A_530 = arith.index_cast %swap3A_528 : i32 to index
        %swap3A_531 = arith.index_cast %mul3A_492 : i32 to index
        %swap3A_532 = tpu.vector_load %arg14[%swap3A_529, %swap3A_530, %swap3A_531] {strides = array<i32>} : memref<2x8x3584xf32, #tpu.memory_space<vmem>>, vector<16xf32>,
        tpu.vector_store %arg14[%swap3A_529, %swap3A_530, %swap3A_531], %gather3A_499 {strides = array<i32>} : memref<2x8x3584xf32, #tpu.memory_space<vmem>>, vector<16xf32>,
        %swap3A_533 = arith.constant 1 : i32
        %swap3A_534 = arith.constant 5 : i32
        %swap3A_535 = arith.index_cast %swap3A_533 : i32 to index
        %swap3A_536 = arith.index_cast %swap3A_534 : i32 to index
        %swap3A_537 = arith.index_cast %mul3A_492 : i32 to index
        %swap3A_538 = tpu.vector_load %arg14[%swap3A_535, %swap3A_536, %swap3A_537] {strides = array<i32>} : memref<2x8x3584xf32, #tpu.memory_space<vmem>>, vector<16xf32>,
        tpu.vector_store %arg14[%swap3A_535, %swap3A_536, %swap3A_537], %gather3A_500 {strides = array<i32>} : memref<2x8x3584xf32, #tpu.memory_space<vmem>>, vector<16xf32>,
        %swap3A_539 = arith.constant 1 : i32
        %swap3A_540 = arith.constant 6 : i32
        %swap3A_541 = arith.index_cast %swap3A_539 : i32 to index
        %swap3A_542 = arith.index_cast %swap3A_540 : i32 to index
        %swap3A_543 = arith.index_cast %mul3A_492 : i32 to index
        %swap3A_544 = tpu.vector_load %arg14[%swap3A_541, %swap3A_542, %swap3A_543] {strides = array<i32>} : memref<2x8x3584xf32, #tpu.memory_space<vmem>>, vector<16xf32>,
        tpu.vector_store %arg14[%swap3A_541, %swap3A_542, %swap3A_543], %gather3A_501 {strides = array<i32>} : memref<2x8x3584xf32, #tpu.memory_space<vmem>>, vector<16xf32>,
        %swap3A_545 = arith.constant 1 : i32
        %swap3A_546 = arith.constant 7 : i32
        %swap3A_547 = arith.index_cast %swap3A_545 : i32 to index
        %swap3A_548 = arith.index_cast %swap3A_546 : i32 to index
        %swap3A_549 = arith.index_cast %mul3A_492 : i32 to index
        %swap3A_550 = tpu.vector_load %arg14[%swap3A_547, %swap3A_548, %swap3A_549] {strides = array<i32>} : memref<2x8x3584xf32, #tpu.memory_space<vmem>>, vector<16xf32>,
        tpu.vector_store %arg14[%swap3A_547, %swap3A_548, %swap3A_549], %gather3A_502 {strides = array<i32>} : memref<2x8x3584xf32, #tpu.memory_space<vmem>>, vector<16xf32>,
        %mul3A_551 = arith.constant 8 : i32
        %mul3A_552 = arith.muli %scan3A_425, %mul3A_551 : i32
        %add3A_553 = arith.constant 2 : i32
        %add3A_554 = arith.addi %mul3A_552, %add3A_553 : i32
        %mul3A_555 = arith.constant 16 : i32
        %mul3A_556 = arith.muli %add3A_554, %mul3A_555 : i32
        %get3A_557 = arith.index_cast %mul3A_556 : i32 to index
        %get3A_558 = tpu.vector_load %arg12[%get3A_557] {strides = array<i32>} : memref<3584xi32, #tpu.memory_space<vmem>>, vector<16xi32>,
        %gather3A_559 = tpu.vector_load_idx %arg13[%broadcast_in_dim3A_17, %broadcast_in_dim3A_19, %get3A_558] : memref<2x8x4096xf32, #tpu.memory_space<vmem>>[vector<16xi32>, vector<16xi32>, vector<16xi32>], vector<16xf32>,
        %gather3A_560 = tpu.vector_load_idx %arg13[%broadcast_in_dim3A_17, %broadcast_in_dim3A_21, %get3A_558] : memref<2x8x4096xf32, #tpu.memory_space<vmem>>[vector<16xi32>, vector<16xi32>, vector<16xi32>], vector<16xf32>,
        %gather3A_561 = tpu.vector_load_idx %arg13[%broadcast_in_dim3A_17, %broadcast_in_dim3A_23, %get3A_558] : memref<2x8x4096xf32, #tpu.memory_space<vmem>>[vector<16xi32>, vector<16xi32>, vector<16xi32>], vector<16xf32>,
        %gather3A_562 = tpu.vector_load_idx %arg13[%broadcast_in_dim3A_17, %broadcast_in_dim3A_25, %get3A_558] : memref<2x8x4096xf32, #tpu.memory_space<vmem>>[vector<16xi32>, vector<16xi32>, vector<16xi32>], vector<16xf32>,
        %gather3A_563 = tpu.vector_load_idx %arg13[%broadcast_in_dim3A_17, %broadcast_in_dim3A_27, %get3A_558] : memref<2x8x4096xf32, #tpu.memory_space<vmem>>[vector<16xi32>, vector<16xi32>, vector<16xi32>], vector<16xf32>,
        %gather3A_564 = tpu.vector_load_idx %arg13[%broadcast_in_dim3A_17, %broadcast_in_dim3A_29, %get3A_558] : memref<2x8x4096xf32, #tpu.memory_space<vmem>>[vector<16xi32>, vector<16xi32>, vector<16xi32>], vector<16xf32>,
        %gather3A_565 = tpu.vector_load_idx %arg13[%broadcast_in_dim3A_17, %broadcast_in_dim3A_31, %get3A_558] : memref<2x8x4096xf32, #tpu.memory_space<vmem>>[vector<16xi32>, vector<16xi32>, vector<16xi32>], vector<16xf32>,
        %gather3A_566 = tpu.vector_load_idx %arg13[%broadcast_in_dim3A_17, %broadcast_in_dim3A_33, %get3A_558] : memref<2x8x4096xf32, #tpu.memory_space<vmem>>[vector<16xi32>, vector<16xi32>, vector<16xi32>], vector<16xf32>,
        %swap3A_567 = arith.constant 1 : i32
        %swap3A_568 = arith.constant 0 : i32
        %swap3A_569 = arith.index_cast %swap3A_567 : i32 to index
        %swap3A_570 = arith.index_cast %swap3A_568 : i32 to index
        %swap3A_571 = arith.index_cast %mul3A_556 : i32 to index
        %swap3A_572 = tpu.vector_load %arg14[%swap3A_569, %swap3A_570, %swap3A_571] {strides = array<i32>} : memref<2x8x3584xf32, #tpu.memory_space<vmem>>, vector<16xf32>,
        tpu.vector_store %arg14[%swap3A_569, %swap3A_570, %swap3A_571], %gather3A_559 {strides = array<i32>} : memref<2x8x3584xf32, #tpu.memory_space<vmem>>, vector<16xf32>,
        %swap3A_573 = arith.constant 1 : i32
        %swap3A_574 = arith.constant 1 : i32
        %swap3A_575 = arith.index_cast %swap3A_573 : i32 to index
        %swap3A_576 = arith.index_cast %swap3A_574 : i32 to index
        %swap3A_577 = arith.index_cast %mul3A_556 : i32 to index
        %swap3A_578 = tpu.vector_load %arg14[%swap3A_575, %swap3A_576, %swap3A_577] {strides = array<i32>} : memref<2x8x3584xf32, #tpu.memory_space<vmem>>, vector<16xf32>,
        tpu.vector_store %arg14[%swap3A_575, %swap3A_576, %swap3A_577], %gather3A_560 {strides = array<i32>} : memref<2x8x3584xf32, #tpu.memory_space<vmem>>, vector<16xf32>,
        %swap3A_579 = arith.constant 1 : i32
        %swap3A_580 = arith.constant 2 : i32
        %swap3A_581 = arith.index_cast %swap3A_579 : i32 to index
        %swap3A_582 = arith.index_cast %swap3A_580 : i32 to index
        %swap3A_583 = arith.index_cast %mul3A_556 : i32 to index
        %swap3A_584 = tpu.vector_load %arg14[%swap3A_581, %swap3A_582, %swap3A_583] {strides = array<i32>} : memref<2x8x3584xf32, #tpu.memory_space<vmem>>, vector<16xf32>,
        tpu.vector_store %arg14[%swap3A_581, %swap3A_582, %swap3A_583], %gather3A_561 {strides = array<i32>} : memref<2x8x3584xf32, #tpu.memory_space<vmem>>, vector<16xf32>,
        %swap3A_585 = arith.constant 1 : i32
        %swap3A_586 = arith.constant 3 : i32
        %swap3A_587 = arith.index_cast %swap3A_585 : i32 to index
        %swap3A_588 = arith.index_cast %swap3A_586 : i32 to index
        %swap3A_589 = arith.index_cast %mul3A_556 : i32 to index
        %swap3A_590 = tpu.vector_load %arg14[%swap3A_587, %swap3A_588, %swap3A_589] {strides = array<i32>} : memref<2x8x3584xf32, #tpu.memory_space<vmem>>, vector<16xf32>,
        tpu.vector_store %arg14[%swap3A_587, %swap3A_588, %swap3A_589], %gather3A_562 {strides = array<i32>} : memref<2x8x3584xf32, #tpu.memory_space<vmem>>, vector<16xf32>,
        %swap3A_591 = arith.constant 1 : i32
        %swap3A_592 = arith.constant 4 : i32
        %swap3A_593 = arith.index_cast %swap3A_591 : i32 to index
        %swap3A_594 = arith.index_cast %swap3A_592 : i32 to index
        %swap3A_595 = arith.index_cast %mul3A_556 : i32 to index
        %swap3A_596 = tpu.vector_load %arg14[%swap3A_593, %swap3A_594, %swap3A_595] {strides = array<i32>} : memref<2x8x3584xf32, #tpu.memory_space<vmem>>, vector<16xf32>,
        tpu.vector_store %arg14[%swap3A_593, %swap3A_594, %swap3A_595], %gather3A_563 {strides = array<i32>} : memref<2x8x3584xf32, #tpu.memory_space<vmem>>, vector<16xf32>,
        %swap3A_597 = arith.constant 1 : i32
        %swap3A_598 = arith.constant 5 : i32
        %swap3A_599 = arith.index_cast %swap3A_597 : i32 to index
        %swap3A_600 = arith.index_cast %swap3A_598 : i32 to index
        %swap3A_601 = arith.index_cast %mul3A_556 : i32 to index
        %swap3A_602 = tpu.vector_load %arg14[%swap3A_599, %swap3A_600, %swap3A_601] {strides = array<i32>} : memref<2x8x3584xf32, #tpu.memory_space<vmem>>, vector<16xf32>,
        tpu.vector_store %arg14[%swap3A_599, %swap3A_600, %swap3A_601], %gather3A_564 {strides = array<i32>} : memref<2x8x3584xf32, #tpu.memory_space<vmem>>, vector<16xf32>,
        %swap3A_603 = arith.constant 1 : i32
        %swap3A_604 = arith.constant 6 : i32
        %swap3A_605 = arith.index_cast %swap3A_603 : i32 to index
        %swap3A_606 = arith.index_cast %swap3A_604 : i32 to index
        %swap3A_607 = arith.index_cast %mul3A_556 : i32 to index
        %swap3A_608 = tpu.vector_load %arg14[%swap3A_605, %swap3A_606, %swap3A_607] {strides = array<i32>} : memref<2x8x3584xf32, #tpu.memory_space<vmem>>, vector<16xf32>,
        tpu.vector_store %arg14[%swap3A_605, %swap3A_606, %swap3A_607], %gather3A_565 {strides = array<i32>} : memref<2x8x3584xf32, #tpu.memory_space<vmem>>, vector<16xf32>,
        %swap3A_609 = arith.constant 1 : i32
        %swap3A_610 = arith.constant 7 : i32
        %swap3A_611 = arith.index_cast %swap3A_609 : i32 to index
        %swap3A_612 = arith.index_cast %swap3A_610 : i32 to index
        %swap3A_613 = arith.index_cast %mul3A_556 : i32 to index
        %swap3A_614 = tpu.vector_load %arg14[%swap3A_611, %swap3A_612, %swap3A_613] {strides = array<i32>} : memref<2x8x3584xf32, #tpu.memory_space<vmem>>, vector<16xf32>,
        tpu.vector_store %arg14[%swap3A_611, %swap3A_612, %swap3A_613], %gather3A_566 {strides = array<i32>} : memref<2x8x3584xf32, #tpu.memory_space<vmem>>, vector<16xf32>,
        %mul3A_615 = arith.constant 8 : i32
        %mul3A_616 = arith.muli %scan3A_425, %mul3A_615 : i32
        %add3A_617 = arith.constant 3 : i32
        %add3A_618 = arith.addi %mul3A_616, %add3A_617 : i32
        %mul3A_619 = arith.constant 16 : i32
        %mul3A_620 = arith.muli %add3A_618, %mul3A_619 : i32
        %get3A_621 = arith.index_cast %mul3A_620 : i32 to index
        %get3A_622 = tpu.vector_load %arg12[%get3A_621] {strides = array<i32>} : memref<3584xi32, #tpu.memory_space<vmem>>, vector<16xi32>,
        %gather3A_623 = tpu.vector_load_idx %arg13[%broadcast_in_dim3A_17, %broadcast_in_dim3A_19, %get3A_622] : memref<2x8x4096xf32, #tpu.memory_space<vmem>>[vector<16xi32>, vector<16xi32>, vector<16xi32>], vector<16xf32>,
        %gather3A_624 = tpu.vector_load_idx %arg13[%broadcast_in_dim3A_17, %broadcast_in_dim3A_21, %get3A_622] : memref<2x8x4096xf32, #tpu.memory_space<vmem>>[vector<16xi32>, vector<16xi32>, vector<16xi32>], vector<16xf32>,
        %gather3A_625 = tpu.vector_load_idx %arg13[%broadcast_in_dim3A_17, %broadcast_in_dim3A_23, %get3A_622] : memref<2x8x4096xf32, #tpu.memory_space<vmem>>[vector<16xi32>, vector<16xi32>, vector<16xi32>], vector<16xf32>,
        %gather3A_626 = tpu.vector_load_idx %arg13[%broadcast_in_dim3A_17, %broadcast_in_dim3A_25, %get3A_622] : memref<2x8x4096xf32, #tpu.memory_space<vmem>>[vector<16xi32>, vector<16xi32>, vector<16xi32>], vector<16xf32>,
        %gather3A_627 = tpu.vector_load_idx %arg13[%broadcast_in_dim3A_17, %broadcast_in_dim3A_27, %get3A_622] : memref<2x8x4096xf32, #tpu.memory_space<vmem>>[vector<16xi32>, vector<16xi32>, vector<16xi32>], vector<16xf32>,
        %gather3A_628 = tpu.vector_load_idx %arg13[%broadcast_in_dim3A_17, %broadcast_in_dim3A_29, %get3A_622] : memref<2x8x4096xf32, #tpu.memory_space<vmem>>[vector<16xi32>, vector<16xi32>, vector<16xi32>], vector<16xf32>,
        %gather3A_629 = tpu.vector_load_idx %arg13[%broadcast_in_dim3A_17, %broadcast_in_dim3A_31, %get3A_622] : memref<2x8x4096xf32, #tpu.memory_space<vmem>>[vector<16xi32>, vector<16xi32>, vector<16xi32>], vector<16xf32>,
        %gather3A_630 = tpu.vector_load_idx %arg13[%broadcast_in_dim3A_17, %broadcast_in_dim3A_33, %get3A_622] : memref<2x8x4096xf32, #tpu.memory_space<vmem>>[vector<16xi32>, vector<16xi32>, vector<16xi32>], vector<16xf32>,
        %swap3A_631 = arith.constant 1 : i32
        %swap3A_632 = arith.constant 0 : i32
        %swap3A_633 = arith.index_cast %swap3A_631 : i32 to index
        %swap3A_634 = arith.index_cast %swap3A_632 : i32 to index
        %swap3A_635 = arith.index_cast %mul3A_620 : i32 to index
        %swap3A_636 = tpu.vector_load %arg14[%swap3A_633, %swap3A_634, %swap3A_635] {strides = array<i32>} : memref<2x8x3584xf32, #tpu.memory_space<vmem>>, vector<16xf32>,
        tpu.vector_store %arg14[%swap3A_633, %swap3A_634, %swap3A_635], %gather3A_623 {strides = array<i32>} : memref<2x8x3584xf32, #tpu.memory_space<vmem>>, vector<16xf32>,
        %swap3A_637 = arith.constant 1 : i32
        %swap3A_638 = arith.constant 1 : i32
        %swap3A_639 = arith.index_cast %swap3A_637 : i32 to index
        %swap3A_640 = arith.index_cast %swap3A_638 : i32 to index
        %swap3A_641 = arith.index_cast %mul3A_620 : i32 to index
        %swap3A_642 = tpu.vector_load %arg14[%swap3A_639, %swap3A_640, %swap3A_641] {strides = array<i32>} : memref<2x8x3584xf32, #tpu.memory_space<vmem>>, vector<16xf32>,
        tpu.vector_store %arg14[%swap3A_639, %swap3A_640, %swap3A_641], %gather3A_624 {strides = array<i32>} : memref<2x8x3584xf32, #tpu.memory_space<vmem>>, vector<16xf32>,
        %swap3A_643 = arith.constant 1 : i32
        %swap3A_644 = arith.constant 2 : i32
        %swap3A_645 = arith.index_cast %swap3A_643 : i32 to index
        %swap3A_646 = arith.index_cast %swap3A_644 : i32 to index
        %swap3A_647 = arith.index_cast %mul3A_620 : i32 to index
        %swap3A_648 = tpu.vector_load %arg14[%swap3A_645, %swap3A_646, %swap3A_647] {strides = array<i32>} : memref<2x8x3584xf32, #tpu.memory_space<vmem>>, vector<16xf32>,
        tpu.vector_store %arg14[%swap3A_645, %swap3A_646, %swap3A_647], %gather3A_625 {strides = array<i32>} : memref<2x8x3584xf32, #tpu.memory_space<vmem>>, vector<16xf32>,
        %swap3A_649 = arith.constant 1 : i32
        %swap3A_650 = arith.constant 3 : i32
        %swap3A_651 = arith.index_cast %swap3A_649 : i32 to index
        %swap3A_652 = arith.index_cast %swap3A_650 : i32 to index
        %swap3A_653 = arith.index_cast %mul3A_620 : i32 to index
        %swap3A_654 = tpu.vector_load %arg14[%swap3A_651, %swap3A_652, %swap3A_653] {strides = array<i32>} : memref<2x8x3584xf32, #tpu.memory_space<vmem>>, vector<16xf32>,
        tpu.vector_store %arg14[%swap3A_651, %swap3A_652, %swap3A_653], %gather3A_626 {strides = array<i32>} : memref<2x8x3584xf32, #tpu.memory_space<vmem>>, vector<16xf32>,
        %swap3A_655 = arith.constant 1 : i32
        %swap3A_656 = arith.constant 4 : i32
        %swap3A_657 = arith.index_cast %swap3A_655 : i32 to index
        %swap3A_658 = arith.index_cast %swap3A_656 : i32 to index
        %swap3A_659 = arith.index_cast %mul3A_620 : i32 to index
        %swap3A_660 = tpu.vector_load %arg14[%swap3A_657, %swap3A_658, %swap3A_659] {strides = array<i32>} : memref<2x8x3584xf32, #tpu.memory_space<vmem>>, vector<16xf32>,
        tpu.vector_store %arg14[%swap3A_657, %swap3A_658, %swap3A_659], %gather3A_627 {strides = array<i32>} : memref<2x8x3584xf32, #tpu.memory_space<vmem>>, vector<16xf32>,
        %swap3A_661 = arith.constant 1 : i32
        %swap3A_662 = arith.constant 5 : i32
        %swap3A_663 = arith.index_cast %swap3A_661 : i32 to index
        %swap3A_664 = arith.index_cast %swap3A_662 : i32 to index
        %swap3A_665 = arith.index_cast %mul3A_620 : i32 to index
        %swap3A_666 = tpu.vector_load %arg14[%swap3A_663, %swap3A_664, %swap3A_665] {strides = array<i32>} : memref<2x8x3584xf32, #tpu.memory_space<vmem>>, vector<16xf32>,
        tpu.vector_store %arg14[%swap3A_663, %swap3A_664, %swap3A_665], %gather3A_628 {strides = array<i32>} : memref<2x8x3584xf32, #tpu.memory_space<vmem>>, vector<16xf32>,
        %swap3A_667 = arith.constant 1 : i32
        %swap3A_668 = arith.constant 6 : i32
        %swap3A_669 = arith.index_cast %swap3A_667 : i32 to index
        %swap3A_670 = arith.index_cast %swap3A_668 : i32 to index
        %swap3A_671 = arith.index_cast %mul3A_620 : i32 to index
        %swap3A_672 = tpu.vector_load %arg14[%swap3A_669, %swap3A_670, %swap3A_671] {strides = array<i32>} : memref<2x8x3584xf32, #tpu.memory_space<vmem>>, vector<16xf32>,
        tpu.vector_store %arg14[%swap3A_669, %swap3A_670, %swap3A_671], %gather3A_629 {strides = array<i32>} : memref<2x8x3584xf32, #tpu.memory_space<vmem>>, vector<16xf32>,
        %swap3A_673 = arith.constant 1 : i32
        %swap3A_674 = arith.constant 7 : i32
        %swap3A_675 = arith.index_cast %swap3A_673 : i32 to index
        %swap3A_676 = arith.index_cast %swap3A_674 : i32 to index
        %swap3A_677 = arith.index_cast %mul3A_620 : i32 to index
        %swap3A_678 = tpu.vector_load %arg14[%swap3A_675, %swap3A_676, %swap3A_677] {strides = array<i32>} : memref<2x8x3584xf32, #tpu.memory_space<vmem>>, vector<16xf32>,
        tpu.vector_store %arg14[%swap3A_675, %swap3A_676, %swap3A_677], %gather3A_630 {strides = array<i32>} : memref<2x8x3584xf32, #tpu.memory_space<vmem>>, vector<16xf32>,
        %mul3A_679 = arith.constant 8 : i32
        %mul3A_680 = arith.muli %scan3A_425, %mul3A_679 : i32
        %add3A_681 = arith.constant 4 : i32
        %add3A_682 = arith.addi %mul3A_680, %add3A_681 : i32
        %mul3A_683 = arith.constant 16 : i32
        %mul3A_684 = arith.muli %add3A_682, %mul3A_683 : i32
        %get3A_685 = arith.index_cast %mul3A_684 : i32 to index
        %get3A_686 = tpu.vector_load %arg12[%get3A_685] {strides = array<i32>} : memref<3584xi32, #tpu.memory_space<vmem>>, vector<16xi32>,
        %gather3A_687 = tpu.vector_load_idx %arg13[%broadcast_in_dim3A_17, %broadcast_in_dim3A_19, %get3A_686] : memref<2x8x4096xf32, #tpu.memory_space<vmem>>[vector<16xi32>, vector<16xi32>, vector<16xi32>], vector<16xf32>,
        %gather3A_688 = tpu.vector_load_idx %arg13[%broadcast_in_dim3A_17, %broadcast_in_dim3A_21, %get3A_686] : memref<2x8x4096xf32, #tpu.memory_space<vmem>>[vector<16xi32>, vector<16xi32>, vector<16xi32>], vector<16xf32>,
        %gather3A_689 = tpu.vector_load_idx %arg13[%broadcast_in_dim3A_17, %broadcast_in_dim3A_23, %get3A_686] : memref<2x8x4096xf32, #tpu.memory_space<vmem>>[vector<16xi32>, vector<16xi32>, vector<16xi32>], vector<16xf32>,
        %gather3A_690 = tpu.vector_load_idx %arg13[%broadcast_in_dim3A_17, %broadcast_in_dim3A_25, %get3A_686] : memref<2x8x4096xf32, #tpu.memory_space<vmem>>[vector<16xi32>, vector<16xi32>, vector<16xi32>], vector<16xf32>,
        %gather3A_691 = tpu.vector_load_idx %arg13[%broadcast_in_dim3A_17, %broadcast_in_dim3A_27, %get3A_686] : memref<2x8x4096xf32, #tpu.memory_space<vmem>>[vector<16xi32>, vector<16xi32>, vector<16xi32>], vector<16xf32>,
        %gather3A_692 = tpu.vector_load_idx %arg13[%broadcast_in_dim3A_17, %broadcast_in_dim3A_29, %get3A_686] : memref<2x8x4096xf32, #tpu.memory_space<vmem>>[vector<16xi32>, vector<16xi32>, vector<16xi32>], vector<16xf32>,
        %gather3A_693 = tpu.vector_load_idx %arg13[%broadcast_in_dim3A_17, %broadcast_in_dim3A_31, %get3A_686] : memref<2x8x4096xf32, #tpu.memory_space<vmem>>[vector<16xi32>, vector<16xi32>, vector<16xi32>], vector<16xf32>,
        %gather3A_694 = tpu.vector_load_idx %arg13[%broadcast_in_dim3A_17, %broadcast_in_dim3A_33, %get3A_686] : memref<2x8x4096xf32, #tpu.memory_space<vmem>>[vector<16xi32>, vector<16xi32>, vector<16xi32>], vector<16xf32>,
        %swap3A_695 = arith.constant 1 : i32
        %swap3A_696 = arith.constant 0 : i32
        %swap3A_697 = arith.index_cast %swap3A_695 : i32 to index
        %swap3A_698 = arith.index_cast %swap3A_696 : i32 to index
        %swap3A_699 = arith.index_cast %mul3A_684 : i32 to index
        %swap3A_700 = tpu.vector_load %arg14[%swap3A_697, %swap3A_698, %swap3A_699] {strides = array<i32>} : memref<2x8x3584xf32, #tpu.memory_space<vmem>>, vector<16xf32>,
        tpu.vector_store %arg14[%swap3A_697, %swap3A_698, %swap3A_699], %gather3A_687 {strides = array<i32>} : memref<2x8x3584xf32, #tpu.memory_space<vmem>>, vector<16xf32>,
        %swap3A_701 = arith.constant 1 : i32
        %swap3A_702 = arith.constant 1 : i32
        %swap3A_703 = arith.index_cast %swap3A_701 : i32 to index
        %swap3A_704 = arith.index_cast %swap3A_702 : i32 to index
        %swap3A_705 = arith.index_cast %mul3A_684 : i32 to index
        %swap3A_706 = tpu.vector_load %arg14[%swap3A_703, %swap3A_704, %swap3A_705] {strides = array<i32>} : memref<2x8x3584xf32, #tpu.memory_space<vmem>>, vector<16xf32>,
        tpu.vector_store %arg14[%swap3A_703, %swap3A_704, %swap3A_705], %gather3A_688 {strides = array<i32>} : memref<2x8x3584xf32, #tpu.memory_space<vmem>>, vector<16xf32>,
        %swap3A_707 = arith.constant 1 : i32
        %swap3A_708 = arith.constant 2 : i32
        %swap3A_709 = arith.index_cast %swap3A_707 : i32 to index
        %swap3A_710 = arith.index_cast %swap3A_708 : i32 to index
        %swap3A_711 = arith.index_cast %mul3A_684 : i32 to index
        %swap3A_712 = tpu.vector_load %arg14[%swap3A_709, %swap3A_710, %swap3A_711] {strides = array<i32>} : memref<2x8x3584xf32, #tpu.memory_space<vmem>>, vector<16xf32>,
        tpu.vector_store %arg14[%swap3A_709, %swap3A_710, %swap3A_711], %gather3A_689 {strides = array<i32>} : memref<2x8x3584xf32, #tpu.memory_space<vmem>>, vector<16xf32>,
        %swap3A_713 = arith.constant 1 : i32
        %swap3A_714 = arith.constant 3 : i32
        %swap3A_715 = arith.index_cast %swap3A_713 : i32 to index
        %swap3A_716 = arith.index_cast %swap3A_714 : i32 to index
        %swap3A_717 = arith.index_cast %mul3A_684 : i32 to index
        %swap3A_718 = tpu.vector_load %arg14[%swap3A_715, %swap3A_716, %swap3A_717] {strides = array<i32>} : memref<2x8x3584xf32, #tpu.memory_space<vmem>>, vector<16xf32>,
        tpu.vector_store %arg14[%swap3A_715, %swap3A_716, %swap3A_717], %gather3A_690 {strides = array<i32>} : memref<2x8x3584xf32, #tpu.memory_space<vmem>>, vector<16xf32>,
        %swap3A_719 = arith.constant 1 : i32
        %swap3A_720 = arith.constant 4 : i32
        %swap3A_721 = arith.index_cast %swap3A_719 : i32 to index
        %swap3A_722 = arith.index_cast %swap3A_720 : i32 to index
        %swap3A_723 = arith.index_cast %mul3A_684 : i32 to index
        %swap3A_724 = tpu.vector_load %arg14[%swap3A_721, %swap3A_722, %swap3A_723] {strides = array<i32>} : memref<2x8x3584xf32, #tpu.memory_space<vmem>>, vector<16xf32>,
        tpu.vector_store %arg14[%swap3A_721, %swap3A_722, %swap3A_723], %gather3A_691 {strides = array<i32>} : memref<2x8x3584xf32, #tpu.memory_space<vmem>>, vector<16xf32>,
        %swap3A_725 = arith.constant 1 : i32
        %swap3A_726 = arith.constant 5 : i32
        %swap3A_727 = arith.index_cast %swap3A_725 : i32 to index
        %swap3A_728 = arith.index_cast %swap3A_726 : i32 to index
        %swap3A_729 = arith.index_cast %mul3A_684 : i32 to index
        %swap3A_730 = tpu.vector_load %arg14[%swap3A_727, %swap3A_728, %swap3A_729] {strides = array<i32>} : memref<2x8x3584xf32, #tpu.memory_space<vmem>>, vector<16xf32>,
        tpu.vector_store %arg14[%swap3A_727, %swap3A_728, %swap3A_729], %gather3A_692 {strides = array<i32>} : memref<2x8x3584xf32, #tpu.memory_space<vmem>>, vector<16xf32>,
        %swap3A_731 = arith.constant 1 : i32
        %swap3A_732 = arith.constant 6 : i32
        %swap3A_733 = arith.index_cast %swap3A_731 : i32 to index
        %swap3A_734 = arith.index_cast %swap3A_732 : i32 to index
        %swap3A_735 = arith.index_cast %mul3A_684 : i32 to index
        %swap3A_736 = tpu.vector_load %arg14[%swap3A_733, %swap3A_734, %swap3A_735] {strides = array<i32>} : memref<2x8x3584xf32, #tpu.memory_space<vmem>>, vector<16xf32>,
        tpu.vector_store %arg14[%swap3A_733, %swap3A_734, %swap3A_735], %gather3A_693 {strides = array<i32>} : memref<2x8x3584xf32, #tpu.memory_space<vmem>>, vector<16xf32>,
        %swap3A_737 = arith.constant 1 : i32
        %swap3A_738 = arith.constant 7 : i32
        %swap3A_739 = arith.index_cast %swap3A_737 : i32 to index
        %swap3A_740 = arith.index_cast %swap3A_738 : i32 to index
        %swap3A_741 = arith.index_cast %mul3A_684 : i32 to index
        %swap3A_742 = tpu.vector_load %arg14[%swap3A_739, %swap3A_740, %swap3A_741] {strides = array<i32>} : memref<2x8x3584xf32, #tpu.memory_space<vmem>>, vector<16xf32>,
        tpu.vector_store %arg14[%swap3A_739, %swap3A_740, %swap3A_741], %gather3A_694 {strides = array<i32>} : memref<2x8x3584xf32, #tpu.memory_space<vmem>>, vector<16xf32>,
        %mul3A_743 = arith.constant 8 : i32
        %mul3A_744 = arith.muli %scan3A_425, %mul3A_743 : i32
        %add3A_745 = arith.constant 5 : i32
        %add3A_746 = arith.addi %mul3A_744, %add3A_745 : i32
        %mul3A_747 = arith.constant 16 : i32
        %mul3A_748 = arith.muli %add3A_746, %mul3A_747 : i32
        %get3A_749 = arith.index_cast %mul3A_748 : i32 to index
        %get3A_750 = tpu.vector_load %arg12[%get3A_749] {strides = array<i32>} : memref<3584xi32, #tpu.memory_space<vmem>>, vector<16xi32>,
        %gather3A_751 = tpu.vector_load_idx %arg13[%broadcast_in_dim3A_17, %broadcast_in_dim3A_19, %get3A_750] : memref<2x8x4096xf32, #tpu.memory_space<vmem>>[vector<16xi32>, vector<16xi32>, vector<16xi32>], vector<16xf32>,
        %gather3A_752 = tpu.vector_load_idx %arg13[%broadcast_in_dim3A_17, %broadcast_in_dim3A_21, %get3A_750] : memref<2x8x4096xf32, #tpu.memory_space<vmem>>[vector<16xi32>, vector<16xi32>, vector<16xi32>], vector<16xf32>,
        %gather3A_753 = tpu.vector_load_idx %arg13[%broadcast_in_dim3A_17, %broadcast_in_dim3A_23, %get3A_750] : memref<2x8x4096xf32, #tpu.memory_space<vmem>>[vector<16xi32>, vector<16xi32>, vector<16xi32>], vector<16xf32>,
        %gather3A_754 = tpu.vector_load_idx %arg13[%broadcast_in_dim3A_17, %broadcast_in_dim3A_25, %get3A_750] : memref<2x8x4096xf32, #tpu.memory_space<vmem>>[vector<16xi32>, vector<16xi32>, vector<16xi32>], vector<16xf32>,
        %gather3A_755 = tpu.vector_load_idx %arg13[%broadcast_in_dim3A_17, %broadcast_in_dim3A_27, %get3A_750] : memref<2x8x4096xf32, #tpu.memory_space<vmem>>[vector<16xi32>, vector<16xi32>, vector<16xi32>], vector<16xf32>,
        %gather3A_756 = tpu.vector_load_idx %arg13[%broadcast_in_dim3A_17, %broadcast_in_dim3A_29, %get3A_750] : memref<2x8x4096xf32, #tpu.memory_space<vmem>>[vector<16xi32>, vector<16xi32>, vector<16xi32>], vector<16xf32>,
        %gather3A_757 = tpu.vector_load_idx %arg13[%broadcast_in_dim3A_17, %broadcast_in_dim3A_31, %get3A_750] : memref<2x8x4096xf32, #tpu.memory_space<vmem>>[vector<16xi32>, vector<16xi32>, vector<16xi32>], vector<16xf32>,
        %gather3A_758 = tpu.vector_load_idx %arg13[%broadcast_in_dim3A_17, %broadcast_in_dim3A_33, %get3A_750] : memref<2x8x4096xf32, #tpu.memory_space<vmem>>[vector<16xi32>, vector<16xi32>, vector<16xi32>], vector<16xf32>,
        %swap3A_759 = arith.constant 1 : i32
        %swap3A_760 = arith.constant 0 : i32
        %swap3A_761 = arith.index_cast %swap3A_759 : i32 to index
        %swap3A_762 = arith.index_cast %swap3A_760 : i32 to index
        %swap3A_763 = arith.index_cast %mul3A_748 : i32 to index
        %swap3A_764 = tpu.vector_load %arg14[%swap3A_761, %swap3A_762, %swap3A_763] {strides = array<i32>} : memref<2x8x3584xf32, #tpu.memory_space<vmem>>, vector<16xf32>,
        tpu.vector_store %arg14[%swap3A_761, %swap3A_762, %swap3A_763], %gather3A_751 {strides = array<i32>} : memref<2x8x3584xf32, #tpu.memory_space<vmem>>, vector<16xf32>,
        %swap3A_765 = arith.constant 1 : i32
        %swap3A_766 = arith.constant 1 : i32
        %swap3A_767 = arith.index_cast %swap3A_765 : i32 to index
        %swap3A_768 = arith.index_cast %swap3A_766 : i32 to index
        %swap3A_769 = arith.index_cast %mul3A_748 : i32 to index
        %swap3A_770 = tpu.vector_load %arg14[%swap3A_767, %swap3A_768, %swap3A_769] {strides = array<i32>} : memref<2x8x3584xf32, #tpu.memory_space<vmem>>, vector<16xf32>,
        tpu.vector_store %arg14[%swap3A_767, %swap3A_768, %swap3A_769], %gather3A_752 {strides = array<i32>} : memref<2x8x3584xf32, #tpu.memory_space<vmem>>, vector<16xf32>,
        %swap3A_771 = arith.constant 1 : i32
        %swap3A_772 = arith.constant 2 : i32
        %swap3A_773 = arith.index_cast %swap3A_771 : i32 to index
        %swap3A_774 = arith.index_cast %swap3A_772 : i32 to index
        %swap3A_775 = arith.index_cast %mul3A_748 : i32 to index
        %swap3A_776 = tpu.vector_load %arg14[%swap3A_773, %swap3A_774, %swap3A_775] {strides = array<i32>} : memref<2x8x3584xf32, #tpu.memory_space<vmem>>, vector<16xf32>,
        tpu.vector_store %arg14[%swap3A_773, %swap3A_774, %swap3A_775], %gather3A_753 {strides = array<i32>} : memref<2x8x3584xf32, #tpu.memory_space<vmem>>, vector<16xf32>,
        %swap3A_777 = arith.constant 1 : i32
        %swap3A_778 = arith.constant 3 : i32
        %swap3A_779 = arith.index_cast %swap3A_777 : i32 to index
        %swap3A_780 = arith.index_cast %swap3A_778 : i32 to index
        %swap3A_781 = arith.index_cast %mul3A_748 : i32 to index
        %swap3A_782 = tpu.vector_load %arg14[%swap3A_779, %swap3A_780, %swap3A_781] {strides = array<i32>} : memref<2x8x3584xf32, #tpu.memory_space<vmem>>, vector<16xf32>,
        tpu.vector_store %arg14[%swap3A_779, %swap3A_780, %swap3A_781], %gather3A_754 {strides = array<i32>} : memref<2x8x3584xf32, #tpu.memory_space<vmem>>, vector<16xf32>,
        %swap3A_783 = arith.constant 1 : i32
        %swap3A_784 = arith.constant 4 : i32
        %swap3A_785 = arith.index_cast %swap3A_783 : i32 to index
        %swap3A_786 = arith.index_cast %swap3A_784 : i32 to index
        %swap3A_787 = arith.index_cast %mul3A_748 : i32 to index
        %swap3A_788 = tpu.vector_load %arg14[%swap3A_785, %swap3A_786, %swap3A_787] {strides = array<i32>} : memref<2x8x3584xf32, #tpu.memory_space<vmem>>, vector<16xf32>,
        tpu.vector_store %arg14[%swap3A_785, %swap3A_786, %swap3A_787], %gather3A_755 {strides = array<i32>} : memref<2x8x3584xf32, #tpu.memory_space<vmem>>, vector<16xf32>,
        %swap3A_789 = arith.constant 1 : i32
        %swap3A_790 = arith.constant 5 : i32
        %swap3A_791 = arith.index_cast %swap3A_789 : i32 to index
        %swap3A_792 = arith.index_cast %swap3A_790 : i32 to index
        %swap3A_793 = arith.index_cast %mul3A_748 : i32 to index
        %swap3A_794 = tpu.vector_load %arg14[%swap3A_791, %swap3A_792, %swap3A_793] {strides = array<i32>} : memref<2x8x3584xf32, #tpu.memory_space<vmem>>, vector<16xf32>,
        tpu.vector_store %arg14[%swap3A_791, %swap3A_792, %swap3A_793], %gather3A_756 {strides = array<i32>} : memref<2x8x3584xf32, #tpu.memory_space<vmem>>, vector<16xf32>,
        %swap3A_795 = arith.constant 1 : i32
        %swap3A_796 = arith.constant 6 : i32
        %swap3A_797 = arith.index_cast %swap3A_795 : i32 to index
        %swap3A_798 = arith.index_cast %swap3A_796 : i32 to index
        %swap3A_799 = arith.index_cast %mul3A_748 : i32 to index
        %swap3A_800 = tpu.vector_load %arg14[%swap3A_797, %swap3A_798, %swap3A_799] {strides = array<i32>} : memref<2x8x3584xf32, #tpu.memory_space<vmem>>, vector<16xf32>,
        tpu.vector_store %arg14[%swap3A_797, %swap3A_798, %swap3A_799], %gather3A_757 {strides = array<i32>} : memref<2x8x3584xf32, #tpu.memory_space<vmem>>, vector<16xf32>,
        %swap3A_801 = arith.constant 1 : i32
        %swap3A_802 = arith.constant 7 : i32
        %swap3A_803 = arith.index_cast %swap3A_801 : i32 to index
        %swap3A_804 = arith.index_cast %swap3A_802 : i32 to index
        %swap3A_805 = arith.index_cast %mul3A_748 : i32 to index
        %swap3A_806 = tpu.vector_load %arg14[%swap3A_803, %swap3A_804, %swap3A_805] {strides = array<i32>} : memref<2x8x3584xf32, #tpu.memory_space<vmem>>, vector<16xf32>,
        tpu.vector_store %arg14[%swap3A_803, %swap3A_804, %swap3A_805], %gather3A_758 {strides = array<i32>} : memref<2x8x3584xf32, #tpu.memory_space<vmem>>, vector<16xf32>,
        %mul3A_807 = arith.constant 8 : i32
        %mul3A_808 = arith.muli %scan3A_425, %mul3A_807 : i32
        %add3A_809 = arith.constant 6 : i32
        %add3A_810 = arith.addi %mul3A_808, %add3A_809 : i32
        %mul3A_811 = arith.constant 16 : i32
        %mul3A_812 = arith.muli %add3A_810, %mul3A_811 : i32
        %get3A_813 = arith.index_cast %mul3A_812 : i32 to index
        %get3A_814 = tpu.vector_load %arg12[%get3A_813] {strides = array<i32>} : memref<3584xi32, #tpu.memory_space<vmem>>, vector<16xi32>,
        %gather3A_815 = tpu.vector_load_idx %arg13[%broadcast_in_dim3A_17, %broadcast_in_dim3A_19, %get3A_814] : memref<2x8x4096xf32, #tpu.memory_space<vmem>>[vector<16xi32>, vector<16xi32>, vector<16xi32>], vector<16xf32>,
        %gather3A_816 = tpu.vector_load_idx %arg13[%broadcast_in_dim3A_17, %broadcast_in_dim3A_21, %get3A_814] : memref<2x8x4096xf32, #tpu.memory_space<vmem>>[vector<16xi32>, vector<16xi32>, vector<16xi32>], vector<16xf32>,
        %gather3A_817 = tpu.vector_load_idx %arg13[%broadcast_in_dim3A_17, %broadcast_in_dim3A_23, %get3A_814] : memref<2x8x4096xf32, #tpu.memory_space<vmem>>[vector<16xi32>, vector<16xi32>, vector<16xi32>], vector<16xf32>,
        %gather3A_818 = tpu.vector_load_idx %arg13[%broadcast_in_dim3A_17, %broadcast_in_dim3A_25, %get3A_814] : memref<2x8x4096xf32, #tpu.memory_space<vmem>>[vector<16xi32>, vector<16xi32>, vector<16xi32>], vector<16xf32>,
        %gather3A_819 = tpu.vector_load_idx %arg13[%broadcast_in_dim3A_17, %broadcast_in_dim3A_27, %get3A_814] : memref<2x8x4096xf32, #tpu.memory_space<vmem>>[vector<16xi32>, vector<16xi32>, vector<16xi32>], vector<16xf32>,
        %gather3A_820 = tpu.vector_load_idx %arg13[%broadcast_in_dim3A_17, %broadcast_in_dim3A_29, %get3A_814] : memref<2x8x4096xf32, #tpu.memory_space<vmem>>[vector<16xi32>, vector<16xi32>, vector<16xi32>], vector<16xf32>,
        %gather3A_821 = tpu.vector_load_idx %arg13[%broadcast_in_dim3A_17, %broadcast_in_dim3A_31, %get3A_814] : memref<2x8x4096xf32, #tpu.memory_space<vmem>>[vector<16xi32>, vector<16xi32>, vector<16xi32>], vector<16xf32>,
        %gather3A_822 = tpu.vector_load_idx %arg13[%broadcast_in_dim3A_17, %broadcast_in_dim3A_33, %get3A_814] : memref<2x8x4096xf32, #tpu.memory_space<vmem>>[vector<16xi32>, vector<16xi32>, vector<16xi32>], vector<16xf32>,
        %swap3A_823 = arith.constant 1 : i32
        %swap3A_824 = arith.constant 0 : i32
        %swap3A_825 = arith.index_cast %swap3A_823 : i32 to index
        %swap3A_826 = arith.index_cast %swap3A_824 : i32 to index
        %swap3A_827 = arith.index_cast %mul3A_812 : i32 to index
        %swap3A_828 = tpu.vector_load %arg14[%swap3A_825, %swap3A_826, %swap3A_827] {strides = array<i32>} : memref<2x8x3584xf32, #tpu.memory_space<vmem>>, vector<16xf32>,
        tpu.vector_store %arg14[%swap3A_825, %swap3A_826, %swap3A_827], %gather3A_815 {strides = array<i32>} : memref<2x8x3584xf32, #tpu.memory_space<vmem>>, vector<16xf32>,
        %swap3A_829 = arith.constant 1 : i32
        %swap3A_830 = arith.constant 1 : i32
        %swap3A_831 = arith.index_cast %swap3A_829 : i32 to index
        %swap3A_832 = arith.index_cast %swap3A_830 : i32 to index
        %swap3A_833 = arith.index_cast %mul3A_812 : i32 to index
        %swap3A_834 = tpu.vector_load %arg14[%swap3A_831, %swap3A_832, %swap3A_833] {strides = array<i32>} : memref<2x8x3584xf32, #tpu.memory_space<vmem>>, vector<16xf32>,
        tpu.vector_store %arg14[%swap3A_831, %swap3A_832, %swap3A_833], %gather3A_816 {strides = array<i32>} : memref<2x8x3584xf32, #tpu.memory_space<vmem>>, vector<16xf32>,
        %swap3A_835 = arith.constant 1 : i32
        %swap3A_836 = arith.constant 2 : i32
        %swap3A_837 = arith.index_cast %swap3A_835 : i32 to index
        %swap3A_838 = arith.index_cast %swap3A_836 : i32 to index
        %swap3A_839 = arith.index_cast %mul3A_812 : i32 to index
        %swap3A_840 = tpu.vector_load %arg14[%swap3A_837, %swap3A_838, %swap3A_839] {strides = array<i32>} : memref<2x8x3584xf32, #tpu.memory_space<vmem>>, vector<16xf32>,
        tpu.vector_store %arg14[%swap3A_837, %swap3A_838, %swap3A_839], %gather3A_817 {strides = array<i32>} : memref<2x8x3584xf32, #tpu.memory_space<vmem>>, vector<16xf32>,
        %swap3A_841 = arith.constant 1 : i32
        %swap3A_842 = arith.constant 3 : i32
        %swap3A_843 = arith.index_cast %swap3A_841 : i32 to index
        %swap3A_844 = arith.index_cast %swap3A_842 : i32 to index
        %swap3A_845 = arith.index_cast %mul3A_812 : i32 to index
        %swap3A_846 = tpu.vector_load %arg14[%swap3A_843, %swap3A_844, %swap3A_845] {strides = array<i32>} : memref<2x8x3584xf32, #tpu.memory_space<vmem>>, vector<16xf32>,
        tpu.vector_store %arg14[%swap3A_843, %swap3A_844, %swap3A_845], %gather3A_818 {strides = array<i32>} : memref<2x8x3584xf32, #tpu.memory_space<vmem>>, vector<16xf32>,
        %swap3A_847 = arith.constant 1 : i32
        %swap3A_848 = arith.constant 4 : i32
        %swap3A_849 = arith.index_cast %swap3A_847 : i32 to index
        %swap3A_850 = arith.index_cast %swap3A_848 : i32 to index
        %swap3A_851 = arith.index_cast %mul3A_812 : i32 to index
        %swap3A_852 = tpu.vector_load %arg14[%swap3A_849, %swap3A_850, %swap3A_851] {strides = array<i32>} : memref<2x8x3584xf32, #tpu.memory_space<vmem>>, vector<16xf32>,
        tpu.vector_store %arg14[%swap3A_849, %swap3A_850, %swap3A_851], %gather3A_819 {strides = array<i32>} : memref<2x8x3584xf32, #tpu.memory_space<vmem>>, vector<16xf32>,
        %swap3A_853 = arith.constant 1 : i32
        %swap3A_854 = arith.constant 5 : i32
        %swap3A_855 = arith.index_cast %swap3A_853 : i32 to index
        %swap3A_856 = arith.index_cast %swap3A_854 : i32 to index
        %swap3A_857 = arith.index_cast %mul3A_812 : i32 to index
        %swap3A_858 = tpu.vector_load %arg14[%swap3A_855, %swap3A_856, %swap3A_857] {strides = array<i32>} : memref<2x8x3584xf32, #tpu.memory_space<vmem>>, vector<16xf32>,
        tpu.vector_store %arg14[%swap3A_855, %swap3A_856, %swap3A_857], %gather3A_820 {strides = array<i32>} : memref<2x8x3584xf32, #tpu.memory_space<vmem>>, vector<16xf32>,
        %swap3A_859 = arith.constant 1 : i32
        %swap3A_860 = arith.constant 6 : i32
        %swap3A_861 = arith.index_cast %swap3A_859 : i32 to index
        %swap3A_862 = arith.index_cast %swap3A_860 : i32 to index
        %swap3A_863 = arith.index_cast %mul3A_812 : i32 to index
        %swap3A_864 = tpu.vector_load %arg14[%swap3A_861, %swap3A_862, %swap3A_863] {strides = array<i32>} : memref<2x8x3584xf32, #tpu.memory_space<vmem>>, vector<16xf32>,
        tpu.vector_store %arg14[%swap3A_861, %swap3A_862, %swap3A_863], %gather3A_821 {strides = array<i32>} : memref<2x8x3584xf32, #tpu.memory_space<vmem>>, vector<16xf32>,
        %swap3A_865 = arith.constant 1 : i32
        %swap3A_866 = arith.constant 7 : i32
        %swap3A_867 = arith.index_cast %swap3A_865 : i32 to index
        %swap3A_868 = arith.index_cast %swap3A_866 : i32 to index
        %swap3A_869 = arith.index_cast %mul3A_812 : i32 to index
        %swap3A_870 = tpu.vector_load %arg14[%swap3A_867, %swap3A_868, %swap3A_869] {strides = array<i32>} : memref<2x8x3584xf32, #tpu.memory_space<vmem>>, vector<16xf32>,
        tpu.vector_store %arg14[%swap3A_867, %swap3A_868, %swap3A_869], %gather3A_822 {strides = array<i32>} : memref<2x8x3584xf32, #tpu.memory_space<vmem>>, vector<16xf32>,
        %mul3A_871 = arith.constant 8 : i32
        %mul3A_872 = arith.muli %scan3A_425, %mul3A_871 : i32
        %add3A_873 = arith.constant 7 : i32
        %add3A_874 = arith.addi %mul3A_872, %add3A_873 : i32
        %mul3A_875 = arith.constant 16 : i32
        %mul3A_876 = arith.muli %add3A_874, %mul3A_875 : i32
        %get3A_877 = arith.index_cast %mul3A_876 : i32 to index
        %get3A_878 = tpu.vector_load %arg12[%get3A_877] {strides = array<i32>} : memref<3584xi32, #tpu.memory_space<vmem>>, vector<16xi32>,
        %gather3A_879 = tpu.vector_load_idx %arg13[%broadcast_in_dim3A_17, %broadcast_in_dim3A_19, %get3A_878] : memref<2x8x4096xf32, #tpu.memory_space<vmem>>[vector<16xi32>, vector<16xi32>, vector<16xi32>], vector<16xf32>,
        %gather3A_880 = tpu.vector_load_idx %arg13[%broadcast_in_dim3A_17, %broadcast_in_dim3A_21, %get3A_878] : memref<2x8x4096xf32, #tpu.memory_space<vmem>>[vector<16xi32>, vector<16xi32>, vector<16xi32>], vector<16xf32>,
        %gather3A_881 = tpu.vector_load_idx %arg13[%broadcast_in_dim3A_17, %broadcast_in_dim3A_23, %get3A_878] : memref<2x8x4096xf32, #tpu.memory_space<vmem>>[vector<16xi32>, vector<16xi32>, vector<16xi32>], vector<16xf32>,
        %gather3A_882 = tpu.vector_load_idx %arg13[%broadcast_in_dim3A_17, %broadcast_in_dim3A_25, %get3A_878] : memref<2x8x4096xf32, #tpu.memory_space<vmem>>[vector<16xi32>, vector<16xi32>, vector<16xi32>], vector<16xf32>,
        %gather3A_883 = tpu.vector_load_idx %arg13[%broadcast_in_dim3A_17, %broadcast_in_dim3A_27, %get3A_878] : memref<2x8x4096xf32, #tpu.memory_space<vmem>>[vector<16xi32>, vector<16xi32>, vector<16xi32>], vector<16xf32>,
        %gather3A_884 = tpu.vector_load_idx %arg13[%broadcast_in_dim3A_17, %broadcast_in_dim3A_29, %get3A_878] : memref<2x8x4096xf32, #tpu.memory_space<vmem>>[vector<16xi32>, vector<16xi32>, vector<16xi32>], vector<16xf32>,
        %gather3A_885 = tpu.vector_load_idx %arg13[%broadcast_in_dim3A_17, %broadcast_in_dim3A_31, %get3A_878] : memref<2x8x4096xf32, #tpu.memory_space<vmem>>[vector<16xi32>, vector<16xi32>, vector<16xi32>], vector<16xf32>,
        %gather3A_886 = tpu.vector_load_idx %arg13[%broadcast_in_dim3A_17, %broadcast_in_dim3A_33, %get3A_878] : memref<2x8x4096xf32, #tpu.memory_space<vmem>>[vector<16xi32>, vector<16xi32>, vector<16xi32>], vector<16xf32>,
        %swap3A_887 = arith.constant 1 : i32
        %swap3A_888 = arith.constant 0 : i32
        %swap3A_889 = arith.index_cast %swap3A_887 : i32 to index
        %swap3A_890 = arith.index_cast %swap3A_888 : i32 to index
        %swap3A_891 = arith.index_cast %mul3A_876 : i32 to index
        %swap3A_892 = tpu.vector_load %arg14[%swap3A_889, %swap3A_890, %swap3A_891] {strides = array<i32>} : memref<2x8x3584xf32, #tpu.memory_space<vmem>>, vector<16xf32>,
        tpu.vector_store %arg14[%swap3A_889, %swap3A_890, %swap3A_891], %gather3A_879 {strides = array<i32>} : memref<2x8x3584xf32, #tpu.memory_space<vmem>>, vector<16xf32>,
        %swap3A_893 = arith.constant 1 : i32
        %swap3A_894 = arith.constant 1 : i32
        %swap3A_895 = arith.index_cast %swap3A_893 : i32 to index
        %swap3A_896 = arith.index_cast %swap3A_894 : i32 to index
        %swap3A_897 = arith.index_cast %mul3A_876 : i32 to index
        %swap3A_898 = tpu.vector_load %arg14[%swap3A_895, %swap3A_896, %swap3A_897] {strides = array<i32>} : memref<2x8x3584xf32, #tpu.memory_space<vmem>>, vector<16xf32>,
        tpu.vector_store %arg14[%swap3A_895, %swap3A_896, %swap3A_897], %gather3A_880 {strides = array<i32>} : memref<2x8x3584xf32, #tpu.memory_space<vmem>>, vector<16xf32>,
        %swap3A_899 = arith.constant 1 : i32
        %swap3A_900 = arith.constant 2 : i32
        %swap3A_901 = arith.index_cast %swap3A_899 : i32 to index
        %swap3A_902 = arith.index_cast %swap3A_900 : i32 to index
        %swap3A_903 = arith.index_cast %mul3A_876 : i32 to index
        %swap3A_904 = tpu.vector_load %arg14[%swap3A_901, %swap3A_902, %swap3A_903] {strides = array<i32>} : memref<2x8x3584xf32, #tpu.memory_space<vmem>>, vector<16xf32>,
        tpu.vector_store %arg14[%swap3A_901, %swap3A_902, %swap3A_903], %gather3A_881 {strides = array<i32>} : memref<2x8x3584xf32, #tpu.memory_space<vmem>>, vector<16xf32>,
        %swap3A_905 = arith.constant 1 : i32
        %swap3A_906 = arith.constant 3 : i32
        %swap3A_907 = arith.index_cast %swap3A_905 : i32 to index
        %swap3A_908 = arith.index_cast %swap3A_906 : i32 to index
        %swap3A_909 = arith.index_cast %mul3A_876 : i32 to index
        %swap3A_910 = tpu.vector_load %arg14[%swap3A_907, %swap3A_908, %swap3A_909] {strides = array<i32>} : memref<2x8x3584xf32, #tpu.memory_space<vmem>>, vector<16xf32>,
        tpu.vector_store %arg14[%swap3A_907, %swap3A_908, %swap3A_909], %gather3A_882 {strides = array<i32>} : memref<2x8x3584xf32, #tpu.memory_space<vmem>>, vector<16xf32>,
        %swap3A_911 = arith.constant 1 : i32
        %swap3A_912 = arith.constant 4 : i32
        %swap3A_913 = arith.index_cast %swap3A_911 : i32 to index
        %swap3A_914 = arith.index_cast %swap3A_912 : i32 to index
        %swap3A_915 = arith.index_cast %mul3A_876 : i32 to index
        %swap3A_916 = tpu.vector_load %arg14[%swap3A_913, %swap3A_914, %swap3A_915] {strides = array<i32>} : memref<2x8x3584xf32, #tpu.memory_space<vmem>>, vector<16xf32>,
        tpu.vector_store %arg14[%swap3A_913, %swap3A_914, %swap3A_915], %gather3A_883 {strides = array<i32>} : memref<2x8x3584xf32, #tpu.memory_space<vmem>>, vector<16xf32>,
        %swap3A_917 = arith.constant 1 : i32
        %swap3A_918 = arith.constant 5 : i32
        %swap3A_919 = arith.index_cast %swap3A_917 : i32 to index
        %swap3A_920 = arith.index_cast %swap3A_918 : i32 to index
        %swap3A_921 = arith.index_cast %mul3A_876 : i32 to index
        %swap3A_922 = tpu.vector_load %arg14[%swap3A_919, %swap3A_920, %swap3A_921] {strides = array<i32>} : memref<2x8x3584xf32, #tpu.memory_space<vmem>>, vector<16xf32>,
        tpu.vector_store %arg14[%swap3A_919, %swap3A_920, %swap3A_921], %gather3A_884 {strides = array<i32>} : memref<2x8x3584xf32, #tpu.memory_space<vmem>>, vector<16xf32>,
        %swap3A_923 = arith.constant 1 : i32
        %swap3A_924 = arith.constant 6 : i32
        %swap3A_925 = arith.index_cast %swap3A_923 : i32 to index
        %swap3A_926 = arith.index_cast %swap3A_924 : i32 to index
        %swap3A_927 = arith.index_cast %mul3A_876 : i32 to index
        %swap3A_928 = tpu.vector_load %arg14[%swap3A_925, %swap3A_926, %swap3A_927] {strides = array<i32>} : memref<2x8x3584xf32, #tpu.memory_space<vmem>>, vector<16xf32>,
        tpu.vector_store %arg14[%swap3A_925, %swap3A_926, %swap3A_927], %gather3A_885 {strides = array<i32>} : memref<2x8x3584xf32, #tpu.memory_space<vmem>>, vector<16xf32>,
        %swap3A_929 = arith.constant 1 : i32
        %swap3A_930 = arith.constant 7 : i32
        %swap3A_931 = arith.index_cast %swap3A_929 : i32 to index
        %swap3A_932 = arith.index_cast %swap3A_930 : i32 to index
        %swap3A_933 = arith.index_cast %mul3A_876 : i32 to index
        %swap3A_934 = tpu.vector_load %arg14[%swap3A_931, %swap3A_932, %swap3A_933] {strides = array<i32>} : memref<2x8x3584xf32, #tpu.memory_space<vmem>>, vector<16xf32>,
        tpu.vector_store %arg14[%swap3A_931, %swap3A_932, %swap3A_933], %gather3A_886 {strides = array<i32>} : memref<2x8x3584xf32, #tpu.memory_space<vmem>>, vector<16xf32>,
      }
      %scan3A_404 = arith.constant 28 : i32
      %add3A_405 = arith.addi %select_n3A, %add3A_356 : i32
      %sub3A_406 = arith.constant 1 : i32
      %sub3A_407 = arith.subi %select_n3A_79, %sub3A_406 : i32
      %min3A_408 = arith.minsi %add3A_405, %sub3A_407 : i32
      %mul3A_409 = arith.constant 8 : i32
      %mul3A_410 = arith.muli %mul3A_409, %min3A_408 : i32
      %multiple_of3A_411 = tpu.assume_multiple %mul3A_410, 8 : i32
      %dma_start3A_412 = arith.constant 1 : i32
      %dma_start3A_413 = arith.constant 0 : i32
      %dma_start3A_414 = arith.constant 0 : i32
      %dma_start3A_415 = tpu.memref_slice %arg14[%dma_start3A_412, %dma_start3A_413, %dma_start3A_414] : memref<2x8x3584xf32, #tpu.memory_space<vmem>> -> memref<1x8x3584xf32, #tpu.memory_space<vmem>>
      %dma_start3A_416 = tpu.memref_squeeze %dma_start3A_415 : memref<1x8x3584xf32, #tpu.memory_space<vmem>> -> memref<8x3584xf32, #tpu.memory_space<vmem>>
      %dma_start3A_417 = arith.constant 0 : i32
      %dma_start3A_418 = tpu.memref_slice %arg7[%multiple_of3A_411, %dma_start3A_417] : memref<7781x3584xf32, #tpu.memory_space<hbm>> -> memref<8x3584xf32, #tpu.memory_space<hbm>>
      %dma_start3A_419 = arith.constant 0 : i32
      %dma_start3A_420 = tpu.memref_slice %arg7[%multiple_of3A_411, %dma_start3A_419] : memref<7781x3584xf32, #tpu.memory_space<hbm>> -> memref<8x3584xf32, #tpu.memory_space<hbm>>
      %dma_start3A_421 = arith.constant 0 : i32
      %dma_start3A_422 = arith.constant 0 : i32
      %dma_start3A_423 = tpu.memref_slice %arg14[%dma_start3A_412, %dma_start3A_421, %dma_start3A_422] : memref<2x8x3584xf32, #tpu.memory_space<vmem>> -> memref<1x8x3584xf32, #tpu.memory_space<vmem>>
      %dma_start3A_424 = tpu.memref_squeeze %dma_start3A_423 : memref<1x8x3584xf32, #tpu.memory_space<vmem>> -> memref<8x3584xf32, #tpu.memory_space<vmem>>
      tpu.enqueue_dma source(%dma_start3A_424 : memref<8x3584xf32, #tpu.memory_space<vmem>>) target(%dma_start3A_420 : memref<8x3584xf32, #tpu.memory_space<hbm>>) target_semaphore(%arg16 : memref<!tpu.dma_semaphore, #tpu.memory_space<semaphore_mem>>)
    }
    %scan3A_103 = arith.constant 16 : i32
    %dma_wait3A = arith.constant 0 : i32
    %dma_wait3A_104 = arith.constant 0 : i32
    %dma_wait3A_105 = arith.constant 0 : i32
    %dma_wait3A_106 = tpu.memref_slice %arg13[%dma_wait3A, %dma_wait3A_104, %dma_wait3A_105] : memref<2x8x4096xf32, #tpu.memory_space<vmem>> -> memref<1x8x4096xf32, #tpu.memory_space<vmem>>
    %dma_wait3A_107 = tpu.memref_squeeze %dma_wait3A_106 : memref<1x8x4096xf32, #tpu.memory_space<vmem>> -> memref<8x4096xf32, #tpu.memory_space<vmem>>
    %dma_wait3A_108 = arith.constant 0 : i32
    %dma_wait3A_109 = arith.constant 0 : i32
    %dma_wait3A_110 = tpu.memref_slice %arg3[%dma_wait3A_108, %dma_wait3A_109] : memref<7781x4096xf32, #tpu.memory_space<hbm>> -> memref<8x4096xf32, #tpu.memory_space<hbm>>
    %dma_wait3A_111 = arith.constant 0 : i32
    %dma_wait3A_112 = arith.constant 0 : i32
    %dma_wait3A_113 = tpu.memref_slice %arg13[%dma_wait3A, %dma_wait3A_111, %dma_wait3A_112] : memref<2x8x4096xf32, #tpu.memory_space<vmem>> -> memref<1x8x4096xf32, #tpu.memory_space<vmem>>
    %dma_wait3A_114 = tpu.memref_squeeze %dma_wait3A_113 : memref<1x8x4096xf32, #tpu.memory_space<vmem>> -> memref<8x4096xf32, #tpu.memory_space<vmem>>
    %dma_wait3A_115 = arith.constant 0 : i32
    %dma_wait3A_116 = arith.constant 0 : i32
    %dma_wait3A_117 = tpu.memref_slice %arg3[%dma_wait3A_115, %dma_wait3A_116] : memref<7781x4096xf32, #tpu.memory_space<hbm>> -> memref<8x4096xf32, #tpu.memory_space<hbm>>
    tpu.wait_dma2 semaphore(%arg15 : memref<!tpu.dma_semaphore, #tpu.memory_space<semaphore_mem>>) src(%dma_wait3A_117 : memref<8x4096xf32, #tpu.memory_space<hbm>>) dst(%dma_wait3A_114 : memref<8x4096xf32, #tpu.memory_space<vmem>>)
    %dma_wait3A_118 = arith.constant 0 : i32
    %dma_wait3A_119 = arith.constant 0 : i32
    %dma_wait3A_120 = arith.constant 0 : i32
    %dma_wait3A_121 = tpu.memref_slice %arg14[%dma_wait3A_118, %dma_wait3A_119, %dma_wait3A_120] : memref<2x8x3584xf32, #tpu.memory_space<vmem>> -> memref<1x8x3584xf32, #tpu.memory_space<vmem>>
    %dma_wait3A_122 = tpu.memref_squeeze %dma_wait3A_121 : memref<1x8x3584xf32, #tpu.memory_space<vmem>> -> memref<8x3584xf32, #tpu.memory_space<vmem>>
    %dma_wait3A_123 = arith.constant 0 : i32
    %dma_wait3A_124 = arith.constant 0 : i32
    %dma_wait3A_125 = tpu.memref_slice %arg7[%dma_wait3A_123, %dma_wait3A_124] : memref<7781x3584xf32, #tpu.memory_space<hbm>> -> memref<8x3584xf32, #tpu.memory_space<hbm>>
    %dma_wait3A_126 = arith.constant 0 : i32
    %dma_wait3A_127 = arith.constant 0 : i32
    %dma_wait3A_128 = tpu.memref_slice %arg14[%dma_wait3A_118, %dma_wait3A_126, %dma_wait3A_127] : memref<2x8x3584xf32, #tpu.memory_space<vmem>> -> memref<1x8x3584xf32, #tpu.memory_space<vmem>>
    %dma_wait3A_129 = tpu.memref_squeeze %dma_wait3A_128 : memref<1x8x3584xf32, #tpu.memory_space<vmem>> -> memref<8x3584xf32, #tpu.memory_space<vmem>>
    %dma_wait3A_130 = arith.constant 0 : i32
    %dma_wait3A_131 = arith.constant 0 : i32
    %dma_wait3A_132 = tpu.memref_slice %arg7[%dma_wait3A_130, %dma_wait3A_131] : memref<7781x3584xf32, #tpu.memory_space<hbm>> -> memref<8x3584xf32, #tpu.memory_space<hbm>>
    tpu.wait_dma2 semaphore(%arg16 : memref<!tpu.dma_semaphore, #tpu.memory_space<semaphore_mem>>) src(%dma_wait3A_132 : memref<8x3584xf32, #tpu.memory_space<hbm>>) dst(%dma_wait3A_129 : memref<8x3584xf32, #tpu.memory_space<vmem>>)
    %dma_wait3A_133 = arith.constant 0 : i32
    %dma_wait3A_134 = arith.constant 0 : i32
    %dma_wait3A_135 = arith.constant 0 : i32
    %dma_wait3A_136 = tpu.memref_slice %arg14[%dma_wait3A_133, %dma_wait3A_134, %dma_wait3A_135] : memref<2x8x3584xf32, #tpu.memory_space<vmem>> -> memref<1x8x3584xf32, #tpu.memory_space<vmem>>
    %dma_wait3A_137 = tpu.memref_squeeze %dma_wait3A_136 : memref<1x8x3584xf32, #tpu.memory_space<vmem>> -> memref<8x3584xf32, #tpu.memory_space<vmem>>
    %dma_wait3A_138 = arith.constant 0 : i32
    %dma_wait3A_139 = arith.constant 0 : i32
    %dma_wait3A_140 = tpu.memref_slice %arg7[%dma_wait3A_138, %dma_wait3A_139] : memref<7781x3584xf32, #tpu.memory_space<hbm>> -> memref<8x3584xf32, #tpu.memory_space<hbm>>
    %dma_wait3A_141 = arith.constant 0 : i32
    %dma_wait3A_142 = arith.constant 0 : i32
    %dma_wait3A_143 = tpu.memref_slice %arg14[%dma_wait3A_133, %dma_wait3A_141, %dma_wait3A_142] : memref<2x8x3584xf32, #tpu.memory_space<vmem>> -> memref<1x8x3584xf32, #tpu.memory_space<vmem>>
    %dma_wait3A_144 = tpu.memref_squeeze %dma_wait3A_143 : memref<1x8x3584xf32, #tpu.memory_space<vmem>> -> memref<8x3584xf32, #tpu.memory_space<vmem>>
    %dma_wait3A_145 = arith.constant 0 : i32
    %dma_wait3A_146 = arith.constant 0 : i32
    %dma_wait3A_147 = tpu.memref_slice %arg7[%dma_wait3A_145, %dma_wait3A_146] : memref<7781x3584xf32, #tpu.memory_space<hbm>> -> memref<8x3584xf32, #tpu.memory_space<hbm>>
    tpu.wait_dma2 semaphore(%arg16 : memref<!tpu.dma_semaphore, #tpu.memory_space<semaphore_mem>>) src(%dma_wait3A_147 : memref<8x3584xf32, #tpu.memory_space<hbm>>) dst(%dma_wait3A_144 : memref<8x3584xf32, #tpu.memory_space<vmem>>)
    %eq3A = arith.constant 0 : i32
    %eq3A_148 = arith.cmpi eq, %add3A, %eq3A : i32
    %convert_element_type3A = arith.extui %eq3A_148 : i1 to i32
    %cond3A = arith.constant 0 : i32
    %cond3A_149 = arith.cmpi ne, %convert_element_type3A, %cond3A : i32
    scf.if %cond3A_149 {
      %run_scoped3A = arith.constant 0 : i32
      "tpu.region"() ({
        %run_scoped3A_288 = tpu.sem_alloc : memref<!tpu.dma_semaphore, #tpu.memory_space<semaphore_mem>>
        %dma_start3A_289 = arith.constant 0 : i32
        %dma_start3A_290 = arith.constant 0 : i32
        %dma_start3A_291 = tpu.memref_slice %arg13[%run_scoped3A, %dma_start3A_289, %dma_start3A_290] : memref<2x8x4096xf32, #tpu.memory_space<vmem>> -> memref<1x5x4096xf32, #tpu.memory_space<vmem>>
        %dma_start3A_292 = tpu.memref_squeeze %dma_start3A_291 : memref<1x5x4096xf32, #tpu.memory_space<vmem>> -> memref<5x4096xf32, #tpu.memory_space<vmem>>
        %dma_start3A_293 = arith.constant 7776 : i32
        %dma_start3A_294 = arith.constant 0 : i32
        %dma_start3A_295 = tpu.memref_slice %arg3[%dma_start3A_293, %dma_start3A_294] : memref<7781x4096xf32, #tpu.memory_space<hbm>> -> memref<5x4096xf32, #tpu.memory_space<hbm>>
        %dma_start3A_296 = arith.constant 0 : i32
        %dma_start3A_297 = arith.constant 0 : i32
        %dma_start3A_298 = tpu.memref_slice %arg13[%run_scoped3A, %dma_start3A_296, %dma_start3A_297] : memref<2x8x4096xf32, #tpu.memory_space<vmem>> -> memref<1x5x4096xf32, #tpu.memory_space<vmem>>
        %dma_start3A_299 = tpu.memref_squeeze %dma_start3A_298 : memref<1x5x4096xf32, #tpu.memory_space<vmem>> -> memref<5x4096xf32, #tpu.memory_space<vmem>>
        %dma_start3A_300 = arith.constant 7776 : i32
        %dma_start3A_301 = arith.constant 0 : i32
        %dma_start3A_302 = tpu.memref_slice %arg3[%dma_start3A_300, %dma_start3A_301] : memref<7781x4096xf32, #tpu.memory_space<hbm>> -> memref<5x4096xf32, #tpu.memory_space<hbm>>
        tpu.enqueue_dma source(%dma_start3A_302 : memref<5x4096xf32, #tpu.memory_space<hbm>>) target(%dma_start3A_299 : memref<5x4096xf32, #tpu.memory_space<vmem>>) target_semaphore(%run_scoped3A_288 : memref<!tpu.dma_semaphore, #tpu.memory_space<semaphore_mem>>)
        %dma_wait3A_303 = arith.constant 0 : i32
        %dma_wait3A_304 = arith.constant 0 : i32
        %dma_wait3A_305 = tpu.memref_slice %arg13[%run_scoped3A, %dma_wait3A_303, %dma_wait3A_304] : memref<2x8x4096xf32, #tpu.memory_space<vmem>> -> memref<1x5x4096xf32, #tpu.memory_space<vmem>>
        %dma_wait3A_306 = tpu.memref_squeeze %dma_wait3A_305 : memref<1x5x4096xf32, #tpu.memory_space<vmem>> -> memref<5x4096xf32, #tpu.memory_space<vmem>>
        %dma_wait3A_307 = arith.constant 7776 : i32
        %dma_wait3A_308 = arith.constant 0 : i32
        %dma_wait3A_309 = tpu.memref_slice %arg3[%dma_wait3A_307, %dma_wait3A_308] : memref<7781x4096xf32, #tpu.memory_space<hbm>> -> memref<5x4096xf32, #tpu.memory_space<hbm>>
        %dma_wait3A_310 = arith.constant 0 : i32
        %dma_wait3A_311 = arith.constant 0 : i32
        %dma_wait3A_312 = tpu.memref_slice %arg13[%run_scoped3A, %dma_wait3A_310, %dma_wait3A_311] : memref<2x8x4096xf32, #tpu.memory_space<vmem>> -> memref<1x5x4096xf32, #tpu.memory_space<vmem>>
        %dma_wait3A_313 = tpu.memref_squeeze %dma_wait3A_312 : memref<1x5x4096xf32, #tpu.memory_space<vmem>> -> memref<5x4096xf32, #tpu.memory_space<vmem>>
        %dma_wait3A_314 = arith.constant 7776 : i32
        %dma_wait3A_315 = arith.constant 0 : i32
        %dma_wait3A_316 = tpu.memref_slice %arg3[%dma_wait3A_314, %dma_wait3A_315] : memref<7781x4096xf32, #tpu.memory_space<hbm>> -> memref<5x4096xf32, #tpu.memory_space<hbm>>
        tpu.wait_dma2 semaphore(%run_scoped3A_288 : memref<!tpu.dma_semaphore, #tpu.memory_space<semaphore_mem>>) src(%dma_wait3A_316 : memref<5x4096xf32, #tpu.memory_space<hbm>>) dst(%dma_wait3A_313 : memref<5x4096xf32, #tpu.memory_space<vmem>>)
        tpu.yield
      }) : () -> ()
      %scan3A_281 = arith.constant 0 : i32
      %scan3A_282 = arith.constant 0 : i32
      %scan3A_283 = arith.constant 224 : i32
      %scan3A_284 = arith.addi %scan3A_282, %scan3A_283 : i32
      %scan3A_285 = arith.constant 1 : i32
      scf.for %scan3A_288 = %scan3A_282 to %scan3A_284 step %scan3A_285  : i32 {
        %mul3A_289 = arith.constant 16 : i32
        %mul3A_290 = arith.muli %scan3A_288, %mul3A_289 : i32
        %get3A = arith.index_cast %mul3A_290 : i32 to index
        %get3A_291 = tpu.vector_load %arg12[%get3A] {strides = array<i32>} : memref<3584xi32, #tpu.memory_space<vmem>>, vector<16xi32>,
        %gather3A = tpu.vector_load_idx %arg13[%broadcast_in_dim3A_15, %broadcast_in_dim3A_19, %get3A_291] : memref<2x8x4096xf32, #tpu.memory_space<vmem>>[vector<16xi32>, vector<16xi32>, vector<16xi32>], vector<16xf32>,
        %mul3A_292 = arith.constant 16 : i32
        %mul3A_293 = arith.muli %scan3A_288, %mul3A_292 : i32
        %swap3A = arith.constant 0 : i32
        %swap3A_294 = arith.constant 0 : i32
        %swap3A_295 = arith.index_cast %swap3A : i32 to index
        %swap3A_296 = arith.index_cast %swap3A_294 : i32 to index
        %swap3A_297 = arith.index_cast %mul3A_293 : i32 to index
        %swap3A_298 = tpu.vector_load %arg14[%swap3A_295, %swap3A_296, %swap3A_297] {strides = array<i32>} : memref<2x8x3584xf32, #tpu.memory_space<vmem>>, vector<16xf32>,
        tpu.vector_store %arg14[%swap3A_295, %swap3A_296, %swap3A_297], %gather3A {strides = array<i32>} : memref<2x8x3584xf32, #tpu.memory_space<vmem>>, vector<16xf32>,
        %gather3A_299 = tpu.vector_load_idx %arg13[%broadcast_in_dim3A_15, %broadcast_in_dim3A_21, %get3A_291] : memref<2x8x4096xf32, #tpu.memory_space<vmem>>[vector<16xi32>, vector<16xi32>, vector<16xi32>], vector<16xf32>,
        %mul3A_300 = arith.constant 16 : i32
        %mul3A_301 = arith.muli %scan3A_288, %mul3A_300 : i32
        %swap3A_302 = arith.constant 0 : i32
        %swap3A_303 = arith.constant 1 : i32
        %swap3A_304 = arith.index_cast %swap3A_302 : i32 to index
        %swap3A_305 = arith.index_cast %swap3A_303 : i32 to index
        %swap3A_306 = arith.index_cast %mul3A_301 : i32 to index
        %swap3A_307 = tpu.vector_load %arg14[%swap3A_304, %swap3A_305, %swap3A_306] {strides = array<i32>} : memref<2x8x3584xf32, #tpu.memory_space<vmem>>, vector<16xf32>,
        tpu.vector_store %arg14[%swap3A_304, %swap3A_305, %swap3A_306], %gather3A_299 {strides = array<i32>} : memref<2x8x3584xf32, #tpu.memory_space<vmem>>, vector<16xf32>,
        %gather3A_308 = tpu.vector_load_idx %arg13[%broadcast_in_dim3A_15, %broadcast_in_dim3A_23, %get3A_291] : memref<2x8x4096xf32, #tpu.memory_space<vmem>>[vector<16xi32>, vector<16xi32>, vector<16xi32>], vector<16xf32>,
        %mul3A_309 = arith.constant 16 : i32
        %mul3A_310 = arith.muli %scan3A_288, %mul3A_309 : i32
        %swap3A_311 = arith.constant 0 : i32
        %swap3A_312 = arith.constant 2 : i32
        %swap3A_313 = arith.index_cast %swap3A_311 : i32 to index
        %swap3A_314 = arith.index_cast %swap3A_312 : i32 to index
        %swap3A_315 = arith.index_cast %mul3A_310 : i32 to index
        %swap3A_316 = tpu.vector_load %arg14[%swap3A_313, %swap3A_314, %swap3A_315] {strides = array<i32>} : memref<2x8x3584xf32, #tpu.memory_space<vmem>>, vector<16xf32>,
        tpu.vector_store %arg14[%swap3A_313, %swap3A_314, %swap3A_315], %gather3A_308 {strides = array<i32>} : memref<2x8x3584xf32, #tpu.memory_space<vmem>>, vector<16xf32>,
        %gather3A_317 = tpu.vector_load_idx %arg13[%broadcast_in_dim3A_15, %broadcast_in_dim3A_25, %get3A_291] : memref<2x8x4096xf32, #tpu.memory_space<vmem>>[vector<16xi32>, vector<16xi32>, vector<16xi32>], vector<16xf32>,
        %mul3A_318 = arith.constant 16 : i32
        %mul3A_319 = arith.muli %scan3A_288, %mul3A_318 : i32
        %swap3A_320 = arith.constant 0 : i32
        %swap3A_321 = arith.constant 3 : i32
        %swap3A_322 = arith.index_cast %swap3A_320 : i32 to index
        %swap3A_323 = arith.index_cast %swap3A_321 : i32 to index
        %swap3A_324 = arith.index_cast %mul3A_319 : i32 to index
        %swap3A_325 = tpu.vector_load %arg14[%swap3A_322, %swap3A_323, %swap3A_324] {strides = array<i32>} : memref<2x8x3584xf32, #tpu.memory_space<vmem>>, vector<16xf32>,
        tpu.vector_store %arg14[%swap3A_322, %swap3A_323, %swap3A_324], %gather3A_317 {strides = array<i32>} : memref<2x8x3584xf32, #tpu.memory_space<vmem>>, vector<16xf32>,
        %gather3A_326 = tpu.vector_load_idx %arg13[%broadcast_in_dim3A_15, %broadcast_in_dim3A_27, %get3A_291] : memref<2x8x4096xf32, #tpu.memory_space<vmem>>[vector<16xi32>, vector<16xi32>, vector<16xi32>], vector<16xf32>,
        %mul3A_327 = arith.constant 16 : i32
        %mul3A_328 = arith.muli %scan3A_288, %mul3A_327 : i32
        %swap3A_329 = arith.constant 0 : i32
        %swap3A_330 = arith.constant 4 : i32
        %swap3A_331 = arith.index_cast %swap3A_329 : i32 to index
        %swap3A_332 = arith.index_cast %swap3A_330 : i32 to index
        %swap3A_333 = arith.index_cast %mul3A_328 : i32 to index
        %swap3A_334 = tpu.vector_load %arg14[%swap3A_331, %swap3A_332, %swap3A_333] {strides = array<i32>} : memref<2x8x3584xf32, #tpu.memory_space<vmem>>, vector<16xf32>,
        tpu.vector_store %arg14[%swap3A_331, %swap3A_332, %swap3A_333], %gather3A_326 {strides = array<i32>} : memref<2x8x3584xf32, #tpu.memory_space<vmem>>, vector<16xf32>,
      }
      %scan3A_286 = arith.constant 224 : i32
      %run_scoped3A_287 = arith.constant 0 : i32
      "tpu.region"() ({
        %run_scoped3A_288 = tpu.sem_alloc : memref<!tpu.dma_semaphore, #tpu.memory_space<semaphore_mem>>
        %dma_start3A_289 = arith.constant 0 : i32
        %dma_start3A_290 = arith.constant 0 : i32
        %dma_start3A_291 = tpu.memref_slice %arg14[%run_scoped3A_287, %dma_start3A_289, %dma_start3A_290] : memref<2x8x3584xf32, #tpu.memory_space<vmem>> -> memref<1x5x3584xf32, #tpu.memory_space<vmem>>
        %dma_start3A_292 = tpu.memref_squeeze %dma_start3A_291 : memref<1x5x3584xf32, #tpu.memory_space<vmem>> -> memref<5x3584xf32, #tpu.memory_space<vmem>>
        %dma_start3A_293 = arith.constant 7776 : i32
        %dma_start3A_294 = arith.constant 0 : i32
        %dma_start3A_295 = tpu.memref_slice %arg7[%dma_start3A_293, %dma_start3A_294] : memref<7781x3584xf32, #tpu.memory_space<hbm>> -> memref<5x3584xf32, #tpu.memory_space<hbm>>
        %dma_start3A_296 = arith.constant 7776 : i32
        %dma_start3A_297 = arith.constant 0 : i32
        %dma_start3A_298 = tpu.memref_slice %arg7[%dma_start3A_296, %dma_start3A_297] : memref<7781x3584xf32, #tpu.memory_space<hbm>> -> memref<5x3584xf32, #tpu.memory_space<hbm>>
        %dma_start3A_299 = arith.constant 0 : i32
        %dma_start3A_300 = arith.constant 0 : i32
        %dma_start3A_301 = tpu.memref_slice %arg14[%run_scoped3A_287, %dma_start3A_299, %dma_start3A_300] : memref<2x8x3584xf32, #tpu.memory_space<vmem>> -> memref<1x5x3584xf32, #tpu.memory_space<vmem>>
        %dma_start3A_302 = tpu.memref_squeeze %dma_start3A_301 : memref<1x5x3584xf32, #tpu.memory_space<vmem>> -> memref<5x3584xf32, #tpu.memory_space<vmem>>
        tpu.enqueue_dma source(%dma_start3A_302 : memref<5x3584xf32, #tpu.memory_space<vmem>>) target(%dma_start3A_298 : memref<5x3584xf32, #tpu.memory_space<hbm>>) target_semaphore(%run_scoped3A_288 : memref<!tpu.dma_semaphore, #tpu.memory_space<semaphore_mem>>)
        %dma_wait3A_303 = arith.constant 0 : i32
        %dma_wait3A_304 = arith.constant 0 : i32
        %dma_wait3A_305 = tpu.memref_slice %arg14[%run_scoped3A_287, %dma_wait3A_303, %dma_wait3A_304] : memref<2x8x3584xf32, #tpu.memory_space<vmem>> -> memref<1x5x3584xf32, #tpu.memory_space<vmem>>
        %dma_wait3A_306 = tpu.memref_squeeze %dma_wait3A_305 : memref<1x5x3584xf32, #tpu.memory_space<vmem>> -> memref<5x3584xf32, #tpu.memory_space<vmem>>
        %dma_wait3A_307 = arith.constant 7776 : i32
        %dma_wait3A_308 = arith.constant 0 : i32
        %dma_wait3A_309 = tpu.memref_slice %arg7[%dma_wait3A_307, %dma_wait3A_308] : memref<7781x3584xf32, #tpu.memory_space<hbm>> -> memref<5x3584xf32, #tpu.memory_space<hbm>>
        %dma_wait3A_310 = arith.constant 7776 : i32
        %dma_wait3A_311 = arith.constant 0 : i32
        %dma_wait3A_312 = tpu.memref_slice %arg7[%dma_wait3A_310, %dma_wait3A_311] : memref<7781x3584xf32, #tpu.memory_space<hbm>> -> memref<5x3584xf32, #tpu.memory_space<hbm>>
        %dma_wait3A_313 = arith.constant 0 : i32
        %dma_wait3A_314 = arith.constant 0 : i32
        %dma_wait3A_315 = tpu.memref_slice %arg14[%run_scoped3A_287, %dma_wait3A_313, %dma_wait3A_314] : memref<2x8x3584xf32, #tpu.memory_space<vmem>> -> memref<1x5x3584xf32, #tpu.memory_space<vmem>>
        %dma_wait3A_316 = tpu.memref_squeeze %dma_wait3A_315 : memref<1x5x3584xf32, #tpu.memory_space<vmem>> -> memref<5x3584xf32, #tpu.memory_space<vmem>>
        tpu.wait_dma2 semaphore(%run_scoped3A_288 : memref<!tpu.dma_semaphore, #tpu.memory_space<semaphore_mem>>) src(%dma_wait3A_316 : memref<5x3584xf32, #tpu.memory_space<vmem>>) dst(%dma_wait3A_312 : memref<5x3584xf32, #tpu.memory_space<hbm>>)
        tpu.yield
      }) : () -> ()
    } else {
    }
    %mul3A_150 = arith.constant 1536 : i32
    %mul3A_151 = arith.muli %add3A, %mul3A_150 : i32
    %jit3A_152 = arith.constant 32 : i32
    %div3A_153 = arith.divsi %mul3A_151, %jit3A_152 : i32
    %sign3A_154 = arith.constant 0 : i32
    %sign3A_155 = arith.cmpi sgt, %mul3A_151, %sign3A_154 : i32
    %sign3A_156 = arith.extui %sign3A_155 : i1 to i32
    %sign3A_157 = arith.constant 0 : i32
    %sign3A_158 = arith.cmpi slt, %mul3A_151, %sign3A_157 : i32
    %sign3A_159 = arith.extui %sign3A_158 : i1 to i32
    %sign3A_160 = arith.subi %sign3A_156, %sign3A_159 : i32
    %sign3A_161 = arith.constant 0 : i32
    %sign3A_162 = arith.cmpi sgt, %jit3A_152, %sign3A_161 : i32
    %sign3A_163 = arith.extui %sign3A_162 : i1 to i32
    %sign3A_164 = arith.constant 0 : i32
    %sign3A_165 = arith.cmpi slt, %jit3A_152, %sign3A_164 : i32
    %sign3A_166 = arith.extui %sign3A_165 : i1 to i32
    %sign3A_167 = arith.subi %sign3A_163, %sign3A_166 : i32
    %ne3A_168 = arith.cmpi ne, %sign3A_160, %sign3A_167 : i32
    %rem3A_169 = arith.remsi %mul3A_151, %jit3A_152 : i32
    %ne3A_170 = arith.constant 0 : i32
    %ne3A_171 = arith.cmpi ne, %rem3A_169, %ne3A_170 : i32
    %and3A_172 = arith.andi %ne3A_168, %ne3A_171 : i1
    %sub3A_173 = arith.constant 1 : i32
    %sub3A_174 = arith.subi %div3A_153, %sub3A_173 : i32
    %select_n3A_175 = arith.select %and3A_172, %sub3A_174, %div3A_153 : i32
    %add3A_176 = arith.constant 1 : i32
    %add3A_177 = arith.addi %add3A, %add3A_176 : i32
    %mul3A_178 = arith.constant 1536 : i32
    %mul3A_179 = arith.muli %add3A_177, %mul3A_178 : i32
    %jit3A_180 = arith.constant 32 : i32
    %div3A_181 = arith.divsi %mul3A_179, %jit3A_180 : i32
    %sign3A_182 = arith.constant 0 : i32
    %sign3A_183 = arith.cmpi sgt, %mul3A_179, %sign3A_182 : i32
    %sign3A_184 = arith.extui %sign3A_183 : i1 to i32
    %sign3A_185 = arith.constant 0 : i32
    %sign3A_186 = arith.cmpi slt, %mul3A_179, %sign3A_185 : i32
    %sign3A_187 = arith.extui %sign3A_186 : i1 to i32
    %sign3A_188 = arith.subi %sign3A_184, %sign3A_187 : i32
    %sign3A_189 = arith.constant 0 : i32
    %sign3A_190 = arith.cmpi sgt, %jit3A_180, %sign3A_189 : i32
    %sign3A_191 = arith.extui %sign3A_190 : i1 to i32
    %sign3A_192 = arith.constant 0 : i32
    %sign3A_193 = arith.cmpi slt, %jit3A_180, %sign3A_192 : i32
    %sign3A_194 = arith.extui %sign3A_193 : i1 to i32
    %sign3A_195 = arith.subi %sign3A_191, %sign3A_194 : i32
    %ne3A_196 = arith.cmpi ne, %sign3A_188, %sign3A_195 : i32
    %rem3A_197 = arith.remsi %mul3A_179, %jit3A_180 : i32
    %ne3A_198 = arith.constant 0 : i32
    %ne3A_199 = arith.cmpi ne, %rem3A_197, %ne3A_198 : i32
    %and3A_200 = arith.andi %ne3A_196, %ne3A_199 : i1
    %sub3A_201 = arith.constant 1 : i32
    %sub3A_202 = arith.subi %div3A_181, %sub3A_201 : i32
    %select_n3A_203 = arith.select %and3A_200, %sub3A_202, %div3A_181 : i32
    %add3A_204 = arith.constant 0 : i32
    %add3A_205 = arith.addi %select_n3A_175, %add3A_204 : i32
    %sub3A_206 = arith.constant 1 : i32
    %sub3A_207 = arith.subi %select_n3A_203, %sub3A_206 : i32
    %min3A_208 = arith.minsi %add3A_205, %sub3A_207 : i32
    %mul3A_209 = arith.constant 8 : i32
    %mul3A_210 = arith.muli %mul3A_209, %min3A_208 : i32
    %multiple_of3A_211 = tpu.assume_multiple %mul3A_210, 8 : i32
    %dma_start3A_212 = arith.constant 0 : i32
    %dma_start3A_213 = arith.constant 0 : i32
    %dma_start3A_214 = arith.constant 0 : i32
    %dma_start3A_215 = tpu.memref_slice %arg13[%dma_start3A_212, %dma_start3A_213, %dma_start3A_214] : memref<2x8x4096xf32, #tpu.memory_space<vmem>> -> memref<1x8x4096xf32, #tpu.memory_space<vmem>>
    %dma_start3A_216 = tpu.memref_squeeze %dma_start3A_215 : memref<1x8x4096xf32, #tpu.memory_space<vmem>> -> memref<8x4096xf32, #tpu.memory_space<vmem>>
    %dma_start3A_217 = arith.constant 0 : i32
    %dma_start3A_218 = tpu.memref_slice %arg4[%multiple_of3A_211, %dma_start3A_217] : memref<12288x4096xf32, #tpu.memory_space<hbm>> -> memref<8x4096xf32, #tpu.memory_space<hbm>>
    %dma_start3A_219 = arith.constant 0 : i32
    %dma_start3A_220 = arith.constant 0 : i32
    %dma_start3A_221 = tpu.memref_slice %arg13[%dma_start3A_212, %dma_start3A_219, %dma_start3A_220] : memref<2x8x4096xf32, #tpu.memory_space<vmem>> -> memref<1x8x4096xf32, #tpu.memory_space<vmem>>
    %dma_start3A_222 = tpu.memref_squeeze %dma_start3A_221 : memref<1x8x4096xf32, #tpu.memory_space<vmem>> -> memref<8x4096xf32, #tpu.memory_space<vmem>>
    %dma_start3A_223 = arith.constant 0 : i32
    %dma_start3A_224 = tpu.memref_slice %arg4[%multiple_of3A_211, %dma_start3A_223] : memref<12288x4096xf32, #tpu.memory_space<hbm>> -> memref<8x4096xf32, #tpu.memory_space<hbm>>
    tpu.enqueue_dma source(%dma_start3A_224 : memref<8x4096xf32, #tpu.memory_space<hbm>>) target(%dma_start3A_222 : memref<8x4096xf32, #tpu.memory_space<vmem>>) target_semaphore(%arg15 : memref<!tpu.dma_semaphore, #tpu.memory_space<semaphore_mem>>)
    %scan3A_225 = arith.constant 0 : i32
    %scan3A_226 = arith.constant 0 : i32
    %scan3A_227 = arith.constant 24 : i32
    %scan3A_228 = arith.addi %scan3A_226, %scan3A_227 : i32
    %scan3A_229 = arith.constant 1 : i32
    scf.for %scan3A_281 = %scan3A_226 to %scan3A_228 step %scan3A_229  : i32 {
      %mul3A_282 = arith.constant 2 : i32
      %mul3A_283 = arith.muli %mul3A_282, %scan3A_281 : i32
      %add3A_284 = arith.constant 0 : i32
      %add3A_285 = arith.addi %mul3A_283, %add3A_284 : i32
      %dma_wait3A_286 = arith.constant 0 : i32
      %dma_wait3A_287 = arith.constant 0 : i32
      %dma_wait3A_288 = arith.constant 0 : i32
      %dma_wait3A_289 = tpu.memref_slice %arg13[%dma_wait3A_286, %dma_wait3A_287, %dma_wait3A_288] : memref<2x8x4096xf32, #tpu.memory_space<vmem>> -> memref<1x8x4096xf32, #tpu.memory_space<vmem>>
      %dma_wait3A_290 = tpu.memref_squeeze %dma_wait3A_289 : memref<1x8x4096xf32, #tpu.memory_space<vmem>> -> memref<8x4096xf32, #tpu.memory_space<vmem>>
      %dma_wait3A_291 = arith.constant 0 : i32
      %dma_wait3A_292 = arith.constant 0 : i32
      %dma_wait3A_293 = tpu.memref_slice %arg4[%dma_wait3A_291, %dma_wait3A_292] : memref<12288x4096xf32, #tpu.memory_space<hbm>> -> memref<8x4096xf32, #tpu.memory_space<hbm>>
      %dma_wait3A_294 = arith.constant 0 : i32
      %dma_wait3A_295 = arith.constant 0 : i32
      %dma_wait3A_296 = tpu.memref_slice %arg13[%dma_wait3A_286, %dma_wait3A_294, %dma_wait3A_295] : memref<2x8x4096xf32, #tpu.memory_space<vmem>> -> memref<1x8x4096xf32, #tpu.memory_space<vmem>>
      %dma_wait3A_297 = tpu.memref_squeeze %dma_wait3A_296 : memref<1x8x4096xf32, #tpu.memory_space<vmem>> -> memref<8x4096xf32, #tpu.memory_space<vmem>>
      %dma_wait3A_298 = arith.constant 0 : i32
      %dma_wait3A_299 = arith.constant 0 : i32
      %dma_wait3A_300 = tpu.memref_slice %arg4[%dma_wait3A_298, %dma_wait3A_299] : memref<12288x4096xf32, #tpu.memory_space<hbm>> -> memref<8x4096xf32, #tpu.memory_space<hbm>>
      tpu.wait_dma2 semaphore(%arg15 : memref<!tpu.dma_semaphore, #tpu.memory_space<semaphore_mem>>) src(%dma_wait3A_300 : memref<8x4096xf32, #tpu.memory_space<hbm>>) dst(%dma_wait3A_297 : memref<8x4096xf32, #tpu.memory_space<vmem>>)
      %add3A_301 = arith.constant 1 : i32
      %add3A_302 = arith.addi %add3A_285, %add3A_301 : i32
      %add3A_303 = arith.addi %select_n3A_175, %add3A_302 : i32
      %sub3A_304 = arith.constant 1 : i32
      %sub3A_305 = arith.subi %select_n3A_203, %sub3A_304 : i32
      %min3A_306 = arith.minsi %add3A_303, %sub3A_305 : i32
      %mul3A_307 = arith.constant 8 : i32
      %mul3A_308 = arith.muli %mul3A_307, %min3A_306 : i32
      %multiple_of3A_309 = tpu.assume_multiple %mul3A_308, 8 : i32
      %dma_start3A_310 = arith.constant 1 : i32
      %dma_start3A_311 = arith.constant 0 : i32
      %dma_start3A_312 = arith.constant 0 : i32
      %dma_start3A_313 = tpu.memref_slice %arg13[%dma_start3A_310, %dma_start3A_311, %dma_start3A_312] : memref<2x8x4096xf32, #tpu.memory_space<vmem>> -> memref<1x8x4096xf32, #tpu.memory_space<vmem>>
      %dma_start3A_314 = tpu.memref_squeeze %dma_start3A_313 : memref<1x8x4096xf32, #tpu.memory_space<vmem>> -> memref<8x4096xf32, #tpu.memory_space<vmem>>
      %dma_start3A_315 = arith.constant 0 : i32
      %dma_start3A_316 = tpu.memref_slice %arg4[%multiple_of3A_309, %dma_start3A_315] : memref<12288x4096xf32, #tpu.memory_space<hbm>> -> memref<8x4096xf32, #tpu.memory_space<hbm>>
      %dma_start3A_317 = arith.constant 0 : i32
      %dma_start3A_318 = arith.constant 0 : i32
      %dma_start3A_319 = tpu.memref_slice %arg13[%dma_start3A_310, %dma_start3A_317, %dma_start3A_318] : memref<2x8x4096xf32, #tpu.memory_space<vmem>> -> memref<1x8x4096xf32, #tpu.memory_space<vmem>>
      %dma_start3A_320 = tpu.memref_squeeze %dma_start3A_319 : memref<1x8x4096xf32, #tpu.memory_space<vmem>> -> memref<8x4096xf32, #tpu.memory_space<vmem>>
      %dma_start3A_321 = arith.constant 0 : i32
      %dma_start3A_322 = tpu.memref_slice %arg4[%multiple_of3A_309, %dma_start3A_321] : memref<12288x4096xf32, #tpu.memory_space<hbm>> -> memref<8x4096xf32, #tpu.memory_space<hbm>>
      tpu.enqueue_dma source(%dma_start3A_322 : memref<8x4096xf32, #tpu.memory_space<hbm>>) target(%dma_start3A_320 : memref<8x4096xf32, #tpu.memory_space<vmem>>) target_semaphore(%arg15 : memref<!tpu.dma_semaphore, #tpu.memory_space<semaphore_mem>>)
      %ge3A = arith.constant 1 : i32
      %ge3A_323 = arith.cmpi sge, %scan3A_281, %ge3A : i32
      %convert_element_type3A_324 = arith.extui %ge3A_323 : i1 to i32
      %cond3A_325 = arith.constant 0 : i32
      %cond3A_326 = arith.cmpi ne, %convert_element_type3A_324, %cond3A_325 : i32
      scf.if %cond3A_326 {
        %dma_wait3A_425 = arith.constant 0 : i32
        %dma_wait3A_426 = arith.constant 0 : i32
        %dma_wait3A_427 = arith.constant 0 : i32
        %dma_wait3A_428 = tpu.memref_slice %arg14[%dma_wait3A_425, %dma_wait3A_426, %dma_wait3A_427] : memref<2x8x3584xf32, #tpu.memory_space<vmem>> -> memref<1x8x3584xf32, #tpu.memory_space<vmem>>
        %dma_wait3A_429 = tpu.memref_squeeze %dma_wait3A_428 : memref<1x8x3584xf32, #tpu.memory_space<vmem>> -> memref<8x3584xf32, #tpu.memory_space<vmem>>
        %dma_wait3A_430 = arith.constant 0 : i32
        %dma_wait3A_431 = arith.constant 0 : i32
        %dma_wait3A_432 = tpu.memref_slice %arg8[%dma_wait3A_430, %dma_wait3A_431] : memref<12288x3584xf32, #tpu.memory_space<hbm>> -> memref<8x3584xf32, #tpu.memory_space<hbm>>
        %dma_wait3A_433 = arith.constant 0 : i32
        %dma_wait3A_434 = arith.constant 0 : i32
        %dma_wait3A_435 = tpu.memref_slice %arg14[%dma_wait3A_425, %dma_wait3A_433, %dma_wait3A_434] : memref<2x8x3584xf32, #tpu.memory_space<vmem>> -> memref<1x8x3584xf32, #tpu.memory_space<vmem>>
        %dma_wait3A_436 = tpu.memref_squeeze %dma_wait3A_435 : memref<1x8x3584xf32, #tpu.memory_space<vmem>> -> memref<8x3584xf32, #tpu.memory_space<vmem>>
        %dma_wait3A_437 = arith.constant 0 : i32
        %dma_wait3A_438 = arith.constant 0 : i32
        %dma_wait3A_439 = tpu.memref_slice %arg8[%dma_wait3A_437, %dma_wait3A_438] : memref<12288x3584xf32, #tpu.memory_space<hbm>> -> memref<8x3584xf32, #tpu.memory_space<hbm>>
        tpu.wait_dma2 semaphore(%arg16 : memref<!tpu.dma_semaphore, #tpu.memory_space<semaphore_mem>>) src(%dma_wait3A_439 : memref<8x3584xf32, #tpu.memory_space<hbm>>) dst(%dma_wait3A_436 : memref<8x3584xf32, #tpu.memory_space<vmem>>)
      } else {
      }
      %scan3A_327 = arith.constant 0 : i32
      %scan3A_328 = arith.constant 0 : i32
      %scan3A_329 = arith.constant 28 : i32
      %scan3A_330 = arith.addi %scan3A_328, %scan3A_329 : i32
      %scan3A_331 = arith.constant 1 : i32
      scf.for %scan3A_425 = %scan3A_328 to %scan3A_330 step %scan3A_331  : i32 {
        %mul3A_426 = arith.constant 8 : i32
        %mul3A_427 = arith.muli %scan3A_425, %mul3A_426 : i32
        %add3A_428 = arith.constant 0 : i32
        %add3A_429 = arith.addi %mul3A_427, %add3A_428 : i32
        %mul3A_430 = arith.constant 16 : i32
        %mul3A_431 = arith.muli %add3A_429, %mul3A_430 : i32
        %get3A = arith.index_cast %mul3A_431 : i32 to index
        %get3A_432 = tpu.vector_load %arg12[%get3A] {strides = array<i32>} : memref<3584xi32, #tpu.memory_space<vmem>>, vector<16xi32>,
        %gather3A = tpu.vector_load_idx %arg13[%broadcast_in_dim3A_15, %broadcast_in_dim3A_19, %get3A_432] : memref<2x8x4096xf32, #tpu.memory_space<vmem>>[vector<16xi32>, vector<16xi32>, vector<16xi32>], vector<16xf32>,
        %gather3A_433 = tpu.vector_load_idx %arg13[%broadcast_in_dim3A_15, %broadcast_in_dim3A_21, %get3A_432] : memref<2x8x4096xf32, #tpu.memory_space<vmem>>[vector<16xi32>, vector<16xi32>, vector<16xi32>], vector<16xf32>,
        %gather3A_434 = tpu.vector_load_idx %arg13[%broadcast_in_dim3A_15, %broadcast_in_dim3A_23, %get3A_432] : memref<2x8x4096xf32, #tpu.memory_space<vmem>>[vector<16xi32>, vector<16xi32>, vector<16xi32>], vector<16xf32>,
        %gather3A_435 = tpu.vector_load_idx %arg13[%broadcast_in_dim3A_15, %broadcast_in_dim3A_25, %get3A_432] : memref<2x8x4096xf32, #tpu.memory_space<vmem>>[vector<16xi32>, vector<16xi32>, vector<16xi32>], vector<16xf32>,
        %gather3A_436 = tpu.vector_load_idx %arg13[%broadcast_in_dim3A_15, %broadcast_in_dim3A_27, %get3A_432] : memref<2x8x4096xf32, #tpu.memory_space<vmem>>[vector<16xi32>, vector<16xi32>, vector<16xi32>], vector<16xf32>,
        %gather3A_437 = tpu.vector_load_idx %arg13[%broadcast_in_dim3A_15, %broadcast_in_dim3A_29, %get3A_432] : memref<2x8x4096xf32, #tpu.memory_space<vmem>>[vector<16xi32>, vector<16xi32>, vector<16xi32>], vector<16xf32>,
        %gather3A_438 = tpu.vector_load_idx %arg13[%broadcast_in_dim3A_15, %broadcast_in_dim3A_31, %get3A_432] : memref<2x8x4096xf32, #tpu.memory_space<vmem>>[vector<16xi32>, vector<16xi32>, vector<16xi32>], vector<16xf32>,
        %gather3A_439 = tpu.vector_load_idx %arg13[%broadcast_in_dim3A_15, %broadcast_in_dim3A_33, %get3A_432] : memref<2x8x4096xf32, #tpu.memory_space<vmem>>[vector<16xi32>, vector<16xi32>, vector<16xi32>], vector<16xf32>,
        %swap3A = arith.constant 0 : i32
        %swap3A_440 = arith.constant 0 : i32
        %swap3A_441 = arith.index_cast %swap3A : i32 to index
        %swap3A_442 = arith.index_cast %swap3A_440 : i32 to index
        %swap3A_443 = arith.index_cast %mul3A_431 : i32 to index
        %swap3A_444 = tpu.vector_load %arg14[%swap3A_441, %swap3A_442, %swap3A_443] {strides = array<i32>} : memref<2x8x3584xf32, #tpu.memory_space<vmem>>, vector<16xf32>,
        tpu.vector_store %arg14[%swap3A_441, %swap3A_442, %swap3A_443], %gather3A {strides = array<i32>} : memref<2x8x3584xf32, #tpu.memory_space<vmem>>, vector<16xf32>,
        %swap3A_445 = arith.constant 0 : i32
        %swap3A_446 = arith.constant 1 : i32
        %swap3A_447 = arith.index_cast %swap3A_445 : i32 to index
        %swap3A_448 = arith.index_cast %swap3A_446 : i32 to index
        %swap3A_449 = arith.index_cast %mul3A_431 : i32 to index
        %swap3A_450 = tpu.vector_load %arg14[%swap3A_447, %swap3A_448, %swap3A_449] {strides = array<i32>} : memref<2x8x3584xf32, #tpu.memory_space<vmem>>, vector<16xf32>,
        tpu.vector_store %arg14[%swap3A_447, %swap3A_448, %swap3A_449], %gather3A_433 {strides = array<i32>} : memref<2x8x3584xf32, #tpu.memory_space<vmem>>, vector<16xf32>,
        %swap3A_451 = arith.constant 0 : i32
        %swap3A_452 = arith.constant 2 : i32
        %swap3A_453 = arith.index_cast %swap3A_451 : i32 to index
        %swap3A_454 = arith.index_cast %swap3A_452 : i32 to index
        %swap3A_455 = arith.index_cast %mul3A_431 : i32 to index
        %swap3A_456 = tpu.vector_load %arg14[%swap3A_453, %swap3A_454, %swap3A_455] {strides = array<i32>} : memref<2x8x3584xf32, #tpu.memory_space<vmem>>, vector<16xf32>,
        tpu.vector_store %arg14[%swap3A_453, %swap3A_454, %swap3A_455], %gather3A_434 {strides = array<i32>} : memref<2x8x3584xf32, #tpu.memory_space<vmem>>, vector<16xf32>,
        %swap3A_457 = arith.constant 0 : i32
        %swap3A_458 = arith.constant 3 : i32
        %swap3A_459 = arith.index_cast %swap3A_457 : i32 to index
        %swap3A_460 = arith.index_cast %swap3A_458 : i32 to index
        %swap3A_461 = arith.index_cast %mul3A_431 : i32 to index
        %swap3A_462 = tpu.vector_load %arg14[%swap3A_459, %swap3A_460, %swap3A_461] {strides = array<i32>} : memref<2x8x3584xf32, #tpu.memory_space<vmem>>, vector<16xf32>,
        tpu.vector_store %arg14[%swap3A_459, %swap3A_460, %swap3A_461], %gather3A_435 {strides = array<i32>} : memref<2x8x3584xf32, #tpu.memory_space<vmem>>, vector<16xf32>,
        %swap3A_463 = arith.constant 0 : i32
        %swap3A_464 = arith.constant 4 : i32
        %swap3A_465 = arith.index_cast %swap3A_463 : i32 to index
        %swap3A_466 = arith.index_cast %swap3A_464 : i32 to index
        %swap3A_467 = arith.index_cast %mul3A_431 : i32 to index
        %swap3A_468 = tpu.vector_load %arg14[%swap3A_465, %swap3A_466, %swap3A_467] {strides = array<i32>} : memref<2x8x3584xf32, #tpu.memory_space<vmem>>, vector<16xf32>,
        tpu.vector_store %arg14[%swap3A_465, %swap3A_466, %swap3A_467], %gather3A_436 {strides = array<i32>} : memref<2x8x3584xf32, #tpu.memory_space<vmem>>, vector<16xf32>,
        %swap3A_469 = arith.constant 0 : i32
        %swap3A_470 = arith.constant 5 : i32
        %swap3A_471 = arith.index_cast %swap3A_469 : i32 to index
        %swap3A_472 = arith.index_cast %swap3A_470 : i32 to index
        %swap3A_473 = arith.index_cast %mul3A_431 : i32 to index
        %swap3A_474 = tpu.vector_load %arg14[%swap3A_471, %swap3A_472, %swap3A_473] {strides = array<i32>} : memref<2x8x3584xf32, #tpu.memory_space<vmem>>, vector<16xf32>,
        tpu.vector_store %arg14[%swap3A_471, %swap3A_472, %swap3A_473], %gather3A_437 {strides = array<i32>} : memref<2x8x3584xf32, #tpu.memory_space<vmem>>, vector<16xf32>,
        %swap3A_475 = arith.constant 0 : i32
        %swap3A_476 = arith.constant 6 : i32
        %swap3A_477 = arith.index_cast %swap3A_475 : i32 to index
        %swap3A_478 = arith.index_cast %swap3A_476 : i32 to index
        %swap3A_479 = arith.index_cast %mul3A_431 : i32 to index
        %swap3A_480 = tpu.vector_load %arg14[%swap3A_477, %swap3A_478, %swap3A_479] {strides = array<i32>} : memref<2x8x3584xf32, #tpu.memory_space<vmem>>, vector<16xf32>,
        tpu.vector_store %arg14[%swap3A_477, %swap3A_478, %swap3A_479], %gather3A_438 {strides = array<i32>} : memref<2x8x3584xf32, #tpu.memory_space<vmem>>, vector<16xf32>,
        %swap3A_481 = arith.constant 0 : i32
        %swap3A_482 = arith.constant 7 : i32
        %swap3A_483 = arith.index_cast %swap3A_481 : i32 to index
        %swap3A_484 = arith.index_cast %swap3A_482 : i32 to index
        %swap3A_485 = arith.index_cast %mul3A_431 : i32 to index
        %swap3A_486 = tpu.vector_load %arg14[%swap3A_483, %swap3A_484, %swap3A_485] {strides = array<i32>} : memref<2x8x3584xf32, #tpu.memory_space<vmem>>, vector<16xf32>,
        tpu.vector_store %arg14[%swap3A_483, %swap3A_484, %swap3A_485], %gather3A_439 {strides = array<i32>} : memref<2x8x3584xf32, #tpu.memory_space<vmem>>, vector<16xf32>,
        %mul3A_487 = arith.constant 8 : i32
        %mul3A_488 = arith.muli %scan3A_425, %mul3A_487 : i32
        %add3A_489 = arith.constant 1 : i32
        %add3A_490 = arith.addi %mul3A_488, %add3A_489 : i32
        %mul3A_491 = arith.constant 16 : i32
        %mul3A_492 = arith.muli %add3A_490, %mul3A_491 : i32
        %get3A_493 = arith.index_cast %mul3A_492 : i32 to index
        %get3A_494 = tpu.vector_load %arg12[%get3A_493] {strides = array<i32>} : memref<3584xi32, #tpu.memory_space<vmem>>, vector<16xi32>,
        %gather3A_495 = tpu.vector_load_idx %arg13[%broadcast_in_dim3A_15, %broadcast_in_dim3A_19, %get3A_494] : memref<2x8x4096xf32, #tpu.memory_space<vmem>>[vector<16xi32>, vector<16xi32>, vector<16xi32>], vector<16xf32>,
        %gather3A_496 = tpu.vector_load_idx %arg13[%broadcast_in_dim3A_15, %broadcast_in_dim3A_21, %get3A_494] : memref<2x8x4096xf32, #tpu.memory_space<vmem>>[vector<16xi32>, vector<16xi32>, vector<16xi32>], vector<16xf32>,
        %gather3A_497 = tpu.vector_load_idx %arg13[%broadcast_in_dim3A_15, %broadcast_in_dim3A_23, %get3A_494] : memref<2x8x4096xf32, #tpu.memory_space<vmem>>[vector<16xi32>, vector<16xi32>, vector<16xi32>], vector<16xf32>,
        %gather3A_498 = tpu.vector_load_idx %arg13[%broadcast_in_dim3A_15, %broadcast_in_dim3A_25, %get3A_494] : memref<2x8x4096xf32, #tpu.memory_space<vmem>>[vector<16xi32>, vector<16xi32>, vector<16xi32>], vector<16xf32>,
        %gather3A_499 = tpu.vector_load_idx %arg13[%broadcast_in_dim3A_15, %broadcast_in_dim3A_27, %get3A_494] : memref<2x8x4096xf32, #tpu.memory_space<vmem>>[vector<16xi32>, vector<16xi32>, vector<16xi32>], vector<16xf32>,
        %gather3A_500 = tpu.vector_load_idx %arg13[%broadcast_in_dim3A_15, %broadcast_in_dim3A_29, %get3A_494] : memref<2x8x4096xf32, #tpu.memory_space<vmem>>[vector<16xi32>, vector<16xi32>, vector<16xi32>], vector<16xf32>,
        %gather3A_501 = tpu.vector_load_idx %arg13[%broadcast_in_dim3A_15, %broadcast_in_dim3A_31, %get3A_494] : memref<2x8x4096xf32, #tpu.memory_space<vmem>>[vector<16xi32>, vector<16xi32>, vector<16xi32>], vector<16xf32>,
        %gather3A_502 = tpu.vector_load_idx %arg13[%broadcast_in_dim3A_15, %broadcast_in_dim3A_33, %get3A_494] : memref<2x8x4096xf32, #tpu.memory_space<vmem>>[vector<16xi32>, vector<16xi32>, vector<16xi32>], vector<16xf32>,
        %swap3A_503 = arith.constant 0 : i32
        %swap3A_504 = arith.constant 0 : i32
        %swap3A_505 = arith.index_cast %swap3A_503 : i32 to index
        %swap3A_506 = arith.index_cast %swap3A_504 : i32 to index
        %swap3A_507 = arith.index_cast %mul3A_492 : i32 to index
        %swap3A_508 = tpu.vector_load %arg14[%swap3A_505, %swap3A_506, %swap3A_507] {strides = array<i32>} : memref<2x8x3584xf32, #tpu.memory_space<vmem>>, vector<16xf32>,
        tpu.vector_store %arg14[%swap3A_505, %swap3A_506, %swap3A_507], %gather3A_495 {strides = array<i32>} : memref<2x8x3584xf32, #tpu.memory_space<vmem>>, vector<16xf32>,
        %swap3A_509 = arith.constant 0 : i32
        %swap3A_510 = arith.constant 1 : i32
        %swap3A_511 = arith.index_cast %swap3A_509 : i32 to index
        %swap3A_512 = arith.index_cast %swap3A_510 : i32 to index
        %swap3A_513 = arith.index_cast %mul3A_492 : i32 to index
        %swap3A_514 = tpu.vector_load %arg14[%swap3A_511, %swap3A_512, %swap3A_513] {strides = array<i32>} : memref<2x8x3584xf32, #tpu.memory_space<vmem>>, vector<16xf32>,
        tpu.vector_store %arg14[%swap3A_511, %swap3A_512, %swap3A_513], %gather3A_496 {strides = array<i32>} : memref<2x8x3584xf32, #tpu.memory_space<vmem>>, vector<16xf32>,
        %swap3A_515 = arith.constant 0 : i32
        %swap3A_516 = arith.constant 2 : i32
        %swap3A_517 = arith.index_cast %swap3A_515 : i32 to index
        %swap3A_518 = arith.index_cast %swap3A_516 : i32 to index
        %swap3A_519 = arith.index_cast %mul3A_492 : i32 to index
        %swap3A_520 = tpu.vector_load %arg14[%swap3A_517, %swap3A_518, %swap3A_519] {strides = array<i32>} : memref<2x8x3584xf32, #tpu.memory_space<vmem>>, vector<16xf32>,
        tpu.vector_store %arg14[%swap3A_517, %swap3A_518, %swap3A_519], %gather3A_497 {strides = array<i32>} : memref<2x8x3584xf32, #tpu.memory_space<vmem>>, vector<16xf32>,
        %swap3A_521 = arith.constant 0 : i32
        %swap3A_522 = arith.constant 3 : i32
        %swap3A_523 = arith.index_cast %swap3A_521 : i32 to index
        %swap3A_524 = arith.index_cast %swap3A_522 : i32 to index
        %swap3A_525 = arith.index_cast %mul3A_492 : i32 to index
        %swap3A_526 = tpu.vector_load %arg14[%swap3A_523, %swap3A_524, %swap3A_525] {strides = array<i32>} : memref<2x8x3584xf32, #tpu.memory_space<vmem>>, vector<16xf32>,
        tpu.vector_store %arg14[%swap3A_523, %swap3A_524, %swap3A_525], %gather3A_498 {strides = array<i32>} : memref<2x8x3584xf32, #tpu.memory_space<vmem>>, vector<16xf32>,
        %swap3A_527 = arith.constant 0 : i32
        %swap3A_528 = arith.constant 4 : i32
        %swap3A_529 = arith.index_cast %swap3A_527 : i32 to index
        %swap3A_530 = arith.index_cast %swap3A_528 : i32 to index
        %swap3A_531 = arith.index_cast %mul3A_492 : i32 to index
        %swap3A_532 = tpu.vector_load %arg14[%swap3A_529, %swap3A_530, %swap3A_531] {strides = array<i32>} : memref<2x8x3584xf32, #tpu.memory_space<vmem>>, vector<16xf32>,
        tpu.vector_store %arg14[%swap3A_529, %swap3A_530, %swap3A_531], %gather3A_499 {strides = array<i32>} : memref<2x8x3584xf32, #tpu.memory_space<vmem>>, vector<16xf32>,
        %swap3A_533 = arith.constant 0 : i32
        %swap3A_534 = arith.constant 5 : i32
        %swap3A_535 = arith.index_cast %swap3A_533 : i32 to index
        %swap3A_536 = arith.index_cast %swap3A_534 : i32 to index
        %swap3A_537 = arith.index_cast %mul3A_492 : i32 to index
        %swap3A_538 = tpu.vector_load %arg14[%swap3A_535, %swap3A_536, %swap3A_537] {strides = array<i32>} : memref<2x8x3584xf32, #tpu.memory_space<vmem>>, vector<16xf32>,
        tpu.vector_store %arg14[%swap3A_535, %swap3A_536, %swap3A_537], %gather3A_500 {strides = array<i32>} : memref<2x8x3584xf32, #tpu.memory_space<vmem>>, vector<16xf32>,
        %swap3A_539 = arith.constant 0 : i32
        %swap3A_540 = arith.constant 6 : i32
        %swap3A_541 = arith.index_cast %swap3A_539 : i32 to index
        %swap3A_542 = arith.index_cast %swap3A_540 : i32 to index
        %swap3A_543 = arith.index_cast %mul3A_492 : i32 to index
        %swap3A_544 = tpu.vector_load %arg14[%swap3A_541, %swap3A_542, %swap3A_543] {strides = array<i32>} : memref<2x8x3584xf32, #tpu.memory_space<vmem>>, vector<16xf32>,
        tpu.vector_store %arg14[%swap3A_541, %swap3A_542, %swap3A_543], %gather3A_501 {strides = array<i32>} : memref<2x8x3584xf32, #tpu.memory_space<vmem>>, vector<16xf32>,
        %swap3A_545 = arith.constant 0 : i32
        %swap3A_546 = arith.constant 7 : i32
        %swap3A_547 = arith.index_cast %swap3A_545 : i32 to index
        %swap3A_548 = arith.index_cast %swap3A_546 : i32 to index
        %swap3A_549 = arith.index_cast %mul3A_492 : i32 to index
        %swap3A_550 = tpu.vector_load %arg14[%swap3A_547, %swap3A_548, %swap3A_549] {strides = array<i32>} : memref<2x8x3584xf32, #tpu.memory_space<vmem>>, vector<16xf32>,
        tpu.vector_store %arg14[%swap3A_547, %swap3A_548, %swap3A_549], %gather3A_502 {strides = array<i32>} : memref<2x8x3584xf32, #tpu.memory_space<vmem>>, vector<16xf32>,
        %mul3A_551 = arith.constant 8 : i32
        %mul3A_552 = arith.muli %scan3A_425, %mul3A_551 : i32
        %add3A_553 = arith.constant 2 : i32
        %add3A_554 = arith.addi %mul3A_552, %add3A_553 : i32
        %mul3A_555 = arith.constant 16 : i32
        %mul3A_556 = arith.muli %add3A_554, %mul3A_555 : i32
        %get3A_557 = arith.index_cast %mul3A_556 : i32 to index
        %get3A_558 = tpu.vector_load %arg12[%get3A_557] {strides = array<i32>} : memref<3584xi32, #tpu.memory_space<vmem>>, vector<16xi32>,
        %gather3A_559 = tpu.vector_load_idx %arg13[%broadcast_in_dim3A_15, %broadcast_in_dim3A_19, %get3A_558] : memref<2x8x4096xf32, #tpu.memory_space<vmem>>[vector<16xi32>, vector<16xi32>, vector<16xi32>], vector<16xf32>,
        %gather3A_560 = tpu.vector_load_idx %arg13[%broadcast_in_dim3A_15, %broadcast_in_dim3A_21, %get3A_558] : memref<2x8x4096xf32, #tpu.memory_space<vmem>>[vector<16xi32>, vector<16xi32>, vector<16xi32>], vector<16xf32>,
        %gather3A_561 = tpu.vector_load_idx %arg13[%broadcast_in_dim3A_15, %broadcast_in_dim3A_23, %get3A_558] : memref<2x8x4096xf32, #tpu.memory_space<vmem>>[vector<16xi32>, vector<16xi32>, vector<16xi32>], vector<16xf32>,
        %gather3A_562 = tpu.vector_load_idx %arg13[%broadcast_in_dim3A_15, %broadcast_in_dim3A_25, %get3A_558] : memref<2x8x4096xf32, #tpu.memory_space<vmem>>[vector<16xi32>, vector<16xi32>, vector<16xi32>], vector<16xf32>,
        %gather3A_563 = tpu.vector_load_idx %arg13[%broadcast_in_dim3A_15, %broadcast_in_dim3A_27, %get3A_558] : memref<2x8x4096xf32, #tpu.memory_space<vmem>>[vector<16xi32>, vector<16xi32>, vector<16xi32>], vector<16xf32>,
        %gather3A_564 = tpu.vector_load_idx %arg13[%broadcast_in_dim3A_15, %broadcast_in_dim3A_29, %get3A_558] : memref<2x8x4096xf32, #tpu.memory_space<vmem>>[vector<16xi32>, vector<16xi32>, vector<16xi32>], vector<16xf32>,
        %gather3A_565 = tpu.vector_load_idx %arg13[%broadcast_in_dim3A_15, %broadcast_in_dim3A_31, %get3A_558] : memref<2x8x4096xf32, #tpu.memory_space<vmem>>[vector<16xi32>, vector<16xi32>, vector<16xi32>], vector<16xf32>,
        %gather3A_566 = tpu.vector_load_idx %arg13[%broadcast_in_dim3A_15, %broadcast_in_dim3A_33, %get3A_558] : memref<2x8x4096xf32, #tpu.memory_space<vmem>>[vector<16xi32>, vector<16xi32>, vector<16xi32>], vector<16xf32>,
        %swap3A_567 = arith.constant 0 : i32
        %swap3A_568 = arith.constant 0 : i32
        %swap3A_569 = arith.index_cast %swap3A_567 : i32 to index
        %swap3A_570 = arith.index_cast %swap3A_568 : i32 to index
        %swap3A_571 = arith.index_cast %mul3A_556 : i32 to index
        %swap3A_572 = tpu.vector_load %arg14[%swap3A_569, %swap3A_570, %swap3A_571] {strides = array<i32>} : memref<2x8x3584xf32, #tpu.memory_space<vmem>>, vector<16xf32>,
        tpu.vector_store %arg14[%swap3A_569, %swap3A_570, %swap3A_571], %gather3A_559 {strides = array<i32>} : memref<2x8x3584xf32, #tpu.memory_space<vmem>>, vector<16xf32>,
        %swap3A_573 = arith.constant 0 : i32
        %swap3A_574 = arith.constant 1 : i32
        %swap3A_575 = arith.index_cast %swap3A_573 : i32 to index
        %swap3A_576 = arith.index_cast %swap3A_574 : i32 to index
        %swap3A_577 = arith.index_cast %mul3A_556 : i32 to index
        %swap3A_578 = tpu.vector_load %arg14[%swap3A_575, %swap3A_576, %swap3A_577] {strides = array<i32>} : memref<2x8x3584xf32, #tpu.memory_space<vmem>>, vector<16xf32>,
        tpu.vector_store %arg14[%swap3A_575, %swap3A_576, %swap3A_577], %gather3A_560 {strides = array<i32>} : memref<2x8x3584xf32, #tpu.memory_space<vmem>>, vector<16xf32>,
        %swap3A_579 = arith.constant 0 : i32
        %swap3A_580 = arith.constant 2 : i32
        %swap3A_581 = arith.index_cast %swap3A_579 : i32 to index
        %swap3A_582 = arith.index_cast %swap3A_580 : i32 to index
        %swap3A_583 = arith.index_cast %mul3A_556 : i32 to index
        %swap3A_584 = tpu.vector_load %arg14[%swap3A_581, %swap3A_582, %swap3A_583] {strides = array<i32>} : memref<2x8x3584xf32, #tpu.memory_space<vmem>>, vector<16xf32>,
        tpu.vector_store %arg14[%swap3A_581, %swap3A_582, %swap3A_583], %gather3A_561 {strides = array<i32>} : memref<2x8x3584xf32, #tpu.memory_space<vmem>>, vector<16xf32>,
        %swap3A_585 = arith.constant 0 : i32
        %swap3A_586 = arith.constant 3 : i32
        %swap3A_587 = arith.index_cast %swap3A_585 : i32 to index
        %swap3A_588 = arith.index_cast %swap3A_586 : i32 to index
        %swap3A_589 = arith.index_cast %mul3A_556 : i32 to index
        %swap3A_590 = tpu.vector_load %arg14[%swap3A_587, %swap3A_588, %swap3A_589] {strides = array<i32>} : memref<2x8x3584xf32, #tpu.memory_space<vmem>>, vector<16xf32>,
        tpu.vector_store %arg14[%swap3A_587, %swap3A_588, %swap3A_589], %gather3A_562 {strides = array<i32>} : memref<2x8x3584xf32, #tpu.memory_space<vmem>>, vector<16xf32>,
        %swap3A_591 = arith.constant 0 : i32
        %swap3A_592 = arith.constant 4 : i32
        %swap3A_593 = arith.index_cast %swap3A_591 : i32 to index
        %swap3A_594 = arith.index_cast %swap3A_592 : i32 to index
        %swap3A_595 = arith.index_cast %mul3A_556 : i32 to index
        %swap3A_596 = tpu.vector_load %arg14[%swap3A_593, %swap3A_594, %swap3A_595] {strides = array<i32>} : memref<2x8x3584xf32, #tpu.memory_space<vmem>>, vector<16xf32>,
        tpu.vector_store %arg14[%swap3A_593, %swap3A_594, %swap3A_595], %gather3A_563 {strides = array<i32>} : memref<2x8x3584xf32, #tpu.memory_space<vmem>>, vector<16xf32>,
        %swap3A_597 = arith.constant 0 : i32
        %swap3A_598 = arith.constant 5 : i32
        %swap3A_599 = arith.index_cast %swap3A_597 : i32 to index
        %swap3A_600 = arith.index_cast %swap3A_598 : i32 to index
        %swap3A_601 = arith.index_cast %mul3A_556 : i32 to index
        %swap3A_602 = tpu.vector_load %arg14[%swap3A_599, %swap3A_600, %swap3A_601] {strides = array<i32>} : memref<2x8x3584xf32, #tpu.memory_space<vmem>>, vector<16xf32>,
        tpu.vector_store %arg14[%swap3A_599, %swap3A_600, %swap3A_601], %gather3A_564 {strides = array<i32>} : memref<2x8x3584xf32, #tpu.memory_space<vmem>>, vector<16xf32>,
        %swap3A_603 = arith.constant 0 : i32
        %swap3A_604 = arith.constant 6 : i32
        %swap3A_605 = arith.index_cast %swap3A_603 : i32 to index
        %swap3A_606 = arith.index_cast %swap3A_604 : i32 to index
        %swap3A_607 = arith.index_cast %mul3A_556 : i32 to index
        %swap3A_608 = tpu.vector_load %arg14[%swap3A_605, %swap3A_606, %swap3A_607] {strides = array<i32>} : memref<2x8x3584xf32, #tpu.memory_space<vmem>>, vector<16xf32>,
        tpu.vector_store %arg14[%swap3A_605, %swap3A_606, %swap3A_607], %gather3A_565 {strides = array<i32>} : memref<2x8x3584xf32, #tpu.memory_space<vmem>>, vector<16xf32>,
        %swap3A_609 = arith.constant 0 : i32
        %swap3A_610 = arith.constant 7 : i32
        %swap3A_611 = arith.index_cast %swap3A_609 : i32 to index
        %swap3A_612 = arith.index_cast %swap3A_610 : i32 to index
        %swap3A_613 = arith.index_cast %mul3A_556 : i32 to index
        %swap3A_614 = tpu.vector_load %arg14[%swap3A_611, %swap3A_612, %swap3A_613] {strides = array<i32>} : memref<2x8x3584xf32, #tpu.memory_space<vmem>>, vector<16xf32>,
        tpu.vector_store %arg14[%swap3A_611, %swap3A_612, %swap3A_613], %gather3A_566 {strides = array<i32>} : memref<2x8x3584xf32, #tpu.memory_space<vmem>>, vector<16xf32>,
        %mul3A_615 = arith.constant 8 : i32
        %mul3A_616 = arith.muli %scan3A_425, %mul3A_615 : i32
        %add3A_617 = arith.constant 3 : i32
        %add3A_618 = arith.addi %mul3A_616, %add3A_617 : i32
        %mul3A_619 = arith.constant 16 : i32
        %mul3A_620 = arith.muli %add3A_618, %mul3A_619 : i32
        %get3A_621 = arith.index_cast %mul3A_620 : i32 to index
        %get3A_622 = tpu.vector_load %arg12[%get3A_621] {strides = array<i32>} : memref<3584xi32, #tpu.memory_space<vmem>>, vector<16xi32>,
        %gather3A_623 = tpu.vector_load_idx %arg13[%broadcast_in_dim3A_15, %broadcast_in_dim3A_19, %get3A_622] : memref<2x8x4096xf32, #tpu.memory_space<vmem>>[vector<16xi32>, vector<16xi32>, vector<16xi32>], vector<16xf32>,
        %gather3A_624 = tpu.vector_load_idx %arg13[%broadcast_in_dim3A_15, %broadcast_in_dim3A_21, %get3A_622] : memref<2x8x4096xf32, #tpu.memory_space<vmem>>[vector<16xi32>, vector<16xi32>, vector<16xi32>], vector<16xf32>,
        %gather3A_625 = tpu.vector_load_idx %arg13[%broadcast_in_dim3A_15, %broadcast_in_dim3A_23, %get3A_622] : memref<2x8x4096xf32, #tpu.memory_space<vmem>>[vector<16xi32>, vector<16xi32>, vector<16xi32>], vector<16xf32>,
        %gather3A_626 = tpu.vector_load_idx %arg13[%broadcast_in_dim3A_15, %broadcast_in_dim3A_25, %get3A_622] : memref<2x8x4096xf32, #tpu.memory_space<vmem>>[vector<16xi32>, vector<16xi32>, vector<16xi32>], vector<16xf32>,
        %gather3A_627 = tpu.vector_load_idx %arg13[%broadcast_in_dim3A_15, %broadcast_in_dim3A_27, %get3A_622] : memref<2x8x4096xf32, #tpu.memory_space<vmem>>[vector<16xi32>, vector<16xi32>, vector<16xi32>], vector<16xf32>,
        %gather3A_628 = tpu.vector_load_idx %arg13[%broadcast_in_dim3A_15, %broadcast_in_dim3A_29, %get3A_622] : memref<2x8x4096xf32, #tpu.memory_space<vmem>>[vector<16xi32>, vector<16xi32>, vector<16xi32>], vector<16xf32>,
        %gather3A_629 = tpu.vector_load_idx %arg13[%broadcast_in_dim3A_15, %broadcast_in_dim3A_31, %get3A_622] : memref<2x8x4096xf32, #tpu.memory_space<vmem>>[vector<16xi32>, vector<16xi32>, vector<16xi32>], vector<16xf32>,
        %gather3A_630 = tpu.vector_load_idx %arg13[%broadcast_in_dim3A_15, %broadcast_in_dim3A_33, %get3A_622] : memref<2x8x4096xf32, #tpu.memory_space<vmem>>[vector<16xi32>, vector<16xi32>, vector<16xi32>], vector<16xf32>,
        %swap3A_631 = arith.constant 0 : i32
        %swap3A_632 = arith.constant 0 : i32
        %swap3A_633 = arith.index_cast %swap3A_631 : i32 to index
        %swap3A_634 = arith.index_cast %swap3A_632 : i32 to index
        %swap3A_635 = arith.index_cast %mul3A_620 : i32 to index
        %swap3A_636 = tpu.vector_load %arg14[%swap3A_633, %swap3A_634, %swap3A_635] {strides = array<i32>} : memref<2x8x3584xf32, #tpu.memory_space<vmem>>, vector<16xf32>,
        tpu.vector_store %arg14[%swap3A_633, %swap3A_634, %swap3A_635], %gather3A_623 {strides = array<i32>} : memref<2x8x3584xf32, #tpu.memory_space<vmem>>, vector<16xf32>,
        %swap3A_637 = arith.constant 0 : i32
        %swap3A_638 = arith.constant 1 : i32
        %swap3A_639 = arith.index_cast %swap3A_637 : i32 to index
        %swap3A_640 = arith.index_cast %swap3A_638 : i32 to index
        %swap3A_641 = arith.index_cast %mul3A_620 : i32 to index
        %swap3A_642 = tpu.vector_load %arg14[%swap3A_639, %swap3A_640, %swap3A_641] {strides = array<i32>} : memref<2x8x3584xf32, #tpu.memory_space<vmem>>, vector<16xf32>,
        tpu.vector_store %arg14[%swap3A_639, %swap3A_640, %swap3A_641], %gather3A_624 {strides = array<i32>} : memref<2x8x3584xf32, #tpu.memory_space<vmem>>, vector<16xf32>,
        %swap3A_643 = arith.constant 0 : i32
        %swap3A_644 = arith.constant 2 : i32
        %swap3A_645 = arith.index_cast %swap3A_643 : i32 to index
        %swap3A_646 = arith.index_cast %swap3A_644 : i32 to index
        %swap3A_647 = arith.index_cast %mul3A_620 : i32 to index
        %swap3A_648 = tpu.vector_load %arg14[%swap3A_645, %swap3A_646, %swap3A_647] {strides = array<i32>} : memref<2x8x3584xf32, #tpu.memory_space<vmem>>, vector<16xf32>,
        tpu.vector_store %arg14[%swap3A_645, %swap3A_646, %swap3A_647], %gather3A_625 {strides = array<i32>} : memref<2x8x3584xf32, #tpu.memory_space<vmem>>, vector<16xf32>,
        %swap3A_649 = arith.constant 0 : i32
        %swap3A_650 = arith.constant 3 : i32
        %swap3A_651 = arith.index_cast %swap3A_649 : i32 to index
        %swap3A_652 = arith.index_cast %swap3A_650 : i32 to index
        %swap3A_653 = arith.index_cast %mul3A_620 : i32 to index
        %swap3A_654 = tpu.vector_load %arg14[%swap3A_651, %swap3A_652, %swap3A_653] {strides = array<i32>} : memref<2x8x3584xf32, #tpu.memory_space<vmem>>, vector<16xf32>,
        tpu.vector_store %arg14[%swap3A_651, %swap3A_652, %swap3A_653], %gather3A_626 {strides = array<i32>} : memref<2x8x3584xf32, #tpu.memory_space<vmem>>, vector<16xf32>,
        %swap3A_655 = arith.constant 0 : i32
        %swap3A_656 = arith.constant 4 : i32
        %swap3A_657 = arith.index_cast %swap3A_655 : i32 to index
        %swap3A_658 = arith.index_cast %swap3A_656 : i32 to index
        %swap3A_659 = arith.index_cast %mul3A_620 : i32 to index
        %swap3A_660 = tpu.vector_load %arg14[%swap3A_657, %swap3A_658, %swap3A_659] {strides = array<i32>} : memref<2x8x3584xf32, #tpu.memory_space<vmem>>, vector<16xf32>,
        tpu.vector_store %arg14[%swap3A_657, %swap3A_658, %swap3A_659], %gather3A_627 {strides = array<i32>} : memref<2x8x3584xf32, #tpu.memory_space<vmem>>, vector<16xf32>,
        %swap3A_661 = arith.constant 0 : i32
        %swap3A_662 = arith.constant 5 : i32
        %swap3A_663 = arith.index_cast %swap3A_661 : i32 to index
        %swap3A_664 = arith.index_cast %swap3A_662 : i32 to index
        %swap3A_665 = arith.index_cast %mul3A_620 : i32 to index
        %swap3A_666 = tpu.vector_load %arg14[%swap3A_663, %swap3A_664, %swap3A_665] {strides = array<i32>} : memref<2x8x3584xf32, #tpu.memory_space<vmem>>, vector<16xf32>,
        tpu.vector_store %arg14[%swap3A_663, %swap3A_664, %swap3A_665], %gather3A_628 {strides = array<i32>} : memref<2x8x3584xf32, #tpu.memory_space<vmem>>, vector<16xf32>,
        %swap3A_667 = arith.constant 0 : i32
        %swap3A_668 = arith.constant 6 : i32
        %swap3A_669 = arith.index_cast %swap3A_667 : i32 to index
        %swap3A_670 = arith.index_cast %swap3A_668 : i32 to index
        %swap3A_671 = arith.index_cast %mul3A_620 : i32 to index
        %swap3A_672 = tpu.vector_load %arg14[%swap3A_669, %swap3A_670, %swap3A_671] {strides = array<i32>} : memref<2x8x3584xf32, #tpu.memory_space<vmem>>, vector<16xf32>,
        tpu.vector_store %arg14[%swap3A_669, %swap3A_670, %swap3A_671], %gather3A_629 {strides = array<i32>} : memref<2x8x3584xf32, #tpu.memory_space<vmem>>, vector<16xf32>,
        %swap3A_673 = arith.constant 0 : i32
        %swap3A_674 = arith.constant 7 : i32
        %swap3A_675 = arith.index_cast %swap3A_673 : i32 to index
        %swap3A_676 = arith.index_cast %swap3A_674 : i32 to index
        %swap3A_677 = arith.index_cast %mul3A_620 : i32 to index
        %swap3A_678 = tpu.vector_load %arg14[%swap3A_675, %swap3A_676, %swap3A_677] {strides = array<i32>} : memref<2x8x3584xf32, #tpu.memory_space<vmem>>, vector<16xf32>,
        tpu.vector_store %arg14[%swap3A_675, %swap3A_676, %swap3A_677], %gather3A_630 {strides = array<i32>} : memref<2x8x3584xf32, #tpu.memory_space<vmem>>, vector<16xf32>,
        %mul3A_679 = arith.constant 8 : i32
        %mul3A_680 = arith.muli %scan3A_425, %mul3A_679 : i32
        %add3A_681 = arith.constant 4 : i32
        %add3A_682 = arith.addi %mul3A_680, %add3A_681 : i32
        %mul3A_683 = arith.constant 16 : i32
        %mul3A_684 = arith.muli %add3A_682, %mul3A_683 : i32
        %get3A_685 = arith.index_cast %mul3A_684 : i32 to index
        %get3A_686 = tpu.vector_load %arg12[%get3A_685] {strides = array<i32>} : memref<3584xi32, #tpu.memory_space<vmem>>, vector<16xi32>,
        %gather3A_687 = tpu.vector_load_idx %arg13[%broadcast_in_dim3A_15, %broadcast_in_dim3A_19, %get3A_686] : memref<2x8x4096xf32, #tpu.memory_space<vmem>>[vector<16xi32>, vector<16xi32>, vector<16xi32>], vector<16xf32>,
        %gather3A_688 = tpu.vector_load_idx %arg13[%broadcast_in_dim3A_15, %broadcast_in_dim3A_21, %get3A_686] : memref<2x8x4096xf32, #tpu.memory_space<vmem>>[vector<16xi32>, vector<16xi32>, vector<16xi32>], vector<16xf32>,
        %gather3A_689 = tpu.vector_load_idx %arg13[%broadcast_in_dim3A_15, %broadcast_in_dim3A_23, %get3A_686] : memref<2x8x4096xf32, #tpu.memory_space<vmem>>[vector<16xi32>, vector<16xi32>, vector<16xi32>], vector<16xf32>,
        %gather3A_690 = tpu.vector_load_idx %arg13[%broadcast_in_dim3A_15, %broadcast_in_dim3A_25, %get3A_686] : memref<2x8x4096xf32, #tpu.memory_space<vmem>>[vector<16xi32>, vector<16xi32>, vector<16xi32>], vector<16xf32>,
        %gather3A_691 = tpu.vector_load_idx %arg13[%broadcast_in_dim3A_15, %broadcast_in_dim3A_27, %get3A_686] : memref<2x8x4096xf32, #tpu.memory_space<vmem>>[vector<16xi32>, vector<16xi32>, vector<16xi32>], vector<16xf32>,
        %gather3A_692 = tpu.vector_load_idx %arg13[%broadcast_in_dim3A_15, %broadcast_in_dim3A_29, %get3A_686] : memref<2x8x4096xf32, #tpu.memory_space<vmem>>[vector<16xi32>, vector<16xi32>, vector<16xi32>], vector<16xf32>,
        %gather3A_693 = tpu.vector_load_idx %arg13[%broadcast_in_dim3A_15, %broadcast_in_dim3A_31, %get3A_686] : memref<2x8x4096xf32, #tpu.memory_space<vmem>>[vector<16xi32>, vector<16xi32>, vector<16xi32>], vector<16xf32>,
        %gather3A_694 = tpu.vector_load_idx %arg13[%broadcast_in_dim3A_15, %broadcast_in_dim3A_33, %get3A_686] : memref<2x8x4096xf32, #tpu.memory_space<vmem>>[vector<16xi32>, vector<16xi32>, vector<16xi32>], vector<16xf32>,
        %swap3A_695 = arith.constant 0 : i32
        %swap3A_696 = arith.constant 0 : i32
        %swap3A_697 = arith.index_cast %swap3A_695 : i32 to index
        %swap3A_698 = arith.index_cast %swap3A_696 : i32 to index
        %swap3A_699 = arith.index_cast %mul3A_684 : i32 to index
        %swap3A_700 = tpu.vector_load %arg14[%swap3A_697, %swap3A_698, %swap3A_699] {strides = array<i32>} : memref<2x8x3584xf32, #tpu.memory_space<vmem>>, vector<16xf32>,
        tpu.vector_store %arg14[%swap3A_697, %swap3A_698, %swap3A_699], %gather3A_687 {strides = array<i32>} : memref<2x8x3584xf32, #tpu.memory_space<vmem>>, vector<16xf32>,
        %swap3A_701 = arith.constant 0 : i32
        %swap3A_702 = arith.constant 1 : i32
        %swap3A_703 = arith.index_cast %swap3A_701 : i32 to index
        %swap3A_704 = arith.index_cast %swap3A_702 : i32 to index
        %swap3A_705 = arith.index_cast %mul3A_684 : i32 to index
        %swap3A_706 = tpu.vector_load %arg14[%swap3A_703, %swap3A_704, %swap3A_705] {strides = array<i32>} : memref<2x8x3584xf32, #tpu.memory_space<vmem>>, vector<16xf32>,
        tpu.vector_store %arg14[%swap3A_703, %swap3A_704, %swap3A_705], %gather3A_688 {strides = array<i32>} : memref<2x8x3584xf32, #tpu.memory_space<vmem>>, vector<16xf32>,
        %swap3A_707 = arith.constant 0 : i32
        %swap3A_708 = arith.constant 2 : i32
        %swap3A_709 = arith.index_cast %swap3A_707 : i32 to index
        %swap3A_710 = arith.index_cast %swap3A_708 : i32 to index
        %swap3A_711 = arith.index_cast %mul3A_684 : i32 to index
        %swap3A_712 = tpu.vector_load %arg14[%swap3A_709, %swap3A_710, %swap3A_711] {strides = array<i32>} : memref<2x8x3584xf32, #tpu.memory_space<vmem>>, vector<16xf32>,
        tpu.vector_store %arg14[%swap3A_709, %swap3A_710, %swap3A_711], %gather3A_689 {strides = array<i32>} : memref<2x8x3584xf32, #tpu.memory_space<vmem>>, vector<16xf32>,
        %swap3A_713 = arith.constant 0 : i32
        %swap3A_714 = arith.constant 3 : i32
        %swap3A_715 = arith.index_cast %swap3A_713 : i32 to index
        %swap3A_716 = arith.index_cast %swap3A_714 : i32 to index
        %swap3A_717 = arith.index_cast %mul3A_684 : i32 to index
        %swap3A_718 = tpu.vector_load %arg14[%swap3A_715, %swap3A_716, %swap3A_717] {strides = array<i32>} : memref<2x8x3584xf32, #tpu.memory_space<vmem>>, vector<16xf32>,
        tpu.vector_store %arg14[%swap3A_715, %swap3A_716, %swap3A_717], %gather3A_690 {strides = array<i32>} : memref<2x8x3584xf32, #tpu.memory_space<vmem>>, vector<16xf32>,
        %swap3A_719 = arith.constant 0 : i32
        %swap3A_720 = arith.constant 4 : i32
        %swap3A_721 = arith.index_cast %swap3A_719 : i32 to index
        %swap3A_722 = arith.index_cast %swap3A_720 : i32 to index
        %swap3A_723 = arith.index_cast %mul3A_684 : i32 to index
        %swap3A_724 = tpu.vector_load %arg14[%swap3A_721, %swap3A_722, %swap3A_723] {strides = array<i32>} : memref<2x8x3584xf32, #tpu.memory_space<vmem>>, vector<16xf32>,
        tpu.vector_store %arg14[%swap3A_721, %swap3A_722, %swap3A_723], %gather3A_691 {strides = array<i32>} : memref<2x8x3584xf32, #tpu.memory_space<vmem>>, vector<16xf32>,
        %swap3A_725 = arith.constant 0 : i32
        %swap3A_726 = arith.constant 5 : i32
        %swap3A_727 = arith.index_cast %swap3A_725 : i32 to index
        %swap3A_728 = arith.index_cast %swap3A_726 : i32 to index
        %swap3A_729 = arith.index_cast %mul3A_684 : i32 to index
        %swap3A_730 = tpu.vector_load %arg14[%swap3A_727, %swap3A_728, %swap3A_729] {strides = array<i32>} : memref<2x8x3584xf32, #tpu.memory_space<vmem>>, vector<16xf32>,
        tpu.vector_store %arg14[%swap3A_727, %swap3A_728, %swap3A_729], %gather3A_692 {strides = array<i32>} : memref<2x8x3584xf32, #tpu.memory_space<vmem>>, vector<16xf32>,
        %swap3A_731 = arith.constant 0 : i32
        %swap3A_732 = arith.constant 6 : i32
        %swap3A_733 = arith.index_cast %swap3A_731 : i32 to index
        %swap3A_734 = arith.index_cast %swap3A_732 : i32 to index
        %swap3A_735 = arith.index_cast %mul3A_684 : i32 to index
        %swap3A_736 = tpu.vector_load %arg14[%swap3A_733, %swap3A_734, %swap3A_735] {strides = array<i32>} : memref<2x8x3584xf32, #tpu.memory_space<vmem>>, vector<16xf32>,
        tpu.vector_store %arg14[%swap3A_733, %swap3A_734, %swap3A_735], %gather3A_693 {strides = array<i32>} : memref<2x8x3584xf32, #tpu.memory_space<vmem>>, vector<16xf32>,
        %swap3A_737 = arith.constant 0 : i32
        %swap3A_738 = arith.constant 7 : i32
        %swap3A_739 = arith.index_cast %swap3A_737 : i32 to index
        %swap3A_740 = arith.index_cast %swap3A_738 : i32 to index
        %swap3A_741 = arith.index_cast %mul3A_684 : i32 to index
        %swap3A_742 = tpu.vector_load %arg14[%swap3A_739, %swap3A_740, %swap3A_741] {strides = array<i32>} : memref<2x8x3584xf32, #tpu.memory_space<vmem>>, vector<16xf32>,
        tpu.vector_store %arg14[%swap3A_739, %swap3A_740, %swap3A_741], %gather3A_694 {strides = array<i32>} : memref<2x8x3584xf32, #tpu.memory_space<vmem>>, vector<16xf32>,
        %mul3A_743 = arith.constant 8 : i32
        %mul3A_744 = arith.muli %scan3A_425, %mul3A_743 : i32
        %add3A_745 = arith.constant 5 : i32
        %add3A_746 = arith.addi %mul3A_744, %add3A_745 : i32
        %mul3A_747 = arith.constant 16 : i32
        %mul3A_748 = arith.muli %add3A_746, %mul3A_747 : i32
        %get3A_749 = arith.index_cast %mul3A_748 : i32 to index
        %get3A_750 = tpu.vector_load %arg12[%get3A_749] {strides = array<i32>} : memref<3584xi32, #tpu.memory_space<vmem>>, vector<16xi32>,
        %gather3A_751 = tpu.vector_load_idx %arg13[%broadcast_in_dim3A_15, %broadcast_in_dim3A_19, %get3A_750] : memref<2x8x4096xf32, #tpu.memory_space<vmem>>[vector<16xi32>, vector<16xi32>, vector<16xi32>], vector<16xf32>,
        %gather3A_752 = tpu.vector_load_idx %arg13[%broadcast_in_dim3A_15, %broadcast_in_dim3A_21, %get3A_750] : memref<2x8x4096xf32, #tpu.memory_space<vmem>>[vector<16xi32>, vector<16xi32>, vector<16xi32>], vector<16xf32>,
        %gather3A_753 = tpu.vector_load_idx %arg13[%broadcast_in_dim3A_15, %broadcast_in_dim3A_23, %get3A_750] : memref<2x8x4096xf32, #tpu.memory_space<vmem>>[vector<16xi32>, vector<16xi32>, vector<16xi32>], vector<16xf32>,
        %gather3A_754 = tpu.vector_load_idx %arg13[%broadcast_in_dim3A_15, %broadcast_in_dim3A_25, %get3A_750] : memref<2x8x4096xf32, #tpu.memory_space<vmem>>[vector<16xi32>, vector<16xi32>, vector<16xi32>], vector<16xf32>,
        %gather3A_755 = tpu.vector_load_idx %arg13[%broadcast_in_dim3A_15, %broadcast_in_dim3A_27, %get3A_750] : memref<2x8x4096xf32, #tpu.memory_space<vmem>>[vector<16xi32>, vector<16xi32>, vector<16xi32>], vector<16xf32>,
        %gather3A_756 = tpu.vector_load_idx %arg13[%broadcast_in_dim3A_15, %broadcast_in_dim3A_29, %get3A_750] : memref<2x8x4096xf32, #tpu.memory_space<vmem>>[vector<16xi32>, vector<16xi32>, vector<16xi32>], vector<16xf32>,
        %gather3A_757 = tpu.vector_load_idx %arg13[%broadcast_in_dim3A_15, %broadcast_in_dim3A_31, %get3A_750] : memref<2x8x4096xf32, #tpu.memory_space<vmem>>[vector<16xi32>, vector<16xi32>, vector<16xi32>], vector<16xf32>,
        %gather3A_758 = tpu.vector_load_idx %arg13[%broadcast_in_dim3A_15, %broadcast_in_dim3A_33, %get3A_750] : memref<2x8x4096xf32, #tpu.memory_space<vmem>>[vector<16xi32>, vector<16xi32>, vector<16xi32>], vector<16xf32>,
        %swap3A_759 = arith.constant 0 : i32
        %swap3A_760 = arith.constant 0 : i32
        %swap3A_761 = arith.index_cast %swap3A_759 : i32 to index
        %swap3A_762 = arith.index_cast %swap3A_760 : i32 to index
        %swap3A_763 = arith.index_cast %mul3A_748 : i32 to index
        %swap3A_764 = tpu.vector_load %arg14[%swap3A_761, %swap3A_762, %swap3A_763] {strides = array<i32>} : memref<2x8x3584xf32, #tpu.memory_space<vmem>>, vector<16xf32>,
        tpu.vector_store %arg14[%swap3A_761, %swap3A_762, %swap3A_763], %gather3A_751 {strides = array<i32>} : memref<2x8x3584xf32, #tpu.memory_space<vmem>>, vector<16xf32>,
        %swap3A_765 = arith.constant 0 : i32
        %swap3A_766 = arith.constant 1 : i32
        %swap3A_767 = arith.index_cast %swap3A_765 : i32 to index
        %swap3A_768 = arith.index_cast %swap3A_766 : i32 to index
        %swap3A_769 = arith.index_cast %mul3A_748 : i32 to index
        %swap3A_770 = tpu.vector_load %arg14[%swap3A_767, %swap3A_768, %swap3A_769] {strides = array<i32>} : memref<2x8x3584xf32, #tpu.memory_space<vmem>>, vector<16xf32>,
        tpu.vector_store %arg14[%swap3A_767, %swap3A_768, %swap3A_769], %gather3A_752 {strides = array<i32>} : memref<2x8x3584xf32, #tpu.memory_space<vmem>>, vector<16xf32>,
        %swap3A_771 = arith.constant 0 : i32
        %swap3A_772 = arith.constant 2 : i32
        %swap3A_773 = arith.index_cast %swap3A_771 : i32 to index
        %swap3A_774 = arith.index_cast %swap3A_772 : i32 to index
        %swap3A_775 = arith.index_cast %mul3A_748 : i32 to index
        %swap3A_776 = tpu.vector_load %arg14[%swap3A_773, %swap3A_774, %swap3A_775] {strides = array<i32>} : memref<2x8x3584xf32, #tpu.memory_space<vmem>>, vector<16xf32>,
        tpu.vector_store %arg14[%swap3A_773, %swap3A_774, %swap3A_775], %gather3A_753 {strides = array<i32>} : memref<2x8x3584xf32, #tpu.memory_space<vmem>>, vector<16xf32>,
        %swap3A_777 = arith.constant 0 : i32
        %swap3A_778 = arith.constant 3 : i32
        %swap3A_779 = arith.index_cast %swap3A_777 : i32 to index
        %swap3A_780 = arith.index_cast %swap3A_778 : i32 to index
        %swap3A_781 = arith.index_cast %mul3A_748 : i32 to index
        %swap3A_782 = tpu.vector_load %arg14[%swap3A_779, %swap3A_780, %swap3A_781] {strides = array<i32>} : memref<2x8x3584xf32, #tpu.memory_space<vmem>>, vector<16xf32>,
        tpu.vector_store %arg14[%swap3A_779, %swap3A_780, %swap3A_781], %gather3A_754 {strides = array<i32>} : memref<2x8x3584xf32, #tpu.memory_space<vmem>>, vector<16xf32>,
        %swap3A_783 = arith.constant 0 : i32
        %swap3A_784 = arith.constant 4 : i32
        %swap3A_785 = arith.index_cast %swap3A_783 : i32 to index
        %swap3A_786 = arith.index_cast %swap3A_784 : i32 to index
        %swap3A_787 = arith.index_cast %mul3A_748 : i32 to index
        %swap3A_788 = tpu.vector_load %arg14[%swap3A_785, %swap3A_786, %swap3A_787] {strides = array<i32>} : memref<2x8x3584xf32, #tpu.memory_space<vmem>>, vector<16xf32>,
        tpu.vector_store %arg14[%swap3A_785, %swap3A_786, %swap3A_787], %gather3A_755 {strides = array<i32>} : memref<2x8x3584xf32, #tpu.memory_space<vmem>>, vector<16xf32>,
        %swap3A_789 = arith.constant 0 : i32
        %swap3A_790 = arith.constant 5 : i32
        %swap3A_791 = arith.index_cast %swap3A_789 : i32 to index
        %swap3A_792 = arith.index_cast %swap3A_790 : i32 to index
        %swap3A_793 = arith.index_cast %mul3A_748 : i32 to index
        %swap3A_794 = tpu.vector_load %arg14[%swap3A_791, %swap3A_792, %swap3A_793] {strides = array<i32>} : memref<2x8x3584xf32, #tpu.memory_space<vmem>>, vector<16xf32>,
        tpu.vector_store %arg14[%swap3A_791, %swap3A_792, %swap3A_793], %gather3A_756 {strides = array<i32>} : memref<2x8x3584xf32, #tpu.memory_space<vmem>>, vector<16xf32>,
        %swap3A_795 = arith.constant 0 : i32
        %swap3A_796 = arith.constant 6 : i32
        %swap3A_797 = arith.index_cast %swap3A_795 : i32 to index
        %swap3A_798 = arith.index_cast %swap3A_796 : i32 to index
        %swap3A_799 = arith.index_cast %mul3A_748 : i32 to index
        %swap3A_800 = tpu.vector_load %arg14[%swap3A_797, %swap3A_798, %swap3A_799] {strides = array<i32>} : memref<2x8x3584xf32, #tpu.memory_space<vmem>>, vector<16xf32>,
        tpu.vector_store %arg14[%swap3A_797, %swap3A_798, %swap3A_799], %gather3A_757 {strides = array<i32>} : memref<2x8x3584xf32, #tpu.memory_space<vmem>>, vector<16xf32>,
        %swap3A_801 = arith.constant 0 : i32
        %swap3A_802 = arith.constant 7 : i32
        %swap3A_803 = arith.index_cast %swap3A_801 : i32 to index
        %swap3A_804 = arith.index_cast %swap3A_802 : i32 to index
        %swap3A_805 = arith.index_cast %mul3A_748 : i32 to index
        %swap3A_806 = tpu.vector_load %arg14[%swap3A_803, %swap3A_804, %swap3A_805] {strides = array<i32>} : memref<2x8x3584xf32, #tpu.memory_space<vmem>>, vector<16xf32>,
        tpu.vector_store %arg14[%swap3A_803, %swap3A_804, %swap3A_805], %gather3A_758 {strides = array<i32>} : memref<2x8x3584xf32, #tpu.memory_space<vmem>>, vector<16xf32>,
        %mul3A_807 = arith.constant 8 : i32
        %mul3A_808 = arith.muli %scan3A_425, %mul3A_807 : i32
        %add3A_809 = arith.constant 6 : i32
        %add3A_810 = arith.addi %mul3A_808, %add3A_809 : i32
        %mul3A_811 = arith.constant 16 : i32
        %mul3A_812 = arith.muli %add3A_810, %mul3A_811 : i32
        %get3A_813 = arith.index_cast %mul3A_812 : i32 to index
        %get3A_814 = tpu.vector_load %arg12[%get3A_813] {strides = array<i32>} : memref<3584xi32, #tpu.memory_space<vmem>>, vector<16xi32>,
        %gather3A_815 = tpu.vector_load_idx %arg13[%broadcast_in_dim3A_15, %broadcast_in_dim3A_19, %get3A_814] : memref<2x8x4096xf32, #tpu.memory_space<vmem>>[vector<16xi32>, vector<16xi32>, vector<16xi32>], vector<16xf32>,
        %gather3A_816 = tpu.vector_load_idx %arg13[%broadcast_in_dim3A_15, %broadcast_in_dim3A_21, %get3A_814] : memref<2x8x4096xf32, #tpu.memory_space<vmem>>[vector<16xi32>, vector<16xi32>, vector<16xi32>], vector<16xf32>,
        %gather3A_817 = tpu.vector_load_idx %arg13[%broadcast_in_dim3A_15, %broadcast_in_dim3A_23, %get3A_814] : memref<2x8x4096xf32, #tpu.memory_space<vmem>>[vector<16xi32>, vector<16xi32>, vector<16xi32>], vector<16xf32>,
        %gather3A_818 = tpu.vector_load_idx %arg13[%broadcast_in_dim3A_15, %broadcast_in_dim3A_25, %get3A_814] : memref<2x8x4096xf32, #tpu.memory_space<vmem>>[vector<16xi32>, vector<16xi32>, vector<16xi32>], vector<16xf32>,
        %gather3A_819 = tpu.vector_load_idx %arg13[%broadcast_in_dim3A_15, %broadcast_in_dim3A_27, %get3A_814] : memref<2x8x4096xf32, #tpu.memory_space<vmem>>[vector<16xi32>, vector<16xi32>, vector<16xi32>], vector<16xf32>,
        %gather3A_820 = tpu.vector_load_idx %arg13[%broadcast_in_dim3A_15, %broadcast_in_dim3A_29, %get3A_814] : memref<2x8x4096xf32, #tpu.memory_space<vmem>>[vector<16xi32>, vector<16xi32>, vector<16xi32>], vector<16xf32>,
        %gather3A_821 = tpu.vector_load_idx %arg13[%broadcast_in_dim3A_15, %broadcast_in_dim3A_31, %get3A_814] : memref<2x8x4096xf32, #tpu.memory_space<vmem>>[vector<16xi32>, vector<16xi32>, vector<16xi32>], vector<16xf32>,
        %gather3A_822 = tpu.vector_load_idx %arg13[%broadcast_in_dim3A_15, %broadcast_in_dim3A_33, %get3A_814] : memref<2x8x4096xf32, #tpu.memory_space<vmem>>[vector<16xi32>, vector<16xi32>, vector<16xi32>], vector<16xf32>,
        %swap3A_823 = arith.constant 0 : i32
        %swap3A_824 = arith.constant 0 : i32
        %swap3A_825 = arith.index_cast %swap3A_823 : i32 to index
        %swap3A_826 = arith.index_cast %swap3A_824 : i32 to index
        %swap3A_827 = arith.index_cast %mul3A_812 : i32 to index
        %swap3A_828 = tpu.vector_load %arg14[%swap3A_825, %swap3A_826, %swap3A_827] {strides = array<i32>} : memref<2x8x3584xf32, #tpu.memory_space<vmem>>, vector<16xf32>,
        tpu.vector_store %arg14[%swap3A_825, %swap3A_826, %swap3A_827], %gather3A_815 {strides = array<i32>} : memref<2x8x3584xf32, #tpu.memory_space<vmem>>, vector<16xf32>,
        %swap3A_829 = arith.constant 0 : i32
        %swap3A_830 = arith.constant 1 : i32
        %swap3A_831 = arith.index_cast %swap3A_829 : i32 to index
        %swap3A_832 = arith.index_cast %swap3A_830 : i32 to index
        %swap3A_833 = arith.index_cast %mul3A_812 : i32 to index
        %swap3A_834 = tpu.vector_load %arg14[%swap3A_831, %swap3A_832, %swap3A_833] {strides = array<i32>} : memref<2x8x3584xf32, #tpu.memory_space<vmem>>, vector<16xf32>,
        tpu.vector_store %arg14[%swap3A_831, %swap3A_832, %swap3A_833], %gather3A_816 {strides = array<i32>} : memref<2x8x3584xf32, #tpu.memory_space<vmem>>, vector<16xf32>,
        %swap3A_835 = arith.constant 0 : i32
        %swap3A_836 = arith.constant 2 : i32
        %swap3A_837 = arith.index_cast %swap3A_835 : i32 to index
        %swap3A_838 = arith.index_cast %swap3A_836 : i32 to index
        %swap3A_839 = arith.index_cast %mul3A_812 : i32 to index
        %swap3A_840 = tpu.vector_load %arg14[%swap3A_837, %swap3A_838, %swap3A_839] {strides = array<i32>} : memref<2x8x3584xf32, #tpu.memory_space<vmem>>, vector<16xf32>,
        tpu.vector_store %arg14[%swap3A_837, %swap3A_838, %swap3A_839], %gather3A_817 {strides = array<i32>} : memref<2x8x3584xf32, #tpu.memory_space<vmem>>, vector<16xf32>,
        %swap3A_841 = arith.constant 0 : i32
        %swap3A_842 = arith.constant 3 : i32
        %swap3A_843 = arith.index_cast %swap3A_841 : i32 to index
        %swap3A_844 = arith.index_cast %swap3A_842 : i32 to index
        %swap3A_845 = arith.index_cast %mul3A_812 : i32 to index
        %swap3A_846 = tpu.vector_load %arg14[%swap3A_843, %swap3A_844, %swap3A_845] {strides = array<i32>} : memref<2x8x3584xf32, #tpu.memory_space<vmem>>, vector<16xf32>,
        tpu.vector_store %arg14[%swap3A_843, %swap3A_844, %swap3A_845], %gather3A_818 {strides = array<i32>} : memref<2x8x3584xf32, #tpu.memory_space<vmem>>, vector<16xf32>,
        %swap3A_847 = arith.constant 0 : i32
        %swap3A_848 = arith.constant 4 : i32
        %swap3A_849 = arith.index_cast %swap3A_847 : i32 to index
        %swap3A_850 = arith.index_cast %swap3A_848 : i32 to index
        %swap3A_851 = arith.index_cast %mul3A_812 : i32 to index
        %swap3A_852 = tpu.vector_load %arg14[%swap3A_849, %swap3A_850, %swap3A_851] {strides = array<i32>} : memref<2x8x3584xf32, #tpu.memory_space<vmem>>, vector<16xf32>,
        tpu.vector_store %arg14[%swap3A_849, %swap3A_850, %swap3A_851], %gather3A_819 {strides = array<i32>} : memref<2x8x3584xf32, #tpu.memory_space<vmem>>, vector<16xf32>,
        %swap3A_853 = arith.constant 0 : i32
        %swap3A_854 = arith.constant 5 : i32
        %swap3A_855 = arith.index_cast %swap3A_853 : i32 to index
        %swap3A_856 = arith.index_cast %swap3A_854 : i32 to index
        %swap3A_857 = arith.index_cast %mul3A_812 : i32 to index
        %swap3A_858 = tpu.vector_load %arg14[%swap3A_855, %swap3A_856, %swap3A_857] {strides = array<i32>} : memref<2x8x3584xf32, #tpu.memory_space<vmem>>, vector<16xf32>,
        tpu.vector_store %arg14[%swap3A_855, %swap3A_856, %swap3A_857], %gather3A_820 {strides = array<i32>} : memref<2x8x3584xf32, #tpu.memory_space<vmem>>, vector<16xf32>,
        %swap3A_859 = arith.constant 0 : i32
        %swap3A_860 = arith.constant 6 : i32
        %swap3A_861 = arith.index_cast %swap3A_859 : i32 to index
        %swap3A_862 = arith.index_cast %swap3A_860 : i32 to index
        %swap3A_863 = arith.index_cast %mul3A_812 : i32 to index
        %swap3A_864 = tpu.vector_load %arg14[%swap3A_861, %swap3A_862, %swap3A_863] {strides = array<i32>} : memref<2x8x3584xf32, #tpu.memory_space<vmem>>, vector<16xf32>,
        tpu.vector_store %arg14[%swap3A_861, %swap3A_862, %swap3A_863], %gather3A_821 {strides = array<i32>} : memref<2x8x3584xf32, #tpu.memory_space<vmem>>, vector<16xf32>,
        %swap3A_865 = arith.constant 0 : i32
        %swap3A_866 = arith.constant 7 : i32
        %swap3A_867 = arith.index_cast %swap3A_865 : i32 to index
        %swap3A_868 = arith.index_cast %swap3A_866 : i32 to index
        %swap3A_869 = arith.index_cast %mul3A_812 : i32 to index
        %swap3A_870 = tpu.vector_load %arg14[%swap3A_867, %swap3A_868, %swap3A_869] {strides = array<i32>} : memref<2x8x3584xf32, #tpu.memory_space<vmem>>, vector<16xf32>,
        tpu.vector_store %arg14[%swap3A_867, %swap3A_868, %swap3A_869], %gather3A_822 {strides = array<i32>} : memref<2x8x3584xf32, #tpu.memory_space<vmem>>, vector<16xf32>,
        %mul3A_871 = arith.constant 8 : i32
        %mul3A_872 = arith.muli %scan3A_425, %mul3A_871 : i32
        %add3A_873 = arith.constant 7 : i32
        %add3A_874 = arith.addi %mul3A_872, %add3A_873 : i32
        %mul3A_875 = arith.constant 16 : i32
        %mul3A_876 = arith.muli %add3A_874, %mul3A_875 : i32
        %get3A_877 = arith.index_cast %mul3A_876 : i32 to index
        %get3A_878 = tpu.vector_load %arg12[%get3A_877] {strides = array<i32>} : memref<3584xi32, #tpu.memory_space<vmem>>, vector<16xi32>,
        %gather3A_879 = tpu.vector_load_idx %arg13[%broadcast_in_dim3A_15, %broadcast_in_dim3A_19, %get3A_878] : memref<2x8x4096xf32, #tpu.memory_space<vmem>>[vector<16xi32>, vector<16xi32>, vector<16xi32>], vector<16xf32>,
        %gather3A_880 = tpu.vector_load_idx %arg13[%broadcast_in_dim3A_15, %broadcast_in_dim3A_21, %get3A_878] : memref<2x8x4096xf32, #tpu.memory_space<vmem>>[vector<16xi32>, vector<16xi32>, vector<16xi32>], vector<16xf32>,
        %gather3A_881 = tpu.vector_load_idx %arg13[%broadcast_in_dim3A_15, %broadcast_in_dim3A_23, %get3A_878] : memref<2x8x4096xf32, #tpu.memory_space<vmem>>[vector<16xi32>, vector<16xi32>, vector<16xi32>], vector<16xf32>,
        %gather3A_882 = tpu.vector_load_idx %arg13[%broadcast_in_dim3A_15, %broadcast_in_dim3A_25, %get3A_878] : memref<2x8x4096xf32, #tpu.memory_space<vmem>>[vector<16xi32>, vector<16xi32>, vector<16xi32>], vector<16xf32>,
        %gather3A_883 = tpu.vector_load_idx %arg13[%broadcast_in_dim3A_15, %broadcast_in_dim3A_27, %get3A_878] : memref<2x8x4096xf32, #tpu.memory_space<vmem>>[vector<16xi32>, vector<16xi32>, vector<16xi32>], vector<16xf32>,
        %gather3A_884 = tpu.vector_load_idx %arg13[%broadcast_in_dim3A_15, %broadcast_in_dim3A_29, %get3A_878] : memref<2x8x4096xf32, #tpu.memory_space<vmem>>[vector<16xi32>, vector<16xi32>, vector<16xi32>], vector<16xf32>,
        %gather3A_885 = tpu.vector_load_idx %arg13[%broadcast_in_dim3A_15, %broadcast_in_dim3A_31, %get3A_878] : memref<2x8x4096xf32, #tpu.memory_space<vmem>>[vector<16xi32>, vector<16xi32>, vector<16xi32>], vector<16xf32>,
        %gather3A_886 = tpu.vector_load_idx %arg13[%broadcast_in_dim3A_15, %broadcast_in_dim3A_33, %get3A_878] : memref<2x8x4096xf32, #tpu.memory_space<vmem>>[vector<16xi32>, vector<16xi32>, vector<16xi32>], vector<16xf32>,
        %swap3A_887 = arith.constant 0 : i32
        %swap3A_888 = arith.constant 0 : i32
        %swap3A_889 = arith.index_cast %swap3A_887 : i32 to index
        %swap3A_890 = arith.index_cast %swap3A_888 : i32 to index
        %swap3A_891 = arith.index_cast %mul3A_876 : i32 to index
        %swap3A_892 = tpu.vector_load %arg14[%swap3A_889, %swap3A_890, %swap3A_891] {strides = array<i32>} : memref<2x8x3584xf32, #tpu.memory_space<vmem>>, vector<16xf32>,
        tpu.vector_store %arg14[%swap3A_889, %swap3A_890, %swap3A_891], %gather3A_879 {strides = array<i32>} : memref<2x8x3584xf32, #tpu.memory_space<vmem>>, vector<16xf32>,
        %swap3A_893 = arith.constant 0 : i32
        %swap3A_894 = arith.constant 1 : i32
        %swap3A_895 = arith.index_cast %swap3A_893 : i32 to index
        %swap3A_896 = arith.index_cast %swap3A_894 : i32 to index
        %swap3A_897 = arith.index_cast %mul3A_876 : i32 to index
        %swap3A_898 = tpu.vector_load %arg14[%swap3A_895, %swap3A_896, %swap3A_897] {strides = array<i32>} : memref<2x8x3584xf32, #tpu.memory_space<vmem>>, vector<16xf32>,
        tpu.vector_store %arg14[%swap3A_895, %swap3A_896, %swap3A_897], %gather3A_880 {strides = array<i32>} : memref<2x8x3584xf32, #tpu.memory_space<vmem>>, vector<16xf32>,
        %swap3A_899 = arith.constant 0 : i32
        %swap3A_900 = arith.constant 2 : i32
        %swap3A_901 = arith.index_cast %swap3A_899 : i32 to index
        %swap3A_902 = arith.index_cast %swap3A_900 : i32 to index
        %swap3A_903 = arith.index_cast %mul3A_876 : i32 to index
        %swap3A_904 = tpu.vector_load %arg14[%swap3A_901, %swap3A_902, %swap3A_903] {strides = array<i32>} : memref<2x8x3584xf32, #tpu.memory_space<vmem>>, vector<16xf32>,
        tpu.vector_store %arg14[%swap3A_901, %swap3A_902, %swap3A_903], %gather3A_881 {strides = array<i32>} : memref<2x8x3584xf32, #tpu.memory_space<vmem>>, vector<16xf32>,
        %swap3A_905 = arith.constant 0 : i32
        %swap3A_906 = arith.constant 3 : i32
        %swap3A_907 = arith.index_cast %swap3A_905 : i32 to index
        %swap3A_908 = arith.index_cast %swap3A_906 : i32 to index
        %swap3A_909 = arith.index_cast %mul3A_876 : i32 to index
        %swap3A_910 = tpu.vector_load %arg14[%swap3A_907, %swap3A_908, %swap3A_909] {strides = array<i32>} : memref<2x8x3584xf32, #tpu.memory_space<vmem>>, vector<16xf32>,
        tpu.vector_store %arg14[%swap3A_907, %swap3A_908, %swap3A_909], %gather3A_882 {strides = array<i32>} : memref<2x8x3584xf32, #tpu.memory_space<vmem>>, vector<16xf32>,
        %swap3A_911 = arith.constant 0 : i32
        %swap3A_912 = arith.constant 4 : i32
        %swap3A_913 = arith.index_cast %swap3A_911 : i32 to index
        %swap3A_914 = arith.index_cast %swap3A_912 : i32 to index
        %swap3A_915 = arith.index_cast %mul3A_876 : i32 to index
        %swap3A_916 = tpu.vector_load %arg14[%swap3A_913, %swap3A_914, %swap3A_915] {strides = array<i32>} : memref<2x8x3584xf32, #tpu.memory_space<vmem>>, vector<16xf32>,
        tpu.vector_store %arg14[%swap3A_913, %swap3A_914, %swap3A_915], %gather3A_883 {strides = array<i32>} : memref<2x8x3584xf32, #tpu.memory_space<vmem>>, vector<16xf32>,
        %swap3A_917 = arith.constant 0 : i32
        %swap3A_918 = arith.constant 5 : i32
        %swap3A_919 = arith.index_cast %swap3A_917 : i32 to index
        %swap3A_920 = arith.index_cast %swap3A_918 : i32 to index
        %swap3A_921 = arith.index_cast %mul3A_876 : i32 to index
        %swap3A_922 = tpu.vector_load %arg14[%swap3A_919, %swap3A_920, %swap3A_921] {strides = array<i32>} : memref<2x8x3584xf32, #tpu.memory_space<vmem>>, vector<16xf32>,
        tpu.vector_store %arg14[%swap3A_919, %swap3A_920, %swap3A_921], %gather3A_884 {strides = array<i32>} : memref<2x8x3584xf32, #tpu.memory_space<vmem>>, vector<16xf32>,
        %swap3A_923 = arith.constant 0 : i32
        %swap3A_924 = arith.constant 6 : i32
        %swap3A_925 = arith.index_cast %swap3A_923 : i32 to index
        %swap3A_926 = arith.index_cast %swap3A_924 : i32 to index
        %swap3A_927 = arith.index_cast %mul3A_876 : i32 to index
        %swap3A_928 = tpu.vector_load %arg14[%swap3A_925, %swap3A_926, %swap3A_927] {strides = array<i32>} : memref<2x8x3584xf32, #tpu.memory_space<vmem>>, vector<16xf32>,
        tpu.vector_store %arg14[%swap3A_925, %swap3A_926, %swap3A_927], %gather3A_885 {strides = array<i32>} : memref<2x8x3584xf32, #tpu.memory_space<vmem>>, vector<16xf32>,
        %swap3A_929 = arith.constant 0 : i32
        %swap3A_930 = arith.constant 7 : i32
        %swap3A_931 = arith.index_cast %swap3A_929 : i32 to index
        %swap3A_932 = arith.index_cast %swap3A_930 : i32 to index
        %swap3A_933 = arith.index_cast %mul3A_876 : i32 to index
        %swap3A_934 = tpu.vector_load %arg14[%swap3A_931, %swap3A_932, %swap3A_933] {strides = array<i32>} : memref<2x8x3584xf32, #tpu.memory_space<vmem>>, vector<16xf32>,
        tpu.vector_store %arg14[%swap3A_931, %swap3A_932, %swap3A_933], %gather3A_886 {strides = array<i32>} : memref<2x8x3584xf32, #tpu.memory_space<vmem>>, vector<16xf32>,
      }
      %scan3A_332 = arith.constant 28 : i32
      %add3A_333 = arith.addi %select_n3A_175, %add3A_285 : i32
      %sub3A_334 = arith.constant 1 : i32
      %sub3A_335 = arith.subi %select_n3A_203, %sub3A_334 : i32
      %min3A_336 = arith.minsi %add3A_333, %sub3A_335 : i32
      %mul3A_337 = arith.constant 8 : i32
      %mul3A_338 = arith.muli %mul3A_337, %min3A_336 : i32
      %multiple_of3A_339 = tpu.assume_multiple %mul3A_338, 8 : i32
      %dma_start3A_340 = arith.constant 0 : i32
      %dma_start3A_341 = arith.constant 0 : i32
      %dma_start3A_342 = arith.constant 0 : i32
      %dma_start3A_343 = tpu.memref_slice %arg14[%dma_start3A_340, %dma_start3A_341, %dma_start3A_342] : memref<2x8x3584xf32, #tpu.memory_space<vmem>> -> memref<1x8x3584xf32, #tpu.memory_space<vmem>>
      %dma_start3A_344 = tpu.memref_squeeze %dma_start3A_343 : memref<1x8x3584xf32, #tpu.memory_space<vmem>> -> memref<8x3584xf32, #tpu.memory_space<vmem>>
      %dma_start3A_345 = arith.constant 0 : i32
      %dma_start3A_346 = tpu.memref_slice %arg8[%multiple_of3A_339, %dma_start3A_345] : memref<12288x3584xf32, #tpu.memory_space<hbm>> -> memref<8x3584xf32, #tpu.memory_space<hbm>>
      %dma_start3A_347 = arith.constant 0 : i32
      %dma_start3A_348 = tpu.memref_slice %arg8[%multiple_of3A_339, %dma_start3A_347] : memref<12288x3584xf32, #tpu.memory_space<hbm>> -> memref<8x3584xf32, #tpu.memory_space<hbm>>
      %dma_start3A_349 = arith.constant 0 : i32
      %dma_start3A_350 = arith.constant 0 : i32
      %dma_start3A_351 = tpu.memref_slice %arg14[%dma_start3A_340, %dma_start3A_349, %dma_start3A_350] : memref<2x8x3584xf32, #tpu.memory_space<vmem>> -> memref<1x8x3584xf32, #tpu.memory_space<vmem>>
      %dma_start3A_352 = tpu.memref_squeeze %dma_start3A_351 : memref<1x8x3584xf32, #tpu.memory_space<vmem>> -> memref<8x3584xf32, #tpu.memory_space<vmem>>
      tpu.enqueue_dma source(%dma_start3A_352 : memref<8x3584xf32, #tpu.memory_space<vmem>>) target(%dma_start3A_348 : memref<8x3584xf32, #tpu.memory_space<hbm>>) target_semaphore(%arg16 : memref<!tpu.dma_semaphore, #tpu.memory_space<semaphore_mem>>)
      %mul3A_353 = arith.constant 2 : i32
      %mul3A_354 = arith.muli %mul3A_353, %scan3A_281 : i32
      %add3A_355 = arith.constant 1 : i32
      %add3A_356 = arith.addi %mul3A_354, %add3A_355 : i32
      %dma_wait3A_357 = arith.constant 0 : i32
      %dma_wait3A_358 = arith.constant 0 : i32
      %dma_wait3A_359 = arith.constant 0 : i32
      %dma_wait3A_360 = tpu.memref_slice %arg13[%dma_wait3A_357, %dma_wait3A_358, %dma_wait3A_359] : memref<2x8x4096xf32, #tpu.memory_space<vmem>> -> memref<1x8x4096xf32, #tpu.memory_space<vmem>>
      %dma_wait3A_361 = tpu.memref_squeeze %dma_wait3A_360 : memref<1x8x4096xf32, #tpu.memory_space<vmem>> -> memref<8x4096xf32, #tpu.memory_space<vmem>>
      %dma_wait3A_362 = arith.constant 0 : i32
      %dma_wait3A_363 = arith.constant 0 : i32
      %dma_wait3A_364 = tpu.memref_slice %arg4[%dma_wait3A_362, %dma_wait3A_363] : memref<12288x4096xf32, #tpu.memory_space<hbm>> -> memref<8x4096xf32, #tpu.memory_space<hbm>>
      %dma_wait3A_365 = arith.constant 0 : i32
      %dma_wait3A_366 = arith.constant 0 : i32
      %dma_wait3A_367 = tpu.memref_slice %arg13[%dma_wait3A_357, %dma_wait3A_365, %dma_wait3A_366] : memref<2x8x4096xf32, #tpu.memory_space<vmem>> -> memref<1x8x4096xf32, #tpu.memory_space<vmem>>
      %dma_wait3A_368 = tpu.memref_squeeze %dma_wait3A_367 : memref<1x8x4096xf32, #tpu.memory_space<vmem>> -> memref<8x4096xf32, #tpu.memory_space<vmem>>
      %dma_wait3A_369 = arith.constant 0 : i32
      %dma_wait3A_370 = arith.constant 0 : i32
      %dma_wait3A_371 = tpu.memref_slice %arg4[%dma_wait3A_369, %dma_wait3A_370] : memref<12288x4096xf32, #tpu.memory_space<hbm>> -> memref<8x4096xf32, #tpu.memory_space<hbm>>
      tpu.wait_dma2 semaphore(%arg15 : memref<!tpu.dma_semaphore, #tpu.memory_space<semaphore_mem>>) src(%dma_wait3A_371 : memref<8x4096xf32, #tpu.memory_space<hbm>>) dst(%dma_wait3A_368 : memref<8x4096xf32, #tpu.memory_space<vmem>>)
      %add3A_372 = arith.constant 1 : i32
      %add3A_373 = arith.addi %add3A_356, %add3A_372 : i32
      %add3A_374 = arith.addi %select_n3A_175, %add3A_373 : i32
      %sub3A_375 = arith.constant 1 : i32
      %sub3A_376 = arith.subi %select_n3A_203, %sub3A_375 : i32
      %min3A_377 = arith.minsi %add3A_374, %sub3A_376 : i32
      %mul3A_378 = arith.constant 8 : i32
      %mul3A_379 = arith.muli %mul3A_378, %min3A_377 : i32
      %multiple_of3A_380 = tpu.assume_multiple %mul3A_379, 8 : i32
      %dma_start3A_381 = arith.constant 0 : i32
      %dma_start3A_382 = arith.constant 0 : i32
      %dma_start3A_383 = arith.constant 0 : i32
      %dma_start3A_384 = tpu.memref_slice %arg13[%dma_start3A_381, %dma_start3A_382, %dma_start3A_383] : memref<2x8x4096xf32, #tpu.memory_space<vmem>> -> memref<1x8x4096xf32, #tpu.memory_space<vmem>>
      %dma_start3A_385 = tpu.memref_squeeze %dma_start3A_384 : memref<1x8x4096xf32, #tpu.memory_space<vmem>> -> memref<8x4096xf32, #tpu.memory_space<vmem>>
      %dma_start3A_386 = arith.constant 0 : i32
      %dma_start3A_387 = tpu.memref_slice %arg4[%multiple_of3A_380, %dma_start3A_386] : memref<12288x4096xf32, #tpu.memory_space<hbm>> -> memref<8x4096xf32, #tpu.memory_space<hbm>>
      %dma_start3A_388 = arith.constant 0 : i32
      %dma_start3A_389 = arith.constant 0 : i32
      %dma_start3A_390 = tpu.memref_slice %arg13[%dma_start3A_381, %dma_start3A_388, %dma_start3A_389] : memref<2x8x4096xf32, #tpu.memory_space<vmem>> -> memref<1x8x4096xf32, #tpu.memory_space<vmem>>
      %dma_start3A_391 = tpu.memref_squeeze %dma_start3A_390 : memref<1x8x4096xf32, #tpu.memory_space<vmem>> -> memref<8x4096xf32, #tpu.memory_space<vmem>>
      %dma_start3A_392 = arith.constant 0 : i32
      %dma_start3A_393 = tpu.memref_slice %arg4[%multiple_of3A_380, %dma_start3A_392] : memref<12288x4096xf32, #tpu.memory_space<hbm>> -> memref<8x4096xf32, #tpu.memory_space<hbm>>
      tpu.enqueue_dma source(%dma_start3A_393 : memref<8x4096xf32, #tpu.memory_space<hbm>>) target(%dma_start3A_391 : memref<8x4096xf32, #tpu.memory_space<vmem>>) target_semaphore(%arg15 : memref<!tpu.dma_semaphore, #tpu.memory_space<semaphore_mem>>)
      %ge3A_394 = arith.constant 1 : i32
      %ge3A_395 = arith.cmpi sge, %scan3A_281, %ge3A_394 : i32
      %convert_element_type3A_396 = arith.extui %ge3A_395 : i1 to i32
      %cond3A_397 = arith.constant 0 : i32
      %cond3A_398 = arith.cmpi ne, %convert_element_type3A_396, %cond3A_397 : i32
      scf.if %cond3A_398 {
        %dma_wait3A_425 = arith.constant 0 : i32
        %dma_wait3A_426 = arith.constant 0 : i32
        %dma_wait3A_427 = arith.constant 0 : i32
        %dma_wait3A_428 = tpu.memref_slice %arg14[%dma_wait3A_425, %dma_wait3A_426, %dma_wait3A_427] : memref<2x8x3584xf32, #tpu.memory_space<vmem>> -> memref<1x8x3584xf32, #tpu.memory_space<vmem>>
        %dma_wait3A_429 = tpu.memref_squeeze %dma_wait3A_428 : memref<1x8x3584xf32, #tpu.memory_space<vmem>> -> memref<8x3584xf32, #tpu.memory_space<vmem>>
        %dma_wait3A_430 = arith.constant 0 : i32
        %dma_wait3A_431 = arith.constant 0 : i32
        %dma_wait3A_432 = tpu.memref_slice %arg8[%dma_wait3A_430, %dma_wait3A_431] : memref<12288x3584xf32, #tpu.memory_space<hbm>> -> memref<8x3584xf32, #tpu.memory_space<hbm>>
        %dma_wait3A_433 = arith.constant 0 : i32
        %dma_wait3A_434 = arith.constant 0 : i32
        %dma_wait3A_435 = tpu.memref_slice %arg14[%dma_wait3A_425, %dma_wait3A_433, %dma_wait3A_434] : memref<2x8x3584xf32, #tpu.memory_space<vmem>> -> memref<1x8x3584xf32, #tpu.memory_space<vmem>>
        %dma_wait3A_436 = tpu.memref_squeeze %dma_wait3A_435 : memref<1x8x3584xf32, #tpu.memory_space<vmem>> -> memref<8x3584xf32, #tpu.memory_space<vmem>>
        %dma_wait3A_437 = arith.constant 0 : i32
        %dma_wait3A_438 = arith.constant 0 : i32
        %dma_wait3A_439 = tpu.memref_slice %arg8[%dma_wait3A_437, %dma_wait3A_438] : memref<12288x3584xf32, #tpu.memory_space<hbm>> -> memref<8x3584xf32, #tpu.memory_space<hbm>>
        tpu.wait_dma2 semaphore(%arg16 : memref<!tpu.dma_semaphore, #tpu.memory_space<semaphore_mem>>) src(%dma_wait3A_439 : memref<8x3584xf32, #tpu.memory_space<hbm>>) dst(%dma_wait3A_436 : memref<8x3584xf32, #tpu.memory_space<vmem>>)
      } else {
      }
      %scan3A_399 = arith.constant 0 : i32
      %scan3A_400 = arith.constant 0 : i32
      %scan3A_401 = arith.constant 28 : i32
      %scan3A_402 = arith.addi %scan3A_400, %scan3A_401 : i32
      %scan3A_403 = arith.constant 1 : i32
      scf.for %scan3A_425 = %scan3A_400 to %scan3A_402 step %scan3A_403  : i32 {
        %mul3A_426 = arith.constant 8 : i32
        %mul3A_427 = arith.muli %scan3A_425, %mul3A_426 : i32
        %add3A_428 = arith.constant 0 : i32
        %add3A_429 = arith.addi %mul3A_427, %add3A_428 : i32
        %mul3A_430 = arith.constant 16 : i32
        %mul3A_431 = arith.muli %add3A_429, %mul3A_430 : i32
        %get3A = arith.index_cast %mul3A_431 : i32 to index
        %get3A_432 = tpu.vector_load %arg12[%get3A] {strides = array<i32>} : memref<3584xi32, #tpu.memory_space<vmem>>, vector<16xi32>,
        %gather3A = tpu.vector_load_idx %arg13[%broadcast_in_dim3A_17, %broadcast_in_dim3A_19, %get3A_432] : memref<2x8x4096xf32, #tpu.memory_space<vmem>>[vector<16xi32>, vector<16xi32>, vector<16xi32>], vector<16xf32>,
        %gather3A_433 = tpu.vector_load_idx %arg13[%broadcast_in_dim3A_17, %broadcast_in_dim3A_21, %get3A_432] : memref<2x8x4096xf32, #tpu.memory_space<vmem>>[vector<16xi32>, vector<16xi32>, vector<16xi32>], vector<16xf32>,
        %gather3A_434 = tpu.vector_load_idx %arg13[%broadcast_in_dim3A_17, %broadcast_in_dim3A_23, %get3A_432] : memref<2x8x4096xf32, #tpu.memory_space<vmem>>[vector<16xi32>, vector<16xi32>, vector<16xi32>], vector<16xf32>,
        %gather3A_435 = tpu.vector_load_idx %arg13[%broadcast_in_dim3A_17, %broadcast_in_dim3A_25, %get3A_432] : memref<2x8x4096xf32, #tpu.memory_space<vmem>>[vector<16xi32>, vector<16xi32>, vector<16xi32>], vector<16xf32>,
        %gather3A_436 = tpu.vector_load_idx %arg13[%broadcast_in_dim3A_17, %broadcast_in_dim3A_27, %get3A_432] : memref<2x8x4096xf32, #tpu.memory_space<vmem>>[vector<16xi32>, vector<16xi32>, vector<16xi32>], vector<16xf32>,
        %gather3A_437 = tpu.vector_load_idx %arg13[%broadcast_in_dim3A_17, %broadcast_in_dim3A_29, %get3A_432] : memref<2x8x4096xf32, #tpu.memory_space<vmem>>[vector<16xi32>, vector<16xi32>, vector<16xi32>], vector<16xf32>,
        %gather3A_438 = tpu.vector_load_idx %arg13[%broadcast_in_dim3A_17, %broadcast_in_dim3A_31, %get3A_432] : memref<2x8x4096xf32, #tpu.memory_space<vmem>>[vector<16xi32>, vector<16xi32>, vector<16xi32>], vector<16xf32>,
        %gather3A_439 = tpu.vector_load_idx %arg13[%broadcast_in_dim3A_17, %broadcast_in_dim3A_33, %get3A_432] : memref<2x8x4096xf32, #tpu.memory_space<vmem>>[vector<16xi32>, vector<16xi32>, vector<16xi32>], vector<16xf32>,
        %swap3A = arith.constant 1 : i32
        %swap3A_440 = arith.constant 0 : i32
        %swap3A_441 = arith.index_cast %swap3A : i32 to index
        %swap3A_442 = arith.index_cast %swap3A_440 : i32 to index
        %swap3A_443 = arith.index_cast %mul3A_431 : i32 to index
        %swap3A_444 = tpu.vector_load %arg14[%swap3A_441, %swap3A_442, %swap3A_443] {strides = array<i32>} : memref<2x8x3584xf32, #tpu.memory_space<vmem>>, vector<16xf32>,
        tpu.vector_store %arg14[%swap3A_441, %swap3A_442, %swap3A_443], %gather3A {strides = array<i32>} : memref<2x8x3584xf32, #tpu.memory_space<vmem>>, vector<16xf32>,
        %swap3A_445 = arith.constant 1 : i32
        %swap3A_446 = arith.constant 1 : i32
        %swap3A_447 = arith.index_cast %swap3A_445 : i32 to index
        %swap3A_448 = arith.index_cast %swap3A_446 : i32 to index
        %swap3A_449 = arith.index_cast %mul3A_431 : i32 to index
        %swap3A_450 = tpu.vector_load %arg14[%swap3A_447, %swap3A_448, %swap3A_449] {strides = array<i32>} : memref<2x8x3584xf32, #tpu.memory_space<vmem>>, vector<16xf32>,
        tpu.vector_store %arg14[%swap3A_447, %swap3A_448, %swap3A_449], %gather3A_433 {strides = array<i32>} : memref<2x8x3584xf32, #tpu.memory_space<vmem>>, vector<16xf32>,
        %swap3A_451 = arith.constant 1 : i32
        %swap3A_452 = arith.constant 2 : i32
        %swap3A_453 = arith.index_cast %swap3A_451 : i32 to index
        %swap3A_454 = arith.index_cast %swap3A_452 : i32 to index
        %swap3A_455 = arith.index_cast %mul3A_431 : i32 to index
        %swap3A_456 = tpu.vector_load %arg14[%swap3A_453, %swap3A_454, %swap3A_455] {strides = array<i32>} : memref<2x8x3584xf32, #tpu.memory_space<vmem>>, vector<16xf32>,
        tpu.vector_store %arg14[%swap3A_453, %swap3A_454, %swap3A_455], %gather3A_434 {strides = array<i32>} : memref<2x8x3584xf32, #tpu.memory_space<vmem>>, vector<16xf32>,
        %swap3A_457 = arith.constant 1 : i32
        %swap3A_458 = arith.constant 3 : i32
        %swap3A_459 = arith.index_cast %swap3A_457 : i32 to index
        %swap3A_460 = arith.index_cast %swap3A_458 : i32 to index
        %swap3A_461 = arith.index_cast %mul3A_431 : i32 to index
        %swap3A_462 = tpu.vector_load %arg14[%swap3A_459, %swap3A_460, %swap3A_461] {strides = array<i32>} : memref<2x8x3584xf32, #tpu.memory_space<vmem>>, vector<16xf32>,
        tpu.vector_store %arg14[%swap3A_459, %swap3A_460, %swap3A_461], %gather3A_435 {strides = array<i32>} : memref<2x8x3584xf32, #tpu.memory_space<vmem>>, vector<16xf32>,
        %swap3A_463 = arith.constant 1 : i32
        %swap3A_464 = arith.constant 4 : i32
        %swap3A_465 = arith.index_cast %swap3A_463 : i32 to index
        %swap3A_466 = arith.index_cast %swap3A_464 : i32 to index
        %swap3A_467 = arith.index_cast %mul3A_431 : i32 to index
        %swap3A_468 = tpu.vector_load %arg14[%swap3A_465, %swap3A_466, %swap3A_467] {strides = array<i32>} : memref<2x8x3584xf32, #tpu.memory_space<vmem>>, vector<16xf32>,
        tpu.vector_store %arg14[%swap3A_465, %swap3A_466, %swap3A_467], %gather3A_436 {strides = array<i32>} : memref<2x8x3584xf32, #tpu.memory_space<vmem>>, vector<16xf32>,
        %swap3A_469 = arith.constant 1 : i32
        %swap3A_470 = arith.constant 5 : i32
        %swap3A_471 = arith.index_cast %swap3A_469 : i32 to index
        %swap3A_472 = arith.index_cast %swap3A_470 : i32 to index
        %swap3A_473 = arith.index_cast %mul3A_431 : i32 to index
        %swap3A_474 = tpu.vector_load %arg14[%swap3A_471, %swap3A_472, %swap3A_473] {strides = array<i32>} : memref<2x8x3584xf32, #tpu.memory_space<vmem>>, vector<16xf32>,
        tpu.vector_store %arg14[%swap3A_471, %swap3A_472, %swap3A_473], %gather3A_437 {strides = array<i32>} : memref<2x8x3584xf32, #tpu.memory_space<vmem>>, vector<16xf32>,
        %swap3A_475 = arith.constant 1 : i32
        %swap3A_476 = arith.constant 6 : i32
        %swap3A_477 = arith.index_cast %swap3A_475 : i32 to index
        %swap3A_478 = arith.index_cast %swap3A_476 : i32 to index
        %swap3A_479 = arith.index_cast %mul3A_431 : i32 to index
        %swap3A_480 = tpu.vector_load %arg14[%swap3A_477, %swap3A_478, %swap3A_479] {strides = array<i32>} : memref<2x8x3584xf32, #tpu.memory_space<vmem>>, vector<16xf32>,
        tpu.vector_store %arg14[%swap3A_477, %swap3A_478, %swap3A_479], %gather3A_438 {strides = array<i32>} : memref<2x8x3584xf32, #tpu.memory_space<vmem>>, vector<16xf32>,
        %swap3A_481 = arith.constant 1 : i32
        %swap3A_482 = arith.constant 7 : i32
        %swap3A_483 = arith.index_cast %swap3A_481 : i32 to index
        %swap3A_484 = arith.index_cast %swap3A_482 : i32 to index
        %swap3A_485 = arith.index_cast %mul3A_431 : i32 to index
        %swap3A_486 = tpu.vector_load %arg14[%swap3A_483, %swap3A_484, %swap3A_485] {strides = array<i32>} : memref<2x8x3584xf32, #tpu.memory_space<vmem>>, vector<16xf32>,
        tpu.vector_store %arg14[%swap3A_483, %swap3A_484, %swap3A_485], %gather3A_439 {strides = array<i32>} : memref<2x8x3584xf32, #tpu.memory_space<vmem>>, vector<16xf32>,
        %mul3A_487 = arith.constant 8 : i32
        %mul3A_488 = arith.muli %scan3A_425, %mul3A_487 : i32
        %add3A_489 = arith.constant 1 : i32
        %add3A_490 = arith.addi %mul3A_488, %add3A_489 : i32
        %mul3A_491 = arith.constant 16 : i32
        %mul3A_492 = arith.muli %add3A_490, %mul3A_491 : i32
        %get3A_493 = arith.index_cast %mul3A_492 : i32 to index
        %get3A_494 = tpu.vector_load %arg12[%get3A_493] {strides = array<i32>} : memref<3584xi32, #tpu.memory_space<vmem>>, vector<16xi32>,
        %gather3A_495 = tpu.vector_load_idx %arg13[%broadcast_in_dim3A_17, %broadcast_in_dim3A_19, %get3A_494] : memref<2x8x4096xf32, #tpu.memory_space<vmem>>[vector<16xi32>, vector<16xi32>, vector<16xi32>], vector<16xf32>,
        %gather3A_496 = tpu.vector_load_idx %arg13[%broadcast_in_dim3A_17, %broadcast_in_dim3A_21, %get3A_494] : memref<2x8x4096xf32, #tpu.memory_space<vmem>>[vector<16xi32>, vector<16xi32>, vector<16xi32>], vector<16xf32>,
        %gather3A_497 = tpu.vector_load_idx %arg13[%broadcast_in_dim3A_17, %broadcast_in_dim3A_23, %get3A_494] : memref<2x8x4096xf32, #tpu.memory_space<vmem>>[vector<16xi32>, vector<16xi32>, vector<16xi32>], vector<16xf32>,
        %gather3A_498 = tpu.vector_load_idx %arg13[%broadcast_in_dim3A_17, %broadcast_in_dim3A_25, %get3A_494] : memref<2x8x4096xf32, #tpu.memory_space<vmem>>[vector<16xi32>, vector<16xi32>, vector<16xi32>], vector<16xf32>,
        %gather3A_499 = tpu.vector_load_idx %arg13[%broadcast_in_dim3A_17, %broadcast_in_dim3A_27, %get3A_494] : memref<2x8x4096xf32, #tpu.memory_space<vmem>>[vector<16xi32>, vector<16xi32>, vector<16xi32>], vector<16xf32>,
        %gather3A_500 = tpu.vector_load_idx %arg13[%broadcast_in_dim3A_17, %broadcast_in_dim3A_29, %get3A_494] : memref<2x8x4096xf32, #tpu.memory_space<vmem>>[vector<16xi32>, vector<16xi32>, vector<16xi32>], vector<16xf32>,
        %gather3A_501 = tpu.vector_load_idx %arg13[%broadcast_in_dim3A_17, %broadcast_in_dim3A_31, %get3A_494] : memref<2x8x4096xf32, #tpu.memory_space<vmem>>[vector<16xi32>, vector<16xi32>, vector<16xi32>], vector<16xf32>,
        %gather3A_502 = tpu.vector_load_idx %arg13[%broadcast_in_dim3A_17, %broadcast_in_dim3A_33, %get3A_494] : memref<2x8x4096xf32, #tpu.memory_space<vmem>>[vector<16xi32>, vector<16xi32>, vector<16xi32>], vector<16xf32>,
        %swap3A_503 = arith.constant 1 : i32
        %swap3A_504 = arith.constant 0 : i32
        %swap3A_505 = arith.index_cast %swap3A_503 : i32 to index
        %swap3A_506 = arith.index_cast %swap3A_504 : i32 to index
        %swap3A_507 = arith.index_cast %mul3A_492 : i32 to index
        %swap3A_508 = tpu.vector_load %arg14[%swap3A_505, %swap3A_506, %swap3A_507] {strides = array<i32>} : memref<2x8x3584xf32, #tpu.memory_space<vmem>>, vector<16xf32>,
        tpu.vector_store %arg14[%swap3A_505, %swap3A_506, %swap3A_507], %gather3A_495 {strides = array<i32>} : memref<2x8x3584xf32, #tpu.memory_space<vmem>>, vector<16xf32>,
        %swap3A_509 = arith.constant 1 : i32
        %swap3A_510 = arith.constant 1 : i32
        %swap3A_511 = arith.index_cast %swap3A_509 : i32 to index
        %swap3A_512 = arith.index_cast %swap3A_510 : i32 to index
        %swap3A_513 = arith.index_cast %mul3A_492 : i32 to index
        %swap3A_514 = tpu.vector_load %arg14[%swap3A_511, %swap3A_512, %swap3A_513] {strides = array<i32>} : memref<2x8x3584xf32, #tpu.memory_space<vmem>>, vector<16xf32>,
        tpu.vector_store %arg14[%swap3A_511, %swap3A_512, %swap3A_513], %gather3A_496 {strides = array<i32>} : memref<2x8x3584xf32, #tpu.memory_space<vmem>>, vector<16xf32>,
        %swap3A_515 = arith.constant 1 : i32
        %swap3A_516 = arith.constant 2 : i32
        %swap3A_517 = arith.index_cast %swap3A_515 : i32 to index
        %swap3A_518 = arith.index_cast %swap3A_516 : i32 to index
        %swap3A_519 = arith.index_cast %mul3A_492 : i32 to index
        %swap3A_520 = tpu.vector_load %arg14[%swap3A_517, %swap3A_518, %swap3A_519] {strides = array<i32>} : memref<2x8x3584xf32, #tpu.memory_space<vmem>>, vector<16xf32>,
        tpu.vector_store %arg14[%swap3A_517, %swap3A_518, %swap3A_519], %gather3A_497 {strides = array<i32>} : memref<2x8x3584xf32, #tpu.memory_space<vmem>>, vector<16xf32>,
        %swap3A_521 = arith.constant 1 : i32
        %swap3A_522 = arith.constant 3 : i32
        %swap3A_523 = arith.index_cast %swap3A_521 : i32 to index
        %swap3A_524 = arith.index_cast %swap3A_522 : i32 to index
        %swap3A_525 = arith.index_cast %mul3A_492 : i32 to index
        %swap3A_526 = tpu.vector_load %arg14[%swap3A_523, %swap3A_524, %swap3A_525] {strides = array<i32>} : memref<2x8x3584xf32, #tpu.memory_space<vmem>>, vector<16xf32>,
        tpu.vector_store %arg14[%swap3A_523, %swap3A_524, %swap3A_525], %gather3A_498 {strides = array<i32>} : memref<2x8x3584xf32, #tpu.memory_space<vmem>>, vector<16xf32>,
        %swap3A_527 = arith.constant 1 : i32
        %swap3A_528 = arith.constant 4 : i32
        %swap3A_529 = arith.index_cast %swap3A_527 : i32 to index
        %swap3A_530 = arith.index_cast %swap3A_528 : i32 to index
        %swap3A_531 = arith.index_cast %mul3A_492 : i32 to index
        %swap3A_532 = tpu.vector_load %arg14[%swap3A_529, %swap3A_530, %swap3A_531] {strides = array<i32>} : memref<2x8x3584xf32, #tpu.memory_space<vmem>>, vector<16xf32>,
        tpu.vector_store %arg14[%swap3A_529, %swap3A_530, %swap3A_531], %gather3A_499 {strides = array<i32>} : memref<2x8x3584xf32, #tpu.memory_space<vmem>>, vector<16xf32>,
        %swap3A_533 = arith.constant 1 : i32
        %swap3A_534 = arith.constant 5 : i32
        %swap3A_535 = arith.index_cast %swap3A_533 : i32 to index
        %swap3A_536 = arith.index_cast %swap3A_534 : i32 to index
        %swap3A_537 = arith.index_cast %mul3A_492 : i32 to index
        %swap3A_538 = tpu.vector_load %arg14[%swap3A_535, %swap3A_536, %swap3A_537] {strides = array<i32>} : memref<2x8x3584xf32, #tpu.memory_space<vmem>>, vector<16xf32>,
        tpu.vector_store %arg14[%swap3A_535, %swap3A_536, %swap3A_537], %gather3A_500 {strides = array<i32>} : memref<2x8x3584xf32, #tpu.memory_space<vmem>>, vector<16xf32>,
        %swap3A_539 = arith.constant 1 : i32
        %swap3A_540 = arith.constant 6 : i32
        %swap3A_541 = arith.index_cast %swap3A_539 : i32 to index
        %swap3A_542 = arith.index_cast %swap3A_540 : i32 to index
        %swap3A_543 = arith.index_cast %mul3A_492 : i32 to index
        %swap3A_544 = tpu.vector_load %arg14[%swap3A_541, %swap3A_542, %swap3A_543] {strides = array<i32>} : memref<2x8x3584xf32, #tpu.memory_space<vmem>>, vector<16xf32>,
        tpu.vector_store %arg14[%swap3A_541, %swap3A_542, %swap3A_543], %gather3A_501 {strides = array<i32>} : memref<2x8x3584xf32, #tpu.memory_space<vmem>>, vector<16xf32>,
        %swap3A_545 = arith.constant 1 : i32
        %swap3A_546 = arith.constant 7 : i32
        %swap3A_547 = arith.index_cast %swap3A_545 : i32 to index
        %swap3A_548 = arith.index_cast %swap3A_546 : i32 to index
        %swap3A_549 = arith.index_cast %mul3A_492 : i32 to index
        %swap3A_550 = tpu.vector_load %arg14[%swap3A_547, %swap3A_548, %swap3A_549] {strides = array<i32>} : memref<2x8x3584xf32, #tpu.memory_space<vmem>>, vector<16xf32>,
        tpu.vector_store %arg14[%swap3A_547, %swap3A_548, %swap3A_549], %gather3A_502 {strides = array<i32>} : memref<2x8x3584xf32, #tpu.memory_space<vmem>>, vector<16xf32>,
        %mul3A_551 = arith.constant 8 : i32
        %mul3A_552 = arith.muli %scan3A_425, %mul3A_551 : i32
        %add3A_553 = arith.constant 2 : i32
        %add3A_554 = arith.addi %mul3A_552, %add3A_553 : i32
        %mul3A_555 = arith.constant 16 : i32
        %mul3A_556 = arith.muli %add3A_554, %mul3A_555 : i32
        %get3A_557 = arith.index_cast %mul3A_556 : i32 to index
        %get3A_558 = tpu.vector_load %arg12[%get3A_557] {strides = array<i32>} : memref<3584xi32, #tpu.memory_space<vmem>>, vector<16xi32>,
        %gather3A_559 = tpu.vector_load_idx %arg13[%broadcast_in_dim3A_17, %broadcast_in_dim3A_19, %get3A_558] : memref<2x8x4096xf32, #tpu.memory_space<vmem>>[vector<16xi32>, vector<16xi32>, vector<16xi32>], vector<16xf32>,
        %gather3A_560 = tpu.vector_load_idx %arg13[%broadcast_in_dim3A_17, %broadcast_in_dim3A_21, %get3A_558] : memref<2x8x4096xf32, #tpu.memory_space<vmem>>[vector<16xi32>, vector<16xi32>, vector<16xi32>], vector<16xf32>,
        %gather3A_561 = tpu.vector_load_idx %arg13[%broadcast_in_dim3A_17, %broadcast_in_dim3A_23, %get3A_558] : memref<2x8x4096xf32, #tpu.memory_space<vmem>>[vector<16xi32>, vector<16xi32>, vector<16xi32>], vector<16xf32>,
        %gather3A_562 = tpu.vector_load_idx %arg13[%broadcast_in_dim3A_17, %broadcast_in_dim3A_25, %get3A_558] : memref<2x8x4096xf32, #tpu.memory_space<vmem>>[vector<16xi32>, vector<16xi32>, vector<16xi32>], vector<16xf32>,
        %gather3A_563 = tpu.vector_load_idx %arg13[%broadcast_in_dim3A_17, %broadcast_in_dim3A_27, %get3A_558] : memref<2x8x4096xf32, #tpu.memory_space<vmem>>[vector<16xi32>, vector<16xi32>, vector<16xi32>], vector<16xf32>,
        %gather3A_564 = tpu.vector_load_idx %arg13[%broadcast_in_dim3A_17, %broadcast_in_dim3A_29, %get3A_558] : memref<2x8x4096xf32, #tpu.memory_space<vmem>>[vector<16xi32>, vector<16xi32>, vector<16xi32>], vector<16xf32>,
        %gather3A_565 = tpu.vector_load_idx %arg13[%broadcast_in_dim3A_17, %broadcast_in_dim3A_31, %get3A_558] : memref<2x8x4096xf32, #tpu.memory_space<vmem>>[vector<16xi32>, vector<16xi32>, vector<16xi32>], vector<16xf32>,
        %gather3A_566 = tpu.vector_load_idx %arg13[%broadcast_in_dim3A_17, %broadcast_in_dim3A_33, %get3A_558] : memref<2x8x4096xf32, #tpu.memory_space<vmem>>[vector<16xi32>, vector<16xi32>, vector<16xi32>], vector<16xf32>,
        %swap3A_567 = arith.constant 1 : i32
        %swap3A_568 = arith.constant 0 : i32
        %swap3A_569 = arith.index_cast %swap3A_567 : i32 to index
        %swap3A_570 = arith.index_cast %swap3A_568 : i32 to index
        %swap3A_571 = arith.index_cast %mul3A_556 : i32 to index
        %swap3A_572 = tpu.vector_load %arg14[%swap3A_569, %swap3A_570, %swap3A_571] {strides = array<i32>} : memref<2x8x3584xf32, #tpu.memory_space<vmem>>, vector<16xf32>,
        tpu.vector_store %arg14[%swap3A_569, %swap3A_570, %swap3A_571], %gather3A_559 {strides = array<i32>} : memref<2x8x3584xf32, #tpu.memory_space<vmem>>, vector<16xf32>,
        %swap3A_573 = arith.constant 1 : i32
        %swap3A_574 = arith.constant 1 : i32
        %swap3A_575 = arith.index_cast %swap3A_573 : i32 to index
        %swap3A_576 = arith.index_cast %swap3A_574 : i32 to index
        %swap3A_577 = arith.index_cast %mul3A_556 : i32 to index
        %swap3A_578 = tpu.vector_load %arg14[%swap3A_575, %swap3A_576, %swap3A_577] {strides = array<i32>} : memref<2x8x3584xf32, #tpu.memory_space<vmem>>, vector<16xf32>,
        tpu.vector_store %arg14[%swap3A_575, %swap3A_576, %swap3A_577], %gather3A_560 {strides = array<i32>} : memref<2x8x3584xf32, #tpu.memory_space<vmem>>, vector<16xf32>,
        %swap3A_579 = arith.constant 1 : i32
        %swap3A_580 = arith.constant 2 : i32
        %swap3A_581 = arith.index_cast %swap3A_579 : i32 to index
        %swap3A_582 = arith.index_cast %swap3A_580 : i32 to index
        %swap3A_583 = arith.index_cast %mul3A_556 : i32 to index
        %swap3A_584 = tpu.vector_load %arg14[%swap3A_581, %swap3A_582, %swap3A_583] {strides = array<i32>} : memref<2x8x3584xf32, #tpu.memory_space<vmem>>, vector<16xf32>,
        tpu.vector_store %arg14[%swap3A_581, %swap3A_582, %swap3A_583], %gather3A_561 {strides = array<i32>} : memref<2x8x3584xf32, #tpu.memory_space<vmem>>, vector<16xf32>,
        %swap3A_585 = arith.constant 1 : i32
        %swap3A_586 = arith.constant 3 : i32
        %swap3A_587 = arith.index_cast %swap3A_585 : i32 to index
        %swap3A_588 = arith.index_cast %swap3A_586 : i32 to index
        %swap3A_589 = arith.index_cast %mul3A_556 : i32 to index
        %swap3A_590 = tpu.vector_load %arg14[%swap3A_587, %swap3A_588, %swap3A_589] {strides = array<i32>} : memref<2x8x3584xf32, #tpu.memory_space<vmem>>, vector<16xf32>,
        tpu.vector_store %arg14[%swap3A_587, %swap3A_588, %swap3A_589], %gather3A_562 {strides = array<i32>} : memref<2x8x3584xf32, #tpu.memory_space<vmem>>, vector<16xf32>,
        %swap3A_591 = arith.constant 1 : i32
        %swap3A_592 = arith.constant 4 : i32
        %swap3A_593 = arith.index_cast %swap3A_591 : i32 to index
        %swap3A_594 = arith.index_cast %swap3A_592 : i32 to index
        %swap3A_595 = arith.index_cast %mul3A_556 : i32 to index
        %swap3A_596 = tpu.vector_load %arg14[%swap3A_593, %swap3A_594, %swap3A_595] {strides = array<i32>} : memref<2x8x3584xf32, #tpu.memory_space<vmem>>, vector<16xf32>,
        tpu.vector_store %arg14[%swap3A_593, %swap3A_594, %swap3A_595], %gather3A_563 {strides = array<i32>} : memref<2x8x3584xf32, #tpu.memory_space<vmem>>, vector<16xf32>,
        %swap3A_597 = arith.constant 1 : i32
        %swap3A_598 = arith.constant 5 : i32
        %swap3A_599 = arith.index_cast %swap3A_597 : i32 to index
        %swap3A_600 = arith.index_cast %swap3A_598 : i32 to index
        %swap3A_601 = arith.index_cast %mul3A_556 : i32 to index
        %swap3A_602 = tpu.vector_load %arg14[%swap3A_599, %swap3A_600, %swap3A_601] {strides = array<i32>} : memref<2x8x3584xf32, #tpu.memory_space<vmem>>, vector<16xf32>,
        tpu.vector_store %arg14[%swap3A_599, %swap3A_600, %swap3A_601], %gather3A_564 {strides = array<i32>} : memref<2x8x3584xf32, #tpu.memory_space<vmem>>, vector<16xf32>,
        %swap3A_603 = arith.constant 1 : i32
        %swap3A_604 = arith.constant 6 : i32
        %swap3A_605 = arith.index_cast %swap3A_603 : i32 to index
        %swap3A_606 = arith.index_cast %swap3A_604 : i32 to index
        %swap3A_607 = arith.index_cast %mul3A_556 : i32 to index
        %swap3A_608 = tpu.vector_load %arg14[%swap3A_605, %swap3A_606, %swap3A_607] {strides = array<i32>} : memref<2x8x3584xf32, #tpu.memory_space<vmem>>, vector<16xf32>,
        tpu.vector_store %arg14[%swap3A_605, %swap3A_606, %swap3A_607], %gather3A_565 {strides = array<i32>} : memref<2x8x3584xf32, #tpu.memory_space<vmem>>, vector<16xf32>,
        %swap3A_609 = arith.constant 1 : i32
        %swap3A_610 = arith.constant 7 : i32
        %swap3A_611 = arith.index_cast %swap3A_609 : i32 to index
        %swap3A_612 = arith.index_cast %swap3A_610 : i32 to index
        %swap3A_613 = arith.index_cast %mul3A_556 : i32 to index
        %swap3A_614 = tpu.vector_load %arg14[%swap3A_611, %swap3A_612, %swap3A_613] {strides = array<i32>} : memref<2x8x3584xf32, #tpu.memory_space<vmem>>, vector<16xf32>,
        tpu.vector_store %arg14[%swap3A_611, %swap3A_612, %swap3A_613], %gather3A_566 {strides = array<i32>} : memref<2x8x3584xf32, #tpu.memory_space<vmem>>, vector<16xf32>,
        %mul3A_615 = arith.constant 8 : i32
        %mul3A_616 = arith.muli %scan3A_425, %mul3A_615 : i32
        %add3A_617 = arith.constant 3 : i32
        %add3A_618 = arith.addi %mul3A_616, %add3A_617 : i32
        %mul3A_619 = arith.constant 16 : i32
        %mul3A_620 = arith.muli %add3A_618, %mul3A_619 : i32
        %get3A_621 = arith.index_cast %mul3A_620 : i32 to index
        %get3A_622 = tpu.vector_load %arg12[%get3A_621] {strides = array<i32>} : memref<3584xi32, #tpu.memory_space<vmem>>, vector<16xi32>,
        %gather3A_623 = tpu.vector_load_idx %arg13[%broadcast_in_dim3A_17, %broadcast_in_dim3A_19, %get3A_622] : memref<2x8x4096xf32, #tpu.memory_space<vmem>>[vector<16xi32>, vector<16xi32>, vector<16xi32>], vector<16xf32>,
        %gather3A_624 = tpu.vector_load_idx %arg13[%broadcast_in_dim3A_17, %broadcast_in_dim3A_21, %get3A_622] : memref<2x8x4096xf32, #tpu.memory_space<vmem>>[vector<16xi32>, vector<16xi32>, vector<16xi32>], vector<16xf32>,
        %gather3A_625 = tpu.vector_load_idx %arg13[%broadcast_in_dim3A_17, %broadcast_in_dim3A_23, %get3A_622] : memref<2x8x4096xf32, #tpu.memory_space<vmem>>[vector<16xi32>, vector<16xi32>, vector<16xi32>], vector<16xf32>,
        %gather3A_626 = tpu.vector_load_idx %arg13[%broadcast_in_dim3A_17, %broadcast_in_dim3A_25, %get3A_622] : memref<2x8x4096xf32, #tpu.memory_space<vmem>>[vector<16xi32>, vector<16xi32>, vector<16xi32>], vector<16xf32>,
        %gather3A_627 = tpu.vector_load_idx %arg13[%broadcast_in_dim3A_17, %broadcast_in_dim3A_27, %get3A_622] : memref<2x8x4096xf32, #tpu.memory_space<vmem>>[vector<16xi32>, vector<16xi32>, vector<16xi32>], vector<16xf32>,
        %gather3A_628 = tpu.vector_load_idx %arg13[%broadcast_in_dim3A_17, %broadcast_in_dim3A_29, %get3A_622] : memref<2x8x4096xf32, #tpu.memory_space<vmem>>[vector<16xi32>, vector<16xi32>, vector<16xi32>], vector<16xf32>,
        %gather3A_629 = tpu.vector_load_idx %arg13[%broadcast_in_dim3A_17, %broadcast_in_dim3A_31, %get3A_622] : memref<2x8x4096xf32, #tpu.memory_space<vmem>>[vector<16xi32>, vector<16xi32>, vector<16xi32>], vector<16xf32>,
        %gather3A_630 = tpu.vector_load_idx %arg13[%broadcast_in_dim3A_17, %broadcast_in_dim3A_33, %get3A_622] : memref<2x8x4096xf32, #tpu.memory_space<vmem>>[vector<16xi32>, vector<16xi32>, vector<16xi32>], vector<16xf32>,
        %swap3A_631 = arith.constant 1 : i32
        %swap3A_632 = arith.constant 0 : i32
        %swap3A_633 = arith.index_cast %swap3A_631 : i32 to index
        %swap3A_634 = arith.index_cast %swap3A_632 : i32 to index
        %swap3A_635 = arith.index_cast %mul3A_620 : i32 to index
        %swap3A_636 = tpu.vector_load %arg14[%swap3A_633, %swap3A_634, %swap3A_635] {strides = array<i32>} : memref<2x8x3584xf32, #tpu.memory_space<vmem>>, vector<16xf32>,
        tpu.vector_store %arg14[%swap3A_633, %swap3A_634, %swap3A_635], %gather3A_623 {strides = array<i32>} : memref<2x8x3584xf32, #tpu.memory_space<vmem>>, vector<16xf32>,
        %swap3A_637 = arith.constant 1 : i32
        %swap3A_638 = arith.constant 1 : i32
        %swap3A_639 = arith.index_cast %swap3A_637 : i32 to index
        %swap3A_640 = arith.index_cast %swap3A_638 : i32 to index
        %swap3A_641 = arith.index_cast %mul3A_620 : i32 to index
        %swap3A_642 = tpu.vector_load %arg14[%swap3A_639, %swap3A_640, %swap3A_641] {strides = array<i32>} : memref<2x8x3584xf32, #tpu.memory_space<vmem>>, vector<16xf32>,
        tpu.vector_store %arg14[%swap3A_639, %swap3A_640, %swap3A_641], %gather3A_624 {strides = array<i32>} : memref<2x8x3584xf32, #tpu.memory_space<vmem>>, vector<16xf32>,
        %swap3A_643 = arith.constant 1 : i32
        %swap3A_644 = arith.constant 2 : i32
        %swap3A_645 = arith.index_cast %swap3A_643 : i32 to index
        %swap3A_646 = arith.index_cast %swap3A_644 : i32 to index
        %swap3A_647 = arith.index_cast %mul3A_620 : i32 to index
        %swap3A_648 = tpu.vector_load %arg14[%swap3A_645, %swap3A_646, %swap3A_647] {strides = array<i32>} : memref<2x8x3584xf32, #tpu.memory_space<vmem>>, vector<16xf32>,
        tpu.vector_store %arg14[%swap3A_645, %swap3A_646, %swap3A_647], %gather3A_625 {strides = array<i32>} : memref<2x8x3584xf32, #tpu.memory_space<vmem>>, vector<16xf32>,
        %swap3A_649 = arith.constant 1 : i32
        %swap3A_650 = arith.constant 3 : i32
        %swap3A_651 = arith.index_cast %swap3A_649 : i32 to index
        %swap3A_652 = arith.index_cast %swap3A_650 : i32 to index
        %swap3A_653 = arith.index_cast %mul3A_620 : i32 to index
        %swap3A_654 = tpu.vector_load %arg14[%swap3A_651, %swap3A_652, %swap3A_653] {strides = array<i32>} : memref<2x8x3584xf32, #tpu.memory_space<vmem>>, vector<16xf32>,
        tpu.vector_store %arg14[%swap3A_651, %swap3A_652, %swap3A_653], %gather3A_626 {strides = array<i32>} : memref<2x8x3584xf32, #tpu.memory_space<vmem>>, vector<16xf32>,
        %swap3A_655 = arith.constant 1 : i32
        %swap3A_656 = arith.constant 4 : i32
        %swap3A_657 = arith.index_cast %swap3A_655 : i32 to index
        %swap3A_658 = arith.index_cast %swap3A_656 : i32 to index
        %swap3A_659 = arith.index_cast %mul3A_620 : i32 to index
        %swap3A_660 = tpu.vector_load %arg14[%swap3A_657, %swap3A_658, %swap3A_659] {strides = array<i32>} : memref<2x8x3584xf32, #tpu.memory_space<vmem>>, vector<16xf32>,
        tpu.vector_store %arg14[%swap3A_657, %swap3A_658, %swap3A_659], %gather3A_627 {strides = array<i32>} : memref<2x8x3584xf32, #tpu.memory_space<vmem>>, vector<16xf32>,
        %swap3A_661 = arith.constant 1 : i32
        %swap3A_662 = arith.constant 5 : i32
        %swap3A_663 = arith.index_cast %swap3A_661 : i32 to index
        %swap3A_664 = arith.index_cast %swap3A_662 : i32 to index
        %swap3A_665 = arith.index_cast %mul3A_620 : i32 to index
        %swap3A_666 = tpu.vector_load %arg14[%swap3A_663, %swap3A_664, %swap3A_665] {strides = array<i32>} : memref<2x8x3584xf32, #tpu.memory_space<vmem>>, vector<16xf32>,
        tpu.vector_store %arg14[%swap3A_663, %swap3A_664, %swap3A_665], %gather3A_628 {strides = array<i32>} : memref<2x8x3584xf32, #tpu.memory_space<vmem>>, vector<16xf32>,
        %swap3A_667 = arith.constant 1 : i32
        %swap3A_668 = arith.constant 6 : i32
        %swap3A_669 = arith.index_cast %swap3A_667 : i32 to index
        %swap3A_670 = arith.index_cast %swap3A_668 : i32 to index
        %swap3A_671 = arith.index_cast %mul3A_620 : i32 to index
        %swap3A_672 = tpu.vector_load %arg14[%swap3A_669, %swap3A_670, %swap3A_671] {strides = array<i32>} : memref<2x8x3584xf32, #tpu.memory_space<vmem>>, vector<16xf32>,
        tpu.vector_store %arg14[%swap3A_669, %swap3A_670, %swap3A_671], %gather3A_629 {strides = array<i32>} : memref<2x8x3584xf32, #tpu.memory_space<vmem>>, vector<16xf32>,
        %swap3A_673 = arith.constant 1 : i32
        %swap3A_674 = arith.constant 7 : i32
        %swap3A_675 = arith.index_cast %swap3A_673 : i32 to index
        %swap3A_676 = arith.index_cast %swap3A_674 : i32 to index
        %swap3A_677 = arith.index_cast %mul3A_620 : i32 to index
        %swap3A_678 = tpu.vector_load %arg14[%swap3A_675, %swap3A_676, %swap3A_677] {strides = array<i32>} : memref<2x8x3584xf32, #tpu.memory_space<vmem>>, vector<16xf32>,
        tpu.vector_store %arg14[%swap3A_675, %swap3A_676, %swap3A_677], %gather3A_630 {strides = array<i32>} : memref<2x8x3584xf32, #tpu.memory_space<vmem>>, vector<16xf32>,
        %mul3A_679 = arith.constant 8 : i32
        %mul3A_680 = arith.muli %scan3A_425, %mul3A_679 : i32
        %add3A_681 = arith.constant 4 : i32
        %add3A_682 = arith.addi %mul3A_680, %add3A_681 : i32
        %mul3A_683 = arith.constant 16 : i32
        %mul3A_684 = arith.muli %add3A_682, %mul3A_683 : i32
        %get3A_685 = arith.index_cast %mul3A_684 : i32 to index
        %get3A_686 = tpu.vector_load %arg12[%get3A_685] {strides = array<i32>} : memref<3584xi32, #tpu.memory_space<vmem>>, vector<16xi32>,
        %gather3A_687 = tpu.vector_load_idx %arg13[%broadcast_in_dim3A_17, %broadcast_in_dim3A_19, %get3A_686] : memref<2x8x4096xf32, #tpu.memory_space<vmem>>[vector<16xi32>, vector<16xi32>, vector<16xi32>], vector<16xf32>,
        %gather3A_688 = tpu.vector_load_idx %arg13[%broadcast_in_dim3A_17, %broadcast_in_dim3A_21, %get3A_686] : memref<2x8x4096xf32, #tpu.memory_space<vmem>>[vector<16xi32>, vector<16xi32>, vector<16xi32>], vector<16xf32>,
        %gather3A_689 = tpu.vector_load_idx %arg13[%broadcast_in_dim3A_17, %broadcast_in_dim3A_23, %get3A_686] : memref<2x8x4096xf32, #tpu.memory_space<vmem>>[vector<16xi32>, vector<16xi32>, vector<16xi32>], vector<16xf32>,
        %gather3A_690 = tpu.vector_load_idx %arg13[%broadcast_in_dim3A_17, %broadcast_in_dim3A_25, %get3A_686] : memref<2x8x4096xf32, #tpu.memory_space<vmem>>[vector<16xi32>, vector<16xi32>, vector<16xi32>], vector<16xf32>,
        %gather3A_691 = tpu.vector_load_idx %arg13[%broadcast_in_dim3A_17, %broadcast_in_dim3A_27, %get3A_686] : memref<2x8x4096xf32, #tpu.memory_space<vmem>>[vector<16xi32>, vector<16xi32>, vector<16xi32>], vector<16xf32>,
        %gather3A_692 = tpu.vector_load_idx %arg13[%broadcast_in_dim3A_17, %broadcast_in_dim3A_29, %get3A_686] : memref<2x8x4096xf32, #tpu.memory_space<vmem>>[vector<16xi32>, vector<16xi32>, vector<16xi32>], vector<16xf32>,
        %gather3A_693 = tpu.vector_load_idx %arg13[%broadcast_in_dim3A_17, %broadcast_in_dim3A_31, %get3A_686] : memref<2x8x4096xf32, #tpu.memory_space<vmem>>[vector<16xi32>, vector<16xi32>, vector<16xi32>], vector<16xf32>,
        %gather3A_694 = tpu.vector_load_idx %arg13[%broadcast_in_dim3A_17, %broadcast_in_dim3A_33, %get3A_686] : memref<2x8x4096xf32, #tpu.memory_space<vmem>>[vector<16xi32>, vector<16xi32>, vector<16xi32>], vector<16xf32>,
        %swap3A_695 = arith.constant 1 : i32
        %swap3A_696 = arith.constant 0 : i32
        %swap3A_697 = arith.index_cast %swap3A_695 : i32 to index
        %swap3A_698 = arith.index_cast %swap3A_696 : i32 to index
        %swap3A_699 = arith.index_cast %mul3A_684 : i32 to index
        %swap3A_700 = tpu.vector_load %arg14[%swap3A_697, %swap3A_698, %swap3A_699] {strides = array<i32>} : memref<2x8x3584xf32, #tpu.memory_space<vmem>>, vector<16xf32>,
        tpu.vector_store %arg14[%swap3A_697, %swap3A_698, %swap3A_699], %gather3A_687 {strides = array<i32>} : memref<2x8x3584xf32, #tpu.memory_space<vmem>>, vector<16xf32>,
        %swap3A_701 = arith.constant 1 : i32
        %swap3A_702 = arith.constant 1 : i32
        %swap3A_703 = arith.index_cast %swap3A_701 : i32 to index
        %swap3A_704 = arith.index_cast %swap3A_702 : i32 to index
        %swap3A_705 = arith.index_cast %mul3A_684 : i32 to index
        %swap3A_706 = tpu.vector_load %arg14[%swap3A_703, %swap3A_704, %swap3A_705] {strides = array<i32>} : memref<2x8x3584xf32, #tpu.memory_space<vmem>>, vector<16xf32>,
        tpu.vector_store %arg14[%swap3A_703, %swap3A_704, %swap3A_705], %gather3A_688 {strides = array<i32>} : memref<2x8x3584xf32, #tpu.memory_space<vmem>>, vector<16xf32>,
        %swap3A_707 = arith.constant 1 : i32
        %swap3A_708 = arith.constant 2 : i32
        %swap3A_709 = arith.index_cast %swap3A_707 : i32 to index
        %swap3A_710 = arith.index_cast %swap3A_708 : i32 to index
        %swap3A_711 = arith.index_cast %mul3A_684 : i32 to index
        %swap3A_712 = tpu.vector_load %arg14[%swap3A_709, %swap3A_710, %swap3A_711] {strides = array<i32>} : memref<2x8x3584xf32, #tpu.memory_space<vmem>>, vector<16xf32>,
        tpu.vector_store %arg14[%swap3A_709, %swap3A_710, %swap3A_711], %gather3A_689 {strides = array<i32>} : memref<2x8x3584xf32, #tpu.memory_space<vmem>>, vector<16xf32>,
        %swap3A_713 = arith.constant 1 : i32
        %swap3A_714 = arith.constant 3 : i32
        %swap3A_715 = arith.index_cast %swap3A_713 : i32 to index
        %swap3A_716 = arith.index_cast %swap3A_714 : i32 to index
        %swap3A_717 = arith.index_cast %mul3A_684 : i32 to index
        %swap3A_718 = tpu.vector_load %arg14[%swap3A_715, %swap3A_716, %swap3A_717] {strides = array<i32>} : memref<2x8x3584xf32, #tpu.memory_space<vmem>>, vector<16xf32>,
        tpu.vector_store %arg14[%swap3A_715, %swap3A_716, %swap3A_717], %gather3A_690 {strides = array<i32>} : memref<2x8x3584xf32, #tpu.memory_space<vmem>>, vector<16xf32>,
        %swap3A_719 = arith.constant 1 : i32
        %swap3A_720 = arith.constant 4 : i32
        %swap3A_721 = arith.index_cast %swap3A_719 : i32 to index
        %swap3A_722 = arith.index_cast %swap3A_720 : i32 to index
        %swap3A_723 = arith.index_cast %mul3A_684 : i32 to index
        %swap3A_724 = tpu.vector_load %arg14[%swap3A_721, %swap3A_722, %swap3A_723] {strides = array<i32>} : memref<2x8x3584xf32, #tpu.memory_space<vmem>>, vector<16xf32>,
        tpu.vector_store %arg14[%swap3A_721, %swap3A_722, %swap3A_723], %gather3A_691 {strides = array<i32>} : memref<2x8x3584xf32, #tpu.memory_space<vmem>>, vector<16xf32>,
        %swap3A_725 = arith.constant 1 : i32
        %swap3A_726 = arith.constant 5 : i32
        %swap3A_727 = arith.index_cast %swap3A_725 : i32 to index
        %swap3A_728 = arith.index_cast %swap3A_726 : i32 to index
        %swap3A_729 = arith.index_cast %mul3A_684 : i32 to index
        %swap3A_730 = tpu.vector_load %arg14[%swap3A_727, %swap3A_728, %swap3A_729] {strides = array<i32>} : memref<2x8x3584xf32, #tpu.memory_space<vmem>>, vector<16xf32>,
        tpu.vector_store %arg14[%swap3A_727, %swap3A_728, %swap3A_729], %gather3A_692 {strides = array<i32>} : memref<2x8x3584xf32, #tpu.memory_space<vmem>>, vector<16xf32>,
        %swap3A_731 = arith.constant 1 : i32
        %swap3A_732 = arith.constant 6 : i32
        %swap3A_733 = arith.index_cast %swap3A_731 : i32 to index
        %swap3A_734 = arith.index_cast %swap3A_732 : i32 to index
        %swap3A_735 = arith.index_cast %mul3A_684 : i32 to index
        %swap3A_736 = tpu.vector_load %arg14[%swap3A_733, %swap3A_734, %swap3A_735] {strides = array<i32>} : memref<2x8x3584xf32, #tpu.memory_space<vmem>>, vector<16xf32>,
        tpu.vector_store %arg14[%swap3A_733, %swap3A_734, %swap3A_735], %gather3A_693 {strides = array<i32>} : memref<2x8x3584xf32, #tpu.memory_space<vmem>>, vector<16xf32>,
        %swap3A_737 = arith.constant 1 : i32
        %swap3A_738 = arith.constant 7 : i32
        %swap3A_739 = arith.index_cast %swap3A_737 : i32 to index
        %swap3A_740 = arith.index_cast %swap3A_738 : i32 to index
        %swap3A_741 = arith.index_cast %mul3A_684 : i32 to index
        %swap3A_742 = tpu.vector_load %arg14[%swap3A_739, %swap3A_740, %swap3A_741] {strides = array<i32>} : memref<2x8x3584xf32, #tpu.memory_space<vmem>>, vector<16xf32>,
        tpu.vector_store %arg14[%swap3A_739, %swap3A_740, %swap3A_741], %gather3A_694 {strides = array<i32>} : memref<2x8x3584xf32, #tpu.memory_space<vmem>>, vector<16xf32>,
        %mul3A_743 = arith.constant 8 : i32
        %mul3A_744 = arith.muli %scan3A_425, %mul3A_743 : i32
        %add3A_745 = arith.constant 5 : i32
        %add3A_746 = arith.addi %mul3A_744, %add3A_745 : i32
        %mul3A_747 = arith.constant 16 : i32
        %mul3A_748 = arith.muli %add3A_746, %mul3A_747 : i32
        %get3A_749 = arith.index_cast %mul3A_748 : i32 to index
        %get3A_750 = tpu.vector_load %arg12[%get3A_749] {strides = array<i32>} : memref<3584xi32, #tpu.memory_space<vmem>>, vector<16xi32>,
        %gather3A_751 = tpu.vector_load_idx %arg13[%broadcast_in_dim3A_17, %broadcast_in_dim3A_19, %get3A_750] : memref<2x8x4096xf32, #tpu.memory_space<vmem>>[vector<16xi32>, vector<16xi32>, vector<16xi32>], vector<16xf32>,
        %gather3A_752 = tpu.vector_load_idx %arg13[%broadcast_in_dim3A_17, %broadcast_in_dim3A_21, %get3A_750] : memref<2x8x4096xf32, #tpu.memory_space<vmem>>[vector<16xi32>, vector<16xi32>, vector<16xi32>], vector<16xf32>,
        %gather3A_753 = tpu.vector_load_idx %arg13[%broadcast_in_dim3A_17, %broadcast_in_dim3A_23, %get3A_750] : memref<2x8x4096xf32, #tpu.memory_space<vmem>>[vector<16xi32>, vector<16xi32>, vector<16xi32>], vector<16xf32>,
        %gather3A_754 = tpu.vector_load_idx %arg13[%broadcast_in_dim3A_17, %broadcast_in_dim3A_25, %get3A_750] : memref<2x8x4096xf32, #tpu.memory_space<vmem>>[vector<16xi32>, vector<16xi32>, vector<16xi32>], vector<16xf32>,
        %gather3A_755 = tpu.vector_load_idx %arg13[%broadcast_in_dim3A_17, %broadcast_in_dim3A_27, %get3A_750] : memref<2x8x4096xf32, #tpu.memory_space<vmem>>[vector<16xi32>, vector<16xi32>, vector<16xi32>], vector<16xf32>,
        %gather3A_756 = tpu.vector_load_idx %arg13[%broadcast_in_dim3A_17, %broadcast_in_dim3A_29, %get3A_750] : memref<2x8x4096xf32, #tpu.memory_space<vmem>>[vector<16xi32>, vector<16xi32>, vector<16xi32>], vector<16xf32>,
        %gather3A_757 = tpu.vector_load_idx %arg13[%broadcast_in_dim3A_17, %broadcast_in_dim3A_31, %get3A_750] : memref<2x8x4096xf32, #tpu.memory_space<vmem>>[vector<16xi32>, vector<16xi32>, vector<16xi32>], vector<16xf32>,
        %gather3A_758 = tpu.vector_load_idx %arg13[%broadcast_in_dim3A_17, %broadcast_in_dim3A_33, %get3A_750] : memref<2x8x4096xf32, #tpu.memory_space<vmem>>[vector<16xi32>, vector<16xi32>, vector<16xi32>], vector<16xf32>,
        %swap3A_759 = arith.constant 1 : i32
        %swap3A_760 = arith.constant 0 : i32
        %swap3A_761 = arith.index_cast %swap3A_759 : i32 to index
        %swap3A_762 = arith.index_cast %swap3A_760 : i32 to index
        %swap3A_763 = arith.index_cast %mul3A_748 : i32 to index
        %swap3A_764 = tpu.vector_load %arg14[%swap3A_761, %swap3A_762, %swap3A_763] {strides = array<i32>} : memref<2x8x3584xf32, #tpu.memory_space<vmem>>, vector<16xf32>,
        tpu.vector_store %arg14[%swap3A_761, %swap3A_762, %swap3A_763], %gather3A_751 {strides = array<i32>} : memref<2x8x3584xf32, #tpu.memory_space<vmem>>, vector<16xf32>,
        %swap3A_765 = arith.constant 1 : i32
        %swap3A_766 = arith.constant 1 : i32
        %swap3A_767 = arith.index_cast %swap3A_765 : i32 to index
        %swap3A_768 = arith.index_cast %swap3A_766 : i32 to index
        %swap3A_769 = arith.index_cast %mul3A_748 : i32 to index
        %swap3A_770 = tpu.vector_load %arg14[%swap3A_767, %swap3A_768, %swap3A_769] {strides = array<i32>} : memref<2x8x3584xf32, #tpu.memory_space<vmem>>, vector<16xf32>,
        tpu.vector_store %arg14[%swap3A_767, %swap3A_768, %swap3A_769], %gather3A_752 {strides = array<i32>} : memref<2x8x3584xf32, #tpu.memory_space<vmem>>, vector<16xf32>,
        %swap3A_771 = arith.constant 1 : i32
        %swap3A_772 = arith.constant 2 : i32
        %swap3A_773 = arith.index_cast %swap3A_771 : i32 to index
        %swap3A_774 = arith.index_cast %swap3A_772 : i32 to index
        %swap3A_775 = arith.index_cast %mul3A_748 : i32 to index
        %swap3A_776 = tpu.vector_load %arg14[%swap3A_773, %swap3A_774, %swap3A_775] {strides = array<i32>} : memref<2x8x3584xf32, #tpu.memory_space<vmem>>, vector<16xf32>,
        tpu.vector_store %arg14[%swap3A_773, %swap3A_774, %swap3A_775], %gather3A_753 {strides = array<i32>} : memref<2x8x3584xf32, #tpu.memory_space<vmem>>, vector<16xf32>,
        %swap3A_777 = arith.constant 1 : i32
        %swap3A_778 = arith.constant 3 : i32
        %swap3A_779 = arith.index_cast %swap3A_777 : i32 to index
        %swap3A_780 = arith.index_cast %swap3A_778 : i32 to index
        %swap3A_781 = arith.index_cast %mul3A_748 : i32 to index
        %swap3A_782 = tpu.vector_load %arg14[%swap3A_779, %swap3A_780, %swap3A_781] {strides = array<i32>} : memref<2x8x3584xf32, #tpu.memory_space<vmem>>, vector<16xf32>,
        tpu.vector_store %arg14[%swap3A_779, %swap3A_780, %swap3A_781], %gather3A_754 {strides = array<i32>} : memref<2x8x3584xf32, #tpu.memory_space<vmem>>, vector<16xf32>,
        %swap3A_783 = arith.constant 1 : i32
        %swap3A_784 = arith.constant 4 : i32
        %swap3A_785 = arith.index_cast %swap3A_783 : i32 to index
        %swap3A_786 = arith.index_cast %swap3A_784 : i32 to index
        %swap3A_787 = arith.index_cast %mul3A_748 : i32 to index
        %swap3A_788 = tpu.vector_load %arg14[%swap3A_785, %swap3A_786, %swap3A_787] {strides = array<i32>} : memref<2x8x3584xf32, #tpu.memory_space<vmem>>, vector<16xf32>,
        tpu.vector_store %arg14[%swap3A_785, %swap3A_786, %swap3A_787], %gather3A_755 {strides = array<i32>} : memref<2x8x3584xf32, #tpu.memory_space<vmem>>, vector<16xf32>,
        %swap3A_789 = arith.constant 1 : i32
        %swap3A_790 = arith.constant 5 : i32
        %swap3A_791 = arith.index_cast %swap3A_789 : i32 to index
        %swap3A_792 = arith.index_cast %swap3A_790 : i32 to index
        %swap3A_793 = arith.index_cast %mul3A_748 : i32 to index
        %swap3A_794 = tpu.vector_load %arg14[%swap3A_791, %swap3A_792, %swap3A_793] {strides = array<i32>} : memref<2x8x3584xf32, #tpu.memory_space<vmem>>, vector<16xf32>,
        tpu.vector_store %arg14[%swap3A_791, %swap3A_792, %swap3A_793], %gather3A_756 {strides = array<i32>} : memref<2x8x3584xf32, #tpu.memory_space<vmem>>, vector<16xf32>,
        %swap3A_795 = arith.constant 1 : i32
        %swap3A_796 = arith.constant 6 : i32
        %swap3A_797 = arith.index_cast %swap3A_795 : i32 to index
        %swap3A_798 = arith.index_cast %swap3A_796 : i32 to index
        %swap3A_799 = arith.index_cast %mul3A_748 : i32 to index
        %swap3A_800 = tpu.vector_load %arg14[%swap3A_797, %swap3A_798, %swap3A_799] {strides = array<i32>} : memref<2x8x3584xf32, #tpu.memory_space<vmem>>, vector<16xf32>,
        tpu.vector_store %arg14[%swap3A_797, %swap3A_798, %swap3A_799], %gather3A_757 {strides = array<i32>} : memref<2x8x3584xf32, #tpu.memory_space<vmem>>, vector<16xf32>,
        %swap3A_801 = arith.constant 1 : i32
        %swap3A_802 = arith.constant 7 : i32
        %swap3A_803 = arith.index_cast %swap3A_801 : i32 to index
        %swap3A_804 = arith.index_cast %swap3A_802 : i32 to index
        %swap3A_805 = arith.index_cast %mul3A_748 : i32 to index
        %swap3A_806 = tpu.vector_load %arg14[%swap3A_803, %swap3A_804, %swap3A_805] {strides = array<i32>} : memref<2x8x3584xf32, #tpu.memory_space<vmem>>, vector<16xf32>,
        tpu.vector_store %arg14[%swap3A_803, %swap3A_804, %swap3A_805], %gather3A_758 {strides = array<i32>} : memref<2x8x3584xf32, #tpu.memory_space<vmem>>, vector<16xf32>,
        %mul3A_807 = arith.constant 8 : i32
        %mul3A_808 = arith.muli %scan3A_425, %mul3A_807 : i32
        %add3A_809 = arith.constant 6 : i32
        %add3A_810 = arith.addi %mul3A_808, %add3A_809 : i32
        %mul3A_811 = arith.constant 16 : i32
        %mul3A_812 = arith.muli %add3A_810, %mul3A_811 : i32
        %get3A_813 = arith.index_cast %mul3A_812 : i32 to index
        %get3A_814 = tpu.vector_load %arg12[%get3A_813] {strides = array<i32>} : memref<3584xi32, #tpu.memory_space<vmem>>, vector<16xi32>,
        %gather3A_815 = tpu.vector_load_idx %arg13[%broadcast_in_dim3A_17, %broadcast_in_dim3A_19, %get3A_814] : memref<2x8x4096xf32, #tpu.memory_space<vmem>>[vector<16xi32>, vector<16xi32>, vector<16xi32>], vector<16xf32>,
        %gather3A_816 = tpu.vector_load_idx %arg13[%broadcast_in_dim3A_17, %broadcast_in_dim3A_21, %get3A_814] : memref<2x8x4096xf32, #tpu.memory_space<vmem>>[vector<16xi32>, vector<16xi32>, vector<16xi32>], vector<16xf32>,
        %gather3A_817 = tpu.vector_load_idx %arg13[%broadcast_in_dim3A_17, %broadcast_in_dim3A_23, %get3A_814] : memref<2x8x4096xf32, #tpu.memory_space<vmem>>[vector<16xi32>, vector<16xi32>, vector<16xi32>], vector<16xf32>,
        %gather3A_818 = tpu.vector_load_idx %arg13[%broadcast_in_dim3A_17, %broadcast_in_dim3A_25, %get3A_814] : memref<2x8x4096xf32, #tpu.memory_space<vmem>>[vector<16xi32>, vector<16xi32>, vector<16xi32>], vector<16xf32>,
        %gather3A_819 = tpu.vector_load_idx %arg13[%broadcast_in_dim3A_17, %broadcast_in_dim3A_27, %get3A_814] : memref<2x8x4096xf32, #tpu.memory_space<vmem>>[vector<16xi32>, vector<16xi32>, vector<16xi32>], vector<16xf32>,
        %gather3A_820 = tpu.vector_load_idx %arg13[%broadcast_in_dim3A_17, %broadcast_in_dim3A_29, %get3A_814] : memref<2x8x4096xf32, #tpu.memory_space<vmem>>[vector<16xi32>, vector<16xi32>, vector<16xi32>], vector<16xf32>,
        %gather3A_821 = tpu.vector_load_idx %arg13[%broadcast_in_dim3A_17, %broadcast_in_dim3A_31, %get3A_814] : memref<2x8x4096xf32, #tpu.memory_space<vmem>>[vector<16xi32>, vector<16xi32>, vector<16xi32>], vector<16xf32>,
        %gather3A_822 = tpu.vector_load_idx %arg13[%broadcast_in_dim3A_17, %broadcast_in_dim3A_33, %get3A_814] : memref<2x8x4096xf32, #tpu.memory_space<vmem>>[vector<16xi32>, vector<16xi32>, vector<16xi32>], vector<16xf32>,
        %swap3A_823 = arith.constant 1 : i32
        %swap3A_824 = arith.constant 0 : i32
        %swap3A_825 = arith.index_cast %swap3A_823 : i32 to index
        %swap3A_826 = arith.index_cast %swap3A_824 : i32 to index
        %swap3A_827 = arith.index_cast %mul3A_812 : i32 to index
        %swap3A_828 = tpu.vector_load %arg14[%swap3A_825, %swap3A_826, %swap3A_827] {strides = array<i32>} : memref<2x8x3584xf32, #tpu.memory_space<vmem>>, vector<16xf32>,
        tpu.vector_store %arg14[%swap3A_825, %swap3A_826, %swap3A_827], %gather3A_815 {strides = array<i32>} : memref<2x8x3584xf32, #tpu.memory_space<vmem>>, vector<16xf32>,
        %swap3A_829 = arith.constant 1 : i32
        %swap3A_830 = arith.constant 1 : i32
        %swap3A_831 = arith.index_cast %swap3A_829 : i32 to index
        %swap3A_832 = arith.index_cast %swap3A_830 : i32 to index
        %swap3A_833 = arith.index_cast %mul3A_812 : i32 to index
        %swap3A_834 = tpu.vector_load %arg14[%swap3A_831, %swap3A_832, %swap3A_833] {strides = array<i32>} : memref<2x8x3584xf32, #tpu.memory_space<vmem>>, vector<16xf32>,
        tpu.vector_store %arg14[%swap3A_831, %swap3A_832, %swap3A_833], %gather3A_816 {strides = array<i32>} : memref<2x8x3584xf32, #tpu.memory_space<vmem>>, vector<16xf32>,
        %swap3A_835 = arith.constant 1 : i32
        %swap3A_836 = arith.constant 2 : i32
        %swap3A_837 = arith.index_cast %swap3A_835 : i32 to index
        %swap3A_838 = arith.index_cast %swap3A_836 : i32 to index
        %swap3A_839 = arith.index_cast %mul3A_812 : i32 to index
        %swap3A_840 = tpu.vector_load %arg14[%swap3A_837, %swap3A_838, %swap3A_839] {strides = array<i32>} : memref<2x8x3584xf32, #tpu.memory_space<vmem>>, vector<16xf32>,
        tpu.vector_store %arg14[%swap3A_837, %swap3A_838, %swap3A_839], %gather3A_817 {strides = array<i32>} : memref<2x8x3584xf32, #tpu.memory_space<vmem>>, vector<16xf32>,
        %swap3A_841 = arith.constant 1 : i32
        %swap3A_842 = arith.constant 3 : i32
        %swap3A_843 = arith.index_cast %swap3A_841 : i32 to index
        %swap3A_844 = arith.index_cast %swap3A_842 : i32 to index
        %swap3A_845 = arith.index_cast %mul3A_812 : i32 to index
        %swap3A_846 = tpu.vector_load %arg14[%swap3A_843, %swap3A_844, %swap3A_845] {strides = array<i32>} : memref<2x8x3584xf32, #tpu.memory_space<vmem>>, vector<16xf32>,
        tpu.vector_store %arg14[%swap3A_843, %swap3A_844, %swap3A_845], %gather3A_818 {strides = array<i32>} : memref<2x8x3584xf32, #tpu.memory_space<vmem>>, vector<16xf32>,
        %swap3A_847 = arith.constant 1 : i32
        %swap3A_848 = arith.constant 4 : i32
        %swap3A_849 = arith.index_cast %swap3A_847 : i32 to index
        %swap3A_850 = arith.index_cast %swap3A_848 : i32 to index
        %swap3A_851 = arith.index_cast %mul3A_812 : i32 to index
        %swap3A_852 = tpu.vector_load %arg14[%swap3A_849, %swap3A_850, %swap3A_851] {strides = array<i32>} : memref<2x8x3584xf32, #tpu.memory_space<vmem>>, vector<16xf32>,
        tpu.vector_store %arg14[%swap3A_849, %swap3A_850, %swap3A_851], %gather3A_819 {strides = array<i32>} : memref<2x8x3584xf32, #tpu.memory_space<vmem>>, vector<16xf32>,
        %swap3A_853 = arith.constant 1 : i32
        %swap3A_854 = arith.constant 5 : i32
        %swap3A_855 = arith.index_cast %swap3A_853 : i32 to index
        %swap3A_856 = arith.index_cast %swap3A_854 : i32 to index
        %swap3A_857 = arith.index_cast %mul3A_812 : i32 to index
        %swap3A_858 = tpu.vector_load %arg14[%swap3A_855, %swap3A_856, %swap3A_857] {strides = array<i32>} : memref<2x8x3584xf32, #tpu.memory_space<vmem>>, vector<16xf32>,
        tpu.vector_store %arg14[%swap3A_855, %swap3A_856, %swap3A_857], %gather3A_820 {strides = array<i32>} : memref<2x8x3584xf32, #tpu.memory_space<vmem>>, vector<16xf32>,
        %swap3A_859 = arith.constant 1 : i32
        %swap3A_860 = arith.constant 6 : i32
        %swap3A_861 = arith.index_cast %swap3A_859 : i32 to index
        %swap3A_862 = arith.index_cast %swap3A_860 : i32 to index
        %swap3A_863 = arith.index_cast %mul3A_812 : i32 to index
        %swap3A_864 = tpu.vector_load %arg14[%swap3A_861, %swap3A_862, %swap3A_863] {strides = array<i32>} : memref<2x8x3584xf32, #tpu.memory_space<vmem>>, vector<16xf32>,
        tpu.vector_store %arg14[%swap3A_861, %swap3A_862, %swap3A_863], %gather3A_821 {strides = array<i32>} : memref<2x8x3584xf32, #tpu.memory_space<vmem>>, vector<16xf32>,
        %swap3A_865 = arith.constant 1 : i32
        %swap3A_866 = arith.constant 7 : i32
        %swap3A_867 = arith.index_cast %swap3A_865 : i32 to index
        %swap3A_868 = arith.index_cast %swap3A_866 : i32 to index
        %swap3A_869 = arith.index_cast %mul3A_812 : i32 to index
        %swap3A_870 = tpu.vector_load %arg14[%swap3A_867, %swap3A_868, %swap3A_869] {strides = array<i32>} : memref<2x8x3584xf32, #tpu.memory_space<vmem>>, vector<16xf32>,
        tpu.vector_store %arg14[%swap3A_867, %swap3A_868, %swap3A_869], %gather3A_822 {strides = array<i32>} : memref<2x8x3584xf32, #tpu.memory_space<vmem>>, vector<16xf32>,
        %mul3A_871 = arith.constant 8 : i32
        %mul3A_872 = arith.muli %scan3A_425, %mul3A_871 : i32
        %add3A_873 = arith.constant 7 : i32
        %add3A_874 = arith.addi %mul3A_872, %add3A_873 : i32
        %mul3A_875 = arith.constant 16 : i32
        %mul3A_876 = arith.muli %add3A_874, %mul3A_875 : i32
        %get3A_877 = arith.index_cast %mul3A_876 : i32 to index
        %get3A_878 = tpu.vector_load %arg12[%get3A_877] {strides = array<i32>} : memref<3584xi32, #tpu.memory_space<vmem>>, vector<16xi32>,
        %gather3A_879 = tpu.vector_load_idx %arg13[%broadcast_in_dim3A_17, %broadcast_in_dim3A_19, %get3A_878] : memref<2x8x4096xf32, #tpu.memory_space<vmem>>[vector<16xi32>, vector<16xi32>, vector<16xi32>], vector<16xf32>,
        %gather3A_880 = tpu.vector_load_idx %arg13[%broadcast_in_dim3A_17, %broadcast_in_dim3A_21, %get3A_878] : memref<2x8x4096xf32, #tpu.memory_space<vmem>>[vector<16xi32>, vector<16xi32>, vector<16xi32>], vector<16xf32>,
        %gather3A_881 = tpu.vector_load_idx %arg13[%broadcast_in_dim3A_17, %broadcast_in_dim3A_23, %get3A_878] : memref<2x8x4096xf32, #tpu.memory_space<vmem>>[vector<16xi32>, vector<16xi32>, vector<16xi32>], vector<16xf32>,
        %gather3A_882 = tpu.vector_load_idx %arg13[%broadcast_in_dim3A_17, %broadcast_in_dim3A_25, %get3A_878] : memref<2x8x4096xf32, #tpu.memory_space<vmem>>[vector<16xi32>, vector<16xi32>, vector<16xi32>], vector<16xf32>,
        %gather3A_883 = tpu.vector_load_idx %arg13[%broadcast_in_dim3A_17, %broadcast_in_dim3A_27, %get3A_878] : memref<2x8x4096xf32, #tpu.memory_space<vmem>>[vector<16xi32>, vector<16xi32>, vector<16xi32>], vector<16xf32>,
        %gather3A_884 = tpu.vector_load_idx %arg13[%broadcast_in_dim3A_17, %broadcast_in_dim3A_29, %get3A_878] : memref<2x8x4096xf32, #tpu.memory_space<vmem>>[vector<16xi32>, vector<16xi32>, vector<16xi32>], vector<16xf32>,
        %gather3A_885 = tpu.vector_load_idx %arg13[%broadcast_in_dim3A_17, %broadcast_in_dim3A_31, %get3A_878] : memref<2x8x4096xf32, #tpu.memory_space<vmem>>[vector<16xi32>, vector<16xi32>, vector<16xi32>], vector<16xf32>,
        %gather3A_886 = tpu.vector_load_idx %arg13[%broadcast_in_dim3A_17, %broadcast_in_dim3A_33, %get3A_878] : memref<2x8x4096xf32, #tpu.memory_space<vmem>>[vector<16xi32>, vector<16xi32>, vector<16xi32>], vector<16xf32>,
        %swap3A_887 = arith.constant 1 : i32
        %swap3A_888 = arith.constant 0 : i32
        %swap3A_889 = arith.index_cast %swap3A_887 : i32 to index
        %swap3A_890 = arith.index_cast %swap3A_888 : i32 to index
        %swap3A_891 = arith.index_cast %mul3A_876 : i32 to index
        %swap3A_892 = tpu.vector_load %arg14[%swap3A_889, %swap3A_890, %swap3A_891] {strides = array<i32>} : memref<2x8x3584xf32, #tpu.memory_space<vmem>>, vector<16xf32>,
        tpu.vector_store %arg14[%swap3A_889, %swap3A_890, %swap3A_891], %gather3A_879 {strides = array<i32>} : memref<2x8x3584xf32, #tpu.memory_space<vmem>>, vector<16xf32>,
        %swap3A_893 = arith.constant 1 : i32
        %swap3A_894 = arith.constant 1 : i32
        %swap3A_895 = arith.index_cast %swap3A_893 : i32 to index
        %swap3A_896 = arith.index_cast %swap3A_894 : i32 to index
        %swap3A_897 = arith.index_cast %mul3A_876 : i32 to index
        %swap3A_898 = tpu.vector_load %arg14[%swap3A_895, %swap3A_896, %swap3A_897] {strides = array<i32>} : memref<2x8x3584xf32, #tpu.memory_space<vmem>>, vector<16xf32>,
        tpu.vector_store %arg14[%swap3A_895, %swap3A_896, %swap3A_897], %gather3A_880 {strides = array<i32>} : memref<2x8x3584xf32, #tpu.memory_space<vmem>>, vector<16xf32>,
        %swap3A_899 = arith.constant 1 : i32
        %swap3A_900 = arith.constant 2 : i32
        %swap3A_901 = arith.index_cast %swap3A_899 : i32 to index
        %swap3A_902 = arith.index_cast %swap3A_900 : i32 to index
        %swap3A_903 = arith.index_cast %mul3A_876 : i32 to index
        %swap3A_904 = tpu.vector_load %arg14[%swap3A_901, %swap3A_902, %swap3A_903] {strides = array<i32>} : memref<2x8x3584xf32, #tpu.memory_space<vmem>>, vector<16xf32>,
        tpu.vector_store %arg14[%swap3A_901, %swap3A_902, %swap3A_903], %gather3A_881 {strides = array<i32>} : memref<2x8x3584xf32, #tpu.memory_space<vmem>>, vector<16xf32>,
        %swap3A_905 = arith.constant 1 : i32
        %swap3A_906 = arith.constant 3 : i32
        %swap3A_907 = arith.index_cast %swap3A_905 : i32 to index
        %swap3A_908 = arith.index_cast %swap3A_906 : i32 to index
        %swap3A_909 = arith.index_cast %mul3A_876 : i32 to index
        %swap3A_910 = tpu.vector_load %arg14[%swap3A_907, %swap3A_908, %swap3A_909] {strides = array<i32>} : memref<2x8x3584xf32, #tpu.memory_space<vmem>>, vector<16xf32>,
        tpu.vector_store %arg14[%swap3A_907, %swap3A_908, %swap3A_909], %gather3A_882 {strides = array<i32>} : memref<2x8x3584xf32, #tpu.memory_space<vmem>>, vector<16xf32>,
        %swap3A_911 = arith.constant 1 : i32
        %swap3A_912 = arith.constant 4 : i32
        %swap3A_913 = arith.index_cast %swap3A_911 : i32 to index
        %swap3A_914 = arith.index_cast %swap3A_912 : i32 to index
        %swap3A_915 = arith.index_cast %mul3A_876 : i32 to index
        %swap3A_916 = tpu.vector_load %arg14[%swap3A_913, %swap3A_914, %swap3A_915] {strides = array<i32>} : memref<2x8x3584xf32, #tpu.memory_space<vmem>>, vector<16xf32>,
        tpu.vector_store %arg14[%swap3A_913, %swap3A_914, %swap3A_915], %gather3A_883 {strides = array<i32>} : memref<2x8x3584xf32, #tpu.memory_space<vmem>>, vector<16xf32>,
        %swap3A_917 = arith.constant 1 : i32
        %swap3A_918 = arith.constant 5 : i32
        %swap3A_919 = arith.index_cast %swap3A_917 : i32 to index
        %swap3A_920 = arith.index_cast %swap3A_918 : i32 to index
        %swap3A_921 = arith.index_cast %mul3A_876 : i32 to index
        %swap3A_922 = tpu.vector_load %arg14[%swap3A_919, %swap3A_920, %swap3A_921] {strides = array<i32>} : memref<2x8x3584xf32, #tpu.memory_space<vmem>>, vector<16xf32>,
        tpu.vector_store %arg14[%swap3A_919, %swap3A_920, %swap3A_921], %gather3A_884 {strides = array<i32>} : memref<2x8x3584xf32, #tpu.memory_space<vmem>>, vector<16xf32>,
        %swap3A_923 = arith.constant 1 : i32
        %swap3A_924 = arith.constant 6 : i32
        %swap3A_925 = arith.index_cast %swap3A_923 : i32 to index
        %swap3A_926 = arith.index_cast %swap3A_924 : i32 to index
        %swap3A_927 = arith.index_cast %mul3A_876 : i32 to index
        %swap3A_928 = tpu.vector_load %arg14[%swap3A_925, %swap3A_926, %swap3A_927] {strides = array<i32>} : memref<2x8x3584xf32, #tpu.memory_space<vmem>>, vector<16xf32>,
        tpu.vector_store %arg14[%swap3A_925, %swap3A_926, %swap3A_927], %gather3A_885 {strides = array<i32>} : memref<2x8x3584xf32, #tpu.memory_space<vmem>>, vector<16xf32>,
        %swap3A_929 = arith.constant 1 : i32
        %swap3A_930 = arith.constant 7 : i32
        %swap3A_931 = arith.index_cast %swap3A_929 : i32 to index
        %swap3A_932 = arith.index_cast %swap3A_930 : i32 to index
        %swap3A_933 = arith.index_cast %mul3A_876 : i32 to index
        %swap3A_934 = tpu.vector_load %arg14[%swap3A_931, %swap3A_932, %swap3A_933] {strides = array<i32>} : memref<2x8x3584xf32, #tpu.memory_space<vmem>>, vector<16xf32>,
        tpu.vector_store %arg14[%swap3A_931, %swap3A_932, %swap3A_933], %gather3A_886 {strides = array<i32>} : memref<2x8x3584xf32, #tpu.memory_space<vmem>>, vector<16xf32>,
      }
      %scan3A_404 = arith.constant 28 : i32
      %add3A_405 = arith.addi %select_n3A_175, %add3A_356 : i32
      %sub3A_406 = arith.constant 1 : i32
      %sub3A_407 = arith.subi %select_n3A_203, %sub3A_406 : i32
      %min3A_408 = arith.minsi %add3A_405, %sub3A_407 : i32
      %mul3A_409 = arith.constant 8 : i32
      %mul3A_410 = arith.muli %mul3A_409, %min3A_408 : i32
      %multiple_of3A_411 = tpu.assume_multiple %mul3A_410, 8 : i32
      %dma_start3A_412 = arith.constant 1 : i32
      %dma_start3A_413 = arith.constant 0 : i32
      %dma_start3A_414 = arith.constant 0 : i32
      %dma_start3A_415 = tpu.memref_slice %arg14[%dma_start3A_412, %dma_start3A_413, %dma_start3A_414] : memref<2x8x3584xf32, #tpu.memory_space<vmem>> -> memref<1x8x3584xf32, #tpu.memory_space<vmem>>
      %dma_start3A_416 = tpu.memref_squeeze %dma_start3A_415 : memref<1x8x3584xf32, #tpu.memory_space<vmem>> -> memref<8x3584xf32, #tpu.memory_space<vmem>>
      %dma_start3A_417 = arith.constant 0 : i32
      %dma_start3A_418 = tpu.memref_slice %arg8[%multiple_of3A_411, %dma_start3A_417] : memref<12288x3584xf32, #tpu.memory_space<hbm>> -> memref<8x3584xf32, #tpu.memory_space<hbm>>
      %dma_start3A_419 = arith.constant 0 : i32
      %dma_start3A_420 = tpu.memref_slice %arg8[%multiple_of3A_411, %dma_start3A_419] : memref<12288x3584xf32, #tpu.memory_space<hbm>> -> memref<8x3584xf32, #tpu.memory_space<hbm>>
      %dma_start3A_421 = arith.constant 0 : i32
      %dma_start3A_422 = arith.constant 0 : i32
      %dma_start3A_423 = tpu.memref_slice %arg14[%dma_start3A_412, %dma_start3A_421, %dma_start3A_422] : memref<2x8x3584xf32, #tpu.memory_space<vmem>> -> memref<1x8x3584xf32, #tpu.memory_space<vmem>>
      %dma_start3A_424 = tpu.memref_squeeze %dma_start3A_423 : memref<1x8x3584xf32, #tpu.memory_space<vmem>> -> memref<8x3584xf32, #tpu.memory_space<vmem>>
      tpu.enqueue_dma source(%dma_start3A_424 : memref<8x3584xf32, #tpu.memory_space<vmem>>) target(%dma_start3A_420 : memref<8x3584xf32, #tpu.memory_space<hbm>>) target_semaphore(%arg16 : memref<!tpu.dma_semaphore, #tpu.memory_space<semaphore_mem>>)
    }
    %scan3A_230 = arith.constant 24 : i32
    %dma_wait3A_231 = arith.constant 0 : i32
    %dma_wait3A_232 = arith.constant 0 : i32
    %dma_wait3A_233 = arith.constant 0 : i32
    %dma_wait3A_234 = tpu.memref_slice %arg13[%dma_wait3A_231, %dma_wait3A_232, %dma_wait3A_233] : memref<2x8x4096xf32, #tpu.memory_space<vmem>> -> memref<1x8x4096xf32, #tpu.memory_space<vmem>>
    %dma_wait3A_235 = tpu.memref_squeeze %dma_wait3A_234 : memref<1x8x4096xf32, #tpu.memory_space<vmem>> -> memref<8x4096xf32, #tpu.memory_space<vmem>>
    %dma_wait3A_236 = arith.constant 0 : i32
    %dma_wait3A_237 = arith.constant 0 : i32
    %dma_wait3A_238 = tpu.memref_slice %arg4[%dma_wait3A_236, %dma_wait3A_237] : memref<12288x4096xf32, #tpu.memory_space<hbm>> -> memref<8x4096xf32, #tpu.memory_space<hbm>>
    %dma_wait3A_239 = arith.constant 0 : i32
    %dma_wait3A_240 = arith.constant 0 : i32
    %dma_wait3A_241 = tpu.memref_slice %arg13[%dma_wait3A_231, %dma_wait3A_239, %dma_wait3A_240] : memref<2x8x4096xf32, #tpu.memory_space<vmem>> -> memref<1x8x4096xf32, #tpu.memory_space<vmem>>
    %dma_wait3A_242 = tpu.memref_squeeze %dma_wait3A_241 : memref<1x8x4096xf32, #tpu.memory_space<vmem>> -> memref<8x4096xf32, #tpu.memory_space<vmem>>
    %dma_wait3A_243 = arith.constant 0 : i32
    %dma_wait3A_244 = arith.constant 0 : i32
    %dma_wait3A_245 = tpu.memref_slice %arg4[%dma_wait3A_243, %dma_wait3A_244] : memref<12288x4096xf32, #tpu.memory_space<hbm>> -> memref<8x4096xf32, #tpu.memory_space<hbm>>
    tpu.wait_dma2 semaphore(%arg15 : memref<!tpu.dma_semaphore, #tpu.memory_space<semaphore_mem>>) src(%dma_wait3A_245 : memref<8x4096xf32, #tpu.memory_space<hbm>>) dst(%dma_wait3A_242 : memref<8x4096xf32, #tpu.memory_space<vmem>>)
    %dma_wait3A_246 = arith.constant 0 : i32
    %dma_wait3A_247 = arith.constant 0 : i32
    %dma_wait3A_248 = arith.constant 0 : i32
    %dma_wait3A_249 = tpu.memref_slice %arg14[%dma_wait3A_246, %dma_wait3A_247, %dma_wait3A_248] : memref<2x8x3584xf32, #tpu.memory_space<vmem>> -> memref<1x8x3584xf32, #tpu.memory_space<vmem>>
    %dma_wait3A_250 = tpu.memref_squeeze %dma_wait3A_249 : memref<1x8x3584xf32, #tpu.memory_space<vmem>> -> memref<8x3584xf32, #tpu.memory_space<vmem>>
    %dma_wait3A_251 = arith.constant 0 : i32
    %dma_wait3A_252 = arith.constant 0 : i32
    %dma_wait3A_253 = tpu.memref_slice %arg8[%dma_wait3A_251, %dma_wait3A_252] : memref<12288x3584xf32, #tpu.memory_space<hbm>> -> memref<8x3584xf32, #tpu.memory_space<hbm>>
    %dma_wait3A_254 = arith.constant 0 : i32
    %dma_wait3A_255 = arith.constant 0 : i32
    %dma_wait3A_256 = tpu.memref_slice %arg14[%dma_wait3A_246, %dma_wait3A_254, %dma_wait3A_255] : memref<2x8x3584xf32, #tpu.memory_space<vmem>> -> memref<1x8x3584xf32, #tpu.memory_space<vmem>>
    %dma_wait3A_257 = tpu.memref_squeeze %dma_wait3A_256 : memref<1x8x3584xf32, #tpu.memory_space<vmem>> -> memref<8x3584xf32, #tpu.memory_space<vmem>>
    %dma_wait3A_258 = arith.constant 0 : i32
    %dma_wait3A_259 = arith.constant 0 : i32
    %dma_wait3A_260 = tpu.memref_slice %arg8[%dma_wait3A_258, %dma_wait3A_259] : memref<12288x3584xf32, #tpu.memory_space<hbm>> -> memref<8x3584xf32, #tpu.memory_space<hbm>>
    tpu.wait_dma2 semaphore(%arg16 : memref<!tpu.dma_semaphore, #tpu.memory_space<semaphore_mem>>) src(%dma_wait3A_260 : memref<8x3584xf32, #tpu.memory_space<hbm>>) dst(%dma_wait3A_257 : memref<8x3584xf32, #tpu.memory_space<vmem>>)
    %dma_wait3A_261 = arith.constant 0 : i32
    %dma_wait3A_262 = arith.constant 0 : i32
    %dma_wait3A_263 = arith.constant 0 : i32
    %dma_wait3A_264 = tpu.memref_slice %arg14[%dma_wait3A_261, %dma_wait3A_262, %dma_wait3A_263] : memref<2x8x3584xf32, #tpu.memory_space<vmem>> -> memref<1x8x3584xf32, #tpu.memory_space<vmem>>
    %dma_wait3A_265 = tpu.memref_squeeze %dma_wait3A_264 : memref<1x8x3584xf32, #tpu.memory_space<vmem>> -> memref<8x3584xf32, #tpu.memory_space<vmem>>
    %dma_wait3A_266 = arith.constant 0 : i32
    %dma_wait3A_267 = arith.constant 0 : i32
    %dma_wait3A_268 = tpu.memref_slice %arg8[%dma_wait3A_266, %dma_wait3A_267] : memref<12288x3584xf32, #tpu.memory_space<hbm>> -> memref<8x3584xf32, #tpu.memory_space<hbm>>
    %dma_wait3A_269 = arith.constant 0 : i32
    %dma_wait3A_270 = arith.constant 0 : i32
    %dma_wait3A_271 = tpu.memref_slice %arg14[%dma_wait3A_261, %dma_wait3A_269, %dma_wait3A_270] : memref<2x8x3584xf32, #tpu.memory_space<vmem>> -> memref<1x8x3584xf32, #tpu.memory_space<vmem>>
    %dma_wait3A_272 = tpu.memref_squeeze %dma_wait3A_271 : memref<1x8x3584xf32, #tpu.memory_space<vmem>> -> memref<8x3584xf32, #tpu.memory_space<vmem>>
    %dma_wait3A_273 = arith.constant 0 : i32
    %dma_wait3A_274 = arith.constant 0 : i32
    %dma_wait3A_275 = tpu.memref_slice %arg8[%dma_wait3A_273, %dma_wait3A_274] : memref<12288x3584xf32, #tpu.memory_space<hbm>> -> memref<8x3584xf32, #tpu.memory_space<hbm>>
    tpu.wait_dma2 semaphore(%arg16 : memref<!tpu.dma_semaphore, #tpu.memory_space<semaphore_mem>>) src(%dma_wait3A_275 : memref<8x3584xf32, #tpu.memory_space<hbm>>) dst(%dma_wait3A_272 : memref<8x3584xf32, #tpu.memory_space<vmem>>)
    %eq3A_276 = arith.constant 0 : i32
    %eq3A_277 = arith.cmpi eq, %add3A, %eq3A_276 : i32
    %convert_element_type3A_278 = arith.extui %eq3A_277 : i1 to i32
    %cond3A_279 = arith.constant 0 : i32
    %cond3A_280 = arith.cmpi ne, %convert_element_type3A_278, %cond3A_279 : i32
    scf.if %cond3A_280 {
      %run_scoped3A = arith.constant 0 : i32
      %run_scoped3A_281 = arith.constant 0 : i32
      "tpu.region"() ({
        %run_scoped3A_294 = tpu.sem_alloc : memref<!tpu.dma_semaphore, #tpu.memory_space<semaphore_mem>>
        %dma_start3A_295 = arith.constant 0 : i32
        %dma_start3A_296 = tpu.memref_slice %arg13[%run_scoped3A, %run_scoped3A_281, %dma_start3A_295] : memref<2x8x4096xf32, #tpu.memory_space<vmem>> -> memref<1x1x4096xf32, #tpu.memory_space<vmem>>
        %dma_start3A_297 = tpu.memref_squeeze %dma_start3A_296 : memref<1x1x4096xf32, #tpu.memory_space<vmem>> -> memref<4096xf32, #tpu.memory_space<vmem>>
        %dma_start3A_298 = arith.constant 0 : i32
        %dma_start3A_299 = tpu.memref_slice %arg13[%run_scoped3A, %run_scoped3A_281, %dma_start3A_298] : memref<2x8x4096xf32, #tpu.memory_space<vmem>> -> memref<1x1x4096xf32, #tpu.memory_space<vmem>>
        %dma_start3A_300 = tpu.memref_squeeze %dma_start3A_299 : memref<1x1x4096xf32, #tpu.memory_space<vmem>> -> memref<4096xf32, #tpu.memory_space<vmem>>
        tpu.enqueue_dma source(%arg5 : memref<4096xf32, #tpu.memory_space<hbm>>) target(%dma_start3A_300 : memref<4096xf32, #tpu.memory_space<vmem>>) target_semaphore(%run_scoped3A_294 : memref<!tpu.dma_semaphore, #tpu.memory_space<semaphore_mem>>)
        %dma_wait3A_301 = arith.constant 0 : i32
        %dma_wait3A_302 = tpu.memref_slice %arg13[%run_scoped3A, %run_scoped3A_281, %dma_wait3A_301] : memref<2x8x4096xf32, #tpu.memory_space<vmem>> -> memref<1x1x4096xf32, #tpu.memory_space<vmem>>
        %dma_wait3A_303 = tpu.memref_squeeze %dma_wait3A_302 : memref<1x1x4096xf32, #tpu.memory_space<vmem>> -> memref<4096xf32, #tpu.memory_space<vmem>>
        %dma_wait3A_304 = arith.constant 0 : i32
        %dma_wait3A_305 = tpu.memref_slice %arg13[%run_scoped3A, %run_scoped3A_281, %dma_wait3A_304] : memref<2x8x4096xf32, #tpu.memory_space<vmem>> -> memref<1x1x4096xf32, #tpu.memory_space<vmem>>
        %dma_wait3A_306 = tpu.memref_squeeze %dma_wait3A_305 : memref<1x1x4096xf32, #tpu.memory_space<vmem>> -> memref<4096xf32, #tpu.memory_space<vmem>>
        tpu.wait_dma2 semaphore(%run_scoped3A_294 : memref<!tpu.dma_semaphore, #tpu.memory_space<semaphore_mem>>) src(%arg5 : memref<4096xf32, #tpu.memory_space<hbm>>) dst(%dma_wait3A_306 : memref<4096xf32, #tpu.memory_space<vmem>>)
        tpu.yield
      }) : () -> ()
      %run_scoped3A_282 = arith.constant 0 : i32
      %run_scoped3A_283 = arith.constant 1 : i32
      "tpu.region"() ({
        %run_scoped3A_294 = tpu.sem_alloc : memref<!tpu.dma_semaphore, #tpu.memory_space<semaphore_mem>>
        %dma_start3A_295 = arith.constant 0 : i32
        %dma_start3A_296 = tpu.memref_slice %arg13[%run_scoped3A_282, %run_scoped3A_283, %dma_start3A_295] : memref<2x8x4096xf32, #tpu.memory_space<vmem>> -> memref<1x1x4096xf32, #tpu.memory_space<vmem>>
        %dma_start3A_297 = tpu.memref_squeeze %dma_start3A_296 : memref<1x1x4096xf32, #tpu.memory_space<vmem>> -> memref<4096xf32, #tpu.memory_space<vmem>>
        %dma_start3A_298 = arith.constant 0 : i32
        %dma_start3A_299 = tpu.memref_slice %arg13[%run_scoped3A_282, %run_scoped3A_283, %dma_start3A_298] : memref<2x8x4096xf32, #tpu.memory_space<vmem>> -> memref<1x1x4096xf32, #tpu.memory_space<vmem>>
        %dma_start3A_300 = tpu.memref_squeeze %dma_start3A_299 : memref<1x1x4096xf32, #tpu.memory_space<vmem>> -> memref<4096xf32, #tpu.memory_space<vmem>>
        tpu.enqueue_dma source(%arg6 : memref<4096xf32, #tpu.memory_space<hbm>>) target(%dma_start3A_300 : memref<4096xf32, #tpu.memory_space<vmem>>) target_semaphore(%run_scoped3A_294 : memref<!tpu.dma_semaphore, #tpu.memory_space<semaphore_mem>>)
        %dma_wait3A_301 = arith.constant 0 : i32
        %dma_wait3A_302 = tpu.memref_slice %arg13[%run_scoped3A_282, %run_scoped3A_283, %dma_wait3A_301] : memref<2x8x4096xf32, #tpu.memory_space<vmem>> -> memref<1x1x4096xf32, #tpu.memory_space<vmem>>
        %dma_wait3A_303 = tpu.memref_squeeze %dma_wait3A_302 : memref<1x1x4096xf32, #tpu.memory_space<vmem>> -> memref<4096xf32, #tpu.memory_space<vmem>>
        %dma_wait3A_304 = arith.constant 0 : i32
        %dma_wait3A_305 = tpu.memref_slice %arg13[%run_scoped3A_282, %run_scoped3A_283, %dma_wait3A_304] : memref<2x8x4096xf32, #tpu.memory_space<vmem>> -> memref<1x1x4096xf32, #tpu.memory_space<vmem>>
        %dma_wait3A_306 = tpu.memref_squeeze %dma_wait3A_305 : memref<1x1x4096xf32, #tpu.memory_space<vmem>> -> memref<4096xf32, #tpu.memory_space<vmem>>
        tpu.wait_dma2 semaphore(%run_scoped3A_294 : memref<!tpu.dma_semaphore, #tpu.memory_space<semaphore_mem>>) src(%arg6 : memref<4096xf32, #tpu.memory_space<hbm>>) dst(%dma_wait3A_306 : memref<4096xf32, #tpu.memory_space<vmem>>)
        tpu.yield
      }) : () -> ()
      %scan3A_284 = arith.constant 0 : i32
      %scan3A_285 = arith.constant 0 : i32
      %scan3A_286 = arith.constant 224 : i32
      %scan3A_287 = arith.addi %scan3A_285, %scan3A_286 : i32
      %scan3A_288 = arith.constant 1 : i32
      scf.for %scan3A_294 = %scan3A_285 to %scan3A_287 step %scan3A_288  : i32 {
        %mul3A_295 = arith.constant 16 : i32
        %mul3A_296 = arith.muli %scan3A_294, %mul3A_295 : i32
        %get3A = arith.index_cast %mul3A_296 : i32 to index
        %get3A_297 = tpu.vector_load %arg12[%get3A] {strides = array<i32>} : memref<3584xi32, #tpu.memory_space<vmem>>, vector<16xi32>,
        %gather3A = tpu.vector_load_idx %arg13[%broadcast_in_dim3A_15, %broadcast_in_dim3A_19, %get3A_297] : memref<2x8x4096xf32, #tpu.memory_space<vmem>>[vector<16xi32>, vector<16xi32>, vector<16xi32>], vector<16xf32>,
        %mul3A_298 = arith.constant 16 : i32
        %mul3A_299 = arith.muli %scan3A_294, %mul3A_298 : i32
        %swap3A = arith.constant 0 : i32
        %swap3A_300 = arith.constant 0 : i32
        %swap3A_301 = arith.index_cast %swap3A : i32 to index
        %swap3A_302 = arith.index_cast %swap3A_300 : i32 to index
        %swap3A_303 = arith.index_cast %mul3A_299 : i32 to index
        %swap3A_304 = tpu.vector_load %arg14[%swap3A_301, %swap3A_302, %swap3A_303] {strides = array<i32>} : memref<2x8x3584xf32, #tpu.memory_space<vmem>>, vector<16xf32>,
        tpu.vector_store %arg14[%swap3A_301, %swap3A_302, %swap3A_303], %gather3A {strides = array<i32>} : memref<2x8x3584xf32, #tpu.memory_space<vmem>>, vector<16xf32>,
        %gather3A_305 = tpu.vector_load_idx %arg13[%broadcast_in_dim3A_15, %broadcast_in_dim3A_21, %get3A_297] : memref<2x8x4096xf32, #tpu.memory_space<vmem>>[vector<16xi32>, vector<16xi32>, vector<16xi32>], vector<16xf32>,
        %mul3A_306 = arith.constant 16 : i32
        %mul3A_307 = arith.muli %scan3A_294, %mul3A_306 : i32
        %swap3A_308 = arith.constant 0 : i32
        %swap3A_309 = arith.constant 1 : i32
        %swap3A_310 = arith.index_cast %swap3A_308 : i32 to index
        %swap3A_311 = arith.index_cast %swap3A_309 : i32 to index
        %swap3A_312 = arith.index_cast %mul3A_307 : i32 to index
        %swap3A_313 = tpu.vector_load %arg14[%swap3A_310, %swap3A_311, %swap3A_312] {strides = array<i32>} : memref<2x8x3584xf32, #tpu.memory_space<vmem>>, vector<16xf32>,
        tpu.vector_store %arg14[%swap3A_310, %swap3A_311, %swap3A_312], %gather3A_305 {strides = array<i32>} : memref<2x8x3584xf32, #tpu.memory_space<vmem>>, vector<16xf32>,
      }
      %scan3A_289 = arith.constant 224 : i32
      %run_scoped3A_290 = arith.constant 0 : i32
      %run_scoped3A_291 = arith.constant 0 : i32
      "tpu.region"() ({
        %run_scoped3A_294 = tpu.sem_alloc : memref<!tpu.dma_semaphore, #tpu.memory_space<semaphore_mem>>
        %dma_start3A_295 = arith.constant 0 : i32
        %dma_start3A_296 = tpu.memref_slice %arg14[%run_scoped3A_290, %run_scoped3A_291, %dma_start3A_295] : memref<2x8x3584xf32, #tpu.memory_space<vmem>> -> memref<1x1x3584xf32, #tpu.memory_space<vmem>>
        %dma_start3A_297 = tpu.memref_squeeze %dma_start3A_296 : memref<1x1x3584xf32, #tpu.memory_space<vmem>> -> memref<3584xf32, #tpu.memory_space<vmem>>
        %dma_start3A_298 = arith.constant 0 : i32
        %dma_start3A_299 = tpu.memref_slice %arg14[%run_scoped3A_290, %run_scoped3A_291, %dma_start3A_298] : memref<2x8x3584xf32, #tpu.memory_space<vmem>> -> memref<1x1x3584xf32, #tpu.memory_space<vmem>>
        %dma_start3A_300 = tpu.memref_squeeze %dma_start3A_299 : memref<1x1x3584xf32, #tpu.memory_space<vmem>> -> memref<3584xf32, #tpu.memory_space<vmem>>
        tpu.enqueue_dma source(%dma_start3A_300 : memref<3584xf32, #tpu.memory_space<vmem>>) target(%arg9 : memref<3584xf32, #tpu.memory_space<hbm>>) target_semaphore(%run_scoped3A_294 : memref<!tpu.dma_semaphore, #tpu.memory_space<semaphore_mem>>)
        %dma_wait3A_301 = arith.constant 0 : i32
        %dma_wait3A_302 = tpu.memref_slice %arg14[%run_scoped3A_290, %run_scoped3A_291, %dma_wait3A_301] : memref<2x8x3584xf32, #tpu.memory_space<vmem>> -> memref<1x1x3584xf32, #tpu.memory_space<vmem>>
        %dma_wait3A_303 = tpu.memref_squeeze %dma_wait3A_302 : memref<1x1x3584xf32, #tpu.memory_space<vmem>> -> memref<3584xf32, #tpu.memory_space<vmem>>
        %dma_wait3A_304 = arith.constant 0 : i32
        %dma_wait3A_305 = tpu.memref_slice %arg14[%run_scoped3A_290, %run_scoped3A_291, %dma_wait3A_304] : memref<2x8x3584xf32, #tpu.memory_space<vmem>> -> memref<1x1x3584xf32, #tpu.memory_space<vmem>>
        %dma_wait3A_306 = tpu.memref_squeeze %dma_wait3A_305 : memref<1x1x3584xf32, #tpu.memory_space<vmem>> -> memref<3584xf32, #tpu.memory_space<vmem>>
        tpu.wait_dma2 semaphore(%run_scoped3A_294 : memref<!tpu.dma_semaphore, #tpu.memory_space<semaphore_mem>>) src(%dma_wait3A_306 : memref<3584xf32, #tpu.memory_space<vmem>>) dst(%arg9 : memref<3584xf32, #tpu.memory_space<hbm>>)
        tpu.yield
      }) : () -> ()
      %run_scoped3A_292 = arith.constant 0 : i32
      %run_scoped3A_293 = arith.constant 1 : i32
      "tpu.region"() ({
        %run_scoped3A_294 = tpu.sem_alloc : memref<!tpu.dma_semaphore, #tpu.memory_space<semaphore_mem>>
        %dma_start3A_295 = arith.constant 0 : i32
        %dma_start3A_296 = tpu.memref_slice %arg14[%run_scoped3A_292, %run_scoped3A_293, %dma_start3A_295] : memref<2x8x3584xf32, #tpu.memory_space<vmem>> -> memref<1x1x3584xf32, #tpu.memory_space<vmem>>
        %dma_start3A_297 = tpu.memref_squeeze %dma_start3A_296 : memref<1x1x3584xf32, #tpu.memory_space<vmem>> -> memref<3584xf32, #tpu.memory_space<vmem>>
        %dma_start3A_298 = arith.constant 0 : i32
        %dma_start3A_299 = tpu.memref_slice %arg14[%run_scoped3A_292, %run_scoped3A_293, %dma_start3A_298] : memref<2x8x3584xf32, #tpu.memory_space<vmem>> -> memref<1x1x3584xf32, #tpu.memory_space<vmem>>
        %dma_start3A_300 = tpu.memref_squeeze %dma_start3A_299 : memref<1x1x3584xf32, #tpu.memory_space<vmem>> -> memref<3584xf32, #tpu.memory_space<vmem>>
        tpu.enqueue_dma source(%dma_start3A_300 : memref<3584xf32, #tpu.memory_space<vmem>>) target(%arg10 : memref<3584xf32, #tpu.memory_space<hbm>>) target_semaphore(%run_scoped3A_294 : memref<!tpu.dma_semaphore, #tpu.memory_space<semaphore_mem>>)
        %dma_wait3A_301 = arith.constant 0 : i32
        %dma_wait3A_302 = tpu.memref_slice %arg14[%run_scoped3A_292, %run_scoped3A_293, %dma_wait3A_301] : memref<2x8x3584xf32, #tpu.memory_space<vmem>> -> memref<1x1x3584xf32, #tpu.memory_space<vmem>>
        %dma_wait3A_303 = tpu.memref_squeeze %dma_wait3A_302 : memref<1x1x3584xf32, #tpu.memory_space<vmem>> -> memref<3584xf32, #tpu.memory_space<vmem>>
        %dma_wait3A_304 = arith.constant 0 : i32
        %dma_wait3A_305 = tpu.memref_slice %arg14[%run_scoped3A_292, %run_scoped3A_293, %dma_wait3A_304] : memref<2x8x3584xf32, #tpu.memory_space<vmem>> -> memref<1x1x3584xf32, #tpu.memory_space<vmem>>
        %dma_wait3A_306 = tpu.memref_squeeze %dma_wait3A_305 : memref<1x1x3584xf32, #tpu.memory_space<vmem>> -> memref<3584xf32, #tpu.memory_space<vmem>>
        tpu.wait_dma2 semaphore(%run_scoped3A_294 : memref<!tpu.dma_semaphore, #tpu.memory_space<semaphore_mem>>) src(%dma_wait3A_306 : memref<3584xf32, #tpu.memory_space<vmem>>) dst(%arg10 : memref<3584xf32, #tpu.memory_space<hbm>>)
        tpu.yield
      }) : () -> ()
    } else {
    }
    return
  }
}

module attributes {stable_mosaic.version = 14 : i64} {
  func.func @_mask_body(%arg0: i32, %arg1: memref<7781x512xf32, #tpu.memory_space<vmem>>, %arg2: memref<1x1x512xi32, #tpu.memory_space<vmem>>) attributes {dimension_semantics = [#tpu.dimension_semantics<arbitrary>], iteration_bounds = array<i64: 8>, scalar_prefetch = 0 : i64, scratch_operands = 0 : i64, tpu.core_type = #tpu.core_type<tc>, window_params = [{transform_indices = @transform_0, window_bounds = array<i64: 7781, 512>}, {transform_indices = @transform_1, window_bounds = array<i64: 1, 1, 512>}]} {
    %get3A = arith.constant 0 : index
    %get3A_0 = arith.constant 0 : index
    %get3A_1 = vector.load %arg1[%get3A, %get3A_0] : memref<7781x512xf32, #tpu.memory_space<vmem>>, vector<7781x512xf32>
    %ne3A = arith.constant 0.000000e+00 : f32
    %ne3A_2 = vector.broadcast %ne3A : f32 to vector<7781x512xf32>
    %ne3A_3 = arith.cmpf one, %get3A_1, %ne3A_2 : vector<7781x512xf32>
    %reduce_or3A = arith.constant 1.000000e+00 : f32
    %reduce_or3A_4 = arith.constant 0.000000e+00 : f32
    %reduce_or3A_5 = vector.broadcast %reduce_or3A : f32 to vector<7781x512xf32>
    %reduce_or3A_6 = vector.broadcast %reduce_or3A_4 : f32 to vector<7781x512xf32>
    %reduce_or3A_7 = arith.select %ne3A_3, %reduce_or3A_5, %reduce_or3A_6 : vector<7781x512xi1>, vector<7781x512xf32>
    %reduce_or3A_8 = arith.constant dense<0xFF800000> : vector<512xf32>
    %reduce_or3A_9 = vector.multi_reduction <maximumf>, %reduce_or3A_7, %reduce_or3A_8 [0] : vector<7781x512xf32> to vector<512xf32>
    %reduce_or3A_10 = arith.constant 0.000000e+00 : f32
    %reduce_or3A_11 = vector.broadcast %reduce_or3A_10 : f32 to vector<512xf32>
    %reduce_or3A_12 = arith.cmpf ogt, %reduce_or3A_9, %reduce_or3A_11 : vector<512xf32>
    %convert_element_type3A = arith.extui %reduce_or3A_12 : vector<512xi1> to vector<512xi32>
    %swap3A = arith.constant 0 : index
    %swap3A_13 = arith.constant 0 : index
    %swap3A_14 = arith.constant 0 : index
    %swap3A_15 = vector.load %arg2[%swap3A, %swap3A_13, %swap3A_14] : memref<1x1x512xi32, #tpu.memory_space<vmem>>, vector<1x1x512xi32>
    %swap3A_16 = vector.shape_cast %swap3A_15 : vector<1x1x512xi32> to vector<512xi32>
    %swap3A_17 = vector.shape_cast %convert_element_type3A : vector<512xi32> to vector<1x1x512xi32>
    tpu.vector_store %arg2[%swap3A, %swap3A_13, %swap3A_14], %swap3A_17 {strides = array<i32>} : memref<1x1x512xi32, #tpu.memory_space<vmem>>, vector<1x1x512xi32>,
    return
  }
  func.func @transform_0(%arg0: i32) -> (i32, i32) {
    %c0_i32 = arith.constant 0 : i32
    %c0_i32_0 = arith.constant 0 : i32
    return %c0_i32, %arg0 : i32, i32
  }
  func.func @transform_1(%arg0: i32) -> (i32, i32, i32) {
    %c0_i32 = arith.constant 0 : i32
    %c0_i32_0 = arith.constant 0 : i32
    %c0_i32_1 = arith.constant 0 : i32
    return %arg0, %c0_i32, %c0_i32_0 : i32, i32, i32
  }
}

</mosaic_0001>

<sc_bundles>
// kernel: kernel.4.cloned.1.call-start
scs
__scs_entry_jumppad:
0x0: {  	(pc) =	sbr.rel $0x88, $3  }
0x1: {  	(tag) =	ssettag $0x0;
	lr =	simm.s32 $0x1  }
0x2: {  	[smem:$0x3F9D] =	sst lr;
	_ =	strace $0xD0000000  }
0x3: {  	_ = 	snop  }
0x4: {  	_ = 	snop  }
0x5: {  	_ = 	snop  }
0x6: {  	_ = 	snop  }
0x7: {  	_ = 	snop  }
__scs_overlays_trampoline_lowered:
0x8: {  	[smem:$0x3FAC] =	sst s0  }
0x9: {  	[smem:$0x3FAD] =	sst s1  }
0xa: {  	[smem:$0x3FAE] =	sst s2  }
0xb: {  	[smem:$0x3FAF] =	sst s3  }
0xc: {  	[smem:$0x3FB0] =	sst s4  }
0xd: {  	[smem:$0x3FB1] =	sst s5  }
0xe: {  	[smem:$0x3FB2] =	sst s6  }
0xf: {  	[smem:$0x3FB3] =	sst s7  }
0x10: {  	[smem:$0x3FB4] =	sst s8  }
0x11: {  	[smem:$0x3FB5] =	sst s9;
	s0 =	simm.s32 @!p0 $0x0  }
0x12: {  	s1 =	sld [smem:$0x3F9B];
	s0 =	simm.s32 @p0 $0x1  }
0x13: {  	[smem:$0x3FB6] =	sst s0;
	s0 =	simm.s32 @!p1 $0x0  }
0x14: {  	s2 =	sld [smem:$0x3F9A];
	s0 =	simm.s32 @p1 $0x1  }
0x15: {  	[smem:$0x3FB7] =	sst s0;
	s0 =	simm.s32 @!p2 $0x0  }
0x16: {  	s3 =	sld [smem:$0x3FDB];
	s0 =	simm.s32 @p2 $0x1  }
0x17: {  	s4 =	simm.s32 $0x1BF5;
	[smem:$0x3FB9] =	sst s0  }
0x18: {  	s0 =	sld [smem:$0x3F9C];
	_ =	swait.ge [sflag:s4], $0x0  }
0x19: {  	s7 =	sld [smem:$0x3F9D]  }
0x1a: {  	s8 =	sadd.s32 $0xFFFFE003, lr  }
0x1b: {  	s9 =	sadd.s32 $0xFFFFFEF7, lr;
	s5 =	simm.s32 $0xFFFFFFFF;
	p2 =	slt.u32 s8, $0xFFFFF086  }
0x1c: {  	p1 =	slt.u32 s9, $0xF7A;
	s5 =	simm.s32 @!p2 $0x0  }
0x1d: {  	s5 =	simm.s32 @p1 $0x1;
	p0 =	seq.s32 s7, s2  }
0x1e: {  	s7 =	smul.u32 @!p0 $0xF7A, s2;
	p2 =	seq.s32 @!p0 s5, $0x0  }
0x1f: {  	s9 =	smul.u32 $0xF7A, s1;
	s8 =	simm.s32 @!p0 $0x1BF5;
	p2 =	por !p2, p0  }
0x20: {  	[sflag:s8] =	ssyncset.s32 @!p0 $0xFFFFF086;
	s6 =	sadd.s32 @!p0 s3, s7;
	s7 =	simm.s32 @!p0 $0x108  }
0x21: {  	s3 =	sadd.s32 s3, s9;
	s6 =	sadd.s32 @!p0 $0x88, s6;
	s7 =	simm.s32 @p2 $0x1082  }
0x22: {  	[simem:s7], [sflag:s8] =	dma.local @!p0 [hbm:s6], $0xF7A  }
0x23: {  	s9 =	sor.u32 $0xD0000000, s2;
	s6 =	simm.s32 $0x108;
	_ =	swait.ge @!p0 [sflag:s8], $0x0  }
0x24: {  	s3 =	sadd.s32 $0x88, s3;
	s6 =	simm.s32 @!p1 $0x1082;
	[sflag:s4] =	ssyncset.s32 $0xFFFFF086  }
0x25: {  	[simem:s6], [sflag:s4] =	dma.local [hbm:s3], $0xF7A  }
0x26: {  	[smem:$0x3F9D] =	sst s1;
	(tag) =	ssettag s2;
	_ =	strace s9  }
0x27: {  	s1 =	sld [smem:$0x3FAD]  }
0x28: {  	s2 =	sld [smem:$0x3FAE]  }
0x29: {  	s4 =	sld [smem:$0x3FB0]  }
0x2a: {  	p0 =	seq.s32 s5, $0x0;
	s5 =	sld [smem:$0x3FB1]  }
0x2b: {  	s6 =	sld [smem:$0x3FB2]  }
0x2c: {  	s7 =	sld [smem:$0x3FB3]  }
0x2d: {  	s3 =	simm.s32 $0x108;
	s8 =	sld [smem:$0x3FB4]  }
0x2e: {  	s3 =	simm.s32 @!p0 $0x1082;
	s9 =	sld [smem:$0x3FB5]  }
0x2f: {  	lr =	sadd.s32 s0, s3;
	s0 =	sld [smem:$0x3FAC]  }
0x30: {  	s3 =	sld [smem:$0x3FAF]  }
0x31: {  	[smem:$0x3FB8] =	sst s10  }
0x32: {  	s10 =	sld [smem:$0x3FB6];
	_ =	sdelay $0x3  }
0x33: {  	p0 =	seq.s32 s10, $0x1;
	s10 =	sld [smem:$0x3FB8];
	_ =	sdelay $0x3  }
0x34: {  	[smem:$0x3FB8] =	sst s10  }
0x35: {  	s10 =	sld [smem:$0x3FB7];
	_ =	sdelay $0x3  }
0x36: {  	p1 =	seq.s32 s10, $0x1;
	s10 =	sld [smem:$0x3FB8];
	_ =	sdelay $0x3  }
0x37: {  	[smem:$0x3FB8] =	sst s10  }
0x38: {  	s10 =	sld [smem:$0x3FB9]  }
0x39: {  	_ = 	snop;
	(pc) =	sbr.ind lr, $3  }
0x3a: {  	_ = 	snop  }
0x3b: {  	_ = 	snop  }
0x3c: {  	p2 =	seq.s32 s10, $0x1;
	s10 =	sld [smem:$0x3FB8]  }
0x3d: {  	_ =	shalt  }
0x3e: {  	_ =	shalt  }
0x3f: {  	_ =	shalt  }
0x40: {  	_ =	shalt  }
0x41: {  	_ =	shalt  }
0x42: {  	_ =	shalt  }
0x43: {  	_ =	shalt  }
0x44: {  	_ =	shalt  }
0x45: {  	_ =	shalt  }
0x46: {  	_ =	shalt  }
0x47: {  	_ =	shalt  }
0x48: {  	_ =	shalt  }
0x49: {  	_ =	shalt  }
0x4a: {  	_ =	shalt  }
0x4b: {  	_ =	shalt  }
0x4c: {  	_ =	shalt  }
0x4d: {  	_ =	shalt  }
0x4e: {  	_ =	shalt  }
0x4f: {  	_ =	shalt  }
0x50: {  	_ =	shalt  }
0x51: {  	_ =	shalt  }
0x52: {  	_ =	shalt  }
0x53: {  	_ =	shalt  }
0x54: {  	_ =	shalt  }
0x55: {  	_ =	shalt  }
0x56: {  	_ =	shalt  }
0x57: {  	_ =	shalt  }
0x58: {  	_ =	shalt  }
0x59: {  	_ =	shalt  }
0x5a: {  	_ =	shalt  }
0x5b: {  	_ =	shalt  }
0x5c: {  	_ =	shalt  }
0x5d: {  	_ =	shalt  }
0x5e: {  	_ =	shalt  }
0x5f: {  	_ =	shalt  }
0x60: {  	_ =	shalt  }
0x61: {  	_ =	shalt  }
0x62: {  	_ =	shalt  }
0x63: {  	_ =	shalt  }
0x64: {  	_ =	shalt  }
0x65: {  	_ =	shalt  }
0x66: {  	_ =	shalt  }
0x67: {  	_ =	shalt  }
0x68: {  	_ =	shalt  }
0x69: {  	_ =	shalt  }
0x6a: {  	_ =	shalt  }
0x6b: {  	_ =	shalt  }
0x6c: {  	_ =	shalt  }
0x6d: {  	_ =	shalt  }
0x6e: {  	_ =	shalt  }
0x6f: {  	_ =	shalt  }
0x70: {  	_ =	shalt  }
0x71: {  	_ =	shalt  }
0x72: {  	_ =	shalt  }
0x73: {  	_ =	shalt  }
0x74: {  	_ =	shalt  }
0x75: {  	_ =	shalt  }
0x76: {  	_ =	shalt  }
0x77: {  	_ =	shalt  }
0x78: {  	_ =	shalt  }
0x79: {  	_ =	shalt  }
0x7a: {  	_ =	shalt  }
0x7b: {  	_ =	shalt  }
0x7c: {  	_ =	shalt  }
0x7d: {  	_ =	shalt  }
0x7e: {  	_ =	shalt  }
0x7f: {  	_ =	shalt  }
0x80: {  	_ =	shalt  }
0x81: {  	_ =	shalt  }
0x82: {  	_ =	shalt  }
0x83: {  	_ =	shalt  }
0x84: {  	_ =	shalt  }
0x85: {  	_ =	shalt  }
0x86: {  	_ =	shalt  }
0x87: {  	_ =	shalt  }
.Lfunc_end0:
.L_simem_size_0:
called_computation_lowered:
.L_overlay_start_0:
0x88: {  	s2 =	sld [smem:$0x3FD9]  }
0x89: {  	s3 =	sld [smem:$0x3FFE];
	_ =	sdelay $0x1  }
0x8a: {  	s1 =	srdreg.scid  }
0x8b: {  	s0 =	sand.u32 $0x1, s1  }
0x8c: {  	s14 =	sshll.u32 s0, $0xA;
	s2 =	sadd.s32 s3, s2  }
0x8d: {  	s2 =	sadd.s32 s2, s14  }
0x8e: {  	[smem:$0x3FC4] =	sst s2  }
0x8f: {  	_ = 	snop  }
0x90: {  	s2 =	sld [smem:$0x3FD0]  }
0x91: {  	s15 =	sld [smem:$0x3FC9]  }
0x92: {  	s4 =	sld [smem:$0x3FC8]  }
0x93: {  	s6 =	simm.s32 $0xA;
	s7 =	simm.s32 $0x10;
	s5 =	sld [smem:$0x3FC6]  }
0x94: {  	[smem:s7], [sflag:s6] =	dma.local [hbm:s2], $0x1  }
0x95: {  	_ =	swait.eq [sflag:s6], $0x1  }
0x96: {  	s16 =	sld [smem:$0x10]  }
0x97: {  	s17 =	sld [smem:$0x11];
	[sflag:s6] =	ssyncset.done $0x0  }
0x98: {  	s8 =	sld [smem:$0x12];
	[sflag:s6] =	ssyncadd.s32 $0xFFFFFFFF  }
0x99: {  	s18 =	sld [smem:$0x13];
	(tm) =	ssettm $0x1  }
0x9a: {  	s9 =	sld [smem:$0x3FFB];
	_ =	sdelay $0x3  }
0x9b: {  	_ =	strace s9  }
0x9c: {  	s9 =	sld [smem:$0x3FFC];
	_ =	sdelay $0x3  }
0x9d: {  	_ =	strace s9  }
0x9e: {  	s9 =	sld [smem:$0x3FFD];
	_ =	sdelay $0x3  }
0x9f: {  	_ =	strace s9  }
0xa0: {  	_ =	strace $0x8FFFFFFF  }
0xa1: {  	s19 =	sld [smem:$0x3FDB];
	_ =	sdelay $0x1  }
0xa2: {  	s10 =	simm.s32 $_scs_section_size  }
0xa3: {  	s11 =	simm.s32 $_size__tile_overlayer_lowered;
	s12 =	simm.s32 $_tile_overlayer_lowered  }
0xa4: {  	s22 =	simm.s32 $0x1BFF;
	s21 =	sshll.u32 s12, $0x1;
	s9 =	sadd.s32 s10, s19  }
0xa5: {  	s13 =	simm.s32 $0x0;
	s20 =	sshll.u32 s11, $0x1;
	s11 =	sadd.s32 s21, s9  }
0xa6: {  	[timem:s13], [sflag:s22] =	dma.local [hbm:s11], s20  }
0xa7: {  	_ =	swait.ge [sflag:s22], s20  }
0xa8: {  	s10 =	ssub.s32 $0x0, s20;
	[sflag:s22] =	ssyncset.done $0x0  }
0xa9: {  	[sflag:s22] =	ssyncadd.s32 s10;
	_ =	sdelay $0x1  }
0xaa: {  	s23 =	simm.s32 $0x1B8B  }
0xab: {  	_ =	swait.ge [sflag:s23], $0x1  }
0xac: {  	[sflag:s23] =	ssyncset.done $0x0  }
0xad: {  	s25 =	simm.s32 $0x1B8E;
	s24 =	sld [smem:$0x3FFE];
	[sflag:s23] =	ssyncadd.s32 $0xFFFFFFFF  }
0xae: {  	s26 =	simm.s32 $execute0_lowered;
	[smem:$0x3FD2] =	sst s25  }
0xaf: {  	s11 =	sshll.u32 s26, $0x1;
	_ =	strace $0x80000046;
	[dreg:$0x1] =	wrdreg $0xFFFFFFFF  }
0xb0: {  	s28 =	simm.s32 $_size_execute0_lowered;
	s9 =	sadd.s32 s9, s11;
	[dreg:$0x0] =	wrdreg $0x0  }
0xb1: {  	s11 =	sshll.u32 s28, $0x1;
	[dreg:$0x2] =	wrdreg s9  }
0xb2: {  	[dreg:$0x3] =	wrdreg s11  }
0xb3: {  	[dreg:$0x4] =	wrdreg $0xC0  }
0xb4: {  	_ =	task [dreg:s13], $0x5FFFF  }
0xb5: {  	[dreg:$0x1] =	wrdreg $0xFFFFFFFF  }
0xb6: {  	[dreg:$0x0] =	wrdreg $0x60  }
0xb7: {  	[dreg:$0x2] =	wrdreg s8  }
0xb8: {  	[dreg:$0x3] =	wrdreg s15  }
0xb9: {  	[dreg:$0x4] =	wrdreg s4  }
0xba: {  	[dreg:$0x5] =	wrdreg s24  }
0xbb: {  	[dreg:$0x6] =	wrdreg s5  }
0xbc: {  	[dreg:$0x7] =	wrdreg s16  }
0xbd: {  	[dreg:$0x8] =	wrdreg s17  }
0xbe: {  	[dreg:$0x9] =	wrdreg s18  }
0xbf: {  	[dreg:$0xa] =	wrdreg $0x9  }
0xc0: {  	_ =	task.clear_ibuf [dreg:s13], $0xBFFFF;
	_ =	strace $0x90000046  }
0xc1: {  	s29 =	simm.s32 $0x9;
	_ =	strace $0x80000048  }
0xc2: {  	_ =	swait.ge [sflag:s29], $0x1  }
0xc3: {  	[sflag:s29] =	ssyncadd.s32 $0xFFFFFFFF  }
0xc4: {  	_ =	strace $0x90000048  }
0xc5: {  	_ =	sfence  }
0xc6: {  	s30 =	sld [smem:$0x0];
	_ =	sdelay $0x2  }
0xc7: {  	s31 =	sshll.u32 s1, $0xD;
	s1 =	sshrl.u32 s1, $0x2  }
0xc8: {  	s3 =	sand.u32 $0x4000, s31;
	s1 =	sadd.s32 s1, s30  }
0xc9: {  	s0 =	sor.u32 s3, s0;
	s1 =	sshll.u32 s1, $0x11  }
0xca: {  	s0 =	sor.u32 s1, s0  }
0xcb: {  	s0 =	sadd.s32 $0x8F2B, s0  }
0xcc: {  	[sflag:s0] =	ssyncadd.remote.s32 $0x1  }
0xcd: {  	_ =	sfence.sel $0xFFFF  }
0xce: {  	[dreg:$0x0] =	wrdreg $0xFFFFFFFF;
	(pc) =	sbr.abs _section_cstart, $3  }
0xcf: {  	[dreg:$0x1] =	wrdreg $0xFFFFFFFF  }
0xd0: {  	_ =	task.clear_ibuf [dreg:s13], $0x2FFFF;
	_ =	strace $0x9FFFFFFF  }
0xd1: {  	(tm) =	ssettm $0x7FFFFFFF  }
tec
execute0_lowered:
.L_overlay_start_1:
0x0: {  	(tag) =	ssettag $0x1  }
0x1: {  	s2 =	rddreg [dreg:$0x1]  }
0x2: {  	s3 =	rddreg [dreg:$0x2]  }
0x3: {  	s0 =	rddreg [dreg:$0x3]  }
0x4: {  	s4 =	rddreg [dreg:$0x4]  }
0x5: {  	s1 =	srdreg.scid;
	s6 =	rddreg [dreg:$0x5]  }
0x6: {  	s5 =	stileid.u32;
	s7 =	rddreg [dreg:$0x6]  }
0x7: {  	s8 =	rddreg [dreg:$0x7];
	s1 =	sand.u32 $0x1, s1;
	s5 =	sshll.u32 s5, $0x1  }
0x8: {  	s9 =	simm.s32 $0x0;
	s28 =	simm.s32 $0x1E00;
	s5 =	sor.u32 s1, s5  }
0x9: {  	s29 =	simm.s32 $0x1;
	s30 =	simm.s32 $0x9E00;
	s10 =	smul.u32 $0x3CC, s5  }
0xa: {  	s31 =	simm.s32 $0x11E00;
	[smem:$0x7FF] =	sst s9;
	s12 =	sadd.s32 $0xA00, s0  }
0xb: {  	s13 =	sadd.s32 $0xC00, s0;
	s18 =	sadd.s32 $0x3CC000, s2;
	s11 =	sadd.s32 $0x3CC, s10  }
0xc: {  	s19 =	sadd.s32 $0x352800, s6;
	_ =	strace $0x80000047;
	s11 =	sshrl.u32 s11, $0x5  }
0xd: {  	s1 =	ssub.s32 $0x2, s1;
	s10 =	sshrl.u32 s10, $0x5;
	s11 =	sadd.s32 $0xFFFFFFFF, s11  }
0xe: {  	s24 =	sshrl.u32 s1, $0x1;
	s26 =	smul.u32 $0x30000, s5;
	s14 =	smin.u32 s10, s11  }
0xf: {  	p0 =	sne.s32 s5, $0x0;
	s0 =	ssub.s32 s1, s24;
	s14 =	sshll.u32 s14, $0xC  }
0x10: {  	s0 =	smax.u32 s0, $0x1;
	s25 =	sand.u32 $0x1FFFF000, s14;
	s14 =	smul.u32 $0x30, s5  }
.Ltmp0:
0x11: {  	s16 =	sadd.s32 $0x1, s10;
	s17 =	sadd.s32 $0x2, s10;
	(pc) =	sbr.rel .LBB2_1-.Ltmp0, $4  }
0x12: {  	[dreg:$0xb] =	wrdreg s0;
	s5 =	simm.s32 $0x18E00;
	s1 =	sadd.s32 s2, s25  }
0x13: {  	s25 =	simm.s32 $0x3;
	[dreg:$0x9] =	wrdreg s1;
	s20 =	sadd.s32 $0x2F, s14  }
0x14: {  	s1 =	sadd.s32 s3, s26;
	s22 =	sor.u32 $0x1, s14;
	s23 =	sor.u32 $0x2, s14  }
0x15: {  	v0 =	vimm.s32 $0x0;
	v1 =	vlaneseq.u32;
	s26 =	simm.s32 $0x1000;
	[dreg:$0xa] =	wrdreg s1;
	s1 =	simm.s32 $0x0  }
.LBB2_36:
0x16: {  	[hbm4b:s21+s9] =	stream.linear.scatter [tilespmem:s0], [sflag:$0x3], $0x80, $0x38;
	[tilespmem:$0x1FE00] =	vst v63  }
0x17: {  	_ =	swait.ge [sflag:s25], $0xE00  }
0x18: {  	[sflag:s25] =	ssyncset.done $0x0  }
0x19: {  	s1 =	rddreg [dreg:$0xc];
	[sflag:s25] =	ssyncadd.s32 $0xFFFFF200  }
.LBB2_37:
0x1a: {  	s1 =	sadd.s32 $0x1, s1;
	s0 =	rddreg [dreg:$0xb]  }
0x1b: {  	p1 =	sne.s32 s1, s0  }
.Ltmp1:
0x1c: {  	_ = 	snop;
	(pc) =	sbr.rel @!p1 .LBB2_38-.Ltmp1, $1  }
0x1d: {  	_ =	sdelay $0x3  }
.LBB2_1:
0x1e: {  	[dreg:$0xc] =	wrdreg s1  }
0x1f: {  	s0 =	rddreg [dreg:$0x0]  }
0x20: {  	[tilespmem:s9], [sflag:$0x3] =	stream.linear.gather [hbm4b:s0+s9], $0x1000, $0x38;
	[tilespmem:$0x1FE00] =	vst v63  }
0x21: {  	_ =	swait.ge [sflag:s25], $0x1000  }
0x22: {  	[sflag:s25] =	ssyncset.done $0x0  }
0x23: {  	s0 =	simm.s32 $0x0;
	[sflag:s25] =	ssyncadd.s32 $0xFFFFF000  }
.LBB2_2:
0x24: {  	p1 =	sne.s32 s0, $0x37C0  }
.Ltmp2:
0x25: {  	_ = 	snop;
	(pc) =	sbr.rel @p1 .LBB2_2-.Ltmp2, $3  }
0x26: {  	_ =	sdelay $0x1  }
0x27: {  	s1 =	sshra.s32 s0, $0x2  }
0x28: {  	s0 =	sadd.s32 $0x40, s0;
	[tilespmem:s1+$0x1000] =	vst v0  }
0x29: {  	s0 =	simm.s32 $0x0  }
0x2a: {  	v2 =	vld [tilespmem:s0+$0x0];
	_ =	sdelay $0x4  }
0x2b: {  	(xrf0) =	vadd.scan.msk.s32 $0xffff, v2;
	_ =	sdelay $0x5  }
0x2c: {  	vm0 =	vne.s32 v2, $0x0;
	v2 =	vsub.s32 s0, v2;
	v3, _, _ =	vpop (xrf0)  }
0x2d: {  	v2 =	vadd.s32 v3, v2;
	(v2sf) =	vpush v3, $0xF;
	_ =	sdelay $0x3  }
0x2e: {  	v4 =	vor.u32 s0, v1  }
0x2f: {  	s1 =	simm.s32 $0x10;
	[tilespmem:v2+s26+$0x0] =	vst.idx.msk vm0, v4  }
0x30: {  	s15 =	simm.s32 $0x20;
	s21 =	simm.s32 $0x10;
	v2 =	vld [tilespmem:s1+$0x0]  }
.LBB2_4:
0x31: {  	p1 =	sne.s32 s15, $0xFF0;
	_ =	sdelay $0x3  }
0x32: {  	vm0 =	vne.s32 v2, $0x0;
	(xrf0) =	vadd.scan.msk.s32 $0xffff, v2;
	_ =	sdelay $0x3  }
0x33: {  	s24 =	spop (v2sf)  }
0x34: {  	s0 =	sadd.s32 s0, s24  }
0x35: {  	v2 =	vsub.s32 s0, v2;
	v3, _, _ =	vpop (xrf0)  }
0x36: {  	v2 =	vadd.s32 v3, v2;
	(v2sf) =	vpush v3, $0xF;
	_ =	sdelay $0x1  }
.Ltmp3:
0x37: {  	(pc) =	sbr.rel @p1 .LBB2_4-.Ltmp3, $4  }
0x38: {  	_ = 	snop  }
0x39: {  	v3 =	vor.u32 s1, v1;
	s1 =	smov.u32 s15  }
0x3a: {  	s21 =	sadd.s32 $0x10, s21;
	[tilespmem:v2+s26+$0x0] =	vst.idx.msk vm0, v3  }
0x3b: {  	s15 =	sadd.s32 $0x10, s15;
	v2 =	vld [tilespmem:s21+$0x0]  }
0x3c: {  	_ =	sdelay $0x3  }
0x3d: {  	(xrf0) =	vadd.scan.msk.s32 $0xffff, v2;
	_ =	sdelay $0x5  }
0x3e: {  	v3, _, _ =	vpop (xrf0)  }
0x3f: {  	(v2sf) =	vpush v3, $0xF;
	_ =	sdelay $0x4  }
0x40: {  	s15 =	spop (v2sf)  }
0x41: {  	s0 =	sadd.s32 s0, s15  }
0x42: {  	vm0 =	vne.s32 v2, $0x0;
	v2 =	vsub.s32 s0, v2  }
0x43: {  	v2 =	vadd.s32 v3, v2;
	_ =	sdelay $0x3  }
0x44: {  	v3 =	vor.u32 s1, v1  }
0x45: {  	s24 =	rddreg [dreg:$0x9];
	s15 =	simm.s32 $0x0;
	[tilespmem:v2+s26+$0x0] =	vst.idx.msk vm0, v3  }
0x46: {  	[tilespmem:s28], [sflag:$0x1] =	stream.linear.gather [hbm4b:s24+s15], $0x8000, $0x38;
	[tilespmem:$0x1FE00] =	vst v63  }
0x47: {  	s25 =	spop (v2sf)  }
.LBB2_6:
0x48: {  	s24 =	sshll.u32 s15, $0x1  }
0x49: {  	s0 =	sadd.s32 s24, s16  }
0x4a: {  	s1 =	smov.u32 s11;
	p1 =	slt.s32 s0, s11  }
0x4b: {  	s1 =	smov.u32 @p1 s0  }
0x4c: {  	_ =	swait.ge [sflag:s29], $0x8000;
	s0 =	sshll.u32 s1, $0xC  }
0x4d: {  	[sflag:s29] =	ssyncset.done $0x0;
	s0 =	sand.u32 $0x1FFFF000, s0  }
0x4e: {  	[sflag:s29] =	ssyncadd.s32 $0xFFFF8000;
	p1 =	seq.s32 s15, $0x0;
	s0 =	sadd.s32 s2, s0  }
0x4f: {  	[tilespmem:s30], [sflag:$0x1] =	stream.linear.gather [hbm4b:s0+s9], $0x8000, $0x38;
	[tilespmem:$0x1FE00] =	vst v63  }
0x50: {  	s0 =	simm.s32 @!p1 $0x2  }
0x51: {  	_ =	swait.ge @!p1 [sflag:s0], $0x7000  }
0x52: {  	s25 =	simm.s32 $0x12000;
	[sflag:s0] =	ssyncset.done @!p1 $0x0  }
0x53: {  	s21 =	sand.u32 $0x1FFFFFFF, s1;
	s1 =	simm.s32 $0x0;
	[sflag:s0] =	ssyncadd.s32 @!p1 $0xFFFF9000  }
.LBB2_7:
0x54: {  	s0 =	sshra.s32 s1, $0x2  }
0x55: {  	v2 =	vld [tilespmem:s0+$0x1000];
	_ =	sdelay $0x4  }
0x56: {  	v3 =	vshll.u32 v2, $0x3  }
0x57: {  	v2 =	vand.u32 $0x7F, v2;
	v3 =	vand.u32 $0xFFFFFC00, v3  }
0x58: {  	v2 =	vor.u32 v2, v3  }
0x59: {  	v3 =	vor.u32 $0x80, v2  }
0x5a: {  	v4 =	vor.u32 $0x100, v2  }
0x5b: {  	v5 =	vor.u32 $0x180, v2  }
0x5c: {  	v6 =	vor.u32 $0x200, v2  }
0x5d: {  	v8 =	vor.u32 $0x280, v2;
	v7 =	vld.idx.msk [tilespmem:v2+s28+$0x0], $0xffff  }
0x5e: {  	v9 =	vor.u32 $0x300, v2;
	v3 =	vld.idx.msk [tilespmem:v3+s28+$0x0], $0xffff  }
0x5f: {  	v2 =	vor.u32 $0x380, v2;
	v4 =	vld.idx.msk [tilespmem:v4+s28+$0x0], $0xffff  }
0x60: {  	v5 =	vld.idx.msk [tilespmem:v5+s28+$0x0], $0xffff  }
0x61: {  	v6 =	vld.idx.msk [tilespmem:v6+s28+$0x0], $0xffff  }
0x62: {  	v8 =	vld.idx.msk [tilespmem:v8+s28+$0x0], $0xffff  }
0x63: {  	v9 =	vld.idx.msk [tilespmem:v9+s28+$0x0], $0xffff  }
0x64: {  	v2 =	vld.idx.msk [tilespmem:v2+s28+$0x0], $0xffff;
	[tilespmem:s25+$0xFFFFFE00] =	vst v7  }
0x65: {  	[tilespmem:s25+$0xFFFFFE80] =	vst v3  }
0x66: {  	[tilespmem:s25+$0xFFFFFF00] =	vst v4  }
0x67: {  	[tilespmem:s25+$0xFFFFFF80] =	vst v5  }
0x68: {  	[tilespmem:s25+$0x0] =	vst v6  }
0x69: {  	[tilespmem:s25+$0x80] =	vst v8  }
0x6a: {  	[tilespmem:s25+$0x100] =	vst v9  }
0x6b: {  	[tilespmem:s25+$0x180] =	vst v2  }
0x6c: {  	v2 =	vld [tilespmem:s0+$0x1010];
	_ =	sdelay $0x4  }
0x6d: {  	v3 =	vshll.u32 v2, $0x3  }
0x6e: {  	v2 =	vand.u32 $0x7F, v2;
	v3 =	vand.u32 $0xFFFFFC00, v3  }
0x6f: {  	v2 =	vor.u32 v2, v3  }
0x70: {  	v3 =	vor.u32 $0x80, v2  }
0x71: {  	v29 =	vor.u32 $0x100, v2  }
0x72: {  	v30 =	vor.u32 $0x180, v2  }
0x73: {  	v31 =	vor.u32 $0x200, v2  }
0x74: {  	v32 =	vor.u32 $0x280, v2;
	v7 =	vld.idx.msk [tilespmem:v2+s28+$0x0], $0xffff  }
0x75: {  	v33 =	vor.u32 $0x300, v2;
	v3 =	vld.idx.msk [tilespmem:v3+s28+$0x0], $0xffff  }
0x76: {  	v2 =	vor.u32 $0x380, v2;
	v4 =	vld.idx.msk [tilespmem:v29+s28+$0x0], $0xffff  }
0x77: {  	v5 =	vld.idx.msk [tilespmem:v30+s28+$0x0], $0xffff  }
0x78: {  	v6 =	vld.idx.msk [tilespmem:v31+s28+$0x0], $0xffff  }
0x79: {  	v8 =	vld.idx.msk [tilespmem:v32+s28+$0x0], $0xffff  }
0x7a: {  	v9 =	vld.idx.msk [tilespmem:v33+s28+$0x0], $0xffff  }
0x7b: {  	v2 =	vld.idx.msk [tilespmem:v2+s28+$0x0], $0xffff;
	[tilespmem:s25+$0xFFFFFE10] =	vst v7  }
0x7c: {  	[tilespmem:s25+$0xFFFFFE90] =	vst v3  }
0x7d: {  	[tilespmem:s25+$0xFFFFFF10] =	vst v4  }
0x7e: {  	[tilespmem:s25+$0xFFFFFF90] =	vst v5  }
0x7f: {  	[tilespmem:s25+$0x10] =	vst v6  }
0x80: {  	[tilespmem:s25+$0x90] =	vst v8  }
0x81: {  	[tilespmem:s25+$0x110] =	vst v9  }
0x82: {  	[tilespmem:s25+$0x190] =	vst v2  }
0x83: {  	v2 =	vld [tilespmem:s0+$0x1020];
	_ =	sdelay $0x4  }
0x84: {  	v3 =	vshll.u32 v2, $0x3  }
0x85: {  	v2 =	vand.u32 $0x7F, v2;
	v3 =	vand.u32 $0xFFFFFC00, v3  }
0x86: {  	v2 =	vor.u32 v2, v3  }
0x87: {  	v3 =	vor.u32 $0x80, v2  }
0x88: {  	v34 =	vor.u32 $0x100, v2  }
0x89: {  	v35 =	vor.u32 $0x180, v2  }
0x8a: {  	v36 =	vor.u32 $0x200, v2  }
0x8b: {  	v37 =	vor.u32 $0x280, v2;
	v7 =	vld.idx.msk [tilespmem:v2+s28+$0x0], $0xffff  }
0x8c: {  	v38 =	vor.u32 $0x300, v2;
	v3 =	vld.idx.msk [tilespmem:v3+s28+$0x0], $0xffff  }
0x8d: {  	v2 =	vor.u32 $0x380, v2;
	v4 =	vld.idx.msk [tilespmem:v34+s28+$0x0], $0xffff  }
0x8e: {  	v5 =	vld.idx.msk [tilespmem:v35+s28+$0x0], $0xffff  }
0x8f: {  	v6 =	vld.idx.msk [tilespmem:v36+s28+$0x0], $0xffff  }
0x90: {  	v8 =	vld.idx.msk [tilespmem:v37+s28+$0x0], $0xffff  }
0x91: {  	v9 =	vld.idx.msk [tilespmem:v38+s28+$0x0], $0xffff  }
0x92: {  	v2 =	vld.idx.msk [tilespmem:v2+s28+$0x0], $0xffff;
	[tilespmem:s25+$0xFFFFFE20] =	vst v7  }
0x93: {  	[tilespmem:s25+$0xFFFFFEA0] =	vst v3  }
0x94: {  	[tilespmem:s25+$0xFFFFFF20] =	vst v4  }
0x95: {  	[tilespmem:s25+$0xFFFFFFA0] =	vst v5  }
0x96: {  	[tilespmem:s25+$0x20] =	vst v6  }
0x97: {  	[tilespmem:s25+$0xA0] =	vst v8  }
0x98: {  	[tilespmem:s25+$0x120] =	vst v9  }
0x99: {  	[tilespmem:s25+$0x1A0] =	vst v2  }
0x9a: {  	v2 =	vld [tilespmem:s0+$0x1030];
	_ =	sdelay $0x4  }
0x9b: {  	v3 =	vshll.u32 v2, $0x3  }
0x9c: {  	v2 =	vand.u32 $0x7F, v2;
	v3 =	vand.u32 $0xFFFFFC00, v3  }
0x9d: {  	v2 =	vor.u32 v2, v3  }
0x9e: {  	v3 =	vor.u32 $0x80, v2  }
0x9f: {  	v39 =	vor.u32 $0x100, v2  }
0xa0: {  	v40 =	vor.u32 $0x180, v2  }
0xa1: {  	v41 =	vor.u32 $0x200, v2  }
0xa2: {  	v42 =	vor.u32 $0x280, v2;
	v7 =	vld.idx.msk [tilespmem:v2+s28+$0x0], $0xffff  }
0xa3: {  	v43 =	vor.u32 $0x300, v2;
	v3 =	vld.idx.msk [tilespmem:v3+s28+$0x0], $0xffff  }
0xa4: {  	v2 =	vor.u32 $0x380, v2;
	v4 =	vld.idx.msk [tilespmem:v39+s28+$0x0], $0xffff  }
0xa5: {  	v5 =	vld.idx.msk [tilespmem:v40+s28+$0x0], $0xffff  }
0xa6: {  	v6 =	vld.idx.msk [tilespmem:v41+s28+$0x0], $0xffff  }
0xa7: {  	v8 =	vld.idx.msk [tilespmem:v42+s28+$0x0], $0xffff  }
0xa8: {  	v9 =	vld.idx.msk [tilespmem:v43+s28+$0x0], $0xffff  }
0xa9: {  	v2 =	vld.idx.msk [tilespmem:v2+s28+$0x0], $0xffff;
	[tilespmem:s25+$0xFFFFFE30] =	vst v7  }
0xaa: {  	[tilespmem:s25+$0xFFFFFEB0] =	vst v3  }
0xab: {  	[tilespmem:s25+$0xFFFFFF30] =	vst v4  }
0xac: {  	[tilespmem:s25+$0xFFFFFFB0] =	vst v5  }
0xad: {  	[tilespmem:s25+$0x30] =	vst v6  }
0xae: {  	[tilespmem:s25+$0xB0] =	vst v8  }
0xaf: {  	[tilespmem:s25+$0x130] =	vst v9  }
0xb0: {  	[tilespmem:s25+$0x1B0] =	vst v2  }
0xb1: {  	v2 =	vld [tilespmem:s0+$0x1040];
	_ =	sdelay $0x4  }
0xb2: {  	v3 =	vshll.u32 v2, $0x3  }
0xb3: {  	v2 =	vand.u32 $0x7F, v2;
	v3 =	vand.u32 $0xFFFFFC00, v3  }
0xb4: {  	v2 =	vor.u32 v2, v3  }
0xb5: {  	v3 =	vor.u32 $0x80, v2  }
0xb6: {  	v44 =	vor.u32 $0x100, v2  }
0xb7: {  	v45 =	vor.u32 $0x180, v2  }
0xb8: {  	v46 =	vor.u32 $0x200, v2  }
0xb9: {  	v47 =	vor.u32 $0x280, v2;
	v7 =	vld.idx.msk [tilespmem:v2+s28+$0x0], $0xffff  }
0xba: {  	v48 =	vor.u32 $0x300, v2;
	v3 =	vld.idx.msk [tilespmem:v3+s28+$0x0], $0xffff  }
0xbb: {  	v2 =	vor.u32 $0x380, v2;
	v4 =	vld.idx.msk [tilespmem:v44+s28+$0x0], $0xffff  }
0xbc: {  	v5 =	vld.idx.msk [tilespmem:v45+s28+$0x0], $0xffff  }
0xbd: {  	v6 =	vld.idx.msk [tilespmem:v46+s28+$0x0], $0xffff  }
0xbe: {  	v8 =	vld.idx.msk [tilespmem:v47+s28+$0x0], $0xffff  }
0xbf: {  	v9 =	vld.idx.msk [tilespmem:v48+s28+$0x0], $0xffff  }
0xc0: {  	v2 =	vld.idx.msk [tilespmem:v2+s28+$0x0], $0xffff;
	[tilespmem:s25+$0xFFFFFE40] =	vst v7  }
0xc1: {  	[tilespmem:s25+$0xFFFFFEC0] =	vst v3  }
0xc2: {  	[tilespmem:s25+$0xFFFFFF40] =	vst v4  }
0xc3: {  	[tilespmem:s25+$0xFFFFFFC0] =	vst v5  }
0xc4: {  	[tilespmem:s25+$0x40] =	vst v6  }
0xc5: {  	[tilespmem:s25+$0xC0] =	vst v8  }
0xc6: {  	[tilespmem:s25+$0x140] =	vst v9  }
0xc7: {  	[tilespmem:s25+$0x1C0] =	vst v2  }
0xc8: {  	v2 =	vld [tilespmem:s0+$0x1050];
	_ =	sdelay $0x4  }
0xc9: {  	v3 =	vshll.u32 v2, $0x3  }
0xca: {  	v2 =	vand.u32 $0x7F, v2;
	v3 =	vand.u32 $0xFFFFFC00, v3  }
0xcb: {  	v2 =	vor.u32 v2, v3  }
0xcc: {  	v3 =	vor.u32 $0x80, v2  }
0xcd: {  	v49 =	vor.u32 $0x100, v2  }
0xce: {  	v50 =	vor.u32 $0x180, v2  }
0xcf: {  	v51 =	vor.u32 $0x200, v2  }
0xd0: {  	v52 =	vor.u32 $0x280, v2;
	v7 =	vld.idx.msk [tilespmem:v2+s28+$0x0], $0xffff  }
0xd1: {  	v53 =	vor.u32 $0x300, v2;
	v3 =	vld.idx.msk [tilespmem:v3+s28+$0x0], $0xffff  }
0xd2: {  	v2 =	vor.u32 $0x380, v2;
	v4 =	vld.idx.msk [tilespmem:v49+s28+$0x0], $0xffff  }
0xd3: {  	v5 =	vld.idx.msk [tilespmem:v50+s28+$0x0], $0xffff  }
0xd4: {  	v6 =	vld.idx.msk [tilespmem:v51+s28+$0x0], $0xffff  }
0xd5: {  	v8 =	vld.idx.msk [tilespmem:v52+s28+$0x0], $0xffff  }
0xd6: {  	v9 =	vld.idx.msk [tilespmem:v53+s28+$0x0], $0xffff  }
0xd7: {  	v2 =	vld.idx.msk [tilespmem:v2+s28+$0x0], $0xffff;
	[tilespmem:s25+$0xFFFFFE50] =	vst v7  }
0xd8: {  	[tilespmem:s25+$0xFFFFFED0] =	vst v3  }
0xd9: {  	[tilespmem:s25+$0xFFFFFF50] =	vst v4  }
0xda: {  	[tilespmem:s25+$0xFFFFFFD0] =	vst v5  }
0xdb: {  	[tilespmem:s25+$0x50] =	vst v6  }
0xdc: {  	[tilespmem:s25+$0xD0] =	vst v8  }
0xdd: {  	[tilespmem:s25+$0x150] =	vst v9  }
0xde: {  	[tilespmem:s25+$0x1D0] =	vst v2  }
0xdf: {  	v2 =	vld [tilespmem:s0+$0x1060];
	_ =	sdelay $0x4  }
0xe0: {  	v3 =	vshll.u32 v2, $0x3  }
0xe1: {  	v2 =	vand.u32 $0x7F, v2;
	v3 =	vand.u32 $0xFFFFFC00, v3  }
0xe2: {  	v2 =	vor.u32 v2, v3  }
0xe3: {  	v3 =	vor.u32 $0x80, v2  }
0xe4: {  	v54 =	vor.u32 $0x100, v2  }
0xe5: {  	v55 =	vor.u32 $0x180, v2  }
0xe6: {  	v56 =	vor.u32 $0x200, v2  }
0xe7: {  	v57 =	vor.u32 $0x280, v2;
	v7 =	vld.idx.msk [tilespmem:v2+s28+$0x0], $0xffff  }
0xe8: {  	v58 =	vor.u32 $0x300, v2;
	v3 =	vld.idx.msk [tilespmem:v3+s28+$0x0], $0xffff  }
0xe9: {  	v2 =	vor.u32 $0x380, v2;
	v4 =	vld.idx.msk [tilespmem:v54+s28+$0x0], $0xffff  }
0xea: {  	v5 =	vld.idx.msk [tilespmem:v55+s28+$0x0], $0xffff  }
0xeb: {  	v6 =	vld.idx.msk [tilespmem:v56+s28+$0x0], $0xffff  }
0xec: {  	v8 =	vld.idx.msk [tilespmem:v57+s28+$0x0], $0xffff  }
0xed: {  	v9 =	vld.idx.msk [tilespmem:v58+s28+$0x0], $0xffff  }
0xee: {  	v2 =	vld.idx.msk [tilespmem:v2+s28+$0x0], $0xffff;
	[tilespmem:s25+$0xFFFFFE60] =	vst v7  }
0xef: {  	[tilespmem:s25+$0xFFFFFEE0] =	vst v3  }
0xf0: {  	[tilespmem:s25+$0xFFFFFF60] =	vst v4  }
0xf1: {  	[tilespmem:s25+$0xFFFFFFE0] =	vst v5  }
0xf2: {  	[tilespmem:s25+$0x60] =	vst v6  }
0xf3: {  	[tilespmem:s25+$0xE0] =	vst v8  }
0xf4: {  	[tilespmem:s25+$0x160] =	vst v9  }
0xf5: {  	[tilespmem:s25+$0x1E0] =	vst v2  }
0xf6: {  	v2 =	vld [tilespmem:s0+$0x1070];
	_ =	sdelay $0x4  }
0xf7: {  	v3 =	vshll.u32 v2, $0x3  }
0xf8: {  	v2 =	vand.u32 $0x7F, v2;
	v3 =	vand.u32 $0xFFFFFC00, v3  }
0xf9: {  	v2 =	vor.u32 v2, v3  }
0xfa: {  	v3 =	vor.u32 $0x80, v2  }
0xfb: {  	v59 =	vor.u32 $0x100, v2  }
0xfc: {  	v60 =	vor.u32 $0x180, v2  }
0xfd: {  	v61 =	vor.u32 $0x200, v2  }
0xfe: {  	v62 =	vor.u32 $0x280, v2;
	v7 =	vld.idx.msk [tilespmem:v2+s28+$0x0], $0xffff  }
0xff: {  	v63 =	vor.u32 $0x300, v2;
	v3 =	vld.idx.msk [tilespmem:v3+s28+$0x0], $0xffff  }
0x100: {  	v2 =	vor.u32 $0x380, v2;
	v4 =	vld.idx.msk [tilespmem:v59+s28+$0x0], $0xffff  }
0x101: {  	v5 =	vld.idx.msk [tilespmem:v60+s28+$0x0], $0xffff  }
0x102: {  	v6 =	vld.idx.msk [tilespmem:v61+s28+$0x0], $0xffff  }
0x103: {  	v8 =	vld.idx.msk [tilespmem:v62+s28+$0x0], $0xffff  }
0x104: {  	v9 =	vld.idx.msk [tilespmem:v63+s28+$0x0], $0xffff  }
0x105: {  	v2 =	vld.idx.msk [tilespmem:v2+s28+$0x0], $0xffff;
	[tilespmem:s25+$0xFFFFFE70] =	vst v7  }
0x106: {  	[tilespmem:s25+$0xFFFFFEF0] =	vst v3  }
0x107: {  	p2 =	sne.s32 s1, $0x3600;
	[tilespmem:s25+$0xFFFFFF70] =	vst v4  }
.Ltmp4:
0x108: {  	[tilespmem:s25+$0xFFFFFFF0] =	vst v5;
	(pc) =	sbr.rel @p2 .LBB2_7-.Ltmp4, $4  }
0x109: {  	[tilespmem:s25+$0x70] =	vst v6  }
0x10a: {  	[tilespmem:s25+$0xF0] =	vst v8  }
0x10b: {  	[tilespmem:s25+$0x170] =	vst v9  }
0x10c: {  	s1 =	sadd.s32 $0x200, s1;
	[tilespmem:s25+$0x1F0] =	vst v2;
	s25 =	sadd.s32 $0x400, s25  }
0x10d: {  	s0 =	sadd.s32 s10, s24  }
0x10e: {  	s1 =	smov.u32 s11;
	p2 =	slt.s32 s0, s11  }
0x10f: {  	s1 =	smov.u32 @p2 s0  }
0x110: {  	s0 =	smul.u32 $0xE00, s1;
	_ =	sdelay $0x1  }
0x111: {  	s0 =	sadd.s32 s6, s0  }
0x112: {  	[hbm4b:s0+s9] =	stream.linear.scatter [tilespmem:s31], [sflag:$0x2], $0x7000, $0x38;
	[tilespmem:$0x1FE00] =	vst v63  }
0x113: {  	s0 =	sadd.s32 s24, s17  }
0x114: {  	s1 =	smov.u32 s11;
	p2 =	slt.s32 s0, s11  }
0x115: {  	s1 =	smov.u32 @p2 s0  }
0x116: {  	_ =	swait.ge [sflag:s29], $0x8000;
	s0 =	sshll.u32 s1, $0xC  }
0x117: {  	[sflag:s29] =	ssyncset.done $0x0;
	s0 =	sand.u32 $0x1FFFF000, s0  }
0x118: {  	[sflag:s29] =	ssyncadd.s32 $0xFFFF8000;
	s0 =	sadd.s32 s2, s0  }
0x119: {  	[tilespmem:s28], [sflag:$0x1] =	stream.linear.gather [hbm4b:s0+s9], $0x8000, $0x38;
	[tilespmem:$0x1FE00] =	vst v63  }
0x11a: {  	s0 =	simm.s32 @!p1 $0x2  }
0x11b: {  	_ =	swait.ge @!p1 [sflag:s0], $0x7000  }
0x11c: {  	[sflag:s0] =	ssyncset.done @!p1 $0x0  }
0x11d: {  	s25 =	simm.s32 $0x1040;
	s24 =	simm.s32 $0x0;
	[sflag:s0] =	ssyncadd.s32 @!p1 $0xFFFF9000  }
.LBB2_9:
0x11e: {  	v2 =	vld [tilespmem:s25+$0xFFFFFFC0];
	_ =	sdelay $0x4  }
0x11f: {  	v3 =	vshll.u32 v2, $0x3  }
0x120: {  	v2 =	vand.u32 $0x7F, v2;
	v3 =	vand.u32 $0xFFFFFC00, v3  }
0x121: {  	v2 =	vor.u32 v2, v3  }
0x122: {  	v3 =	vadd.s32 $0x8000, v2  }
0x123: {  	v4 =	vadd.s32 $0x8080, v2  }
0x124: {  	v5 =	vadd.s32 $0x8100, v2  }
0x125: {  	v6 =	vadd.s32 $0x8180, v2  }
0x126: {  	v7 =	vadd.s32 $0x8200, v2  }
0x127: {  	v8 =	vadd.s32 $0x8280, v2;
	v3 =	vld.idx.msk [tilespmem:v3+s28+$0x0], $0xffff  }
0x128: {  	v9 =	vadd.s32 $0x8300, v2;
	v4 =	vld.idx.msk [tilespmem:v4+s28+$0x0], $0xffff  }
0x129: {  	v2 =	vadd.s32 $0x8380, v2;
	v5 =	vld.idx.msk [tilespmem:v5+s28+$0x0], $0xffff  }
0x12a: {  	v6 =	vld.idx.msk [tilespmem:v6+s28+$0x0], $0xffff  }
0x12b: {  	v7 =	vld.idx.msk [tilespmem:v7+s28+$0x0], $0xffff  }
0x12c: {  	v8 =	vld.idx.msk [tilespmem:v8+s28+$0x0], $0xffff  }
0x12d: {  	s1 =	sshra.s32 s24, $0x2;
	v9 =	vld.idx.msk [tilespmem:v9+s28+$0x0], $0xffff  }
0x12e: {  	v2 =	vld.idx.msk [tilespmem:v2+s28+$0x0], $0xffff;
	[tilespmem:s1+$0x18E00] =	vst v3  }
0x12f: {  	[tilespmem:s1+$0x18E80] =	vst v4  }
0x130: {  	[tilespmem:s1+$0x18F00] =	vst v5  }
0x131: {  	[tilespmem:s1+$0x18F80] =	vst v6  }
0x132: {  	[tilespmem:s1+$0x19000] =	vst v7  }
0x133: {  	[tilespmem:s1+$0x19080] =	vst v8  }
0x134: {  	[tilespmem:s1+$0x19100] =	vst v9  }
0x135: {  	[tilespmem:s1+$0x19180] =	vst v2  }
0x136: {  	v2 =	vld [tilespmem:s25+$0xFFFFFFD0];
	_ =	sdelay $0x4  }
0x137: {  	v3 =	vshll.u32 v2, $0x3  }
0x138: {  	v2 =	vand.u32 $0x7F, v2;
	v3 =	vand.u32 $0xFFFFFC00, v3  }
0x139: {  	v2 =	vor.u32 v2, v3  }
0x13a: {  	v3 =	vadd.s32 $0x8000, v2  }
0x13b: {  	v22 =	vadd.s32 $0x8080, v2  }
0x13c: {  	v23 =	vadd.s32 $0x8100, v2  }
0x13d: {  	v24 =	vadd.s32 $0x8180, v2  }
0x13e: {  	v25 =	vadd.s32 $0x8200, v2  }
0x13f: {  	v26 =	vadd.s32 $0x8280, v2;
	v3 =	vld.idx.msk [tilespmem:v3+s28+$0x0], $0xffff  }
0x140: {  	v27 =	vadd.s32 $0x8300, v2;
	v4 =	vld.idx.msk [tilespmem:v22+s28+$0x0], $0xffff  }
0x141: {  	v2 =	vadd.s32 $0x8380, v2;
	v5 =	vld.idx.msk [tilespmem:v23+s28+$0x0], $0xffff  }
0x142: {  	v6 =	vld.idx.msk [tilespmem:v24+s28+$0x0], $0xffff  }
0x143: {  	v7 =	vld.idx.msk [tilespmem:v25+s28+$0x0], $0xffff  }
0x144: {  	v8 =	vld.idx.msk [tilespmem:v26+s28+$0x0], $0xffff  }
0x145: {  	v9 =	vld.idx.msk [tilespmem:v27+s28+$0x0], $0xffff  }
0x146: {  	v2 =	vld.idx.msk [tilespmem:v2+s28+$0x0], $0xffff;
	[tilespmem:s1+$0x18E10] =	vst v3  }
0x147: {  	[tilespmem:s1+$0x18E90] =	vst v4  }
0x148: {  	[tilespmem:s1+$0x18F10] =	vst v5  }
0x149: {  	[tilespmem:s1+$0x18F90] =	vst v6  }
0x14a: {  	[tilespmem:s1+$0x19010] =	vst v7  }
0x14b: {  	[tilespmem:s1+$0x19090] =	vst v8  }
0x14c: {  	[tilespmem:s1+$0x19110] =	vst v9  }
0x14d: {  	[tilespmem:s1+$0x19190] =	vst v2  }
0x14e: {  	v2 =	vld [tilespmem:s25+$0xFFFFFFE0];
	_ =	sdelay $0x4  }
0x14f: {  	v3 =	vshll.u32 v2, $0x3  }
0x150: {  	v2 =	vand.u32 $0x7F, v2;
	v3 =	vand.u32 $0xFFFFFC00, v3  }
0x151: {  	v2 =	vor.u32 v2, v3  }
0x152: {  	v3 =	vadd.s32 $0x8000, v2  }
0x153: {  	v28 =	vadd.s32 $0x8080, v2  }
0x154: {  	v29 =	vadd.s32 $0x8100, v2  }
0x155: {  	v30 =	vadd.s32 $0x8180, v2  }
0x156: {  	v31 =	vadd.s32 $0x8200, v2  }
0x157: {  	v32 =	vadd.s32 $0x8280, v2;
	v3 =	vld.idx.msk [tilespmem:v3+s28+$0x0], $0xffff  }
0x158: {  	v33 =	vadd.s32 $0x8300, v2;
	v4 =	vld.idx.msk [tilespmem:v28+s28+$0x0], $0xffff  }
0x159: {  	v2 =	vadd.s32 $0x8380, v2;
	v5 =	vld.idx.msk [tilespmem:v29+s28+$0x0], $0xffff  }
0x15a: {  	v6 =	vld.idx.msk [tilespmem:v30+s28+$0x0], $0xffff  }
0x15b: {  	v7 =	vld.idx.msk [tilespmem:v31+s28+$0x0], $0xffff  }
0x15c: {  	v8 =	vld.idx.msk [tilespmem:v32+s28+$0x0], $0xffff  }
0x15d: {  	v9 =	vld.idx.msk [tilespmem:v33+s28+$0x0], $0xffff  }
0x15e: {  	v2 =	vld.idx.msk [tilespmem:v2+s28+$0x0], $0xffff;
	[tilespmem:s1+$0x18E20] =	vst v3  }
0x15f: {  	[tilespmem:s1+$0x18EA0] =	vst v4  }
0x160: {  	[tilespmem:s1+$0x18F20] =	vst v5  }
0x161: {  	[tilespmem:s1+$0x18FA0] =	vst v6  }
0x162: {  	[tilespmem:s1+$0x19020] =	vst v7  }
0x163: {  	[tilespmem:s1+$0x190A0] =	vst v8  }
0x164: {  	[tilespmem:s1+$0x19120] =	vst v9  }
0x165: {  	[tilespmem:s1+$0x191A0] =	vst v2  }
0x166: {  	v2 =	vld [tilespmem:s25+$0xFFFFFFF0];
	_ =	sdelay $0x4  }
0x167: {  	v3 =	vshll.u32 v2, $0x3  }
0x168: {  	v2 =	vand.u32 $0x7F, v2;
	v3 =	vand.u32 $0xFFFFFC00, v3  }
0x169: {  	v2 =	vor.u32 v2, v3  }
0x16a: {  	v3 =	vadd.s32 $0x8000, v2  }
0x16b: {  	v34 =	vadd.s32 $0x8080, v2  }
0x16c: {  	v35 =	vadd.s32 $0x8100, v2  }
0x16d: {  	v36 =	vadd.s32 $0x8180, v2  }
0x16e: {  	v37 =	vadd.s32 $0x8200, v2  }
0x16f: {  	v38 =	vadd.s32 $0x8280, v2;
	v3 =	vld.idx.msk [tilespmem:v3+s28+$0x0], $0xffff  }
0x170: {  	v39 =	vadd.s32 $0x8300, v2;
	v4 =	vld.idx.msk [tilespmem:v34+s28+$0x0], $0xffff  }
0x171: {  	v2 =	vadd.s32 $0x8380, v2;
	v5 =	vld.idx.msk [tilespmem:v35+s28+$0x0], $0xffff  }
0x172: {  	v6 =	vld.idx.msk [tilespmem:v36+s28+$0x0], $0xffff  }
0x173: {  	v7 =	vld.idx.msk [tilespmem:v37+s28+$0x0], $0xffff  }
0x174: {  	v8 =	vld.idx.msk [tilespmem:v38+s28+$0x0], $0xffff  }
0x175: {  	v9 =	vld.idx.msk [tilespmem:v39+s28+$0x0], $0xffff  }
0x176: {  	v2 =	vld.idx.msk [tilespmem:v2+s28+$0x0], $0xffff;
	[tilespmem:s1+$0x18E30] =	vst v3  }
0x177: {  	[tilespmem:s1+$0x18EB0] =	vst v4  }
0x178: {  	[tilespmem:s1+$0x18F30] =	vst v5  }
0x179: {  	[tilespmem:s1+$0x18FB0] =	vst v6  }
0x17a: {  	[tilespmem:s1+$0x19030] =	vst v7  }
0x17b: {  	[tilespmem:s1+$0x190B0] =	vst v8  }
0x17c: {  	[tilespmem:s1+$0x19130] =	vst v9  }
0x17d: {  	[tilespmem:s1+$0x191B0] =	vst v2  }
0x17e: {  	v2 =	vld [tilespmem:s25+$0x0];
	_ =	sdelay $0x4  }
0x17f: {  	v3 =	vshll.u32 v2, $0x3  }
0x180: {  	v2 =	vand.u32 $0x7F, v2;
	v3 =	vand.u32 $0xFFFFFC00, v3  }
0x181: {  	v2 =	vor.u32 v2, v3  }
0x182: {  	v3 =	vadd.s32 $0x8000, v2  }
0x183: {  	v40 =	vadd.s32 $0x8080, v2  }
0x184: {  	v41 =	vadd.s32 $0x8100, v2  }
0x185: {  	v42 =	vadd.s32 $0x8180, v2  }
0x186: {  	v43 =	vadd.s32 $0x8200, v2  }
0x187: {  	v44 =	vadd.s32 $0x8280, v2;
	v3 =	vld.idx.msk [tilespmem:v3+s28+$0x0], $0xffff  }
0x188: {  	v45 =	vadd.s32 $0x8300, v2;
	v4 =	vld.idx.msk [tilespmem:v40+s28+$0x0], $0xffff  }
0x189: {  	v2 =	vadd.s32 $0x8380, v2;
	v5 =	vld.idx.msk [tilespmem:v41+s28+$0x0], $0xffff  }
0x18a: {  	v6 =	vld.idx.msk [tilespmem:v42+s28+$0x0], $0xffff  }
0x18b: {  	v7 =	vld.idx.msk [tilespmem:v43+s28+$0x0], $0xffff  }
0x18c: {  	v8 =	vld.idx.msk [tilespmem:v44+s28+$0x0], $0xffff  }
0x18d: {  	v9 =	vld.idx.msk [tilespmem:v45+s28+$0x0], $0xffff  }
0x18e: {  	v2 =	vld.idx.msk [tilespmem:v2+s28+$0x0], $0xffff;
	[tilespmem:s1+$0x18E40] =	vst v3  }
0x18f: {  	[tilespmem:s1+$0x18EC0] =	vst v4  }
0x190: {  	[tilespmem:s1+$0x18F40] =	vst v5  }
0x191: {  	[tilespmem:s1+$0x18FC0] =	vst v6  }
0x192: {  	[tilespmem:s1+$0x19040] =	vst v7  }
0x193: {  	[tilespmem:s1+$0x190C0] =	vst v8  }
0x194: {  	[tilespmem:s1+$0x19140] =	vst v9  }
0x195: {  	[tilespmem:s1+$0x191C0] =	vst v2  }
0x196: {  	v2 =	vld [tilespmem:s25+$0x10];
	_ =	sdelay $0x4  }
0x197: {  	v3 =	vshll.u32 v2, $0x3  }
0x198: {  	v2 =	vand.u32 $0x7F, v2;
	v3 =	vand.u32 $0xFFFFFC00, v3  }
0x199: {  	v2 =	vor.u32 v2, v3  }
0x19a: {  	v3 =	vadd.s32 $0x8000, v2  }
0x19b: {  	v46 =	vadd.s32 $0x8080, v2  }
0x19c: {  	v47 =	vadd.s32 $0x8100, v2  }
0x19d: {  	v48 =	vadd.s32 $0x8180, v2  }
0x19e: {  	v49 =	vadd.s32 $0x8200, v2  }
0x19f: {  	v50 =	vadd.s32 $0x8280, v2;
	v3 =	vld.idx.msk [tilespmem:v3+s28+$0x0], $0xffff  }
0x1a0: {  	v51 =	vadd.s32 $0x8300, v2;
	v4 =	vld.idx.msk [tilespmem:v46+s28+$0x0], $0xffff  }
0x1a1: {  	v2 =	vadd.s32 $0x8380, v2;
	v5 =	vld.idx.msk [tilespmem:v47+s28+$0x0], $0xffff  }
0x1a2: {  	v6 =	vld.idx.msk [tilespmem:v48+s28+$0x0], $0xffff  }
0x1a3: {  	v7 =	vld.idx.msk [tilespmem:v49+s28+$0x0], $0xffff  }
0x1a4: {  	v8 =	vld.idx.msk [tilespmem:v50+s28+$0x0], $0xffff  }
0x1a5: {  	v9 =	vld.idx.msk [tilespmem:v51+s28+$0x0], $0xffff  }
0x1a6: {  	v2 =	vld.idx.msk [tilespmem:v2+s28+$0x0], $0xffff;
	[tilespmem:s1+$0x18E50] =	vst v3  }
0x1a7: {  	[tilespmem:s1+$0x18ED0] =	vst v4  }
0x1a8: {  	[tilespmem:s1+$0x18F50] =	vst v5  }
0x1a9: {  	[tilespmem:s1+$0x18FD0] =	vst v6  }
0x1aa: {  	[tilespmem:s1+$0x19050] =	vst v7  }
0x1ab: {  	[tilespmem:s1+$0x190D0] =	vst v8  }
0x1ac: {  	[tilespmem:s1+$0x19150] =	vst v9  }
0x1ad: {  	[tilespmem:s1+$0x191D0] =	vst v2  }
0x1ae: {  	v2 =	vld [tilespmem:s25+$0x20];
	_ =	sdelay $0x4  }
0x1af: {  	v3 =	vshll.u32 v2, $0x3  }
0x1b0: {  	v2 =	vand.u32 $0x7F, v2;
	v3 =	vand.u32 $0xFFFFFC00, v3  }
0x1b1: {  	v2 =	vor.u32 v2, v3  }
0x1b2: {  	v3 =	vadd.s32 $0x8000, v2  }
0x1b3: {  	v52 =	vadd.s32 $0x8080, v2  }
0x1b4: {  	v53 =	vadd.s32 $0x8100, v2  }
0x1b5: {  	v54 =	vadd.s32 $0x8180, v2  }
0x1b6: {  	v55 =	vadd.s32 $0x8200, v2  }
0x1b7: {  	v56 =	vadd.s32 $0x8280, v2;
	v3 =	vld.idx.msk [tilespmem:v3+s28+$0x0], $0xffff  }
0x1b8: {  	v57 =	vadd.s32 $0x8300, v2;
	v4 =	vld.idx.msk [tilespmem:v52+s28+$0x0], $0xffff  }
0x1b9: {  	v2 =	vadd.s32 $0x8380, v2;
	v5 =	vld.idx.msk [tilespmem:v53+s28+$0x0], $0xffff  }
0x1ba: {  	v6 =	vld.idx.msk [tilespmem:v54+s28+$0x0], $0xffff  }
0x1bb: {  	v7 =	vld.idx.msk [tilespmem:v55+s28+$0x0], $0xffff  }
0x1bc: {  	v8 =	vld.idx.msk [tilespmem:v56+s28+$0x0], $0xffff  }
0x1bd: {  	v9 =	vld.idx.msk [tilespmem:v57+s28+$0x0], $0xffff  }
0x1be: {  	v2 =	vld.idx.msk [tilespmem:v2+s28+$0x0], $0xffff;
	[tilespmem:s1+$0x18E60] =	vst v3  }
0x1bf: {  	[tilespmem:s1+$0x18EE0] =	vst v4  }
0x1c0: {  	[tilespmem:s1+$0x18F60] =	vst v5  }
0x1c1: {  	[tilespmem:s1+$0x18FE0] =	vst v6  }
0x1c2: {  	[tilespmem:s1+$0x19060] =	vst v7  }
0x1c3: {  	[tilespmem:s1+$0x190E0] =	vst v8  }
0x1c4: {  	[tilespmem:s1+$0x19160] =	vst v9  }
0x1c5: {  	[tilespmem:s1+$0x191E0] =	vst v2  }
0x1c6: {  	v2 =	vld [tilespmem:s25+$0x30];
	_ =	sdelay $0x4  }
0x1c7: {  	v3 =	vshll.u32 v2, $0x3  }
0x1c8: {  	v2 =	vand.u32 $0x7F, v2;
	v3 =	vand.u32 $0xFFFFFC00, v3  }
0x1c9: {  	v2 =	vor.u32 v2, v3  }
0x1ca: {  	v3 =	vadd.s32 $0x8000, v2  }
0x1cb: {  	v58 =	vadd.s32 $0x8080, v2  }
0x1cc: {  	v59 =	vadd.s32 $0x8100, v2  }
0x1cd: {  	v60 =	vadd.s32 $0x8180, v2  }
0x1ce: {  	v61 =	vadd.s32 $0x8200, v2  }
0x1cf: {  	v62 =	vadd.s32 $0x8280, v2;
	v3 =	vld.idx.msk [tilespmem:v3+s28+$0x0], $0xffff  }
0x1d0: {  	v63 =	vadd.s32 $0x8300, v2;
	v4 =	vld.idx.msk [tilespmem:v58+s28+$0x0], $0xffff  }
0x1d1: {  	v2 =	vadd.s32 $0x8380, v2;
	v5 =	vld.idx.msk [tilespmem:v59+s28+$0x0], $0xffff  }
0x1d2: {  	v6 =	vld.idx.msk [tilespmem:v60+s28+$0x0], $0xffff  }
0x1d3: {  	v7 =	vld.idx.msk [tilespmem:v61+s28+$0x0], $0xffff  }
0x1d4: {  	v8 =	vld.idx.msk [tilespmem:v62+s28+$0x0], $0xffff  }
0x1d5: {  	v9 =	vld.idx.msk [tilespmem:v63+s28+$0x0], $0xffff  }
0x1d6: {  	v2 =	vld.idx.msk [tilespmem:v2+s28+$0x0], $0xffff;
	[tilespmem:s1+$0x18E70] =	vst v3  }
0x1d7: {  	[tilespmem:s1+$0x18EF0] =	vst v4  }
0x1d8: {  	p1 =	sne.s32 s24, $0x1B000;
	[tilespmem:s1+$0x18F70] =	vst v5  }
.Ltmp5:
0x1d9: {  	[tilespmem:s1+$0x18FF0] =	vst v6;
	(pc) =	sbr.rel @p1 .LBB2_9-.Ltmp5, $4  }
0x1da: {  	[tilespmem:s1+$0x19070] =	vst v7  }
0x1db: {  	[tilespmem:s1+$0x190F0] =	vst v8  }
0x1dc: {  	[tilespmem:s1+$0x19170] =	vst v9  }
0x1dd: {  	s24 =	sadd.s32 $0x1000, s24;
	s25 =	sadd.s32 $0x80, s25;
	[tilespmem:s1+$0x191F0] =	vst v2  }
0x1de: {  	s15 =	sadd.s32 $0x1, s15  }
0x1df: {  	p1 =	sne.s32 s15, $0x10  }
.Ltmp6:
0x1e0: {  	_ = 	snop;
	(pc) =	sbr.rel @p1 .LBB2_6-.Ltmp6, $3  }
0x1e1: {  	s0 =	smul.u32 $0xE00, s21;
	_ =	sdelay $0x1  }
0x1e2: {  	s0 =	sadd.s32 s6, s0  }
0x1e3: {  	[hbm4b:s0+s9] =	stream.linear.scatter [tilespmem:s5], [sflag:$0x2], $0x7000, $0x38;
	[tilespmem:$0x1FE00] =	vst v63  }
0x1e4: {  	_ =	swait.ge [sflag:s29], $0x8000  }
0x1e5: {  	[sflag:s29] =	ssyncset.done $0x0  }
0x1e6: {  	s0 =	simm.s32 $0x2;
	[sflag:s29] =	ssyncadd.s32 $0xFFFF8000  }
0x1e7: {  	_ =	swait.ge [sflag:s0], $0x7000  }
.Ltmp7:
0x1e8: {  	[sflag:s0] =	ssyncset.done $0x0;
	(pc) =	sbr.rel @p0 .LBB2_19-.Ltmp7, $4  }
0x1e9: {  	[sflag:s0] =	ssyncadd.s32 $0xFFFF9000  }
0x1ea: {  	_ =	swait.ge [sflag:s0], $0x7000  }
0x1eb: {  	[sflag:s0] =	ssyncset.done $0x0  }
0x1ec: {  	[sflag:s0] =	ssyncadd.s32 $0xFFFF9000  }
0x1ed: {  	s0 =	simm.s32 $0x1E00  }
0x1ee: {  	s1 =	simm.s32 $0x80;
	s21 =	sadd.s32 $0x0, s18;
	s15 =	simm.s32 $0x2200  }
.LBB2_13:
0x1ef: {  	[tilespmem:s0], [sflag:$0x3] =	stream.linear.gather [hbm4b:s21+s9], $0x280, $0x38;
	[tilespmem:$0x1FE00] =	vst v63  }
0x1f0: {  	s21 =	smov.u32 s1;
	s0 =	smov.u32 s15;
	p1 =	sne.s32 s1, $0xF80  }
.Ltmp8:
0x1f1: {  	s1 =	sadd.s32 $0x80, s1;
	(pc) =	sbr.rel @p1 .LBB2_13-.Ltmp8, $2  }
0x1f2: {  	_ =	sdelay $0x2  }
0x1f3: {  	s15 =	sadd.s32 $0x400, s15;
	s21 =	sadd.s32 s21, s18  }
0x1f4: {  	[tilespmem:s0], [sflag:$0x3] =	stream.linear.gather [hbm4b:s21+s9], $0x280, $0x38;
	[tilespmem:$0x1FE00] =	vst v63  }
0x1f5: {  	s25 =	simm.s32 $0x3  }
0x1f6: {  	_ =	swait.ge [sflag:s25], $0x5000  }
0x1f7: {  	[sflag:s25] =	ssyncset.done $0x0  }
0x1f8: {  	s0 =	simm.s32 $0x1000;
	[sflag:s25] =	ssyncadd.s32 $0xFFFFB000  }
0x1f9: {  	v2 =	vld [tilespmem:s0+$0x0];
	_ =	sdelay $0x4  }
0x1fa: {  	v3 =	vshll.u32 v2, $0x3  }
0x1fb: {  	v2 =	vand.u32 $0x7F, v2;
	v3 =	vand.u32 $0xFFFFFC00, v3  }
0x1fc: {  	v2 =	vor.u32 v2, v3;
	_ =	sdelay $0x4  }
0x1fd: {  	v3 =	vld.idx.msk [tilespmem:v2+s28+$0x0], $0xffff  }
0x1fe: {  	v4 =	vor.u32 $0x80, v2  }
0x1ff: {  	s1 =	simm.s32 $0x0  }
0x200: {  	s15 =	sand.u32 $0x70, s1;
	s24 =	sand.u32 $0x7C00, s1  }
0x201: {  	s15 =	sor.u32 s15, s24  }
0x202: {  	[tilespmem:s15+$0x11E00] =	vst v3  }
0x203: {  	v3 =	vld.idx.msk [tilespmem:v4+s28+$0x0], $0xffff  }
0x204: {  	v62 =	vor.u32 $0x100, v2;
	_ =	sdelay $0x2  }
0x205: {  	s21 =	sadd.s32 $0x11E00, s15  }
0x206: {  	[tilespmem:s21+$0x80] =	vst v3  }
0x207: {  	v3 =	vld.idx.msk [tilespmem:v62+s28+$0x0], $0xffff  }
0x208: {  	v63 =	vor.u32 $0x180, v2;
	_ =	sdelay $0x3  }
0x209: {  	[tilespmem:s21+$0x100] =	vst v3  }
0x20a: {  	v3 =	vld.idx.msk [tilespmem:v63+s28+$0x0], $0xffff  }
0x20b: {  	v2 =	vor.u32 $0x200, v2;
	_ =	sdelay $0x3  }
0x20c: {  	[tilespmem:s21+$0x180] =	vst v3  }
0x20d: {  	s15 =	simm.s32 $0x10;
	v2 =	vld.idx.msk [tilespmem:v2+s28+$0x0], $0xffff  }
.LBB2_15:
0x20e: {  	_ =	sdelay $0x3  }
0x20f: {  	p1 =	sne.s32 s15, $0xDF0;
	s1 =	sadd.s32 $0x80, s1;
	s0 =	sadd.s32 $0x10, s0;
	[tilespmem:s21+$0x200] =	vst v2  }
0x210: {  	s21 =	smov.u32 s15;
	s15 =	sadd.s32 $0x10, s15;
	v2 =	vld [tilespmem:s0+$0x0];
	_ =	sdelay $0x4  }
0x211: {  	v3 =	vshll.u32 v2, $0x3  }
0x212: {  	v2 =	vand.u32 $0x7F, v2;
	v3 =	vand.u32 $0xFFFFFC00, v3  }
0x213: {  	v2 =	vor.u32 v2, v3;
	_ =	sdelay $0x4  }
0x214: {  	v3 =	vld.idx.msk [tilespmem:v2+s28+$0x0], $0xffff;
	_ =	sdelay $0x1  }
0x215: {  	v4 =	vor.u32 $0x80, v2;
	_ =	sdelay $0x1  }
0x216: {  	s24 =	sand.u32 $0x7C00, s1;
	s21 =	sand.u32 $0x70, s21  }
0x217: {  	s21 =	sor.u32 s21, s24  }
0x218: {  	[tilespmem:s21+$0x11E00] =	vst v3  }
0x219: {  	v3 =	vld.idx.msk [tilespmem:v4+s28+$0x0], $0xffff;
	_ =	sdelay $0x1  }
0x21a: {  	v4 =	vor.u32 $0x100, v2;
	_ =	sdelay $0x2  }
0x21b: {  	s21 =	sadd.s32 $0x11E00, s21  }
0x21c: {  	[tilespmem:s21+$0x80] =	vst v3  }
0x21d: {  	v3 =	vld.idx.msk [tilespmem:v4+s28+$0x0], $0xffff;
	_ =	sdelay $0x1  }
0x21e: {  	v4 =	vor.u32 $0x180, v2;
	_ =	sdelay $0x3  }
0x21f: {  	[tilespmem:s21+$0x100] =	vst v3  }
0x220: {  	v3 =	vld.idx.msk [tilespmem:v4+s28+$0x0], $0xffff;
	_ =	sdelay $0x1  }
0x221: {  	v2 =	vor.u32 $0x200, v2  }
.Ltmp9:
0x222: {  	(pc) =	sbr.rel @p1 .LBB2_15-.Ltmp9, $3  }
0x223: {  	_ =	sdelay $0x1  }
0x224: {  	[tilespmem:s21+$0x180] =	vst v3  }
0x225: {  	v2 =	vld.idx.msk [tilespmem:v2+s28+$0x0], $0xffff  }
0x226: {  	_ =	sdelay $0x2  }
0x227: {  	s0 =	simm.s32 $0x11E00  }
0x228: {  	s1 =	simm.s32 $0x80;
	s15 =	simm.s32 $0x12200;
	[tilespmem:s21+$0x200] =	vst v2;
	s21 =	sadd.s32 $0x0, s19  }
.LBB2_17:
0x229: {  	[hbm4b:s21+s9] =	stream.linear.scatter [tilespmem:s0], [sflag:$0x3], $0x280, $0x38;
	[tilespmem:$0x1FE00] =	vst v63  }
0x22a: {  	s21 =	smov.u32 s1;
	s0 =	smov.u32 s15;
	p1 =	sne.s32 s1, $0xD80  }
.Ltmp10:
0x22b: {  	s1 =	sadd.s32 $0x80, s1;
	(pc) =	sbr.rel @p1 .LBB2_17-.Ltmp10, $2  }
0x22c: {  	_ =	sdelay $0x2  }
0x22d: {  	s15 =	sadd.s32 $0x400, s15;
	s21 =	sadd.s32 s21, s19  }
0x22e: {  	[hbm4b:s21+s9] =	stream.linear.scatter [tilespmem:s0], [sflag:$0x3], $0x280, $0x38;
	[tilespmem:$0x1FE00] =	vst v63  }
0x22f: {  	_ =	swait.ge [sflag:s25], $0x4600  }
0x230: {  	[sflag:s25] =	ssyncset.done $0x0  }
0x231: {  	[sflag:s25] =	ssyncadd.s32 $0xFFFFBA00  }
.LBB2_19:
0x232: {  	s15 =	simm.s32 $0x0;
	s0 =	rddreg [dreg:$0xa]  }
0x233: {  	[tilespmem:s28], [sflag:$0x1] =	stream.linear.gather [hbm4b:s0+s15], $0x8000, $0x38;
	[tilespmem:$0x1FE00] =	vst v63  }
.LBB2_20:
0x234: {  	s24 =	sshll.u32 s15, $0x1  }
0x235: {  	s0 =	sadd.s32 s24, s22  }
0x236: {  	_ =	swait.ge [sflag:s29], $0x8000;
	s1 =	sshll.u32 s0, $0xC  }
0x237: {  	[sflag:s29] =	ssyncset.done $0x0;
	s1 =	sand.u32 $0x1FFFF000, s1  }
0x238: {  	p1 =	seq.s32 s15, $0x0;
	[sflag:s29] =	ssyncadd.s32 $0xFFFF8000;
	s1 =	sadd.s32 s3, s1  }
0x239: {  	[tilespmem:s30], [sflag:$0x1] =	stream.linear.gather [hbm4b:s1+s9], $0x8000, $0x38;
	[tilespmem:$0x1FE00] =	vst v63  }
0x23a: {  	s1 =	simm.s32 @!p1 $0x2  }
0x23b: {  	_ =	swait.ge @!p1 [sflag:s1], $0x7000  }
0x23c: {  	s25 =	simm.s32 $0x12000;
	[sflag:s1] =	ssyncset.done @!p1 $0x0  }
0x23d: {  	s21 =	sand.u32 $0x1FFFFFFF, s0;
	[sflag:s1] =	ssyncadd.s32 @!p1 $0xFFFF9000;
	s1 =	simm.s32 $0x0  }
.LBB2_21:
0x23e: {  	s0 =	sshra.s32 s1, $0x2  }
0x23f: {  	v2 =	vld [tilespmem:s0+$0x1000];
	_ =	sdelay $0x4  }
0x240: {  	v3 =	vshll.u32 v2, $0x3  }
0x241: {  	v2 =	vand.u32 $0x7F, v2;
	v3 =	vand.u32 $0xFFFFFC00, v3  }
0x242: {  	v2 =	vor.u32 v2, v3  }
0x243: {  	v3 =	vor.u32 $0x80, v2  }
0x244: {  	v4 =	vor.u32 $0x100, v2  }
0x245: {  	v5 =	vor.u32 $0x180, v2  }
0x246: {  	v6 =	vor.u32 $0x200, v2  }
0x247: {  	v8 =	vor.u32 $0x280, v2;
	v7 =	vld.idx.msk [tilespmem:v2+s28+$0x0], $0xffff  }
0x248: {  	v9 =	vor.u32 $0x300, v2;
	v3 =	vld.idx.msk [tilespmem:v3+s28+$0x0], $0xffff  }
0x249: {  	v2 =	vor.u32 $0x380, v2;
	v4 =	vld.idx.msk [tilespmem:v4+s28+$0x0], $0xffff  }
0x24a: {  	v5 =	vld.idx.msk [tilespmem:v5+s28+$0x0], $0xffff  }
0x24b: {  	v6 =	vld.idx.msk [tilespmem:v6+s28+$0x0], $0xffff  }
0x24c: {  	v8 =	vld.idx.msk [tilespmem:v8+s28+$0x0], $0xffff  }
0x24d: {  	v9 =	vld.idx.msk [tilespmem:v9+s28+$0x0], $0xffff  }
0x24e: {  	v2 =	vld.idx.msk [tilespmem:v2+s28+$0x0], $0xffff;
	[tilespmem:s25+$0xFFFFFE00] =	vst v7  }
0x24f: {  	[tilespmem:s25+$0xFFFFFE80] =	vst v3  }
0x250: {  	[tilespmem:s25+$0xFFFFFF00] =	vst v4  }
0x251: {  	[tilespmem:s25+$0xFFFFFF80] =	vst v5  }
0x252: {  	[tilespmem:s25+$0x0] =	vst v6  }
0x253: {  	[tilespmem:s25+$0x80] =	vst v8  }
0x254: {  	[tilespmem:s25+$0x100] =	vst v9  }
0x255: {  	[tilespmem:s25+$0x180] =	vst v2  }
0x256: {  	v2 =	vld [tilespmem:s0+$0x1010];
	_ =	sdelay $0x4  }
0x257: {  	v3 =	vshll.u32 v2, $0x3  }
0x258: {  	v2 =	vand.u32 $0x7F, v2;
	v3 =	vand.u32 $0xFFFFFC00, v3  }
0x259: {  	v2 =	vor.u32 v2, v3  }
0x25a: {  	v3 =	vor.u32 $0x80, v2  }
0x25b: {  	v29 =	vor.u32 $0x100, v2  }
0x25c: {  	v30 =	vor.u32 $0x180, v2  }
0x25d: {  	v31 =	vor.u32 $0x200, v2  }
0x25e: {  	v32 =	vor.u32 $0x280, v2;
	v7 =	vld.idx.msk [tilespmem:v2+s28+$0x0], $0xffff  }
0x25f: {  	v33 =	vor.u32 $0x300, v2;
	v3 =	vld.idx.msk [tilespmem:v3+s28+$0x0], $0xffff  }
0x260: {  	v2 =	vor.u32 $0x380, v2;
	v4 =	vld.idx.msk [tilespmem:v29+s28+$0x0], $0xffff  }
0x261: {  	v5 =	vld.idx.msk [tilespmem:v30+s28+$0x0], $0xffff  }
0x262: {  	v6 =	vld.idx.msk [tilespmem:v31+s28+$0x0], $0xffff  }
0x263: {  	v8 =	vld.idx.msk [tilespmem:v32+s28+$0x0], $0xffff  }
0x264: {  	v9 =	vld.idx.msk [tilespmem:v33+s28+$0x0], $0xffff  }
0x265: {  	v2 =	vld.idx.msk [tilespmem:v2+s28+$0x0], $0xffff;
	[tilespmem:s25+$0xFFFFFE10] =	vst v7  }
0x266: {  	[tilespmem:s25+$0xFFFFFE90] =	vst v3  }
0x267: {  	[tilespmem:s25+$0xFFFFFF10] =	vst v4  }
0x268: {  	[tilespmem:s25+$0xFFFFFF90] =	vst v5  }
0x269: {  	[tilespmem:s25+$0x10] =	vst v6  }
0x26a: {  	[tilespmem:s25+$0x90] =	vst v8  }
0x26b: {  	[tilespmem:s25+$0x110] =	vst v9  }
0x26c: {  	[tilespmem:s25+$0x190] =	vst v2  }
0x26d: {  	v2 =	vld [tilespmem:s0+$0x1020];
	_ =	sdelay $0x4  }
0x26e: {  	v3 =	vshll.u32 v2, $0x3  }
0x26f: {  	v2 =	vand.u32 $0x7F, v2;
	v3 =	vand.u32 $0xFFFFFC00, v3  }
0x270: {  	v2 =	vor.u32 v2, v3  }
0x271: {  	v3 =	vor.u32 $0x80, v2  }
0x272: {  	v34 =	vor.u32 $0x100, v2  }
0x273: {  	v35 =	vor.u32 $0x180, v2  }
0x274: {  	v36 =	vor.u32 $0x200, v2  }
0x275: {  	v37 =	vor.u32 $0x280, v2;
	v7 =	vld.idx.msk [tilespmem:v2+s28+$0x0], $0xffff  }
0x276: {  	v38 =	vor.u32 $0x300, v2;
	v3 =	vld.idx.msk [tilespmem:v3+s28+$0x0], $0xffff  }
0x277: {  	v2 =	vor.u32 $0x380, v2;
	v4 =	vld.idx.msk [tilespmem:v34+s28+$0x0], $0xffff  }
0x278: {  	v5 =	vld.idx.msk [tilespmem:v35+s28+$0x0], $0xffff  }
0x279: {  	v6 =	vld.idx.msk [tilespmem:v36+s28+$0x0], $0xffff  }
0x27a: {  	v8 =	vld.idx.msk [tilespmem:v37+s28+$0x0], $0xffff  }
0x27b: {  	v9 =	vld.idx.msk [tilespmem:v38+s28+$0x0], $0xffff  }
0x27c: {  	v2 =	vld.idx.msk [tilespmem:v2+s28+$0x0], $0xffff;
	[tilespmem:s25+$0xFFFFFE20] =	vst v7  }
0x27d: {  	[tilespmem:s25+$0xFFFFFEA0] =	vst v3  }
0x27e: {  	[tilespmem:s25+$0xFFFFFF20] =	vst v4  }
0x27f: {  	[tilespmem:s25+$0xFFFFFFA0] =	vst v5  }
0x280: {  	[tilespmem:s25+$0x20] =	vst v6  }
0x281: {  	[tilespmem:s25+$0xA0] =	vst v8  }
0x282: {  	[tilespmem:s25+$0x120] =	vst v9  }
0x283: {  	[tilespmem:s25+$0x1A0] =	vst v2  }
0x284: {  	v2 =	vld [tilespmem:s0+$0x1030];
	_ =	sdelay $0x4  }
0x285: {  	v3 =	vshll.u32 v2, $0x3  }
0x286: {  	v2 =	vand.u32 $0x7F, v2;
	v3 =	vand.u32 $0xFFFFFC00, v3  }
0x287: {  	v2 =	vor.u32 v2, v3  }
0x288: {  	v3 =	vor.u32 $0x80, v2  }
0x289: {  	v39 =	vor.u32 $0x100, v2  }
0x28a: {  	v40 =	vor.u32 $0x180, v2  }
0x28b: {  	v41 =	vor.u32 $0x200, v2  }
0x28c: {  	v42 =	vor.u32 $0x280, v2;
	v7 =	vld.idx.msk [tilespmem:v2+s28+$0x0], $0xffff  }
0x28d: {  	v43 =	vor.u32 $0x300, v2;
	v3 =	vld.idx.msk [tilespmem:v3+s28+$0x0], $0xffff  }
0x28e: {  	v2 =	vor.u32 $0x380, v2;
	v4 =	vld.idx.msk [tilespmem:v39+s28+$0x0], $0xffff  }
0x28f: {  	v5 =	vld.idx.msk [tilespmem:v40+s28+$0x0], $0xffff  }
0x290: {  	v6 =	vld.idx.msk [tilespmem:v41+s28+$0x0], $0xffff  }
0x291: {  	v8 =	vld.idx.msk [tilespmem:v42+s28+$0x0], $0xffff  }
0x292: {  	v9 =	vld.idx.msk [tilespmem:v43+s28+$0x0], $0xffff  }
0x293: {  	v2 =	vld.idx.msk [tilespmem:v2+s28+$0x0], $0xffff;
	[tilespmem:s25+$0xFFFFFE30] =	vst v7  }
0x294: {  	[tilespmem:s25+$0xFFFFFEB0] =	vst v3  }
0x295: {  	[tilespmem:s25+$0xFFFFFF30] =	vst v4  }
0x296: {  	[tilespmem:s25+$0xFFFFFFB0] =	vst v5  }
0x297: {  	[tilespmem:s25+$0x30] =	vst v6  }
0x298: {  	[tilespmem:s25+$0xB0] =	vst v8  }
0x299: {  	[tilespmem:s25+$0x130] =	vst v9  }
0x29a: {  	[tilespmem:s25+$0x1B0] =	vst v2  }
0x29b: {  	v2 =	vld [tilespmem:s0+$0x1040];
	_ =	sdelay $0x4  }
0x29c: {  	v3 =	vshll.u32 v2, $0x3  }
0x29d: {  	v2 =	vand.u32 $0x7F, v2;
	v3 =	vand.u32 $0xFFFFFC00, v3  }
0x29e: {  	v2 =	vor.u32 v2, v3  }
0x29f: {  	v3 =	vor.u32 $0x80, v2  }
0x2a0: {  	v44 =	vor.u32 $0x100, v2  }
0x2a1: {  	v45 =	vor.u32 $0x180, v2  }
0x2a2: {  	v46 =	vor.u32 $0x200, v2  }
0x2a3: {  	v47 =	vor.u32 $0x280, v2;
	v7 =	vld.idx.msk [tilespmem:v2+s28+$0x0], $0xffff  }
0x2a4: {  	v48 =	vor.u32 $0x300, v2;
	v3 =	vld.idx.msk [tilespmem:v3+s28+$0x0], $0xffff  }
0x2a5: {  	v2 =	vor.u32 $0x380, v2;
	v4 =	vld.idx.msk [tilespmem:v44+s28+$0x0], $0xffff  }
0x2a6: {  	v5 =	vld.idx.msk [tilespmem:v45+s28+$0x0], $0xffff  }
0x2a7: {  	v6 =	vld.idx.msk [tilespmem:v46+s28+$0x0], $0xffff  }
0x2a8: {  	v8 =	vld.idx.msk [tilespmem:v47+s28+$0x0], $0xffff  }
0x2a9: {  	v9 =	vld.idx.msk [tilespmem:v48+s28+$0x0], $0xffff  }
0x2aa: {  	v2 =	vld.idx.msk [tilespmem:v2+s28+$0x0], $0xffff;
	[tilespmem:s25+$0xFFFFFE40] =	vst v7  }
0x2ab: {  	[tilespmem:s25+$0xFFFFFEC0] =	vst v3  }
0x2ac: {  	[tilespmem:s25+$0xFFFFFF40] =	vst v4  }
0x2ad: {  	[tilespmem:s25+$0xFFFFFFC0] =	vst v5  }
0x2ae: {  	[tilespmem:s25+$0x40] =	vst v6  }
0x2af: {  	[tilespmem:s25+$0xC0] =	vst v8  }
0x2b0: {  	[tilespmem:s25+$0x140] =	vst v9  }
0x2b1: {  	[tilespmem:s25+$0x1C0] =	vst v2  }
0x2b2: {  	v2 =	vld [tilespmem:s0+$0x1050];
	_ =	sdelay $0x4  }
0x2b3: {  	v3 =	vshll.u32 v2, $0x3  }
0x2b4: {  	v2 =	vand.u32 $0x7F, v2;
	v3 =	vand.u32 $0xFFFFFC00, v3  }
0x2b5: {  	v2 =	vor.u32 v2, v3  }
0x2b6: {  	v3 =	vor.u32 $0x80, v2  }
0x2b7: {  	v49 =	vor.u32 $0x100, v2  }
0x2b8: {  	v50 =	vor.u32 $0x180, v2  }
0x2b9: {  	v51 =	vor.u32 $0x200, v2  }
0x2ba: {  	v52 =	vor.u32 $0x280, v2;
	v7 =	vld.idx.msk [tilespmem:v2+s28+$0x0], $0xffff  }
0x2bb: {  	v53 =	vor.u32 $0x300, v2;
	v3 =	vld.idx.msk [tilespmem:v3+s28+$0x0], $0xffff  }
0x2bc: {  	v2 =	vor.u32 $0x380, v2;
	v4 =	vld.idx.msk [tilespmem:v49+s28+$0x0], $0xffff  }
0x2bd: {  	v5 =	vld.idx.msk [tilespmem:v50+s28+$0x0], $0xffff  }
0x2be: {  	v6 =	vld.idx.msk [tilespmem:v51+s28+$0x0], $0xffff  }
0x2bf: {  	v8 =	vld.idx.msk [tilespmem:v52+s28+$0x0], $0xffff  }
0x2c0: {  	v9 =	vld.idx.msk [tilespmem:v53+s28+$0x0], $0xffff  }
0x2c1: {  	v2 =	vld.idx.msk [tilespmem:v2+s28+$0x0], $0xffff;
	[tilespmem:s25+$0xFFFFFE50] =	vst v7  }
0x2c2: {  	[tilespmem:s25+$0xFFFFFED0] =	vst v3  }
0x2c3: {  	[tilespmem:s25+$0xFFFFFF50] =	vst v4  }
0x2c4: {  	[tilespmem:s25+$0xFFFFFFD0] =	vst v5  }
0x2c5: {  	[tilespmem:s25+$0x50] =	vst v6  }
0x2c6: {  	[tilespmem:s25+$0xD0] =	vst v8  }
0x2c7: {  	[tilespmem:s25+$0x150] =	vst v9  }
0x2c8: {  	[tilespmem:s25+$0x1D0] =	vst v2  }
0x2c9: {  	v2 =	vld [tilespmem:s0+$0x1060];
	_ =	sdelay $0x4  }
0x2ca: {  	v3 =	vshll.u32 v2, $0x3  }
0x2cb: {  	v2 =	vand.u32 $0x7F, v2;
	v3 =	vand.u32 $0xFFFFFC00, v3  }
0x2cc: {  	v2 =	vor.u32 v2, v3  }
0x2cd: {  	v3 =	vor.u32 $0x80, v2  }
0x2ce: {  	v54 =	vor.u32 $0x100, v2  }
0x2cf: {  	v55 =	vor.u32 $0x180, v2  }
0x2d0: {  	v56 =	vor.u32 $0x200, v2  }
0x2d1: {  	v57 =	vor.u32 $0x280, v2;
	v7 =	vld.idx.msk [tilespmem:v2+s28+$0x0], $0xffff  }
0x2d2: {  	v58 =	vor.u32 $0x300, v2;
	v3 =	vld.idx.msk [tilespmem:v3+s28+$0x0], $0xffff  }
0x2d3: {  	v2 =	vor.u32 $0x380, v2;
	v4 =	vld.idx.msk [tilespmem:v54+s28+$0x0], $0xffff  }
0x2d4: {  	v5 =	vld.idx.msk [tilespmem:v55+s28+$0x0], $0xffff  }
0x2d5: {  	v6 =	vld.idx.msk [tilespmem:v56+s28+$0x0], $0xffff  }
0x2d6: {  	v8 =	vld.idx.msk [tilespmem:v57+s28+$0x0], $0xffff  }
0x2d7: {  	v9 =	vld.idx.msk [tilespmem:v58+s28+$0x0], $0xffff  }
0x2d8: {  	v2 =	vld.idx.msk [tilespmem:v2+s28+$0x0], $0xffff;
	[tilespmem:s25+$0xFFFFFE60] =	vst v7  }
0x2d9: {  	[tilespmem:s25+$0xFFFFFEE0] =	vst v3  }
0x2da: {  	[tilespmem:s25+$0xFFFFFF60] =	vst v4  }
0x2db: {  	[tilespmem:s25+$0xFFFFFFE0] =	vst v5  }
0x2dc: {  	[tilespmem:s25+$0x60] =	vst v6  }
0x2dd: {  	[tilespmem:s25+$0xE0] =	vst v8  }
0x2de: {  	[tilespmem:s25+$0x160] =	vst v9  }
0x2df: {  	[tilespmem:s25+$0x1E0] =	vst v2  }
0x2e0: {  	v2 =	vld [tilespmem:s0+$0x1070];
	_ =	sdelay $0x4  }
0x2e1: {  	v3 =	vshll.u32 v2, $0x3  }
0x2e2: {  	v2 =	vand.u32 $0x7F, v2;
	v3 =	vand.u32 $0xFFFFFC00, v3  }
0x2e3: {  	v2 =	vor.u32 v2, v3  }
0x2e4: {  	v3 =	vor.u32 $0x80, v2  }
0x2e5: {  	v59 =	vor.u32 $0x100, v2  }
0x2e6: {  	v60 =	vor.u32 $0x180, v2  }
0x2e7: {  	v61 =	vor.u32 $0x200, v2  }
0x2e8: {  	v62 =	vor.u32 $0x280, v2;
	v7 =	vld.idx.msk [tilespmem:v2+s28+$0x0], $0xffff  }
0x2e9: {  	v63 =	vor.u32 $0x300, v2;
	v3 =	vld.idx.msk [tilespmem:v3+s28+$0x0], $0xffff  }
0x2ea: {  	v2 =	vor.u32 $0x380, v2;
	v4 =	vld.idx.msk [tilespmem:v59+s28+$0x0], $0xffff  }
0x2eb: {  	v5 =	vld.idx.msk [tilespmem:v60+s28+$0x0], $0xffff  }
0x2ec: {  	v6 =	vld.idx.msk [tilespmem:v61+s28+$0x0], $0xffff  }
0x2ed: {  	v8 =	vld.idx.msk [tilespmem:v62+s28+$0x0], $0xffff  }
0x2ee: {  	v9 =	vld.idx.msk [tilespmem:v63+s28+$0x0], $0xffff  }
0x2ef: {  	v2 =	vld.idx.msk [tilespmem:v2+s28+$0x0], $0xffff;
	[tilespmem:s25+$0xFFFFFE70] =	vst v7  }
0x2f0: {  	[tilespmem:s25+$0xFFFFFEF0] =	vst v3  }
0x2f1: {  	p2 =	sne.s32 s1, $0x3600;
	[tilespmem:s25+$0xFFFFFF70] =	vst v4  }
.Ltmp11:
0x2f2: {  	[tilespmem:s25+$0xFFFFFFF0] =	vst v5;
	(pc) =	sbr.rel @p2 .LBB2_21-.Ltmp11, $4  }
0x2f3: {  	[tilespmem:s25+$0x70] =	vst v6  }
0x2f4: {  	[tilespmem:s25+$0xF0] =	vst v8  }
0x2f5: {  	[tilespmem:s25+$0x170] =	vst v9  }
0x2f6: {  	s1 =	sadd.s32 $0x200, s1;
	[tilespmem:s25+$0x1F0] =	vst v2;
	s25 =	sadd.s32 $0x400, s25  }
0x2f7: {  	s0 =	sadd.s32 s14, s24  }
0x2f8: {  	s0 =	smul.u32 $0xE00, s0;
	_ =	sdelay $0x1  }
0x2f9: {  	s25 =	sadd.s32 s24, s23;
	s0 =	sadd.s32 s7, s0  }
0x2fa: {  	[hbm4b:s0+s9] =	stream.linear.scatter [tilespmem:s31], [sflag:$0x2], $0x7000, $0x38;
	[tilespmem:$0x1FE00] =	vst v63  }
0x2fb: {  	s0 =	smin.u32 s25, s20;
	_ =	swait.ge [sflag:s29], $0x8000  }
0x2fc: {  	s0 =	sshll.u32 s0, $0xC;
	[sflag:s29] =	ssyncset.done $0x0  }
0x2fd: {  	s0 =	sadd.s32 s3, s0;
	[sflag:s29] =	ssyncadd.s32 $0xFFFF8000  }
0x2fe: {  	[tilespmem:s28], [sflag:$0x1] =	stream.linear.gather [hbm4b:s0+s9], $0x8000, $0x38;
	[tilespmem:$0x1FE00] =	vst v63  }
0x2ff: {  	s0 =	simm.s32 @!p1 $0x2  }
0x300: {  	_ =	swait.ge @!p1 [sflag:s0], $0x7000  }
0x301: {  	[sflag:s0] =	ssyncset.done @!p1 $0x0  }
0x302: {  	s24 =	simm.s32 $0x0;
	s25 =	simm.s32 $0x1040;
	[sflag:s0] =	ssyncadd.s32 @!p1 $0xFFFF9000  }
.LBB2_23:
0x303: {  	v2 =	vld [tilespmem:s25+$0xFFFFFFC0];
	_ =	sdelay $0x4  }
0x304: {  	v3 =	vshll.u32 v2, $0x3  }
0x305: {  	v2 =	vand.u32 $0x7F, v2;
	v3 =	vand.u32 $0xFFFFFC00, v3  }
0x306: {  	v2 =	vor.u32 v2, v3  }
0x307: {  	v3 =	vadd.s32 $0x8000, v2  }
0x308: {  	v4 =	vadd.s32 $0x8080, v2  }
0x309: {  	v5 =	vadd.s32 $0x8100, v2  }
0x30a: {  	v6 =	vadd.s32 $0x8180, v2  }
0x30b: {  	v7 =	vadd.s32 $0x8200, v2  }
0x30c: {  	v8 =	vadd.s32 $0x8280, v2;
	v3 =	vld.idx.msk [tilespmem:v3+s28+$0x0], $0xffff  }
0x30d: {  	v9 =	vadd.s32 $0x8300, v2;
	v4 =	vld.idx.msk [tilespmem:v4+s28+$0x0], $0xffff  }
0x30e: {  	v2 =	vadd.s32 $0x8380, v2;
	v5 =	vld.idx.msk [tilespmem:v5+s28+$0x0], $0xffff  }
0x30f: {  	v6 =	vld.idx.msk [tilespmem:v6+s28+$0x0], $0xffff  }
0x310: {  	v7 =	vld.idx.msk [tilespmem:v7+s28+$0x0], $0xffff  }
0x311: {  	v8 =	vld.idx.msk [tilespmem:v8+s28+$0x0], $0xffff  }
0x312: {  	s1 =	sshra.s32 s24, $0x2;
	v9 =	vld.idx.msk [tilespmem:v9+s28+$0x0], $0xffff  }
0x313: {  	v2 =	vld.idx.msk [tilespmem:v2+s28+$0x0], $0xffff;
	[tilespmem:s1+$0x18E00] =	vst v3  }
0x314: {  	[tilespmem:s1+$0x18E80] =	vst v4  }
0x315: {  	[tilespmem:s1+$0x18F00] =	vst v5  }
0x316: {  	[tilespmem:s1+$0x18F80] =	vst v6  }
0x317: {  	[tilespmem:s1+$0x19000] =	vst v7  }
0x318: {  	[tilespmem:s1+$0x19080] =	vst v8  }
0x319: {  	[tilespmem:s1+$0x19100] =	vst v9  }
0x31a: {  	[tilespmem:s1+$0x19180] =	vst v2  }
0x31b: {  	v2 =	vld [tilespmem:s25+$0xFFFFFFD0];
	_ =	sdelay $0x4  }
0x31c: {  	v3 =	vshll.u32 v2, $0x3  }
0x31d: {  	v2 =	vand.u32 $0x7F, v2;
	v3 =	vand.u32 $0xFFFFFC00, v3  }
0x31e: {  	v2 =	vor.u32 v2, v3  }
0x31f: {  	v3 =	vadd.s32 $0x8000, v2  }
0x320: {  	v22 =	vadd.s32 $0x8080, v2  }
0x321: {  	v23 =	vadd.s32 $0x8100, v2  }
0x322: {  	v24 =	vadd.s32 $0x8180, v2  }
0x323: {  	v25 =	vadd.s32 $0x8200, v2  }
0x324: {  	v26 =	vadd.s32 $0x8280, v2;
	v3 =	vld.idx.msk [tilespmem:v3+s28+$0x0], $0xffff  }
0x325: {  	v27 =	vadd.s32 $0x8300, v2;
	v4 =	vld.idx.msk [tilespmem:v22+s28+$0x0], $0xffff  }
0x326: {  	v2 =	vadd.s32 $0x8380, v2;
	v5 =	vld.idx.msk [tilespmem:v23+s28+$0x0], $0xffff  }
0x327: {  	v6 =	vld.idx.msk [tilespmem:v24+s28+$0x0], $0xffff  }
0x328: {  	v7 =	vld.idx.msk [tilespmem:v25+s28+$0x0], $0xffff  }
0x329: {  	v8 =	vld.idx.msk [tilespmem:v26+s28+$0x0], $0xffff  }
0x32a: {  	v9 =	vld.idx.msk [tilespmem:v27+s28+$0x0], $0xffff  }
0x32b: {  	v2 =	vld.idx.msk [tilespmem:v2+s28+$0x0], $0xffff;
	[tilespmem:s1+$0x18E10] =	vst v3  }
0x32c: {  	[tilespmem:s1+$0x18E90] =	vst v4  }
0x32d: {  	[tilespmem:s1+$0x18F10] =	vst v5  }
0x32e: {  	[tilespmem:s1+$0x18F90] =	vst v6  }
0x32f: {  	[tilespmem:s1+$0x19010] =	vst v7  }
0x330: {  	[tilespmem:s1+$0x19090] =	vst v8  }
0x331: {  	[tilespmem:s1+$0x19110] =	vst v9  }
0x332: {  	[tilespmem:s1+$0x19190] =	vst v2  }
0x333: {  	v2 =	vld [tilespmem:s25+$0xFFFFFFE0];
	_ =	sdelay $0x4  }
0x334: {  	v3 =	vshll.u32 v2, $0x3  }
0x335: {  	v2 =	vand.u32 $0x7F, v2;
	v3 =	vand.u32 $0xFFFFFC00, v3  }
0x336: {  	v2 =	vor.u32 v2, v3  }
0x337: {  	v3 =	vadd.s32 $0x8000, v2  }
0x338: {  	v28 =	vadd.s32 $0x8080, v2  }
0x339: {  	v29 =	vadd.s32 $0x8100, v2  }
0x33a: {  	v30 =	vadd.s32 $0x8180, v2  }
0x33b: {  	v31 =	vadd.s32 $0x8200, v2  }
0x33c: {  	v32 =	vadd.s32 $0x8280, v2;
	v3 =	vld.idx.msk [tilespmem:v3+s28+$0x0], $0xffff  }
0x33d: {  	v33 =	vadd.s32 $0x8300, v2;
	v4 =	vld.idx.msk [tilespmem:v28+s28+$0x0], $0xffff  }
0x33e: {  	v2 =	vadd.s32 $0x8380, v2;
	v5 =	vld.idx.msk [tilespmem:v29+s28+$0x0], $0xffff  }
0x33f: {  	v6 =	vld.idx.msk [tilespmem:v30+s28+$0x0], $0xffff  }
0x340: {  	v7 =	vld.idx.msk [tilespmem:v31+s28+$0x0], $0xffff  }
0x341: {  	v8 =	vld.idx.msk [tilespmem:v32+s28+$0x0], $0xffff  }
0x342: {  	v9 =	vld.idx.msk [tilespmem:v33+s28+$0x0], $0xffff  }
0x343: {  	v2 =	vld.idx.msk [tilespmem:v2+s28+$0x0], $0xffff;
	[tilespmem:s1+$0x18E20] =	vst v3  }
0x344: {  	[tilespmem:s1+$0x18EA0] =	vst v4  }
0x345: {  	[tilespmem:s1+$0x18F20] =	vst v5  }
0x346: {  	[tilespmem:s1+$0x18FA0] =	vst v6  }
0x347: {  	[tilespmem:s1+$0x19020] =	vst v7  }
0x348: {  	[tilespmem:s1+$0x190A0] =	vst v8  }
0x349: {  	[tilespmem:s1+$0x19120] =	vst v9  }
0x34a: {  	[tilespmem:s1+$0x191A0] =	vst v2  }
0x34b: {  	v2 =	vld [tilespmem:s25+$0xFFFFFFF0];
	_ =	sdelay $0x4  }
0x34c: {  	v3 =	vshll.u32 v2, $0x3  }
0x34d: {  	v2 =	vand.u32 $0x7F, v2;
	v3 =	vand.u32 $0xFFFFFC00, v3  }
0x34e: {  	v2 =	vor.u32 v2, v3  }
0x34f: {  	v3 =	vadd.s32 $0x8000, v2  }
0x350: {  	v34 =	vadd.s32 $0x8080, v2  }
0x351: {  	v35 =	vadd.s32 $0x8100, v2  }
0x352: {  	v36 =	vadd.s32 $0x8180, v2  }
0x353: {  	v37 =	vadd.s32 $0x8200, v2  }
0x354: {  	v38 =	vadd.s32 $0x8280, v2;
	v3 =	vld.idx.msk [tilespmem:v3+s28+$0x0], $0xffff  }
0x355: {  	v39 =	vadd.s32 $0x8300, v2;
	v4 =	vld.idx.msk [tilespmem:v34+s28+$0x0], $0xffff  }
0x356: {  	v2 =	vadd.s32 $0x8380, v2;
	v5 =	vld.idx.msk [tilespmem:v35+s28+$0x0], $0xffff  }
0x357: {  	v6 =	vld.idx.msk [tilespmem:v36+s28+$0x0], $0xffff  }
0x358: {  	v7 =	vld.idx.msk [tilespmem:v37+s28+$0x0], $0xffff  }
0x359: {  	v8 =	vld.idx.msk [tilespmem:v38+s28+$0x0], $0xffff  }
0x35a: {  	v9 =	vld.idx.msk [tilespmem:v39+s28+$0x0], $0xffff  }
0x35b: {  	v2 =	vld.idx.msk [tilespmem:v2+s28+$0x0], $0xffff;
	[tilespmem:s1+$0x18E30] =	vst v3  }
0x35c: {  	[tilespmem:s1+$0x18EB0] =	vst v4  }
0x35d: {  	[tilespmem:s1+$0x18F30] =	vst v5  }
0x35e: {  	[tilespmem:s1+$0x18FB0] =	vst v6  }
0x35f: {  	[tilespmem:s1+$0x19030] =	vst v7  }
0x360: {  	[tilespmem:s1+$0x190B0] =	vst v8  }
0x361: {  	[tilespmem:s1+$0x19130] =	vst v9  }
0x362: {  	[tilespmem:s1+$0x191B0] =	vst v2  }
0x363: {  	v2 =	vld [tilespmem:s25+$0x0];
	_ =	sdelay $0x4  }
0x364: {  	v3 =	vshll.u32 v2, $0x3  }
0x365: {  	v2 =	vand.u32 $0x7F, v2;
	v3 =	vand.u32 $0xFFFFFC00, v3  }
0x366: {  	v2 =	vor.u32 v2, v3  }
0x367: {  	v3 =	vadd.s32 $0x8000, v2  }
0x368: {  	v40 =	vadd.s32 $0x8080, v2  }
0x369: {  	v41 =	vadd.s32 $0x8100, v2  }
0x36a: {  	v42 =	vadd.s32 $0x8180, v2  }
0x36b: {  	v43 =	vadd.s32 $0x8200, v2  }
0x36c: {  	v44 =	vadd.s32 $0x8280, v2;
	v3 =	vld.idx.msk [tilespmem:v3+s28+$0x0], $0xffff  }
0x36d: {  	v45 =	vadd.s32 $0x8300, v2;
	v4 =	vld.idx.msk [tilespmem:v40+s28+$0x0], $0xffff  }
0x36e: {  	v2 =	vadd.s32 $0x8380, v2;
	v5 =	vld.idx.msk [tilespmem:v41+s28+$0x0], $0xffff  }
0x36f: {  	v6 =	vld.idx.msk [tilespmem:v42+s28+$0x0], $0xffff  }
0x370: {  	v7 =	vld.idx.msk [tilespmem:v43+s28+$0x0], $0xffff  }
0x371: {  	v8 =	vld.idx.msk [tilespmem:v44+s28+$0x0], $0xffff  }
0x372: {  	v9 =	vld.idx.msk [tilespmem:v45+s28+$0x0], $0xffff  }
0x373: {  	v2 =	vld.idx.msk [tilespmem:v2+s28+$0x0], $0xffff;
	[tilespmem:s1+$0x18E40] =	vst v3  }
0x374: {  	[tilespmem:s1+$0x18EC0] =	vst v4  }
0x375: {  	[tilespmem:s1+$0x18F40] =	vst v5  }
0x376: {  	[tilespmem:s1+$0x18FC0] =	vst v6  }
0x377: {  	[tilespmem:s1+$0x19040] =	vst v7  }
0x378: {  	[tilespmem:s1+$0x190C0] =	vst v8  }
0x379: {  	[tilespmem:s1+$0x19140] =	vst v9  }
0x37a: {  	[tilespmem:s1+$0x191C0] =	vst v2  }
0x37b: {  	v2 =	vld [tilespmem:s25+$0x10];
	_ =	sdelay $0x4  }
0x37c: {  	v3 =	vshll.u32 v2, $0x3  }
0x37d: {  	v2 =	vand.u32 $0x7F, v2;
	v3 =	vand.u32 $0xFFFFFC00, v3  }
0x37e: {  	v2 =	vor.u32 v2, v3  }
0x37f: {  	v3 =	vadd.s32 $0x8000, v2  }
0x380: {  	v46 =	vadd.s32 $0x8080, v2  }
0x381: {  	v47 =	vadd.s32 $0x8100, v2  }
0x382: {  	v48 =	vadd.s32 $0x8180, v2  }
0x383: {  	v49 =	vadd.s32 $0x8200, v2  }
0x384: {  	v50 =	vadd.s32 $0x8280, v2;
	v3 =	vld.idx.msk [tilespmem:v3+s28+$0x0], $0xffff  }
0x385: {  	v51 =	vadd.s32 $0x8300, v2;
	v4 =	vld.idx.msk [tilespmem:v46+s28+$0x0], $0xffff  }
0x386: {  	v2 =	vadd.s32 $0x8380, v2;
	v5 =	vld.idx.msk [tilespmem:v47+s28+$0x0], $0xffff  }
0x387: {  	v6 =	vld.idx.msk [tilespmem:v48+s28+$0x0], $0xffff  }
0x388: {  	v7 =	vld.idx.msk [tilespmem:v49+s28+$0x0], $0xffff  }
0x389: {  	v8 =	vld.idx.msk [tilespmem:v50+s28+$0x0], $0xffff  }
0x38a: {  	v9 =	vld.idx.msk [tilespmem:v51+s28+$0x0], $0xffff  }
0x38b: {  	v2 =	vld.idx.msk [tilespmem:v2+s28+$0x0], $0xffff;
	[tilespmem:s1+$0x18E50] =	vst v3  }
0x38c: {  	[tilespmem:s1+$0x18ED0] =	vst v4  }
0x38d: {  	[tilespmem:s1+$0x18F50] =	vst v5  }
0x38e: {  	[tilespmem:s1+$0x18FD0] =	vst v6  }
0x38f: {  	[tilespmem:s1+$0x19050] =	vst v7  }
0x390: {  	[tilespmem:s1+$0x190D0] =	vst v8  }
0x391: {  	[tilespmem:s1+$0x19150] =	vst v9  }
0x392: {  	[tilespmem:s1+$0x191D0] =	vst v2  }
0x393: {  	v2 =	vld [tilespmem:s25+$0x20];
	_ =	sdelay $0x4  }
0x394: {  	v3 =	vshll.u32 v2, $0x3  }
0x395: {  	v2 =	vand.u32 $0x7F, v2;
	v3 =	vand.u32 $0xFFFFFC00, v3  }
0x396: {  	v2 =	vor.u32 v2, v3  }
0x397: {  	v3 =	vadd.s32 $0x8000, v2  }
0x398: {  	v52 =	vadd.s32 $0x8080, v2  }
0x399: {  	v53 =	vadd.s32 $0x8100, v2  }
0x39a: {  	v54 =	vadd.s32 $0x8180, v2  }
0x39b: {  	v55 =	vadd.s32 $0x8200, v2  }
0x39c: {  	v56 =	vadd.s32 $0x8280, v2;
	v3 =	vld.idx.msk [tilespmem:v3+s28+$0x0], $0xffff  }
0x39d: {  	v57 =	vadd.s32 $0x8300, v2;
	v4 =	vld.idx.msk [tilespmem:v52+s28+$0x0], $0xffff  }
0x39e: {  	v2 =	vadd.s32 $0x8380, v2;
	v5 =	vld.idx.msk [tilespmem:v53+s28+$0x0], $0xffff  }
0x39f: {  	v6 =	vld.idx.msk [tilespmem:v54+s28+$0x0], $0xffff  }
0x3a0: {  	v7 =	vld.idx.msk [tilespmem:v55+s28+$0x0], $0xffff  }
0x3a1: {  	v8 =	vld.idx.msk [tilespmem:v56+s28+$0x0], $0xffff  }
0x3a2: {  	v9 =	vld.idx.msk [tilespmem:v57+s28+$0x0], $0xffff  }
0x3a3: {  	v2 =	vld.idx.msk [tilespmem:v2+s28+$0x0], $0xffff;
	[tilespmem:s1+$0x18E60] =	vst v3  }
0x3a4: {  	[tilespmem:s1+$0x18EE0] =	vst v4  }
0x3a5: {  	[tilespmem:s1+$0x18F60] =	vst v5  }
0x3a6: {  	[tilespmem:s1+$0x18FE0] =	vst v6  }
0x3a7: {  	[tilespmem:s1+$0x19060] =	vst v7  }
0x3a8: {  	[tilespmem:s1+$0x190E0] =	vst v8  }
0x3a9: {  	[tilespmem:s1+$0x19160] =	vst v9  }
0x3aa: {  	[tilespmem:s1+$0x191E0] =	vst v2  }
0x3ab: {  	v2 =	vld [tilespmem:s25+$0x30];
	_ =	sdelay $0x4  }
0x3ac: {  	v3 =	vshll.u32 v2, $0x3  }
0x3ad: {  	v2 =	vand.u32 $0x7F, v2;
	v3 =	vand.u32 $0xFFFFFC00, v3  }
0x3ae: {  	v2 =	vor.u32 v2, v3  }
0x3af: {  	v3 =	vadd.s32 $0x8000, v2  }
0x3b0: {  	v58 =	vadd.s32 $0x8080, v2  }
0x3b1: {  	v59 =	vadd.s32 $0x8100, v2  }
0x3b2: {  	v60 =	vadd.s32 $0x8180, v2  }
0x3b3: {  	v61 =	vadd.s32 $0x8200, v2  }
0x3b4: {  	v62 =	vadd.s32 $0x8280, v2;
	v3 =	vld.idx.msk [tilespmem:v3+s28+$0x0], $0xffff  }
0x3b5: {  	v63 =	vadd.s32 $0x8300, v2;
	v4 =	vld.idx.msk [tilespmem:v58+s28+$0x0], $0xffff  }
0x3b6: {  	v2 =	vadd.s32 $0x8380, v2;
	v5 =	vld.idx.msk [tilespmem:v59+s28+$0x0], $0xffff  }
0x3b7: {  	v6 =	vld.idx.msk [tilespmem:v60+s28+$0x0], $0xffff  }
0x3b8: {  	v7 =	vld.idx.msk [tilespmem:v61+s28+$0x0], $0xffff  }
0x3b9: {  	v8 =	vld.idx.msk [tilespmem:v62+s28+$0x0], $0xffff  }
0x3ba: {  	v9 =	vld.idx.msk [tilespmem:v63+s28+$0x0], $0xffff  }
0x3bb: {  	v2 =	vld.idx.msk [tilespmem:v2+s28+$0x0], $0xffff;
	[tilespmem:s1+$0x18E70] =	vst v3  }
0x3bc: {  	[tilespmem:s1+$0x18EF0] =	vst v4  }
0x3bd: {  	p1 =	sne.s32 s24, $0x1B000;
	[tilespmem:s1+$0x18F70] =	vst v5  }
.Ltmp12:
0x3be: {  	[tilespmem:s1+$0x18FF0] =	vst v6;
	(pc) =	sbr.rel @p1 .LBB2_23-.Ltmp12, $4  }
0x3bf: {  	[tilespmem:s1+$0x19070] =	vst v7  }
0x3c0: {  	[tilespmem:s1+$0x190F0] =	vst v8  }
0x3c1: {  	[tilespmem:s1+$0x19170] =	vst v9  }
0x3c2: {  	s24 =	sadd.s32 $0x1000, s24;
	s25 =	sadd.s32 $0x80, s25;
	[tilespmem:s1+$0x191F0] =	vst v2  }
0x3c3: {  	s15 =	sadd.s32 $0x1, s15  }
0x3c4: {  	p1 =	sne.s32 s15, $0x18  }
.Ltmp13:
0x3c5: {  	_ = 	snop;
	(pc) =	sbr.rel @p1 .LBB2_20-.Ltmp13, $3  }
0x3c6: {  	s0 =	smul.u32 $0xE00, s21;
	_ =	sdelay $0x1  }
0x3c7: {  	s0 =	sadd.s32 s7, s0  }
0x3c8: {  	[hbm4b:s0+s9] =	stream.linear.scatter [tilespmem:s5], [sflag:$0x2], $0x7000, $0x38;
	[tilespmem:$0x1FE00] =	vst v63  }
0x3c9: {  	_ =	swait.ge [sflag:s29], $0x8000  }
0x3ca: {  	[sflag:s29] =	ssyncset.done $0x0  }
0x3cb: {  	s0 =	simm.s32 $0x2;
	[sflag:s29] =	ssyncadd.s32 $0xFFFF8000  }
0x3cc: {  	_ =	swait.ge [sflag:s0], $0x7000  }
.Ltmp14:
0x3cd: {  	[sflag:s0] =	ssyncset.done $0x0;
	(pc) =	sbr.rel @p0 .LBB2_37-.Ltmp14, $4  }
0x3ce: {  	[sflag:s0] =	ssyncadd.s32 $0xFFFF9000  }
0x3cf: {  	_ =	swait.ge [sflag:s0], $0x7000  }
0x3d0: {  	[sflag:s0] =	ssyncset.done $0x0  }
0x3d1: {  	s25 =	simm.s32 $0x3;
	s1 =	rddreg [dreg:$0xc];
	[sflag:s0] =	ssyncadd.s32 $0xFFFF9000  }
0x3d2: {  	s0 =	simm.s32 $0x1E00  }
0x3d3: {  	s1 =	simm.s32 $0x10;
	s21 =	sadd.s32 $0x0, s12;
	s15 =	simm.s32 $0x2200  }
.LBB2_27:
0x3d4: {  	[tilespmem:s0], [sflag:$0x3] =	stream.linear.gather [hbm4b:s21+s9], $0x80, $0x38;
	[tilespmem:$0x1FE00] =	vst v63  }
0x3d5: {  	s21 =	smov.u32 s1;
	s0 =	smov.u32 s15;
	p1 =	sne.s32 s1, $0x1F0  }
.Ltmp15:
0x3d6: {  	s1 =	sadd.s32 $0x10, s1;
	(pc) =	sbr.rel @p1 .LBB2_27-.Ltmp15, $2  }
0x3d7: {  	_ =	sdelay $0x2  }
0x3d8: {  	s15 =	sadd.s32 $0x400, s15;
	s21 =	sadd.s32 s21, s12  }
0x3d9: {  	[tilespmem:s0], [sflag:$0x3] =	stream.linear.gather [hbm4b:s21+s9], $0x80, $0x38;
	[tilespmem:$0x1FE00] =	vst v63  }
0x3da: {  	_ =	swait.ge [sflag:s25], $0x1000  }
0x3db: {  	s0 =	simm.s32 $0x1E80;
	s1 =	simm.s32 $0x10;
	[sflag:s25] =	ssyncset.done $0x0  }
0x3dc: {  	s21 =	sadd.s32 $0x0, s4;
	s15 =	simm.s32 $0x2280;
	[sflag:s25] =	ssyncadd.s32 $0xFFFFF000  }
.LBB2_29:
0x3dd: {  	[tilespmem:s0], [sflag:$0x3] =	stream.linear.gather [hbm4b:s21+s9], $0x80, $0x38;
	[tilespmem:$0x1FE00] =	vst v63  }
0x3de: {  	s21 =	smov.u32 s1;
	s0 =	smov.u32 s15;
	p1 =	sne.s32 s1, $0x1F0  }
.Ltmp16:
0x3df: {  	s1 =	sadd.s32 $0x10, s1;
	(pc) =	sbr.rel @p1 .LBB2_29-.Ltmp16, $2  }
0x3e0: {  	_ =	sdelay $0x2  }
0x3e1: {  	s15 =	sadd.s32 $0x400, s15;
	s21 =	sadd.s32 s21, s4  }
0x3e2: {  	[tilespmem:s0], [sflag:$0x3] =	stream.linear.gather [hbm4b:s21+s9], $0x80, $0x38;
	[tilespmem:$0x1FE00] =	vst v63  }
0x3e3: {  	_ =	swait.ge [sflag:s25], $0x1000  }
0x3e4: {  	s0 =	simm.s32 $0x0;
	[sflag:s25] =	ssyncset.done $0x0  }
0x3e5: {  	s1 =	simm.s32 $0x1000;
	s15 =	simm.s32 $0x0;
	[sflag:s25] =	ssyncadd.s32 $0xFFFFF000  }
.LBB2_31:
0x3e6: {  	v2 =	vld [tilespmem:s1+$0x0];
	_ =	sdelay $0x4  }
0x3e7: {  	v3 =	vshll.u32 v2, $0x3  }
0x3e8: {  	v2 =	vand.u32 $0x7F, v2;
	v3 =	vand.u32 $0xFFFFFC00, v3  }
0x3e9: {  	v2 =	vor.u32 v2, v3;
	_ =	sdelay $0x4  }
0x3ea: {  	v3 =	vld.idx.msk [tilespmem:v2+s28+$0x0], $0xffff  }
0x3eb: {  	v2 =	vor.u32 $0x80, v2;
	_ =	sdelay $0x1  }
0x3ec: {  	s21 =	sand.u32 $0x70, s15;
	s24 =	sand.u32 $0x7C00, s0  }
0x3ed: {  	s21 =	sor.u32 s21, s24  }
0x3ee: {  	[tilespmem:s21+$0x11E00] =	vst v3  }
0x3ef: {  	p1 =	sne.s32 s15, $0xDF0;
	v2 =	vld.idx.msk [tilespmem:v2+s28+$0x0], $0xffff  }
.Ltmp17:
0x3f0: {  	_ = 	snop;
	(pc) =	sbr.rel @p1 .LBB2_31-.Ltmp17, $3  }
0x3f1: {  	_ =	sdelay $0x1  }
0x3f2: {  	s21 =	sadd.s32 $0x11E00, s21  }
0x3f3: {  	s0 =	sadd.s32 $0x80, s0;
	s1 =	sadd.s32 $0x10, s1;
	s15 =	sadd.s32 $0x10, s15;
	[tilespmem:s21+$0x80] =	vst v2  }
0x3f4: {  	s0 =	simm.s32 $0x11E00  }
0x3f5: {  	s1 =	simm.s32 $0x10;
	s21 =	sadd.s32 $0x0, s13;
	s15 =	simm.s32 $0x12200  }
.LBB2_33:
0x3f6: {  	[hbm4b:s21+s9] =	stream.linear.scatter [tilespmem:s0], [sflag:$0x3], $0x80, $0x38;
	[tilespmem:$0x1FE00] =	vst v63  }
0x3f7: {  	s21 =	smov.u32 s1;
	s0 =	smov.u32 s15;
	p1 =	sne.s32 s1, $0x1B0  }
.Ltmp18:
0x3f8: {  	s1 =	sadd.s32 $0x10, s1;
	(pc) =	sbr.rel @p1 .LBB2_33-.Ltmp18, $2  }
0x3f9: {  	_ =	sdelay $0x2  }
0x3fa: {  	s15 =	sadd.s32 $0x400, s15;
	s21 =	sadd.s32 s21, s13  }
0x3fb: {  	[hbm4b:s21+s9] =	stream.linear.scatter [tilespmem:s0], [sflag:$0x3], $0x80, $0x38;
	[tilespmem:$0x1FE00] =	vst v63  }
0x3fc: {  	_ =	swait.ge [sflag:s25], $0xE00  }
0x3fd: {  	s0 =	simm.s32 $0x11E80;
	s1 =	simm.s32 $0x10;
	[sflag:s25] =	ssyncset.done $0x0  }
0x3fe: {  	s21 =	sadd.s32 $0x0, s8;
	s15 =	simm.s32 $0x12280;
	[sflag:s25] =	ssyncadd.s32 $0xFFFFF200  }
.LBB2_35:
0x3ff: {  	[hbm4b:s21+s9] =	stream.linear.scatter [tilespmem:s0], [sflag:$0x3], $0x80, $0x38;
	[tilespmem:$0x1FE00] =	vst v63  }
0x400: {  	s21 =	smov.u32 s1;
	s0 =	smov.u32 s15;
	p1 =	sne.s32 s1, $0x1B0  }
.Ltmp19:
0x401: {  	s1 =	sadd.s32 $0x10, s1;
	(pc) =	sbr.rel @p1 .LBB2_35-.Ltmp19, $2  }
0x402: {  	_ =	sdelay $0x2  }
0x403: {  	s15 =	sadd.s32 $0x400, s15;
	s21 =	sadd.s32 s21, s8  }
.Ltmp20:
0x404: {  	_ = 	snop;
	(pc) =	sbr.rel .LBB2_36-.Ltmp20, $1  }
0x405: {  	_ =	sdelay $0x3  }
.LBB2_38:
0x406: {  	_ =	sfence.sel $0x180000  }
0x407: {  	[bflag:$0x0] =	sbarrier.arrive $0xFFFF  }
0x408: {  	_ =	strace $0x90000047  }
0x409: {  	s0 =	stileid.u32;
	[bflag:$0x2] =	sbarrier.arrive $0xFFFF  }
0x40a: {  	p0 =	sne.s32 s0, $0x0;
	s0 =	rddreg [dreg:$0x8]  }
0x40b: {  	s0 =	sadd.s32 @!p0 $0x100000, s0  }
0x40c: {  	[sflag:s0] =	ssyncadd.tile.s32 @!p0 $0x1;
	_ =	shalt  }
.Lfunc_end2:
_tile_overlayer_lowered:
.L_overlay_start_2:
0x40d: {  	(tag) =	ssettag $0x2  }
0x40e: {  	s0 =	rddreg [dreg:$0x0];
	s2 =	stileid.u32  }
0x40f: {  	s1 =	rddreg [dreg:$0x1];
	p0 =	sne.s32 s2, $0x0  }
0x410: {  	s3 =	rddreg [dreg:$0x2];
	[bflag:$0x3] =	sbarrier.arrive $0xFFFF;
	s2 =	simm.s32 @!p0 $0x1C03  }
0x411: {  	[timem:s3], [sflag:s2] =	dma.local @!p0 [hbm:s0], s1  }
0x412: {  	s0 =	simm.s32 @!p0 $0x3  }
0x413: {  	_ =	swait.ge @!p0 [sflag:s0], s1  }
0x414: {  	s1 =	ssub.s32 @!p0 $0x0, s1;
	[sflag:s0] =	ssyncset.done @!p0 $0x0  }
0x415: {  	[sflag:s0] =	ssyncadd.s32 @!p0 s1  }
0x416: {  	[bflag:$0x3] =	sbarrier.arrive $0xFFFF  }
0x417: {  	_ =	shalt  }

</sc_bundles>
